<compile_context>
chip_gen: v7x
topology: tpu7x:2x2x1
jax: 0.10.2.dev20260603
libtpu: 0.0.44.dev20260713+nightly
codegen_flags: <defaults>
</compile_context>

<pallas_src>
import functools
import math

import jax
import jax.numpy as jnp
from jax import lax
from jax.experimental import pallas as pl
from jax.experimental.pallas import tpu as pltpu
from jax.experimental.pallas import tpu_sc as plsc

HIDDEN = 1024
E = 3
L_SEQ = 2048
N_SEQ = 2
S = L_SEQ * N_SEQ
CAP = int(math.ceil(S / E))
CPAD = 1536
SLOTS = E * CPAD
HALF_SLOTS = SLOTS // 2
HPACK = HIDDEN // 2

BL = 512
NBLK = L_SEQ // BL

BC = 512
DPIECE = HIDDEN // 128

NC = 2
NS = 16
NW = NC * NS
TOK_W = S // NW
SUB = 32
NRND = TOK_W // SUB
NBUF = 3



def _routing_body(feat_ref, wg_ref, dst_ref, src_ref, gate_ref, aux_ref,
                  xs_ref, acc_ref, tri_ref):
    n = pl.program_id(0)
    i = pl.program_id(1)
    first = jnp.logical_and(n == 0, i == 0)

    @pl.when(first)
    def _():
        acc_ref[...] = jnp.zeros_like(acc_ref)
        r = lax.broadcasted_iota(jnp.int32, (BL, BL), 0)
        c = lax.broadcasted_iota(jnp.int32, (BL, BL), 1)
        tri_ref[...] = (r >= c).astype(jnp.float32)

    x0 = feat_ref[0, :, 0, :]
    x1 = feat_ref[0, :, 1, :]
    x = jnp.where(n == 0, x0, x1)
    xs_ref[...] = x
    logits = lax.dot_general(
        x, wg_ref[...], (((1,), (1,)), ((), ())),
        preferred_element_type=jnp.float32)

    m = jnp.max(logits, axis=1, keepdims=True)
    p = jnp.exp(logits - m)
    denom = jnp.sum(p, axis=1, keepdims=True)
    gates = p / denom

    l0 = logits[:, 0:1]
    l1 = logits[:, 1:2]
    l2 = logits[:, 2:3]
    e = jnp.where(l1 > l0, 1, 0)
    e = jnp.where(l2 > jnp.maximum(l0, l1), 2, e)

    colid = lax.broadcasted_iota(jnp.int32, (BL, E), 1)
    mask = (colid == e).astype(jnp.float32)

    prev = acc_ref[0:1, 0:E]
    cum = jnp.dot(tri_ref[...], mask, preferred_element_type=jnp.float32) + prev
    loc = jnp.sum(cum * mask, axis=1, keepdims=True) - 1.0
    loc_i = loc.astype(jnp.int32)

    kept = loc_i < CAP
    dst = e * CPAD + jnp.where(kept, loc_i, CAP)
    gate = jnp.sum(gates * mask, axis=1, keepdims=True)
    gate_eff = jnp.where(kept, gate, 0.0)

    row = lax.broadcasted_iota(jnp.int32, (BL, 1), 0)
    src = (i * BL + row) * (N_SEQ * DPIECE) + n

    dst_ref[...] = jnp.reshape(dst, (1, BL // 128, 128))
    src_ref[...] = jnp.reshape(src, (1, BL // 128, 128))
    gate_ref[...] = jnp.reshape(gate_eff, (1, BL // 128, 128))

    acc_ref[0:1, 0:E] = prev + jnp.sum(mask, axis=0, keepdims=True)
    acc_ref[1:2, 0:E] = acc_ref[1:2, 0:E] + jnp.sum(gates, axis=0, keepdims=True)

    @pl.when(jnp.logical_and(n == N_SEQ - 1, i == NBLK - 1))
    def _():
        aux = jnp.sum(acc_ref[0:1, 0:E] * acc_ref[1:2, 0:E], axis=1,
                      keepdims=True)
        aux_ref[...] = aux * (E / (S * S))


def _routing(features, wg):
    qrows = BL // 128
    return pl.pallas_call(
        _routing_body,
        grid=(N_SEQ, NBLK),
        in_specs=[
            pl.BlockSpec((1, BL, N_SEQ, HIDDEN), lambda n, i: (0, i, 0, 0)),
            pl.BlockSpec((E, HIDDEN), lambda n, i: (0, 0)),
        ],
        out_specs=[
            pl.BlockSpec((1, qrows, 128), lambda n, i: (n * NBLK + i, 0, 0)),
            pl.BlockSpec((1, qrows, 128), lambda n, i: (n * NBLK + i, 0, 0)),
            pl.BlockSpec((1, qrows, 128), lambda n, i: (n * NBLK + i, 0, 0)),
            pl.BlockSpec((1, 1), lambda n, i: (0, 0)),
            pl.BlockSpec((BL, HIDDEN), lambda n, i: (n * NBLK + i, 0)),
        ],
        out_shape=[
            jax.ShapeDtypeStruct((N_SEQ * NBLK, qrows, 128), jnp.int32),
            jax.ShapeDtypeStruct((N_SEQ * NBLK, qrows, 128), jnp.int32),
            jax.ShapeDtypeStruct((N_SEQ * NBLK, qrows, 128), jnp.float32),
            jax.ShapeDtypeStruct((1, 1), jnp.float32),
            jax.ShapeDtypeStruct((S, HIDDEN), jnp.float32),
        ],
        scratch_shapes=[
            pltpu.VMEM((8, 128), jnp.float32),
            pltpu.VMEM((BL, BL), jnp.float32),
        ],
    )(features, wg)



_MESH = plsc.VectorSubcoreMesh(
    core_axis_name="c", subcore_axis_name="s", num_cores=NC, num_subcores=NS
)


def _run_ring(issue_gather, issue_scatter, gsems, ssems):
    g = [None] * NRND
    s = [None] * NRND
    for r in range(min(NBUF, NRND)):
        g[r] = issue_gather(r, r % NBUF, gsems[r % NBUF])
    for r in range(NRND):
        b = r % NBUF
        g[r].wait()
        s[r] = issue_scatter(r, b, ssems[b])
        if r + NBUF < NRND:
            s[r].wait()
            g[r + NBUF] = issue_gather(r + NBUF, b, gsems[b])
    for r in range(max(0, NRND - NBUF), NRND):
        s[r].wait()


@functools.partial(
    pl.kernel,
    out_type=(
        jax.ShapeDtypeStruct((SLOTS, HIDDEN), jnp.float32),
        jax.ShapeDtypeStruct((SLOTS,), jnp.float32),
    ),
    mesh=_MESH,
    compiler_params=pltpu.CompilerParams(needs_layout_passes=False),
    scratch_types=[
        pltpu.VMEM((NRND, SUB), jnp.int32),
        pltpu.VMEM((NRND, SUB), jnp.int32),
        pltpu.VMEM((NBUF, SUB, HIDDEN), jnp.float32),
        pltpu.VMEM((S,), jnp.int32),
        pltpu.VMEM((S,), jnp.float32),
        pltpu.VMEM((HALF_SLOTS,), jnp.float32),
        pltpu.SemaphoreType.DMA,
        pltpu.SemaphoreType.DMA,
        pltpu.SemaphoreType.DMA,
        pltpu.SemaphoreType.DMA,
        pltpu.SemaphoreType.DMA,
        pltpu.SemaphoreType.DMA,
    ],
)
def _dispatch_k(xs_hbm, dst_hbm, gate_hbm, disp_hbm, sg_hbm,
                gi_v, si_v, rows_v, dstall_v, gateall_v, sg_v,
                gsem0, gsem1, gsem2, ssem0, ssem1, ssem2):
    cid = lax.axis_index("c")
    sid = lax.axis_index("s")
    wid = sid * NC + cid

    @pl.when(sid == 0)
    def _():
        lo = cid * HALF_SLOTS
        pltpu.sync_copy(dst_hbm, dstall_v)
        pltpu.sync_copy(gate_hbm, gateall_v)

        def init(j, carry):
            sg_v[pl.ds(j * 16, 16)] = jnp.zeros((16,), jnp.float32)
            return carry

        lax.fori_loop(0, HALF_SLOTS // 16, init, 0)

        def scat(j, carry):
            idx = dstall_v[pl.ds(j * 16, 16)]
            val = gateall_v[pl.ds(j * 16, 16)]
            rel = idx - lo
            m = jnp.logical_and(rel >= 0, rel < HALF_SLOTS)
            rel = jnp.where(m, rel, 0)
            plsc.store_scatter(sg_v, [rel], val, mask=m)
            return carry

        lax.fori_loop(0, S // 16, scat, 0)
        pltpu.sync_copy(sg_v, sg_hbm.at[pl.ds(lo, HALF_SLOTS)])

    base = wid * TOK_W
    for r in range(NRND):
        pltpu.sync_copy(dst_hbm.at[pl.ds(base + r * SUB, SUB)], si_v.at[r])

    def gath(r, b, sem):
        return pltpu.async_copy(
            xs_hbm.at[pl.ds(base + r * SUB, SUB)], rows_v.at[b], sem
        )

    def scat(r, b, sem):
        return pltpu.async_copy(rows_v.at[b], disp_hbm.at[si_v.at[r]], sem)

    _run_ring(gath, scat, (gsem0, gsem1, gsem2), (ssem0, ssem1, ssem2))


@functools.partial(
    pl.kernel,
    out_type=jax.ShapeDtypeStruct((S * DPIECE, 128), jnp.float32),
    mesh=_MESH,
    compiler_params=pltpu.CompilerParams(needs_layout_passes=False),
    scratch_types=[
        pltpu.VMEM((NRND, SUB), jnp.int32),
        pltpu.VMEM((NRND, SUB), jnp.int32),
        pltpu.VMEM((NBUF, SUB, HIDDEN), jnp.float32),
        pltpu.VMEM((NBUF, DPIECE, SUB), jnp.int32),
        pltpu.SemaphoreType.DMA,
        pltpu.SemaphoreType.DMA,
        pltpu.SemaphoreType.DMA,
        pltpu.SemaphoreType.DMA,
        pltpu.SemaphoreType.DMA,
        pltpu.SemaphoreType.DMA,
    ],
)
def _combine_k(eout_hbm, dst_hbm, src_hbm, out_hbm,
               gi_v, si_v, rows_v, iv_v,
               gsem0, gsem1, gsem2, ssem0, ssem1, ssem2):
    cid = lax.axis_index("c")
    sid = lax.axis_index("s")
    wid = sid * NC + cid
    base = wid * TOK_W
    for r in range(NRND):
        pltpu.sync_copy(dst_hbm.at[pl.ds(base + r * SUB, SUB)], gi_v.at[r])
        pltpu.sync_copy(src_hbm.at[pl.ds(base + r * SUB, SUB)], si_v.at[r])

    def gath(r, b, sem):
        return pltpu.async_copy(eout_hbm.at[gi_v.at[r]], rows_v.at[b], sem)

    def scat(r, b, sem):
        ds = []
        for k in range(DPIECE):
            for h in range(0, SUB, 16):
                iv_v[b, k, pl.ds(h, 16)] = si_v[r, pl.ds(h, 16)] + 2 * k
        for k in range(DPIECE):
            ds.append(pltpu.async_copy(
                rows_v.at[b, :, pl.ds(k * 128, 128)],
                out_hbm.at[iv_v.at[b, k]],
                sem,
            ))
        return ds

    g = [None] * NRND
    s = [None] * NRND
    gsems = (gsem0, gsem1, gsem2)
    ssems = (ssem0, ssem1, ssem2)
    for r in range(min(NBUF, NRND)):
        g[r] = gath(r, r % NBUF, gsems[r % NBUF])
    for r in range(NRND):
        b = r % NBUF
        g[r].wait()
        s[r] = scat(r, b, ssems[b])
        if r + NBUF < NRND:
            for d in s[r]:
                d.wait()
            g[r + NBUF] = gath(r + NBUF, b, gsems[b])
    for r in range(max(0, NRND - NBUF), NRND):
        for d in s[r]:
            d.wait()



def _mm_body(a_ref, w_ref, b_ref, g_ref, o_ref):
    a = a_ref[...].astype(jnp.bfloat16)
    acc = jnp.dot(a, w_ref[0], preferred_element_type=jnp.float32)
    y = acc + b_ref[pl.ds(pl.program_id(0), 1), :]
    g = jnp.transpose(g_ref[...])
    o_ref[...] = jnp.where(g > 0.0, y * g, 0.0)


def _expert_mm(disp, We, be, sg):
    nblk = CPAD // BC
    return pl.pallas_call(
        _mm_body,
        grid=(E, nblk),
        in_specs=[
            pl.BlockSpec((BC, HIDDEN), lambda e, c: (e * nblk + c, 0)),
            pl.BlockSpec((1, HIDDEN, HIDDEN), lambda e, c: (e, 0, 0)),
            pl.BlockSpec((E, HIDDEN), lambda e, c: (0, 0)),
            pl.BlockSpec((1, BC), lambda e, c: (0, e * nblk + c)),
        ],
        out_specs=pl.BlockSpec((BC, HIDDEN), lambda e, c: (e * nblk + c, 0)),
        out_shape=jax.ShapeDtypeStruct((SLOTS, HIDDEN), jnp.float32),
    )(disp, We, be, sg)



def kernel(features, wg, We, be):
    dst, src, gate, aux, xs = _routing(features, wg.T)
    dst1 = dst.reshape(S)
    src1 = src.reshape(S)
    gate1 = gate.reshape(S)

    disp, sg = _dispatch_k(xs, dst1, gate1)
    eout = _expert_mm(disp, We.astype(jnp.bfloat16), be, sg.reshape(1, SLOTS))
    outp = _combine_k(eout, dst1, src1)

    out = (outp.reshape(L_SEQ, DPIECE, N_SEQ, 128)
           .transpose(0, 2, 1, 3)
           .reshape(1, L_SEQ, N_SEQ, HIDDEN))
    return out, aux[0, 0]

# --- scband reference (transcript-rebuilt; emitter-appended) ---
"""Pipeline reference for scband-type1-mo-e-6227702579634 (READ-ONLY COPY).

The authoritative reference and input builder live on the scoring server;
editing this copy changes nothing except your own understanding.
"""

import jax, jax.numpy as jnp
import numpy as np
import math

HIDDEN = 1024
NUM_EXPERTS = 3
CAP_FACTOR = 1.0
B, L, N = 1, 2048, 2


def setup_inputs(seed: int = 0) -> dict:
    key = jax.random.key(seed)
    k1, k2, k3 = jax.random.split(key, 3)
    features = jax.random.normal(k1, (B, L, N, HIDDEN), dtype=jnp.float32)
    # gate: Linear(hidden, num_experts, bias=False)
    wg = jax.random.normal(k2, (HIDDEN, NUM_EXPERTS), dtype=jnp.float32) * (1.0 / math.sqrt(HIDDEN))
    # experts: 3 copies of Linear(hidden, hidden); stored as [E, D_in, D_out]
    We = jax.random.normal(k3, (NUM_EXPERTS, HIDDEN, HIDDEN), dtype=jnp.float32) * (1.0 / math.sqrt(HIDDEN))
    be = jnp.zeros((NUM_EXPERTS, HIDDEN), dtype=jnp.float32)
    return {"features": features, "wg": wg, "We": We, "be": be}


def _moe_forward(features, wg, We, be):
    b, l, n, d = features.shape
    # permute(0,2,1,3).reshape(B*N, L, D)
    x = jnp.transpose(features, (0, 2, 1, 3)).reshape(b * n, l, d)
    xr = x.reshape(-1, d)  # [S, D]
    S = xr.shape[0]
    E = NUM_EXPERTS
    capacity = int(math.ceil(S / E * CAP_FACTOR))  # training capacity_factor=1, min_capacity=0

    # ---- top1 gating (deepspeed top1gating, no noise) ----
    logits = xr @ wg                       # [S, E]
    gates = jax.nn.softmax(logits, axis=1)
    indices1_s = jnp.argmax(gates, axis=1)  # [S]
    mask1 = jax.nn.one_hot(indices1_s, E, dtype=jnp.int32)  # [S, E]
    locations1 = jnp.cumsum(mask1, axis=0) - 1              # [S, E]
    me = jnp.mean(gates, axis=0)
    ce = jnp.mean(mask1.astype(jnp.float32), axis=0)
    l_aux = jnp.sum(me * ce) * E
    mask1 = mask1 * (locations1 < capacity).astype(jnp.int32)
    locations1_s = jnp.sum(locations1 * mask1, axis=1)      # [S]
    mask1_f = mask1.astype(jnp.float32)
    gates_m = gates * mask1_f
    locations1_sc = jax.nn.one_hot(locations1_s, capacity, dtype=jnp.float32)  # [S, C]
    combine_weights = jnp.einsum("se,sc->sec", gates_m, locations1_sc)          # [S, E, C]
    dispatch_mask = (combine_weights > 0).astype(jnp.float32)

    # ---- dispatch / expert / combine ----
    dispatched = jnp.einsum("sec,sm->ecm", dispatch_mask, xr)      # [E, C, D]
    expert_out = jnp.einsum("ecm,emn->ecn", dispatched, We) + be[:, None, :]  # [E, C, D]
    combined = jnp.einsum("sec,ecm->sm", combine_weights, expert_out)          # [S, D]

    out = combined.reshape(b * n, l, d).reshape(b, n, l, d)
    out = jnp.transpose(out, (0, 2, 1, 3))  # back to [B, L, N, D]
    return out, l_aux


def reference(features, wg, We, be):
    return _moe_forward(features, wg, We, be)

if __name__ == "__main__":
    import jax
    _d = setup_inputs()
    print(jax.jit(kernel)(*tuple(_d.values())))

</pallas_src>

<mosaic_0001>
#map = affine_map<(d0, d1) -> (0, 0)>
#map1 = affine_map<(d0, d1) -> (0)>
module attributes {stable_mosaic.version = 14 : i64} {
  func.func @_combine_k(%arg0: i32, %arg1: i32, %arg2: memref<4608x1024xf32, #tpu.memory_space<hbm>>, %arg3: memref<4096xi32, #tpu.memory_space<hbm>>, %arg4: memref<4096xi32, #tpu.memory_space<hbm>>, %arg5: memref<32768x128xf32, #tpu.memory_space<hbm>>, %arg6: memref<4x32xi32, #tpu.memory_space<vmem>>, %arg7: memref<4x32xi32, #tpu.memory_space<vmem>>, %arg8: memref<3x32x1024xf32, #tpu.memory_space<vmem>>, %arg9: memref<3x8x32xi32, #tpu.memory_space<vmem>>, %arg10: memref<!tpu.dma_semaphore, #tpu.memory_space<semaphore_mem>>, %arg11: memref<!tpu.dma_semaphore, #tpu.memory_space<semaphore_mem>>, %arg12: memref<!tpu.dma_semaphore, #tpu.memory_space<semaphore_mem>>, %arg13: memref<!tpu.dma_semaphore, #tpu.memory_space<semaphore_mem>>, %arg14: memref<!tpu.dma_semaphore, #tpu.memory_space<semaphore_mem>>, %arg15: memref<!tpu.dma_semaphore, #tpu.memory_space<semaphore_mem>>) attributes {dimension_semantics = [#tpu.dimension_semantics<core_parallel>, #tpu.dimension_semantics<subcore_parallel>], iteration_bounds = array<i64: 2, 16>, scalar_prefetch = 0 : i64, scratch_operands = 10 : i64, tpu.core_type = #tpu.core_type<sc_vector_subcore>, window_params = [{transform_indices = #map}, {transform_indices = #map1}, {transform_indices = #map1}, {transform_indices = #map}]} {
    %mul3A = arith.constant 2 : i32
    %mul3A_0 = arith.muli %arg1, %mul3A : i32
    %add3A = arith.addi %mul3A_0, %arg0 : i32
    %mul3A_1 = arith.constant 128 : i32
    %mul3A_2 = arith.muli %add3A, %mul3A_1 : i32
    %add3A_3 = arith.constant 0 : i32
    %add3A_4 = arith.addi %mul3A_2, %add3A_3 : i32
    %run_scoped3A = arith.constant 0 : i32
    "tpu.region"() ({
      %run_scoped3A_1782 = tpu.sem_alloc : memref<!tpu.dma_semaphore, #tpu.memory_space<semaphore_mem>>
      %dma_start3A_1783 = arith.constant 0 : i32
      %dma_start3A_1784 = tpu.memref_slice %arg6[%run_scoped3A, %dma_start3A_1783] : memref<4x32xi32, #tpu.memory_space<vmem>> -> memref<1x32xi32, #tpu.memory_space<vmem>>
      %dma_start3A_1785 = tpu.memref_squeeze %dma_start3A_1784 : memref<1x32xi32, #tpu.memory_space<vmem>> -> memref<32xi32, #tpu.memory_space<vmem>>
      %dma_start3A_1786 = tpu.memref_slice %arg3[%add3A_4] : memref<4096xi32, #tpu.memory_space<hbm>> -> memref<32xi32, #tpu.memory_space<hbm>>
      %dma_start3A_1787 = arith.constant 0 : i32
      %dma_start3A_1788 = tpu.memref_slice %arg6[%run_scoped3A, %dma_start3A_1787] : memref<4x32xi32, #tpu.memory_space<vmem>> -> memref<1x32xi32, #tpu.memory_space<vmem>>
      %dma_start3A_1789 = tpu.memref_squeeze %dma_start3A_1788 : memref<1x32xi32, #tpu.memory_space<vmem>> -> memref<32xi32, #tpu.memory_space<vmem>>
      %dma_start3A_1790 = tpu.memref_slice %arg3[%add3A_4] : memref<4096xi32, #tpu.memory_space<hbm>> -> memref<32xi32, #tpu.memory_space<hbm>>
      tpu.enqueue_dma source(%dma_start3A_1790 : memref<32xi32, #tpu.memory_space<hbm>>) target(%dma_start3A_1789 : memref<32xi32, #tpu.memory_space<vmem>>) target_semaphore(%run_scoped3A_1782 : memref<!tpu.dma_semaphore, #tpu.memory_space<semaphore_mem>>)
      %dma_wait3A_1791 = arith.constant 0 : i32
      %dma_wait3A_1792 = tpu.memref_slice %arg6[%run_scoped3A, %dma_wait3A_1791] : memref<4x32xi32, #tpu.memory_space<vmem>> -> memref<1x32xi32, #tpu.memory_space<vmem>>
      %dma_wait3A_1793 = tpu.memref_squeeze %dma_wait3A_1792 : memref<1x32xi32, #tpu.memory_space<vmem>> -> memref<32xi32, #tpu.memory_space<vmem>>
      %dma_wait3A_1794 = tpu.memref_slice %arg3[%add3A_4] : memref<4096xi32, #tpu.memory_space<hbm>> -> memref<32xi32, #tpu.memory_space<hbm>>
      %dma_wait3A_1795 = arith.constant 0 : i32
      %dma_wait3A_1796 = tpu.memref_slice %arg6[%run_scoped3A, %dma_wait3A_1795] : memref<4x32xi32, #tpu.memory_space<vmem>> -> memref<1x32xi32, #tpu.memory_space<vmem>>
      %dma_wait3A_1797 = tpu.memref_squeeze %dma_wait3A_1796 : memref<1x32xi32, #tpu.memory_space<vmem>> -> memref<32xi32, #tpu.memory_space<vmem>>
      %dma_wait3A_1798 = tpu.memref_slice %arg3[%add3A_4] : memref<4096xi32, #tpu.memory_space<hbm>> -> memref<32xi32, #tpu.memory_space<hbm>>
      tpu.wait_dma2 semaphore(%run_scoped3A_1782 : memref<!tpu.dma_semaphore, #tpu.memory_space<semaphore_mem>>) src(%dma_wait3A_1798 : memref<32xi32, #tpu.memory_space<hbm>>) dst(%dma_wait3A_1797 : memref<32xi32, #tpu.memory_space<vmem>>)
      tpu.yield
    }) : () -> ()
    %add3A_5 = arith.constant 0 : i32
    %add3A_6 = arith.addi %mul3A_2, %add3A_5 : i32
    %run_scoped3A_7 = arith.constant 0 : i32
    "tpu.region"() ({
      %run_scoped3A_1782 = tpu.sem_alloc : memref<!tpu.dma_semaphore, #tpu.memory_space<semaphore_mem>>
      %dma_start3A_1783 = arith.constant 0 : i32
      %dma_start3A_1784 = tpu.memref_slice %arg7[%run_scoped3A_7, %dma_start3A_1783] : memref<4x32xi32, #tpu.memory_space<vmem>> -> memref<1x32xi32, #tpu.memory_space<vmem>>
      %dma_start3A_1785 = tpu.memref_squeeze %dma_start3A_1784 : memref<1x32xi32, #tpu.memory_space<vmem>> -> memref<32xi32, #tpu.memory_space<vmem>>
      %dma_start3A_1786 = tpu.memref_slice %arg4[%add3A_6] : memref<4096xi32, #tpu.memory_space<hbm>> -> memref<32xi32, #tpu.memory_space<hbm>>
      %dma_start3A_1787 = arith.constant 0 : i32
      %dma_start3A_1788 = tpu.memref_slice %arg7[%run_scoped3A_7, %dma_start3A_1787] : memref<4x32xi32, #tpu.memory_space<vmem>> -> memref<1x32xi32, #tpu.memory_space<vmem>>
      %dma_start3A_1789 = tpu.memref_squeeze %dma_start3A_1788 : memref<1x32xi32, #tpu.memory_space<vmem>> -> memref<32xi32, #tpu.memory_space<vmem>>
      %dma_start3A_1790 = tpu.memref_slice %arg4[%add3A_6] : memref<4096xi32, #tpu.memory_space<hbm>> -> memref<32xi32, #tpu.memory_space<hbm>>
      tpu.enqueue_dma source(%dma_start3A_1790 : memref<32xi32, #tpu.memory_space<hbm>>) target(%dma_start3A_1789 : memref<32xi32, #tpu.memory_space<vmem>>) target_semaphore(%run_scoped3A_1782 : memref<!tpu.dma_semaphore, #tpu.memory_space<semaphore_mem>>)
      %dma_wait3A_1791 = arith.constant 0 : i32
      %dma_wait3A_1792 = tpu.memref_slice %arg7[%run_scoped3A_7, %dma_wait3A_1791] : memref<4x32xi32, #tpu.memory_space<vmem>> -> memref<1x32xi32, #tpu.memory_space<vmem>>
      %dma_wait3A_1793 = tpu.memref_squeeze %dma_wait3A_1792 : memref<1x32xi32, #tpu.memory_space<vmem>> -> memref<32xi32, #tpu.memory_space<vmem>>
      %dma_wait3A_1794 = tpu.memref_slice %arg4[%add3A_6] : memref<4096xi32, #tpu.memory_space<hbm>> -> memref<32xi32, #tpu.memory_space<hbm>>
      %dma_wait3A_1795 = arith.constant 0 : i32
      %dma_wait3A_1796 = tpu.memref_slice %arg7[%run_scoped3A_7, %dma_wait3A_1795] : memref<4x32xi32, #tpu.memory_space<vmem>> -> memref<1x32xi32, #tpu.memory_space<vmem>>
      %dma_wait3A_1797 = tpu.memref_squeeze %dma_wait3A_1796 : memref<1x32xi32, #tpu.memory_space<vmem>> -> memref<32xi32, #tpu.memory_space<vmem>>
      %dma_wait3A_1798 = tpu.memref_slice %arg4[%add3A_6] : memref<4096xi32, #tpu.memory_space<hbm>> -> memref<32xi32, #tpu.memory_space<hbm>>
      tpu.wait_dma2 semaphore(%run_scoped3A_1782 : memref<!tpu.dma_semaphore, #tpu.memory_space<semaphore_mem>>) src(%dma_wait3A_1798 : memref<32xi32, #tpu.memory_space<hbm>>) dst(%dma_wait3A_1797 : memref<32xi32, #tpu.memory_space<vmem>>)
      tpu.yield
    }) : () -> ()
    %add3A_8 = arith.constant 32 : i32
    %add3A_9 = arith.addi %mul3A_2, %add3A_8 : i32
    %run_scoped3A_10 = arith.constant 1 : i32
    "tpu.region"() ({
      %run_scoped3A_1782 = tpu.sem_alloc : memref<!tpu.dma_semaphore, #tpu.memory_space<semaphore_mem>>
      %dma_start3A_1783 = arith.constant 0 : i32
      %dma_start3A_1784 = tpu.memref_slice %arg6[%run_scoped3A_10, %dma_start3A_1783] : memref<4x32xi32, #tpu.memory_space<vmem>> -> memref<1x32xi32, #tpu.memory_space<vmem>>
      %dma_start3A_1785 = tpu.memref_squeeze %dma_start3A_1784 : memref<1x32xi32, #tpu.memory_space<vmem>> -> memref<32xi32, #tpu.memory_space<vmem>>
      %dma_start3A_1786 = tpu.memref_slice %arg3[%add3A_9] : memref<4096xi32, #tpu.memory_space<hbm>> -> memref<32xi32, #tpu.memory_space<hbm>>
      %dma_start3A_1787 = arith.constant 0 : i32
      %dma_start3A_1788 = tpu.memref_slice %arg6[%run_scoped3A_10, %dma_start3A_1787] : memref<4x32xi32, #tpu.memory_space<vmem>> -> memref<1x32xi32, #tpu.memory_space<vmem>>
      %dma_start3A_1789 = tpu.memref_squeeze %dma_start3A_1788 : memref<1x32xi32, #tpu.memory_space<vmem>> -> memref<32xi32, #tpu.memory_space<vmem>>
      %dma_start3A_1790 = tpu.memref_slice %arg3[%add3A_9] : memref<4096xi32, #tpu.memory_space<hbm>> -> memref<32xi32, #tpu.memory_space<hbm>>
      tpu.enqueue_dma source(%dma_start3A_1790 : memref<32xi32, #tpu.memory_space<hbm>>) target(%dma_start3A_1789 : memref<32xi32, #tpu.memory_space<vmem>>) target_semaphore(%run_scoped3A_1782 : memref<!tpu.dma_semaphore, #tpu.memory_space<semaphore_mem>>)
      %dma_wait3A_1791 = arith.constant 0 : i32
      %dma_wait3A_1792 = tpu.memref_slice %arg6[%run_scoped3A_10, %dma_wait3A_1791] : memref<4x32xi32, #tpu.memory_space<vmem>> -> memref<1x32xi32, #tpu.memory_space<vmem>>
      %dma_wait3A_1793 = tpu.memref_squeeze %dma_wait3A_1792 : memref<1x32xi32, #tpu.memory_space<vmem>> -> memref<32xi32, #tpu.memory_space<vmem>>
      %dma_wait3A_1794 = tpu.memref_slice %arg3[%add3A_9] : memref<4096xi32, #tpu.memory_space<hbm>> -> memref<32xi32, #tpu.memory_space<hbm>>
      %dma_wait3A_1795 = arith.constant 0 : i32
      %dma_wait3A_1796 = tpu.memref_slice %arg6[%run_scoped3A_10, %dma_wait3A_1795] : memref<4x32xi32, #tpu.memory_space<vmem>> -> memref<1x32xi32, #tpu.memory_space<vmem>>
      %dma_wait3A_1797 = tpu.memref_squeeze %dma_wait3A_1796 : memref<1x32xi32, #tpu.memory_space<vmem>> -> memref<32xi32, #tpu.memory_space<vmem>>
      %dma_wait3A_1798 = tpu.memref_slice %arg3[%add3A_9] : memref<4096xi32, #tpu.memory_space<hbm>> -> memref<32xi32, #tpu.memory_space<hbm>>
      tpu.wait_dma2 semaphore(%run_scoped3A_1782 : memref<!tpu.dma_semaphore, #tpu.memory_space<semaphore_mem>>) src(%dma_wait3A_1798 : memref<32xi32, #tpu.memory_space<hbm>>) dst(%dma_wait3A_1797 : memref<32xi32, #tpu.memory_space<vmem>>)
      tpu.yield
    }) : () -> ()
    %add3A_11 = arith.constant 32 : i32
    %add3A_12 = arith.addi %mul3A_2, %add3A_11 : i32
    %run_scoped3A_13 = arith.constant 1 : i32
    "tpu.region"() ({
      %run_scoped3A_1782 = tpu.sem_alloc : memref<!tpu.dma_semaphore, #tpu.memory_space<semaphore_mem>>
      %dma_start3A_1783 = arith.constant 0 : i32
      %dma_start3A_1784 = tpu.memref_slice %arg7[%run_scoped3A_13, %dma_start3A_1783] : memref<4x32xi32, #tpu.memory_space<vmem>> -> memref<1x32xi32, #tpu.memory_space<vmem>>
      %dma_start3A_1785 = tpu.memref_squeeze %dma_start3A_1784 : memref<1x32xi32, #tpu.memory_space<vmem>> -> memref<32xi32, #tpu.memory_space<vmem>>
      %dma_start3A_1786 = tpu.memref_slice %arg4[%add3A_12] : memref<4096xi32, #tpu.memory_space<hbm>> -> memref<32xi32, #tpu.memory_space<hbm>>
      %dma_start3A_1787 = arith.constant 0 : i32
      %dma_start3A_1788 = tpu.memref_slice %arg7[%run_scoped3A_13, %dma_start3A_1787] : memref<4x32xi32, #tpu.memory_space<vmem>> -> memref<1x32xi32, #tpu.memory_space<vmem>>
      %dma_start3A_1789 = tpu.memref_squeeze %dma_start3A_1788 : memref<1x32xi32, #tpu.memory_space<vmem>> -> memref<32xi32, #tpu.memory_space<vmem>>
      %dma_start3A_1790 = tpu.memref_slice %arg4[%add3A_12] : memref<4096xi32, #tpu.memory_space<hbm>> -> memref<32xi32, #tpu.memory_space<hbm>>
      tpu.enqueue_dma source(%dma_start3A_1790 : memref<32xi32, #tpu.memory_space<hbm>>) target(%dma_start3A_1789 : memref<32xi32, #tpu.memory_space<vmem>>) target_semaphore(%run_scoped3A_1782 : memref<!tpu.dma_semaphore, #tpu.memory_space<semaphore_mem>>)
      %dma_wait3A_1791 = arith.constant 0 : i32
      %dma_wait3A_1792 = tpu.memref_slice %arg7[%run_scoped3A_13, %dma_wait3A_1791] : memref<4x32xi32, #tpu.memory_space<vmem>> -> memref<1x32xi32, #tpu.memory_space<vmem>>
      %dma_wait3A_1793 = tpu.memref_squeeze %dma_wait3A_1792 : memref<1x32xi32, #tpu.memory_space<vmem>> -> memref<32xi32, #tpu.memory_space<vmem>>
      %dma_wait3A_1794 = tpu.memref_slice %arg4[%add3A_12] : memref<4096xi32, #tpu.memory_space<hbm>> -> memref<32xi32, #tpu.memory_space<hbm>>
      %dma_wait3A_1795 = arith.constant 0 : i32
      %dma_wait3A_1796 = tpu.memref_slice %arg7[%run_scoped3A_13, %dma_wait3A_1795] : memref<4x32xi32, #tpu.memory_space<vmem>> -> memref<1x32xi32, #tpu.memory_space<vmem>>
      %dma_wait3A_1797 = tpu.memref_squeeze %dma_wait3A_1796 : memref<1x32xi32, #tpu.memory_space<vmem>> -> memref<32xi32, #tpu.memory_space<vmem>>
      %dma_wait3A_1798 = tpu.memref_slice %arg4[%add3A_12] : memref<4096xi32, #tpu.memory_space<hbm>> -> memref<32xi32, #tpu.memory_space<hbm>>
      tpu.wait_dma2 semaphore(%run_scoped3A_1782 : memref<!tpu.dma_semaphore, #tpu.memory_space<semaphore_mem>>) src(%dma_wait3A_1798 : memref<32xi32, #tpu.memory_space<hbm>>) dst(%dma_wait3A_1797 : memref<32xi32, #tpu.memory_space<vmem>>)
      tpu.yield
    }) : () -> ()
    %add3A_14 = arith.constant 64 : i32
    %add3A_15 = arith.addi %mul3A_2, %add3A_14 : i32
    %run_scoped3A_16 = arith.constant 2 : i32
    "tpu.region"() ({
      %run_scoped3A_1782 = tpu.sem_alloc : memref<!tpu.dma_semaphore, #tpu.memory_space<semaphore_mem>>
      %dma_start3A_1783 = arith.constant 0 : i32
      %dma_start3A_1784 = tpu.memref_slice %arg6[%run_scoped3A_16, %dma_start3A_1783] : memref<4x32xi32, #tpu.memory_space<vmem>> -> memref<1x32xi32, #tpu.memory_space<vmem>>
      %dma_start3A_1785 = tpu.memref_squeeze %dma_start3A_1784 : memref<1x32xi32, #tpu.memory_space<vmem>> -> memref<32xi32, #tpu.memory_space<vmem>>
      %dma_start3A_1786 = tpu.memref_slice %arg3[%add3A_15] : memref<4096xi32, #tpu.memory_space<hbm>> -> memref<32xi32, #tpu.memory_space<hbm>>
      %dma_start3A_1787 = arith.constant 0 : i32
      %dma_start3A_1788 = tpu.memref_slice %arg6[%run_scoped3A_16, %dma_start3A_1787] : memref<4x32xi32, #tpu.memory_space<vmem>> -> memref<1x32xi32, #tpu.memory_space<vmem>>
      %dma_start3A_1789 = tpu.memref_squeeze %dma_start3A_1788 : memref<1x32xi32, #tpu.memory_space<vmem>> -> memref<32xi32, #tpu.memory_space<vmem>>
      %dma_start3A_1790 = tpu.memref_slice %arg3[%add3A_15] : memref<4096xi32, #tpu.memory_space<hbm>> -> memref<32xi32, #tpu.memory_space<hbm>>
      tpu.enqueue_dma source(%dma_start3A_1790 : memref<32xi32, #tpu.memory_space<hbm>>) target(%dma_start3A_1789 : memref<32xi32, #tpu.memory_space<vmem>>) target_semaphore(%run_scoped3A_1782 : memref<!tpu.dma_semaphore, #tpu.memory_space<semaphore_mem>>)
      %dma_wait3A_1791 = arith.constant 0 : i32
      %dma_wait3A_1792 = tpu.memref_slice %arg6[%run_scoped3A_16, %dma_wait3A_1791] : memref<4x32xi32, #tpu.memory_space<vmem>> -> memref<1x32xi32, #tpu.memory_space<vmem>>
      %dma_wait3A_1793 = tpu.memref_squeeze %dma_wait3A_1792 : memref<1x32xi32, #tpu.memory_space<vmem>> -> memref<32xi32, #tpu.memory_space<vmem>>
      %dma_wait3A_1794 = tpu.memref_slice %arg3[%add3A_15] : memref<4096xi32, #tpu.memory_space<hbm>> -> memref<32xi32, #tpu.memory_space<hbm>>
      %dma_wait3A_1795 = arith.constant 0 : i32
      %dma_wait3A_1796 = tpu.memref_slice %arg6[%run_scoped3A_16, %dma_wait3A_1795] : memref<4x32xi32, #tpu.memory_space<vmem>> -> memref<1x32xi32, #tpu.memory_space<vmem>>
      %dma_wait3A_1797 = tpu.memref_squeeze %dma_wait3A_1796 : memref<1x32xi32, #tpu.memory_space<vmem>> -> memref<32xi32, #tpu.memory_space<vmem>>
      %dma_wait3A_1798 = tpu.memref_slice %arg3[%add3A_15] : memref<4096xi32, #tpu.memory_space<hbm>> -> memref<32xi32, #tpu.memory_space<hbm>>
      tpu.wait_dma2 semaphore(%run_scoped3A_1782 : memref<!tpu.dma_semaphore, #tpu.memory_space<semaphore_mem>>) src(%dma_wait3A_1798 : memref<32xi32, #tpu.memory_space<hbm>>) dst(%dma_wait3A_1797 : memref<32xi32, #tpu.memory_space<vmem>>)
      tpu.yield
    }) : () -> ()
    %add3A_17 = arith.constant 64 : i32
    %add3A_18 = arith.addi %mul3A_2, %add3A_17 : i32
    %run_scoped3A_19 = arith.constant 2 : i32
    "tpu.region"() ({
      %run_scoped3A_1782 = tpu.sem_alloc : memref<!tpu.dma_semaphore, #tpu.memory_space<semaphore_mem>>
      %dma_start3A_1783 = arith.constant 0 : i32
      %dma_start3A_1784 = tpu.memref_slice %arg7[%run_scoped3A_19, %dma_start3A_1783] : memref<4x32xi32, #tpu.memory_space<vmem>> -> memref<1x32xi32, #tpu.memory_space<vmem>>
      %dma_start3A_1785 = tpu.memref_squeeze %dma_start3A_1784 : memref<1x32xi32, #tpu.memory_space<vmem>> -> memref<32xi32, #tpu.memory_space<vmem>>
      %dma_start3A_1786 = tpu.memref_slice %arg4[%add3A_18] : memref<4096xi32, #tpu.memory_space<hbm>> -> memref<32xi32, #tpu.memory_space<hbm>>
      %dma_start3A_1787 = arith.constant 0 : i32
      %dma_start3A_1788 = tpu.memref_slice %arg7[%run_scoped3A_19, %dma_start3A_1787] : memref<4x32xi32, #tpu.memory_space<vmem>> -> memref<1x32xi32, #tpu.memory_space<vmem>>
      %dma_start3A_1789 = tpu.memref_squeeze %dma_start3A_1788 : memref<1x32xi32, #tpu.memory_space<vmem>> -> memref<32xi32, #tpu.memory_space<vmem>>
      %dma_start3A_1790 = tpu.memref_slice %arg4[%add3A_18] : memref<4096xi32, #tpu.memory_space<hbm>> -> memref<32xi32, #tpu.memory_space<hbm>>
      tpu.enqueue_dma source(%dma_start3A_1790 : memref<32xi32, #tpu.memory_space<hbm>>) target(%dma_start3A_1789 : memref<32xi32, #tpu.memory_space<vmem>>) target_semaphore(%run_scoped3A_1782 : memref<!tpu.dma_semaphore, #tpu.memory_space<semaphore_mem>>)
      %dma_wait3A_1791 = arith.constant 0 : i32
      %dma_wait3A_1792 = tpu.memref_slice %arg7[%run_scoped3A_19, %dma_wait3A_1791] : memref<4x32xi32, #tpu.memory_space<vmem>> -> memref<1x32xi32, #tpu.memory_space<vmem>>
      %dma_wait3A_1793 = tpu.memref_squeeze %dma_wait3A_1792 : memref<1x32xi32, #tpu.memory_space<vmem>> -> memref<32xi32, #tpu.memory_space<vmem>>
      %dma_wait3A_1794 = tpu.memref_slice %arg4[%add3A_18] : memref<4096xi32, #tpu.memory_space<hbm>> -> memref<32xi32, #tpu.memory_space<hbm>>
      %dma_wait3A_1795 = arith.constant 0 : i32
      %dma_wait3A_1796 = tpu.memref_slice %arg7[%run_scoped3A_19, %dma_wait3A_1795] : memref<4x32xi32, #tpu.memory_space<vmem>> -> memref<1x32xi32, #tpu.memory_space<vmem>>
      %dma_wait3A_1797 = tpu.memref_squeeze %dma_wait3A_1796 : memref<1x32xi32, #tpu.memory_space<vmem>> -> memref<32xi32, #tpu.memory_space<vmem>>
      %dma_wait3A_1798 = tpu.memref_slice %arg4[%add3A_18] : memref<4096xi32, #tpu.memory_space<hbm>> -> memref<32xi32, #tpu.memory_space<hbm>>
      tpu.wait_dma2 semaphore(%run_scoped3A_1782 : memref<!tpu.dma_semaphore, #tpu.memory_space<semaphore_mem>>) src(%dma_wait3A_1798 : memref<32xi32, #tpu.memory_space<hbm>>) dst(%dma_wait3A_1797 : memref<32xi32, #tpu.memory_space<vmem>>)
      tpu.yield
    }) : () -> ()
    %add3A_20 = arith.constant 96 : i32
    %add3A_21 = arith.addi %mul3A_2, %add3A_20 : i32
    %run_scoped3A_22 = arith.constant 3 : i32
    "tpu.region"() ({
      %run_scoped3A_1782 = tpu.sem_alloc : memref<!tpu.dma_semaphore, #tpu.memory_space<semaphore_mem>>
      %dma_start3A_1783 = arith.constant 0 : i32
      %dma_start3A_1784 = tpu.memref_slice %arg6[%run_scoped3A_22, %dma_start3A_1783] : memref<4x32xi32, #tpu.memory_space<vmem>> -> memref<1x32xi32, #tpu.memory_space<vmem>>
      %dma_start3A_1785 = tpu.memref_squeeze %dma_start3A_1784 : memref<1x32xi32, #tpu.memory_space<vmem>> -> memref<32xi32, #tpu.memory_space<vmem>>
      %dma_start3A_1786 = tpu.memref_slice %arg3[%add3A_21] : memref<4096xi32, #tpu.memory_space<hbm>> -> memref<32xi32, #tpu.memory_space<hbm>>
      %dma_start3A_1787 = arith.constant 0 : i32
      %dma_start3A_1788 = tpu.memref_slice %arg6[%run_scoped3A_22, %dma_start3A_1787] : memref<4x32xi32, #tpu.memory_space<vmem>> -> memref<1x32xi32, #tpu.memory_space<vmem>>
      %dma_start3A_1789 = tpu.memref_squeeze %dma_start3A_1788 : memref<1x32xi32, #tpu.memory_space<vmem>> -> memref<32xi32, #tpu.memory_space<vmem>>
      %dma_start3A_1790 = tpu.memref_slice %arg3[%add3A_21] : memref<4096xi32, #tpu.memory_space<hbm>> -> memref<32xi32, #tpu.memory_space<hbm>>
      tpu.enqueue_dma source(%dma_start3A_1790 : memref<32xi32, #tpu.memory_space<hbm>>) target(%dma_start3A_1789 : memref<32xi32, #tpu.memory_space<vmem>>) target_semaphore(%run_scoped3A_1782 : memref<!tpu.dma_semaphore, #tpu.memory_space<semaphore_mem>>)
      %dma_wait3A_1791 = arith.constant 0 : i32
      %dma_wait3A_1792 = tpu.memref_slice %arg6[%run_scoped3A_22, %dma_wait3A_1791] : memref<4x32xi32, #tpu.memory_space<vmem>> -> memref<1x32xi32, #tpu.memory_space<vmem>>
      %dma_wait3A_1793 = tpu.memref_squeeze %dma_wait3A_1792 : memref<1x32xi32, #tpu.memory_space<vmem>> -> memref<32xi32, #tpu.memory_space<vmem>>
      %dma_wait3A_1794 = tpu.memref_slice %arg3[%add3A_21] : memref<4096xi32, #tpu.memory_space<hbm>> -> memref<32xi32, #tpu.memory_space<hbm>>
      %dma_wait3A_1795 = arith.constant 0 : i32
      %dma_wait3A_1796 = tpu.memref_slice %arg6[%run_scoped3A_22, %dma_wait3A_1795] : memref<4x32xi32, #tpu.memory_space<vmem>> -> memref<1x32xi32, #tpu.memory_space<vmem>>
      %dma_wait3A_1797 = tpu.memref_squeeze %dma_wait3A_1796 : memref<1x32xi32, #tpu.memory_space<vmem>> -> memref<32xi32, #tpu.memory_space<vmem>>
      %dma_wait3A_1798 = tpu.memref_slice %arg3[%add3A_21] : memref<4096xi32, #tpu.memory_space<hbm>> -> memref<32xi32, #tpu.memory_space<hbm>>
      tpu.wait_dma2 semaphore(%run_scoped3A_1782 : memref<!tpu.dma_semaphore, #tpu.memory_space<semaphore_mem>>) src(%dma_wait3A_1798 : memref<32xi32, #tpu.memory_space<hbm>>) dst(%dma_wait3A_1797 : memref<32xi32, #tpu.memory_space<vmem>>)
      tpu.yield
    }) : () -> ()
    %add3A_23 = arith.constant 96 : i32
    %add3A_24 = arith.addi %mul3A_2, %add3A_23 : i32
    %run_scoped3A_25 = arith.constant 3 : i32
    "tpu.region"() ({
      %run_scoped3A_1782 = tpu.sem_alloc : memref<!tpu.dma_semaphore, #tpu.memory_space<semaphore_mem>>
      %dma_start3A_1783 = arith.constant 0 : i32
      %dma_start3A_1784 = tpu.memref_slice %arg7[%run_scoped3A_25, %dma_start3A_1783] : memref<4x32xi32, #tpu.memory_space<vmem>> -> memref<1x32xi32, #tpu.memory_space<vmem>>
      %dma_start3A_1785 = tpu.memref_squeeze %dma_start3A_1784 : memref<1x32xi32, #tpu.memory_space<vmem>> -> memref<32xi32, #tpu.memory_space<vmem>>
      %dma_start3A_1786 = tpu.memref_slice %arg4[%add3A_24] : memref<4096xi32, #tpu.memory_space<hbm>> -> memref<32xi32, #tpu.memory_space<hbm>>
      %dma_start3A_1787 = arith.constant 0 : i32
      %dma_start3A_1788 = tpu.memref_slice %arg7[%run_scoped3A_25, %dma_start3A_1787] : memref<4x32xi32, #tpu.memory_space<vmem>> -> memref<1x32xi32, #tpu.memory_space<vmem>>
      %dma_start3A_1789 = tpu.memref_squeeze %dma_start3A_1788 : memref<1x32xi32, #tpu.memory_space<vmem>> -> memref<32xi32, #tpu.memory_space<vmem>>
      %dma_start3A_1790 = tpu.memref_slice %arg4[%add3A_24] : memref<4096xi32, #tpu.memory_space<hbm>> -> memref<32xi32, #tpu.memory_space<hbm>>
      tpu.enqueue_dma source(%dma_start3A_1790 : memref<32xi32, #tpu.memory_space<hbm>>) target(%dma_start3A_1789 : memref<32xi32, #tpu.memory_space<vmem>>) target_semaphore(%run_scoped3A_1782 : memref<!tpu.dma_semaphore, #tpu.memory_space<semaphore_mem>>)
      %dma_wait3A_1791 = arith.constant 0 : i32
      %dma_wait3A_1792 = tpu.memref_slice %arg7[%run_scoped3A_25, %dma_wait3A_1791] : memref<4x32xi32, #tpu.memory_space<vmem>> -> memref<1x32xi32, #tpu.memory_space<vmem>>
      %dma_wait3A_1793 = tpu.memref_squeeze %dma_wait3A_1792 : memref<1x32xi32, #tpu.memory_space<vmem>> -> memref<32xi32, #tpu.memory_space<vmem>>
      %dma_wait3A_1794 = tpu.memref_slice %arg4[%add3A_24] : memref<4096xi32, #tpu.memory_space<hbm>> -> memref<32xi32, #tpu.memory_space<hbm>>
      %dma_wait3A_1795 = arith.constant 0 : i32
      %dma_wait3A_1796 = tpu.memref_slice %arg7[%run_scoped3A_25, %dma_wait3A_1795] : memref<4x32xi32, #tpu.memory_space<vmem>> -> memref<1x32xi32, #tpu.memory_space<vmem>>
      %dma_wait3A_1797 = tpu.memref_squeeze %dma_wait3A_1796 : memref<1x32xi32, #tpu.memory_space<vmem>> -> memref<32xi32, #tpu.memory_space<vmem>>
      %dma_wait3A_1798 = tpu.memref_slice %arg4[%add3A_24] : memref<4096xi32, #tpu.memory_space<hbm>> -> memref<32xi32, #tpu.memory_space<hbm>>
      tpu.wait_dma2 semaphore(%run_scoped3A_1782 : memref<!tpu.dma_semaphore, #tpu.memory_space<semaphore_mem>>) src(%dma_wait3A_1798 : memref<32xi32, #tpu.memory_space<hbm>>) dst(%dma_wait3A_1797 : memref<32xi32, #tpu.memory_space<vmem>>)
      tpu.yield
    }) : () -> ()
    %dma_start3A = arith.constant 0 : i32
    %dma_start3A_26 = arith.constant 0 : i32
    %dma_start3A_27 = arith.constant 0 : i32
    %dma_start3A_28 = arith.constant 0 : i32
    %dma_start3A_29 = tpu.memref_slice %arg8[%dma_start3A_26, %dma_start3A_27, %dma_start3A_28] : memref<3x32x1024xf32, #tpu.memory_space<vmem>> -> memref<1x32x1024xf32, #tpu.memory_space<vmem>>
    %dma_start3A_30 = tpu.memref_squeeze %dma_start3A_29 : memref<1x32x1024xf32, #tpu.memory_space<vmem>> -> memref<32x1024xf32, #tpu.memory_space<vmem>>
    %dma_start3A_31 = arith.constant 0 : i32
    %dma_start3A_32 = tpu.memref_slice %arg6[%dma_start3A, %dma_start3A_31] : memref<4x32xi32, #tpu.memory_space<vmem>> -> memref<1x32xi32, #tpu.memory_space<vmem>>
    %dma_start3A_33 = tpu.memref_squeeze %dma_start3A_32 : memref<1x32xi32, #tpu.memory_space<vmem>> -> memref<32xi32, #tpu.memory_space<vmem>>
    %dma_start3A_34 = arith.constant 0 : i32
    %dma_start3A_35 = arith.constant 0 : i32
    %dma_start3A_36 = tpu.memref_slice %arg2[%dma_start3A_34, %dma_start3A_35] : memref<4608x1024xf32, #tpu.memory_space<hbm>> -> memref<4608x1024xf32, #tpu.memory_space<hbm>>
    tpu.enqueue_indirect_dma source(%dma_start3A_36 : memref<4608x1024xf32, #tpu.memory_space<hbm>>) target(%dma_start3A_30 : memref<32x1024xf32, #tpu.memory_space<vmem>>) offsets(%dma_start3A_33 : memref<32xi32, #tpu.memory_space<vmem>>) semaphore(%arg10 : memref<!tpu.dma_semaphore, #tpu.memory_space<semaphore_mem>>)
    %dma_start3A_37 = arith.constant 1 : i32
    %dma_start3A_38 = arith.constant 1 : i32
    %dma_start3A_39 = arith.constant 0 : i32
    %dma_start3A_40 = arith.constant 0 : i32
    %dma_start3A_41 = tpu.memref_slice %arg8[%dma_start3A_38, %dma_start3A_39, %dma_start3A_40] : memref<3x32x1024xf32, #tpu.memory_space<vmem>> -> memref<1x32x1024xf32, #tpu.memory_space<vmem>>
    %dma_start3A_42 = tpu.memref_squeeze %dma_start3A_41 : memref<1x32x1024xf32, #tpu.memory_space<vmem>> -> memref<32x1024xf32, #tpu.memory_space<vmem>>
    %dma_start3A_43 = arith.constant 0 : i32
    %dma_start3A_44 = tpu.memref_slice %arg6[%dma_start3A_37, %dma_start3A_43] : memref<4x32xi32, #tpu.memory_space<vmem>> -> memref<1x32xi32, #tpu.memory_space<vmem>>
    %dma_start3A_45 = tpu.memref_squeeze %dma_start3A_44 : memref<1x32xi32, #tpu.memory_space<vmem>> -> memref<32xi32, #tpu.memory_space<vmem>>
    %dma_start3A_46 = arith.constant 0 : i32
    %dma_start3A_47 = arith.constant 0 : i32
    %dma_start3A_48 = tpu.memref_slice %arg2[%dma_start3A_46, %dma_start3A_47] : memref<4608x1024xf32, #tpu.memory_space<hbm>> -> memref<4608x1024xf32, #tpu.memory_space<hbm>>
    tpu.enqueue_indirect_dma source(%dma_start3A_48 : memref<4608x1024xf32, #tpu.memory_space<hbm>>) target(%dma_start3A_42 : memref<32x1024xf32, #tpu.memory_space<vmem>>) offsets(%dma_start3A_45 : memref<32xi32, #tpu.memory_space<vmem>>) semaphore(%arg11 : memref<!tpu.dma_semaphore, #tpu.memory_space<semaphore_mem>>)
    %dma_start3A_49 = arith.constant 2 : i32
    %dma_start3A_50 = arith.constant 2 : i32
    %dma_start3A_51 = arith.constant 0 : i32
    %dma_start3A_52 = arith.constant 0 : i32
    %dma_start3A_53 = tpu.memref_slice %arg8[%dma_start3A_50, %dma_start3A_51, %dma_start3A_52] : memref<3x32x1024xf32, #tpu.memory_space<vmem>> -> memref<1x32x1024xf32, #tpu.memory_space<vmem>>
    %dma_start3A_54 = tpu.memref_squeeze %dma_start3A_53 : memref<1x32x1024xf32, #tpu.memory_space<vmem>> -> memref<32x1024xf32, #tpu.memory_space<vmem>>
    %dma_start3A_55 = arith.constant 0 : i32
    %dma_start3A_56 = tpu.memref_slice %arg6[%dma_start3A_49, %dma_start3A_55] : memref<4x32xi32, #tpu.memory_space<vmem>> -> memref<1x32xi32, #tpu.memory_space<vmem>>
    %dma_start3A_57 = tpu.memref_squeeze %dma_start3A_56 : memref<1x32xi32, #tpu.memory_space<vmem>> -> memref<32xi32, #tpu.memory_space<vmem>>
    %dma_start3A_58 = arith.constant 0 : i32
    %dma_start3A_59 = arith.constant 0 : i32
    %dma_start3A_60 = tpu.memref_slice %arg2[%dma_start3A_58, %dma_start3A_59] : memref<4608x1024xf32, #tpu.memory_space<hbm>> -> memref<4608x1024xf32, #tpu.memory_space<hbm>>
    tpu.enqueue_indirect_dma source(%dma_start3A_60 : memref<4608x1024xf32, #tpu.memory_space<hbm>>) target(%dma_start3A_54 : memref<32x1024xf32, #tpu.memory_space<vmem>>) offsets(%dma_start3A_57 : memref<32xi32, #tpu.memory_space<vmem>>) semaphore(%arg12 : memref<!tpu.dma_semaphore, #tpu.memory_space<semaphore_mem>>)
    %dma_wait3A = arith.constant 0 : i32
    %dma_wait3A_61 = arith.constant 0 : i32
    %dma_wait3A_62 = arith.constant 0 : i32
    %dma_wait3A_63 = arith.constant 0 : i32
    %dma_wait3A_64 = tpu.memref_slice %arg8[%dma_wait3A_61, %dma_wait3A_62, %dma_wait3A_63] : memref<3x32x1024xf32, #tpu.memory_space<vmem>> -> memref<1x32x1024xf32, #tpu.memory_space<vmem>>
    %dma_wait3A_65 = tpu.memref_squeeze %dma_wait3A_64 : memref<1x32x1024xf32, #tpu.memory_space<vmem>> -> memref<32x1024xf32, #tpu.memory_space<vmem>>
    %dma_wait3A_66 = arith.constant 0 : i32
    %dma_wait3A_67 = tpu.memref_slice %arg6[%dma_wait3A, %dma_wait3A_66] : memref<4x32xi32, #tpu.memory_space<vmem>> -> memref<1x32xi32, #tpu.memory_space<vmem>>
    %dma_wait3A_68 = tpu.memref_squeeze %dma_wait3A_67 : memref<1x32xi32, #tpu.memory_space<vmem>> -> memref<32xi32, #tpu.memory_space<vmem>>
    %dma_wait3A_69 = arith.constant 0 : i32
    %dma_wait3A_70 = arith.constant 0 : i32
    %dma_wait3A_71 = tpu.memref_slice %arg2[%dma_wait3A_69, %dma_wait3A_70] : memref<4608x1024xf32, #tpu.memory_space<hbm>> -> memref<4608x1024xf32, #tpu.memory_space<hbm>>
    tpu.wait_indirect_dma semaphore(%arg10 : memref<!tpu.dma_semaphore, #tpu.memory_space<semaphore_mem>>) src(%dma_wait3A_71 : memref<4608x1024xf32, #tpu.memory_space<hbm>>) dst(%dma_wait3A_65 : memref<32x1024xf32, #tpu.memory_space<vmem>>)
    %get3A = arith.constant 0 : i32
    %get3A_72 = arith.index_cast %get3A : i32 to index
    %get3A_73 = arith.constant 0 : index
    %get3A_74 = tpu.vector_load %arg7[%get3A_72, %get3A_73] {strides = array<i32>} : memref<4x32xi32, #tpu.memory_space<vmem>>, vector<16xi32>,
    %add3A_75 = arith.constant 0 : i32
    %add3A_76 = vector.broadcast %add3A_75 : i32 to vector<16xi32>
    %add3A_77 = arith.addi %get3A_74, %add3A_76 : vector<16xi32>
    %swap3A = arith.constant 0 : i32
    %swap3A_78 = arith.constant 0 : i32
    %swap3A_79 = arith.index_cast %swap3A : i32 to index
    %swap3A_80 = arith.index_cast %swap3A_78 : i32 to index
    %swap3A_81 = arith.constant 0 : index
    %swap3A_82 = tpu.vector_load %arg9[%swap3A_79, %swap3A_80, %swap3A_81] {strides = array<i32>} : memref<3x8x32xi32, #tpu.memory_space<vmem>>, vector<16xi32>,
    tpu.vector_store %arg9[%swap3A_79, %swap3A_80, %swap3A_81], %add3A_77 {strides = array<i32>} : memref<3x8x32xi32, #tpu.memory_space<vmem>>, vector<16xi32>,
    %get3A_83 = arith.constant 0 : i32
    %get3A_84 = arith.index_cast %get3A_83 : i32 to index
    %get3A_85 = arith.constant 16 : index
    %get3A_86 = tpu.vector_load %arg7[%get3A_84, %get3A_85] {strides = array<i32>} : memref<4x32xi32, #tpu.memory_space<vmem>>, vector<16xi32>,
    %add3A_87 = arith.constant 0 : i32
    %add3A_88 = vector.broadcast %add3A_87 : i32 to vector<16xi32>
    %add3A_89 = arith.addi %get3A_86, %add3A_88 : vector<16xi32>
    %swap3A_90 = arith.constant 0 : i32
    %swap3A_91 = arith.constant 0 : i32
    %swap3A_92 = arith.index_cast %swap3A_90 : i32 to index
    %swap3A_93 = arith.index_cast %swap3A_91 : i32 to index
    %swap3A_94 = arith.constant 16 : index
    %swap3A_95 = tpu.vector_load %arg9[%swap3A_92, %swap3A_93, %swap3A_94] {strides = array<i32>} : memref<3x8x32xi32, #tpu.memory_space<vmem>>, vector<16xi32>,
    tpu.vector_store %arg9[%swap3A_92, %swap3A_93, %swap3A_94], %add3A_89 {strides = array<i32>} : memref<3x8x32xi32, #tpu.memory_space<vmem>>, vector<16xi32>,
    %get3A_96 = arith.constant 0 : i32
    %get3A_97 = arith.index_cast %get3A_96 : i32 to index
    %get3A_98 = arith.constant 0 : index
    %get3A_99 = tpu.vector_load %arg7[%get3A_97, %get3A_98] {strides = array<i32>} : memref<4x32xi32, #tpu.memory_space<vmem>>, vector<16xi32>,
    %add3A_100 = arith.constant 2 : i32
    %add3A_101 = vector.broadcast %add3A_100 : i32 to vector<16xi32>
    %add3A_102 = arith.addi %get3A_99, %add3A_101 : vector<16xi32>
    %swap3A_103 = arith.constant 0 : i32
    %swap3A_104 = arith.constant 1 : i32
    %swap3A_105 = arith.index_cast %swap3A_103 : i32 to index
    %swap3A_106 = arith.index_cast %swap3A_104 : i32 to index
    %swap3A_107 = arith.constant 0 : index
    %swap3A_108 = tpu.vector_load %arg9[%swap3A_105, %swap3A_106, %swap3A_107] {strides = array<i32>} : memref<3x8x32xi32, #tpu.memory_space<vmem>>, vector<16xi32>,
    tpu.vector_store %arg9[%swap3A_105, %swap3A_106, %swap3A_107], %add3A_102 {strides = array<i32>} : memref<3x8x32xi32, #tpu.memory_space<vmem>>, vector<16xi32>,
    %get3A_109 = arith.constant 0 : i32
    %get3A_110 = arith.index_cast %get3A_109 : i32 to index
    %get3A_111 = arith.constant 16 : index
    %get3A_112 = tpu.vector_load %arg7[%get3A_110, %get3A_111] {strides = array<i32>} : memref<4x32xi32, #tpu.memory_space<vmem>>, vector<16xi32>,
    %add3A_113 = arith.constant 2 : i32
    %add3A_114 = vector.broadcast %add3A_113 : i32 to vector<16xi32>
    %add3A_115 = arith.addi %get3A_112, %add3A_114 : vector<16xi32>
    %swap3A_116 = arith.constant 0 : i32
    %swap3A_117 = arith.constant 1 : i32
    %swap3A_118 = arith.index_cast %swap3A_116 : i32 to index
    %swap3A_119 = arith.index_cast %swap3A_117 : i32 to index
    %swap3A_120 = arith.constant 16 : index
    %swap3A_121 = tpu.vector_load %arg9[%swap3A_118, %swap3A_119, %swap3A_120] {strides = array<i32>} : memref<3x8x32xi32, #tpu.memory_space<vmem>>, vector<16xi32>,
    tpu.vector_store %arg9[%swap3A_118, %swap3A_119, %swap3A_120], %add3A_115 {strides = array<i32>} : memref<3x8x32xi32, #tpu.memory_space<vmem>>, vector<16xi32>,
    %get3A_122 = arith.constant 0 : i32
    %get3A_123 = arith.index_cast %get3A_122 : i32 to index
    %get3A_124 = arith.constant 0 : index
    %get3A_125 = tpu.vector_load %arg7[%get3A_123, %get3A_124] {strides = array<i32>} : memref<4x32xi32, #tpu.memory_space<vmem>>, vector<16xi32>,
    %add3A_126 = arith.constant 4 : i32
    %add3A_127 = vector.broadcast %add3A_126 : i32 to vector<16xi32>
    %add3A_128 = arith.addi %get3A_125, %add3A_127 : vector<16xi32>
    %swap3A_129 = arith.constant 0 : i32
    %swap3A_130 = arith.constant 2 : i32
    %swap3A_131 = arith.index_cast %swap3A_129 : i32 to index
    %swap3A_132 = arith.index_cast %swap3A_130 : i32 to index
    %swap3A_133 = arith.constant 0 : index
    %swap3A_134 = tpu.vector_load %arg9[%swap3A_131, %swap3A_132, %swap3A_133] {strides = array<i32>} : memref<3x8x32xi32, #tpu.memory_space<vmem>>, vector<16xi32>,
    tpu.vector_store %arg9[%swap3A_131, %swap3A_132, %swap3A_133], %add3A_128 {strides = array<i32>} : memref<3x8x32xi32, #tpu.memory_space<vmem>>, vector<16xi32>,
    %get3A_135 = arith.constant 0 : i32
    %get3A_136 = arith.index_cast %get3A_135 : i32 to index
    %get3A_137 = arith.constant 16 : index
    %get3A_138 = tpu.vector_load %arg7[%get3A_136, %get3A_137] {strides = array<i32>} : memref<4x32xi32, #tpu.memory_space<vmem>>, vector<16xi32>,
    %add3A_139 = arith.constant 4 : i32
    %add3A_140 = vector.broadcast %add3A_139 : i32 to vector<16xi32>
    %add3A_141 = arith.addi %get3A_138, %add3A_140 : vector<16xi32>
    %swap3A_142 = arith.constant 0 : i32
    %swap3A_143 = arith.constant 2 : i32
    %swap3A_144 = arith.index_cast %swap3A_142 : i32 to index
    %swap3A_145 = arith.index_cast %swap3A_143 : i32 to index
    %swap3A_146 = arith.constant 16 : index
    %swap3A_147 = tpu.vector_load %arg9[%swap3A_144, %swap3A_145, %swap3A_146] {strides = array<i32>} : memref<3x8x32xi32, #tpu.memory_space<vmem>>, vector<16xi32>,
    tpu.vector_store %arg9[%swap3A_144, %swap3A_145, %swap3A_146], %add3A_141 {strides = array<i32>} : memref<3x8x32xi32, #tpu.memory_space<vmem>>, vector<16xi32>,
    %get3A_148 = arith.constant 0 : i32
    %get3A_149 = arith.index_cast %get3A_148 : i32 to index
    %get3A_150 = arith.constant 0 : index
    %get3A_151 = tpu.vector_load %arg7[%get3A_149, %get3A_150] {strides = array<i32>} : memref<4x32xi32, #tpu.memory_space<vmem>>, vector<16xi32>,
    %add3A_152 = arith.constant 6 : i32
    %add3A_153 = vector.broadcast %add3A_152 : i32 to vector<16xi32>
    %add3A_154 = arith.addi %get3A_151, %add3A_153 : vector<16xi32>
    %swap3A_155 = arith.constant 0 : i32
    %swap3A_156 = arith.constant 3 : i32
    %swap3A_157 = arith.index_cast %swap3A_155 : i32 to index
    %swap3A_158 = arith.index_cast %swap3A_156 : i32 to index
    %swap3A_159 = arith.constant 0 : index
    %swap3A_160 = tpu.vector_load %arg9[%swap3A_157, %swap3A_158, %swap3A_159] {strides = array<i32>} : memref<3x8x32xi32, #tpu.memory_space<vmem>>, vector<16xi32>,
    tpu.vector_store %arg9[%swap3A_157, %swap3A_158, %swap3A_159], %add3A_154 {strides = array<i32>} : memref<3x8x32xi32, #tpu.memory_space<vmem>>, vector<16xi32>,
    %get3A_161 = arith.constant 0 : i32
    %get3A_162 = arith.index_cast %get3A_161 : i32 to index
    %get3A_163 = arith.constant 16 : index
    %get3A_164 = tpu.vector_load %arg7[%get3A_162, %get3A_163] {strides = array<i32>} : memref<4x32xi32, #tpu.memory_space<vmem>>, vector<16xi32>,
    %add3A_165 = arith.constant 6 : i32
    %add3A_166 = vector.broadcast %add3A_165 : i32 to vector<16xi32>
    %add3A_167 = arith.addi %get3A_164, %add3A_166 : vector<16xi32>
    %swap3A_168 = arith.constant 0 : i32
    %swap3A_169 = arith.constant 3 : i32
    %swap3A_170 = arith.index_cast %swap3A_168 : i32 to index
    %swap3A_171 = arith.index_cast %swap3A_169 : i32 to index
    %swap3A_172 = arith.constant 16 : index
    %swap3A_173 = tpu.vector_load %arg9[%swap3A_170, %swap3A_171, %swap3A_172] {strides = array<i32>} : memref<3x8x32xi32, #tpu.memory_space<vmem>>, vector<16xi32>,
    tpu.vector_store %arg9[%swap3A_170, %swap3A_171, %swap3A_172], %add3A_167 {strides = array<i32>} : memref<3x8x32xi32, #tpu.memory_space<vmem>>, vector<16xi32>,
    %get3A_174 = arith.constant 0 : i32
    %get3A_175 = arith.index_cast %get3A_174 : i32 to index
    %get3A_176 = arith.constant 0 : index
    %get3A_177 = tpu.vector_load %arg7[%get3A_175, %get3A_176] {strides = array<i32>} : memref<4x32xi32, #tpu.memory_space<vmem>>, vector<16xi32>,
    %add3A_178 = arith.constant 8 : i32
    %add3A_179 = vector.broadcast %add3A_178 : i32 to vector<16xi32>
    %add3A_180 = arith.addi %get3A_177, %add3A_179 : vector<16xi32>
    %swap3A_181 = arith.constant 0 : i32
    %swap3A_182 = arith.constant 4 : i32
    %swap3A_183 = arith.index_cast %swap3A_181 : i32 to index
    %swap3A_184 = arith.index_cast %swap3A_182 : i32 to index
    %swap3A_185 = arith.constant 0 : index
    %swap3A_186 = tpu.vector_load %arg9[%swap3A_183, %swap3A_184, %swap3A_185] {strides = array<i32>} : memref<3x8x32xi32, #tpu.memory_space<vmem>>, vector<16xi32>,
    tpu.vector_store %arg9[%swap3A_183, %swap3A_184, %swap3A_185], %add3A_180 {strides = array<i32>} : memref<3x8x32xi32, #tpu.memory_space<vmem>>, vector<16xi32>,
    %get3A_187 = arith.constant 0 : i32
    %get3A_188 = arith.index_cast %get3A_187 : i32 to index
    %get3A_189 = arith.constant 16 : index
    %get3A_190 = tpu.vector_load %arg7[%get3A_188, %get3A_189] {strides = array<i32>} : memref<4x32xi32, #tpu.memory_space<vmem>>, vector<16xi32>,
    %add3A_191 = arith.constant 8 : i32
    %add3A_192 = vector.broadcast %add3A_191 : i32 to vector<16xi32>
    %add3A_193 = arith.addi %get3A_190, %add3A_192 : vector<16xi32>
    %swap3A_194 = arith.constant 0 : i32
    %swap3A_195 = arith.constant 4 : i32
    %swap3A_196 = arith.index_cast %swap3A_194 : i32 to index
    %swap3A_197 = arith.index_cast %swap3A_195 : i32 to index
    %swap3A_198 = arith.constant 16 : index
    %swap3A_199 = tpu.vector_load %arg9[%swap3A_196, %swap3A_197, %swap3A_198] {strides = array<i32>} : memref<3x8x32xi32, #tpu.memory_space<vmem>>, vector<16xi32>,
    tpu.vector_store %arg9[%swap3A_196, %swap3A_197, %swap3A_198], %add3A_193 {strides = array<i32>} : memref<3x8x32xi32, #tpu.memory_space<vmem>>, vector<16xi32>,
    %get3A_200 = arith.constant 0 : i32
    %get3A_201 = arith.index_cast %get3A_200 : i32 to index
    %get3A_202 = arith.constant 0 : index
    %get3A_203 = tpu.vector_load %arg7[%get3A_201, %get3A_202] {strides = array<i32>} : memref<4x32xi32, #tpu.memory_space<vmem>>, vector<16xi32>,
    %add3A_204 = arith.constant 10 : i32
    %add3A_205 = vector.broadcast %add3A_204 : i32 to vector<16xi32>
    %add3A_206 = arith.addi %get3A_203, %add3A_205 : vector<16xi32>
    %swap3A_207 = arith.constant 0 : i32
    %swap3A_208 = arith.constant 5 : i32
    %swap3A_209 = arith.index_cast %swap3A_207 : i32 to index
    %swap3A_210 = arith.index_cast %swap3A_208 : i32 to index
    %swap3A_211 = arith.constant 0 : index
    %swap3A_212 = tpu.vector_load %arg9[%swap3A_209, %swap3A_210, %swap3A_211] {strides = array<i32>} : memref<3x8x32xi32, #tpu.memory_space<vmem>>, vector<16xi32>,
    tpu.vector_store %arg9[%swap3A_209, %swap3A_210, %swap3A_211], %add3A_206 {strides = array<i32>} : memref<3x8x32xi32, #tpu.memory_space<vmem>>, vector<16xi32>,
    %get3A_213 = arith.constant 0 : i32
    %get3A_214 = arith.index_cast %get3A_213 : i32 to index
    %get3A_215 = arith.constant 16 : index
    %get3A_216 = tpu.vector_load %arg7[%get3A_214, %get3A_215] {strides = array<i32>} : memref<4x32xi32, #tpu.memory_space<vmem>>, vector<16xi32>,
    %add3A_217 = arith.constant 10 : i32
    %add3A_218 = vector.broadcast %add3A_217 : i32 to vector<16xi32>
    %add3A_219 = arith.addi %get3A_216, %add3A_218 : vector<16xi32>
    %swap3A_220 = arith.constant 0 : i32
    %swap3A_221 = arith.constant 5 : i32
    %swap3A_222 = arith.index_cast %swap3A_220 : i32 to index
    %swap3A_223 = arith.index_cast %swap3A_221 : i32 to index
    %swap3A_224 = arith.constant 16 : index
    %swap3A_225 = tpu.vector_load %arg9[%swap3A_222, %swap3A_223, %swap3A_224] {strides = array<i32>} : memref<3x8x32xi32, #tpu.memory_space<vmem>>, vector<16xi32>,
    tpu.vector_store %arg9[%swap3A_222, %swap3A_223, %swap3A_224], %add3A_219 {strides = array<i32>} : memref<3x8x32xi32, #tpu.memory_space<vmem>>, vector<16xi32>,
    %get3A_226 = arith.constant 0 : i32
    %get3A_227 = arith.index_cast %get3A_226 : i32 to index
    %get3A_228 = arith.constant 0 : index
    %get3A_229 = tpu.vector_load %arg7[%get3A_227, %get3A_228] {strides = array<i32>} : memref<4x32xi32, #tpu.memory_space<vmem>>, vector<16xi32>,
    %add3A_230 = arith.constant 12 : i32
    %add3A_231 = vector.broadcast %add3A_230 : i32 to vector<16xi32>
    %add3A_232 = arith.addi %get3A_229, %add3A_231 : vector<16xi32>
    %swap3A_233 = arith.constant 0 : i32
    %swap3A_234 = arith.constant 6 : i32
    %swap3A_235 = arith.index_cast %swap3A_233 : i32 to index
    %swap3A_236 = arith.index_cast %swap3A_234 : i32 to index
    %swap3A_237 = arith.constant 0 : index
    %swap3A_238 = tpu.vector_load %arg9[%swap3A_235, %swap3A_236, %swap3A_237] {strides = array<i32>} : memref<3x8x32xi32, #tpu.memory_space<vmem>>, vector<16xi32>,
    tpu.vector_store %arg9[%swap3A_235, %swap3A_236, %swap3A_237], %add3A_232 {strides = array<i32>} : memref<3x8x32xi32, #tpu.memory_space<vmem>>, vector<16xi32>,
    %get3A_239 = arith.constant 0 : i32
    %get3A_240 = arith.index_cast %get3A_239 : i32 to index
    %get3A_241 = arith.constant 16 : index
    %get3A_242 = tpu.vector_load %arg7[%get3A_240, %get3A_241] {strides = array<i32>} : memref<4x32xi32, #tpu.memory_space<vmem>>, vector<16xi32>,
    %add3A_243 = arith.constant 12 : i32
    %add3A_244 = vector.broadcast %add3A_243 : i32 to vector<16xi32>
    %add3A_245 = arith.addi %get3A_242, %add3A_244 : vector<16xi32>
    %swap3A_246 = arith.constant 0 : i32
    %swap3A_247 = arith.constant 6 : i32
    %swap3A_248 = arith.index_cast %swap3A_246 : i32 to index
    %swap3A_249 = arith.index_cast %swap3A_247 : i32 to index
    %swap3A_250 = arith.constant 16 : index
    %swap3A_251 = tpu.vector_load %arg9[%swap3A_248, %swap3A_249, %swap3A_250] {strides = array<i32>} : memref<3x8x32xi32, #tpu.memory_space<vmem>>, vector<16xi32>,
    tpu.vector_store %arg9[%swap3A_248, %swap3A_249, %swap3A_250], %add3A_245 {strides = array<i32>} : memref<3x8x32xi32, #tpu.memory_space<vmem>>, vector<16xi32>,
    %get3A_252 = arith.constant 0 : i32
    %get3A_253 = arith.index_cast %get3A_252 : i32 to index
    %get3A_254 = arith.constant 0 : index
    %get3A_255 = tpu.vector_load %arg7[%get3A_253, %get3A_254] {strides = array<i32>} : memref<4x32xi32, #tpu.memory_space<vmem>>, vector<16xi32>,
    %add3A_256 = arith.constant 14 : i32
    %add3A_257 = vector.broadcast %add3A_256 : i32 to vector<16xi32>
    %add3A_258 = arith.addi %get3A_255, %add3A_257 : vector<16xi32>
    %swap3A_259 = arith.constant 0 : i32
    %swap3A_260 = arith.constant 7 : i32
    %swap3A_261 = arith.index_cast %swap3A_259 : i32 to index
    %swap3A_262 = arith.index_cast %swap3A_260 : i32 to index
    %swap3A_263 = arith.constant 0 : index
    %swap3A_264 = tpu.vector_load %arg9[%swap3A_261, %swap3A_262, %swap3A_263] {strides = array<i32>} : memref<3x8x32xi32, #tpu.memory_space<vmem>>, vector<16xi32>,
    tpu.vector_store %arg9[%swap3A_261, %swap3A_262, %swap3A_263], %add3A_258 {strides = array<i32>} : memref<3x8x32xi32, #tpu.memory_space<vmem>>, vector<16xi32>,
    %get3A_265 = arith.constant 0 : i32
    %get3A_266 = arith.index_cast %get3A_265 : i32 to index
    %get3A_267 = arith.constant 16 : index
    %get3A_268 = tpu.vector_load %arg7[%get3A_266, %get3A_267] {strides = array<i32>} : memref<4x32xi32, #tpu.memory_space<vmem>>, vector<16xi32>,
    %add3A_269 = arith.constant 14 : i32
    %add3A_270 = vector.broadcast %add3A_269 : i32 to vector<16xi32>
    %add3A_271 = arith.addi %get3A_268, %add3A_270 : vector<16xi32>
    %swap3A_272 = arith.constant 0 : i32
    %swap3A_273 = arith.constant 7 : i32
    %swap3A_274 = arith.index_cast %swap3A_272 : i32 to index
    %swap3A_275 = arith.index_cast %swap3A_273 : i32 to index
    %swap3A_276 = arith.constant 16 : index
    %swap3A_277 = tpu.vector_load %arg9[%swap3A_274, %swap3A_275, %swap3A_276] {strides = array<i32>} : memref<3x8x32xi32, #tpu.memory_space<vmem>>, vector<16xi32>,
    tpu.vector_store %arg9[%swap3A_274, %swap3A_275, %swap3A_276], %add3A_271 {strides = array<i32>} : memref<3x8x32xi32, #tpu.memory_space<vmem>>, vector<16xi32>,
    %dma_start3A_278 = arith.constant 0 : i32
    %dma_start3A_279 = arith.constant 0 : i32
    %dma_start3A_280 = arith.constant 0 : i32
    %dma_start3A_281 = arith.constant 0 : i32
    %dma_start3A_282 = arith.constant 0 : i32
    %dma_start3A_283 = tpu.memref_slice %arg8[%dma_start3A_278, %dma_start3A_281, %dma_start3A_282] : memref<3x32x1024xf32, #tpu.memory_space<vmem>> -> memref<1x32x128xf32, #tpu.memory_space<vmem>>
    %dma_start3A_284 = tpu.memref_squeeze %dma_start3A_283 : memref<1x32x128xf32, #tpu.memory_space<vmem>> -> memref<32x128xf32, #tpu.memory_space<vmem>>
    %dma_start3A_285 = arith.constant 0 : i32
    %dma_start3A_286 = tpu.memref_slice %arg9[%dma_start3A_279, %dma_start3A_280, %dma_start3A_285] : memref<3x8x32xi32, #tpu.memory_space<vmem>> -> memref<1x1x32xi32, #tpu.memory_space<vmem>>
    %dma_start3A_287 = tpu.memref_squeeze %dma_start3A_286 : memref<1x1x32xi32, #tpu.memory_space<vmem>> -> memref<32xi32, #tpu.memory_space<vmem>>
    %dma_start3A_288 = arith.constant 0 : i32
    %dma_start3A_289 = arith.constant 0 : i32
    %dma_start3A_290 = tpu.memref_slice %arg5[%dma_start3A_288, %dma_start3A_289] : memref<32768x128xf32, #tpu.memory_space<hbm>> -> memref<32768x128xf32, #tpu.memory_space<hbm>>
    tpu.enqueue_indirect_dma source(%dma_start3A_284 : memref<32x128xf32, #tpu.memory_space<vmem>>) target(%dma_start3A_290 : memref<32768x128xf32, #tpu.memory_space<hbm>>) offsets(%dma_start3A_287 : memref<32xi32, #tpu.memory_space<vmem>>) semaphore(%arg13 : memref<!tpu.dma_semaphore, #tpu.memory_space<semaphore_mem>>)
    %dma_start3A_291 = arith.constant 0 : i32
    %dma_start3A_292 = arith.constant 0 : i32
    %dma_start3A_293 = arith.constant 1 : i32
    %dma_start3A_294 = arith.constant 0 : i32
    %dma_start3A_295 = arith.constant 128 : i32
    %dma_start3A_296 = tpu.memref_slice %arg8[%dma_start3A_291, %dma_start3A_294, %dma_start3A_295] : memref<3x32x1024xf32, #tpu.memory_space<vmem>> -> memref<1x32x128xf32, #tpu.memory_space<vmem>>
    %dma_start3A_297 = tpu.memref_squeeze %dma_start3A_296 : memref<1x32x128xf32, #tpu.memory_space<vmem>> -> memref<32x128xf32, #tpu.memory_space<vmem>>
    %dma_start3A_298 = arith.constant 0 : i32
    %dma_start3A_299 = tpu.memref_slice %arg9[%dma_start3A_292, %dma_start3A_293, %dma_start3A_298] : memref<3x8x32xi32, #tpu.memory_space<vmem>> -> memref<1x1x32xi32, #tpu.memory_space<vmem>>
    %dma_start3A_300 = tpu.memref_squeeze %dma_start3A_299 : memref<1x1x32xi32, #tpu.memory_space<vmem>> -> memref<32xi32, #tpu.memory_space<vmem>>
    %dma_start3A_301 = arith.constant 0 : i32
    %dma_start3A_302 = arith.constant 0 : i32
    %dma_start3A_303 = tpu.memref_slice %arg5[%dma_start3A_301, %dma_start3A_302] : memref<32768x128xf32, #tpu.memory_space<hbm>> -> memref<32768x128xf32, #tpu.memory_space<hbm>>
    tpu.enqueue_indirect_dma source(%dma_start3A_297 : memref<32x128xf32, #tpu.memory_space<vmem>>) target(%dma_start3A_303 : memref<32768x128xf32, #tpu.memory_space<hbm>>) offsets(%dma_start3A_300 : memref<32xi32, #tpu.memory_space<vmem>>) semaphore(%arg13 : memref<!tpu.dma_semaphore, #tpu.memory_space<semaphore_mem>>)
    %dma_start3A_304 = arith.constant 0 : i32
    %dma_start3A_305 = arith.constant 0 : i32
    %dma_start3A_306 = arith.constant 2 : i32
    %dma_start3A_307 = arith.constant 0 : i32
    %dma_start3A_308 = arith.constant 256 : i32
    %dma_start3A_309 = tpu.memref_slice %arg8[%dma_start3A_304, %dma_start3A_307, %dma_start3A_308] : memref<3x32x1024xf32, #tpu.memory_space<vmem>> -> memref<1x32x128xf32, #tpu.memory_space<vmem>>
    %dma_start3A_310 = tpu.memref_squeeze %dma_start3A_309 : memref<1x32x128xf32, #tpu.memory_space<vmem>> -> memref<32x128xf32, #tpu.memory_space<vmem>>
    %dma_start3A_311 = arith.constant 0 : i32
    %dma_start3A_312 = tpu.memref_slice %arg9[%dma_start3A_305, %dma_start3A_306, %dma_start3A_311] : memref<3x8x32xi32, #tpu.memory_space<vmem>> -> memref<1x1x32xi32, #tpu.memory_space<vmem>>
    %dma_start3A_313 = tpu.memref_squeeze %dma_start3A_312 : memref<1x1x32xi32, #tpu.memory_space<vmem>> -> memref<32xi32, #tpu.memory_space<vmem>>
    %dma_start3A_314 = arith.constant 0 : i32
    %dma_start3A_315 = arith.constant 0 : i32
    %dma_start3A_316 = tpu.memref_slice %arg5[%dma_start3A_314, %dma_start3A_315] : memref<32768x128xf32, #tpu.memory_space<hbm>> -> memref<32768x128xf32, #tpu.memory_space<hbm>>
    tpu.enqueue_indirect_dma source(%dma_start3A_310 : memref<32x128xf32, #tpu.memory_space<vmem>>) target(%dma_start3A_316 : memref<32768x128xf32, #tpu.memory_space<hbm>>) offsets(%dma_start3A_313 : memref<32xi32, #tpu.memory_space<vmem>>) semaphore(%arg13 : memref<!tpu.dma_semaphore, #tpu.memory_space<semaphore_mem>>)
    %dma_start3A_317 = arith.constant 0 : i32
    %dma_start3A_318 = arith.constant 0 : i32
    %dma_start3A_319 = arith.constant 3 : i32
    %dma_start3A_320 = arith.constant 0 : i32
    %dma_start3A_321 = arith.constant 384 : i32
    %dma_start3A_322 = tpu.memref_slice %arg8[%dma_start3A_317, %dma_start3A_320, %dma_start3A_321] : memref<3x32x1024xf32, #tpu.memory_space<vmem>> -> memref<1x32x128xf32, #tpu.memory_space<vmem>>
    %dma_start3A_323 = tpu.memref_squeeze %dma_start3A_322 : memref<1x32x128xf32, #tpu.memory_space<vmem>> -> memref<32x128xf32, #tpu.memory_space<vmem>>
    %dma_start3A_324 = arith.constant 0 : i32
    %dma_start3A_325 = tpu.memref_slice %arg9[%dma_start3A_318, %dma_start3A_319, %dma_start3A_324] : memref<3x8x32xi32, #tpu.memory_space<vmem>> -> memref<1x1x32xi32, #tpu.memory_space<vmem>>
    %dma_start3A_326 = tpu.memref_squeeze %dma_start3A_325 : memref<1x1x32xi32, #tpu.memory_space<vmem>> -> memref<32xi32, #tpu.memory_space<vmem>>
    %dma_start3A_327 = arith.constant 0 : i32
    %dma_start3A_328 = arith.constant 0 : i32
    %dma_start3A_329 = tpu.memref_slice %arg5[%dma_start3A_327, %dma_start3A_328] : memref<32768x128xf32, #tpu.memory_space<hbm>> -> memref<32768x128xf32, #tpu.memory_space<hbm>>
    tpu.enqueue_indirect_dma source(%dma_start3A_323 : memref<32x128xf32, #tpu.memory_space<vmem>>) target(%dma_start3A_329 : memref<32768x128xf32, #tpu.memory_space<hbm>>) offsets(%dma_start3A_326 : memref<32xi32, #tpu.memory_space<vmem>>) semaphore(%arg13 : memref<!tpu.dma_semaphore, #tpu.memory_space<semaphore_mem>>)
    %dma_start3A_330 = arith.constant 0 : i32
    %dma_start3A_331 = arith.constant 0 : i32
    %dma_start3A_332 = arith.constant 4 : i32
    %dma_start3A_333 = arith.constant 0 : i32
    %dma_start3A_334 = arith.constant 512 : i32
    %dma_start3A_335 = tpu.memref_slice %arg8[%dma_start3A_330, %dma_start3A_333, %dma_start3A_334] : memref<3x32x1024xf32, #tpu.memory_space<vmem>> -> memref<1x32x128xf32, #tpu.memory_space<vmem>>
    %dma_start3A_336 = tpu.memref_squeeze %dma_start3A_335 : memref<1x32x128xf32, #tpu.memory_space<vmem>> -> memref<32x128xf32, #tpu.memory_space<vmem>>
    %dma_start3A_337 = arith.constant 0 : i32
    %dma_start3A_338 = tpu.memref_slice %arg9[%dma_start3A_331, %dma_start3A_332, %dma_start3A_337] : memref<3x8x32xi32, #tpu.memory_space<vmem>> -> memref<1x1x32xi32, #tpu.memory_space<vmem>>
    %dma_start3A_339 = tpu.memref_squeeze %dma_start3A_338 : memref<1x1x32xi32, #tpu.memory_space<vmem>> -> memref<32xi32, #tpu.memory_space<vmem>>
    %dma_start3A_340 = arith.constant 0 : i32
    %dma_start3A_341 = arith.constant 0 : i32
    %dma_start3A_342 = tpu.memref_slice %arg5[%dma_start3A_340, %dma_start3A_341] : memref<32768x128xf32, #tpu.memory_space<hbm>> -> memref<32768x128xf32, #tpu.memory_space<hbm>>
    tpu.enqueue_indirect_dma source(%dma_start3A_336 : memref<32x128xf32, #tpu.memory_space<vmem>>) target(%dma_start3A_342 : memref<32768x128xf32, #tpu.memory_space<hbm>>) offsets(%dma_start3A_339 : memref<32xi32, #tpu.memory_space<vmem>>) semaphore(%arg13 : memref<!tpu.dma_semaphore, #tpu.memory_space<semaphore_mem>>)
    %dma_start3A_343 = arith.constant 0 : i32
    %dma_start3A_344 = arith.constant 0 : i32
    %dma_start3A_345 = arith.constant 5 : i32
    %dma_start3A_346 = arith.constant 0 : i32
    %dma_start3A_347 = arith.constant 640 : i32
    %dma_start3A_348 = tpu.memref_slice %arg8[%dma_start3A_343, %dma_start3A_346, %dma_start3A_347] : memref<3x32x1024xf32, #tpu.memory_space<vmem>> -> memref<1x32x128xf32, #tpu.memory_space<vmem>>
    %dma_start3A_349 = tpu.memref_squeeze %dma_start3A_348 : memref<1x32x128xf32, #tpu.memory_space<vmem>> -> memref<32x128xf32, #tpu.memory_space<vmem>>
    %dma_start3A_350 = arith.constant 0 : i32
    %dma_start3A_351 = tpu.memref_slice %arg9[%dma_start3A_344, %dma_start3A_345, %dma_start3A_350] : memref<3x8x32xi32, #tpu.memory_space<vmem>> -> memref<1x1x32xi32, #tpu.memory_space<vmem>>
    %dma_start3A_352 = tpu.memref_squeeze %dma_start3A_351 : memref<1x1x32xi32, #tpu.memory_space<vmem>> -> memref<32xi32, #tpu.memory_space<vmem>>
    %dma_start3A_353 = arith.constant 0 : i32
    %dma_start3A_354 = arith.constant 0 : i32
    %dma_start3A_355 = tpu.memref_slice %arg5[%dma_start3A_353, %dma_start3A_354] : memref<32768x128xf32, #tpu.memory_space<hbm>> -> memref<32768x128xf32, #tpu.memory_space<hbm>>
    tpu.enqueue_indirect_dma source(%dma_start3A_349 : memref<32x128xf32, #tpu.memory_space<vmem>>) target(%dma_start3A_355 : memref<32768x128xf32, #tpu.memory_space<hbm>>) offsets(%dma_start3A_352 : memref<32xi32, #tpu.memory_space<vmem>>) semaphore(%arg13 : memref<!tpu.dma_semaphore, #tpu.memory_space<semaphore_mem>>)
    %dma_start3A_356 = arith.constant 0 : i32
    %dma_start3A_357 = arith.constant 0 : i32
    %dma_start3A_358 = arith.constant 6 : i32
    %dma_start3A_359 = arith.constant 0 : i32
    %dma_start3A_360 = arith.constant 768 : i32
    %dma_start3A_361 = tpu.memref_slice %arg8[%dma_start3A_356, %dma_start3A_359, %dma_start3A_360] : memref<3x32x1024xf32, #tpu.memory_space<vmem>> -> memref<1x32x128xf32, #tpu.memory_space<vmem>>
    %dma_start3A_362 = tpu.memref_squeeze %dma_start3A_361 : memref<1x32x128xf32, #tpu.memory_space<vmem>> -> memref<32x128xf32, #tpu.memory_space<vmem>>
    %dma_start3A_363 = arith.constant 0 : i32
    %dma_start3A_364 = tpu.memref_slice %arg9[%dma_start3A_357, %dma_start3A_358, %dma_start3A_363] : memref<3x8x32xi32, #tpu.memory_space<vmem>> -> memref<1x1x32xi32, #tpu.memory_space<vmem>>
    %dma_start3A_365 = tpu.memref_squeeze %dma_start3A_364 : memref<1x1x32xi32, #tpu.memory_space<vmem>> -> memref<32xi32, #tpu.memory_space<vmem>>
    %dma_start3A_366 = arith.constant 0 : i32
    %dma_start3A_367 = arith.constant 0 : i32
    %dma_start3A_368 = tpu.memref_slice %arg5[%dma_start3A_366, %dma_start3A_367] : memref<32768x128xf32, #tpu.memory_space<hbm>> -> memref<32768x128xf32, #tpu.memory_space<hbm>>
    tpu.enqueue_indirect_dma source(%dma_start3A_362 : memref<32x128xf32, #tpu.memory_space<vmem>>) target(%dma_start3A_368 : memref<32768x128xf32, #tpu.memory_space<hbm>>) offsets(%dma_start3A_365 : memref<32xi32, #tpu.memory_space<vmem>>) semaphore(%arg13 : memref<!tpu.dma_semaphore, #tpu.memory_space<semaphore_mem>>)
    %dma_start3A_369 = arith.constant 0 : i32
    %dma_start3A_370 = arith.constant 0 : i32
    %dma_start3A_371 = arith.constant 7 : i32
    %dma_start3A_372 = arith.constant 0 : i32
    %dma_start3A_373 = arith.constant 896 : i32
    %dma_start3A_374 = tpu.memref_slice %arg8[%dma_start3A_369, %dma_start3A_372, %dma_start3A_373] : memref<3x32x1024xf32, #tpu.memory_space<vmem>> -> memref<1x32x128xf32, #tpu.memory_space<vmem>>
    %dma_start3A_375 = tpu.memref_squeeze %dma_start3A_374 : memref<1x32x128xf32, #tpu.memory_space<vmem>> -> memref<32x128xf32, #tpu.memory_space<vmem>>
    %dma_start3A_376 = arith.constant 0 : i32
    %dma_start3A_377 = tpu.memref_slice %arg9[%dma_start3A_370, %dma_start3A_371, %dma_start3A_376] : memref<3x8x32xi32, #tpu.memory_space<vmem>> -> memref<1x1x32xi32, #tpu.memory_space<vmem>>
    %dma_start3A_378 = tpu.memref_squeeze %dma_start3A_377 : memref<1x1x32xi32, #tpu.memory_space<vmem>> -> memref<32xi32, #tpu.memory_space<vmem>>
    %dma_start3A_379 = arith.constant 0 : i32
    %dma_start3A_380 = arith.constant 0 : i32
    %dma_start3A_381 = tpu.memref_slice %arg5[%dma_start3A_379, %dma_start3A_380] : memref<32768x128xf32, #tpu.memory_space<hbm>> -> memref<32768x128xf32, #tpu.memory_space<hbm>>
    tpu.enqueue_indirect_dma source(%dma_start3A_375 : memref<32x128xf32, #tpu.memory_space<vmem>>) target(%dma_start3A_381 : memref<32768x128xf32, #tpu.memory_space<hbm>>) offsets(%dma_start3A_378 : memref<32xi32, #tpu.memory_space<vmem>>) semaphore(%arg13 : memref<!tpu.dma_semaphore, #tpu.memory_space<semaphore_mem>>)
    %dma_wait3A_382 = arith.constant 0 : i32
    %dma_wait3A_383 = arith.constant 0 : i32
    %dma_wait3A_384 = arith.constant 0 : i32
    %dma_wait3A_385 = arith.constant 0 : i32
    %dma_wait3A_386 = arith.constant 0 : i32
    %dma_wait3A_387 = tpu.memref_slice %arg8[%dma_wait3A_382, %dma_wait3A_385, %dma_wait3A_386] : memref<3x32x1024xf32, #tpu.memory_space<vmem>> -> memref<1x32x128xf32, #tpu.memory_space<vmem>>
    %dma_wait3A_388 = tpu.memref_squeeze %dma_wait3A_387 : memref<1x32x128xf32, #tpu.memory_space<vmem>> -> memref<32x128xf32, #tpu.memory_space<vmem>>
    %dma_wait3A_389 = arith.constant 0 : i32
    %dma_wait3A_390 = tpu.memref_slice %arg9[%dma_wait3A_383, %dma_wait3A_384, %dma_wait3A_389] : memref<3x8x32xi32, #tpu.memory_space<vmem>> -> memref<1x1x32xi32, #tpu.memory_space<vmem>>
    %dma_wait3A_391 = tpu.memref_squeeze %dma_wait3A_390 : memref<1x1x32xi32, #tpu.memory_space<vmem>> -> memref<32xi32, #tpu.memory_space<vmem>>
    %dma_wait3A_392 = arith.constant 0 : i32
    %dma_wait3A_393 = arith.constant 0 : i32
    %dma_wait3A_394 = tpu.memref_slice %arg5[%dma_wait3A_392, %dma_wait3A_393] : memref<32768x128xf32, #tpu.memory_space<hbm>> -> memref<32768x128xf32, #tpu.memory_space<hbm>>
    tpu.wait_indirect_dma semaphore(%arg13 : memref<!tpu.dma_semaphore, #tpu.memory_space<semaphore_mem>>) src(%dma_wait3A_388 : memref<32x128xf32, #tpu.memory_space<vmem>>) dst(%dma_wait3A_394 : memref<32768x128xf32, #tpu.memory_space<hbm>>)
    %dma_wait3A_395 = arith.constant 0 : i32
    %dma_wait3A_396 = arith.constant 0 : i32
    %dma_wait3A_397 = arith.constant 1 : i32
    %dma_wait3A_398 = arith.constant 0 : i32
    %dma_wait3A_399 = arith.constant 128 : i32
    %dma_wait3A_400 = tpu.memref_slice %arg8[%dma_wait3A_395, %dma_wait3A_398, %dma_wait3A_399] : memref<3x32x1024xf32, #tpu.memory_space<vmem>> -> memref<1x32x128xf32, #tpu.memory_space<vmem>>
    %dma_wait3A_401 = tpu.memref_squeeze %dma_wait3A_400 : memref<1x32x128xf32, #tpu.memory_space<vmem>> -> memref<32x128xf32, #tpu.memory_space<vmem>>
    %dma_wait3A_402 = arith.constant 0 : i32
    %dma_wait3A_403 = tpu.memref_slice %arg9[%dma_wait3A_396, %dma_wait3A_397, %dma_wait3A_402] : memref<3x8x32xi32, #tpu.memory_space<vmem>> -> memref<1x1x32xi32, #tpu.memory_space<vmem>>
    %dma_wait3A_404 = tpu.memref_squeeze %dma_wait3A_403 : memref<1x1x32xi32, #tpu.memory_space<vmem>> -> memref<32xi32, #tpu.memory_space<vmem>>
    %dma_wait3A_405 = arith.constant 0 : i32
    %dma_wait3A_406 = arith.constant 0 : i32
    %dma_wait3A_407 = tpu.memref_slice %arg5[%dma_wait3A_405, %dma_wait3A_406] : memref<32768x128xf32, #tpu.memory_space<hbm>> -> memref<32768x128xf32, #tpu.memory_space<hbm>>
    tpu.wait_indirect_dma semaphore(%arg13 : memref<!tpu.dma_semaphore, #tpu.memory_space<semaphore_mem>>) src(%dma_wait3A_401 : memref<32x128xf32, #tpu.memory_space<vmem>>) dst(%dma_wait3A_407 : memref<32768x128xf32, #tpu.memory_space<hbm>>)
    %dma_wait3A_408 = arith.constant 0 : i32
    %dma_wait3A_409 = arith.constant 0 : i32
    %dma_wait3A_410 = arith.constant 2 : i32
    %dma_wait3A_411 = arith.constant 0 : i32
    %dma_wait3A_412 = arith.constant 256 : i32
    %dma_wait3A_413 = tpu.memref_slice %arg8[%dma_wait3A_408, %dma_wait3A_411, %dma_wait3A_412] : memref<3x32x1024xf32, #tpu.memory_space<vmem>> -> memref<1x32x128xf32, #tpu.memory_space<vmem>>
    %dma_wait3A_414 = tpu.memref_squeeze %dma_wait3A_413 : memref<1x32x128xf32, #tpu.memory_space<vmem>> -> memref<32x128xf32, #tpu.memory_space<vmem>>
    %dma_wait3A_415 = arith.constant 0 : i32
    %dma_wait3A_416 = tpu.memref_slice %arg9[%dma_wait3A_409, %dma_wait3A_410, %dma_wait3A_415] : memref<3x8x32xi32, #tpu.memory_space<vmem>> -> memref<1x1x32xi32, #tpu.memory_space<vmem>>
    %dma_wait3A_417 = tpu.memref_squeeze %dma_wait3A_416 : memref<1x1x32xi32, #tpu.memory_space<vmem>> -> memref<32xi32, #tpu.memory_space<vmem>>
    %dma_wait3A_418 = arith.constant 0 : i32
    %dma_wait3A_419 = arith.constant 0 : i32
    %dma_wait3A_420 = tpu.memref_slice %arg5[%dma_wait3A_418, %dma_wait3A_419] : memref<32768x128xf32, #tpu.memory_space<hbm>> -> memref<32768x128xf32, #tpu.memory_space<hbm>>
    tpu.wait_indirect_dma semaphore(%arg13 : memref<!tpu.dma_semaphore, #tpu.memory_space<semaphore_mem>>) src(%dma_wait3A_414 : memref<32x128xf32, #tpu.memory_space<vmem>>) dst(%dma_wait3A_420 : memref<32768x128xf32, #tpu.memory_space<hbm>>)
    %dma_wait3A_421 = arith.constant 0 : i32
    %dma_wait3A_422 = arith.constant 0 : i32
    %dma_wait3A_423 = arith.constant 3 : i32
    %dma_wait3A_424 = arith.constant 0 : i32
    %dma_wait3A_425 = arith.constant 384 : i32
    %dma_wait3A_426 = tpu.memref_slice %arg8[%dma_wait3A_421, %dma_wait3A_424, %dma_wait3A_425] : memref<3x32x1024xf32, #tpu.memory_space<vmem>> -> memref<1x32x128xf32, #tpu.memory_space<vmem>>
    %dma_wait3A_427 = tpu.memref_squeeze %dma_wait3A_426 : memref<1x32x128xf32, #tpu.memory_space<vmem>> -> memref<32x128xf32, #tpu.memory_space<vmem>>
    %dma_wait3A_428 = arith.constant 0 : i32
    %dma_wait3A_429 = tpu.memref_slice %arg9[%dma_wait3A_422, %dma_wait3A_423, %dma_wait3A_428] : memref<3x8x32xi32, #tpu.memory_space<vmem>> -> memref<1x1x32xi32, #tpu.memory_space<vmem>>
    %dma_wait3A_430 = tpu.memref_squeeze %dma_wait3A_429 : memref<1x1x32xi32, #tpu.memory_space<vmem>> -> memref<32xi32, #tpu.memory_space<vmem>>
    %dma_wait3A_431 = arith.constant 0 : i32
    %dma_wait3A_432 = arith.constant 0 : i32
    %dma_wait3A_433 = tpu.memref_slice %arg5[%dma_wait3A_431, %dma_wait3A_432] : memref<32768x128xf32, #tpu.memory_space<hbm>> -> memref<32768x128xf32, #tpu.memory_space<hbm>>
    tpu.wait_indirect_dma semaphore(%arg13 : memref<!tpu.dma_semaphore, #tpu.memory_space<semaphore_mem>>) src(%dma_wait3A_427 : memref<32x128xf32, #tpu.memory_space<vmem>>) dst(%dma_wait3A_433 : memref<32768x128xf32, #tpu.memory_space<hbm>>)
    %dma_wait3A_434 = arith.constant 0 : i32
    %dma_wait3A_435 = arith.constant 0 : i32
    %dma_wait3A_436 = arith.constant 4 : i32
    %dma_wait3A_437 = arith.constant 0 : i32
    %dma_wait3A_438 = arith.constant 512 : i32
    %dma_wait3A_439 = tpu.memref_slice %arg8[%dma_wait3A_434, %dma_wait3A_437, %dma_wait3A_438] : memref<3x32x1024xf32, #tpu.memory_space<vmem>> -> memref<1x32x128xf32, #tpu.memory_space<vmem>>
    %dma_wait3A_440 = tpu.memref_squeeze %dma_wait3A_439 : memref<1x32x128xf32, #tpu.memory_space<vmem>> -> memref<32x128xf32, #tpu.memory_space<vmem>>
    %dma_wait3A_441 = arith.constant 0 : i32
    %dma_wait3A_442 = tpu.memref_slice %arg9[%dma_wait3A_435, %dma_wait3A_436, %dma_wait3A_441] : memref<3x8x32xi32, #tpu.memory_space<vmem>> -> memref<1x1x32xi32, #tpu.memory_space<vmem>>
    %dma_wait3A_443 = tpu.memref_squeeze %dma_wait3A_442 : memref<1x1x32xi32, #tpu.memory_space<vmem>> -> memref<32xi32, #tpu.memory_space<vmem>>
    %dma_wait3A_444 = arith.constant 0 : i32
    %dma_wait3A_445 = arith.constant 0 : i32
    %dma_wait3A_446 = tpu.memref_slice %arg5[%dma_wait3A_444, %dma_wait3A_445] : memref<32768x128xf32, #tpu.memory_space<hbm>> -> memref<32768x128xf32, #tpu.memory_space<hbm>>
    tpu.wait_indirect_dma semaphore(%arg13 : memref<!tpu.dma_semaphore, #tpu.memory_space<semaphore_mem>>) src(%dma_wait3A_440 : memref<32x128xf32, #tpu.memory_space<vmem>>) dst(%dma_wait3A_446 : memref<32768x128xf32, #tpu.memory_space<hbm>>)
    %dma_wait3A_447 = arith.constant 0 : i32
    %dma_wait3A_448 = arith.constant 0 : i32
    %dma_wait3A_449 = arith.constant 5 : i32
    %dma_wait3A_450 = arith.constant 0 : i32
    %dma_wait3A_451 = arith.constant 640 : i32
    %dma_wait3A_452 = tpu.memref_slice %arg8[%dma_wait3A_447, %dma_wait3A_450, %dma_wait3A_451] : memref<3x32x1024xf32, #tpu.memory_space<vmem>> -> memref<1x32x128xf32, #tpu.memory_space<vmem>>
    %dma_wait3A_453 = tpu.memref_squeeze %dma_wait3A_452 : memref<1x32x128xf32, #tpu.memory_space<vmem>> -> memref<32x128xf32, #tpu.memory_space<vmem>>
    %dma_wait3A_454 = arith.constant 0 : i32
    %dma_wait3A_455 = tpu.memref_slice %arg9[%dma_wait3A_448, %dma_wait3A_449, %dma_wait3A_454] : memref<3x8x32xi32, #tpu.memory_space<vmem>> -> memref<1x1x32xi32, #tpu.memory_space<vmem>>
    %dma_wait3A_456 = tpu.memref_squeeze %dma_wait3A_455 : memref<1x1x32xi32, #tpu.memory_space<vmem>> -> memref<32xi32, #tpu.memory_space<vmem>>
    %dma_wait3A_457 = arith.constant 0 : i32
    %dma_wait3A_458 = arith.constant 0 : i32
    %dma_wait3A_459 = tpu.memref_slice %arg5[%dma_wait3A_457, %dma_wait3A_458] : memref<32768x128xf32, #tpu.memory_space<hbm>> -> memref<32768x128xf32, #tpu.memory_space<hbm>>
    tpu.wait_indirect_dma semaphore(%arg13 : memref<!tpu.dma_semaphore, #tpu.memory_space<semaphore_mem>>) src(%dma_wait3A_453 : memref<32x128xf32, #tpu.memory_space<vmem>>) dst(%dma_wait3A_459 : memref<32768x128xf32, #tpu.memory_space<hbm>>)
    %dma_wait3A_460 = arith.constant 0 : i32
    %dma_wait3A_461 = arith.constant 0 : i32
    %dma_wait3A_462 = arith.constant 6 : i32
    %dma_wait3A_463 = arith.constant 0 : i32
    %dma_wait3A_464 = arith.constant 768 : i32
    %dma_wait3A_465 = tpu.memref_slice %arg8[%dma_wait3A_460, %dma_wait3A_463, %dma_wait3A_464] : memref<3x32x1024xf32, #tpu.memory_space<vmem>> -> memref<1x32x128xf32, #tpu.memory_space<vmem>>
    %dma_wait3A_466 = tpu.memref_squeeze %dma_wait3A_465 : memref<1x32x128xf32, #tpu.memory_space<vmem>> -> memref<32x128xf32, #tpu.memory_space<vmem>>
    %dma_wait3A_467 = arith.constant 0 : i32
    %dma_wait3A_468 = tpu.memref_slice %arg9[%dma_wait3A_461, %dma_wait3A_462, %dma_wait3A_467] : memref<3x8x32xi32, #tpu.memory_space<vmem>> -> memref<1x1x32xi32, #tpu.memory_space<vmem>>
    %dma_wait3A_469 = tpu.memref_squeeze %dma_wait3A_468 : memref<1x1x32xi32, #tpu.memory_space<vmem>> -> memref<32xi32, #tpu.memory_space<vmem>>
    %dma_wait3A_470 = arith.constant 0 : i32
    %dma_wait3A_471 = arith.constant 0 : i32
    %dma_wait3A_472 = tpu.memref_slice %arg5[%dma_wait3A_470, %dma_wait3A_471] : memref<32768x128xf32, #tpu.memory_space<hbm>> -> memref<32768x128xf32, #tpu.memory_space<hbm>>
    tpu.wait_indirect_dma semaphore(%arg13 : memref<!tpu.dma_semaphore, #tpu.memory_space<semaphore_mem>>) src(%dma_wait3A_466 : memref<32x128xf32, #tpu.memory_space<vmem>>) dst(%dma_wait3A_472 : memref<32768x128xf32, #tpu.memory_space<hbm>>)
    %dma_wait3A_473 = arith.constant 0 : i32
    %dma_wait3A_474 = arith.constant 0 : i32
    %dma_wait3A_475 = arith.constant 7 : i32
    %dma_wait3A_476 = arith.constant 0 : i32
    %dma_wait3A_477 = arith.constant 896 : i32
    %dma_wait3A_478 = tpu.memref_slice %arg8[%dma_wait3A_473, %dma_wait3A_476, %dma_wait3A_477] : memref<3x32x1024xf32, #tpu.memory_space<vmem>> -> memref<1x32x128xf32, #tpu.memory_space<vmem>>
    %dma_wait3A_479 = tpu.memref_squeeze %dma_wait3A_478 : memref<1x32x128xf32, #tpu.memory_space<vmem>> -> memref<32x128xf32, #tpu.memory_space<vmem>>
    %dma_wait3A_480 = arith.constant 0 : i32
    %dma_wait3A_481 = tpu.memref_slice %arg9[%dma_wait3A_474, %dma_wait3A_475, %dma_wait3A_480] : memref<3x8x32xi32, #tpu.memory_space<vmem>> -> memref<1x1x32xi32, #tpu.memory_space<vmem>>
    %dma_wait3A_482 = tpu.memref_squeeze %dma_wait3A_481 : memref<1x1x32xi32, #tpu.memory_space<vmem>> -> memref<32xi32, #tpu.memory_space<vmem>>
    %dma_wait3A_483 = arith.constant 0 : i32
    %dma_wait3A_484 = arith.constant 0 : i32
    %dma_wait3A_485 = tpu.memref_slice %arg5[%dma_wait3A_483, %dma_wait3A_484] : memref<32768x128xf32, #tpu.memory_space<hbm>> -> memref<32768x128xf32, #tpu.memory_space<hbm>>
    tpu.wait_indirect_dma semaphore(%arg13 : memref<!tpu.dma_semaphore, #tpu.memory_space<semaphore_mem>>) src(%dma_wait3A_479 : memref<32x128xf32, #tpu.memory_space<vmem>>) dst(%dma_wait3A_485 : memref<32768x128xf32, #tpu.memory_space<hbm>>)
    %dma_start3A_486 = arith.constant 3 : i32
    %dma_start3A_487 = arith.constant 0 : i32
    %dma_start3A_488 = arith.constant 0 : i32
    %dma_start3A_489 = arith.constant 0 : i32
    %dma_start3A_490 = tpu.memref_slice %arg8[%dma_start3A_487, %dma_start3A_488, %dma_start3A_489] : memref<3x32x1024xf32, #tpu.memory_space<vmem>> -> memref<1x32x1024xf32, #tpu.memory_space<vmem>>
    %dma_start3A_491 = tpu.memref_squeeze %dma_start3A_490 : memref<1x32x1024xf32, #tpu.memory_space<vmem>> -> memref<32x1024xf32, #tpu.memory_space<vmem>>
    %dma_start3A_492 = arith.constant 0 : i32
    %dma_start3A_493 = tpu.memref_slice %arg6[%dma_start3A_486, %dma_start3A_492] : memref<4x32xi32, #tpu.memory_space<vmem>> -> memref<1x32xi32, #tpu.memory_space<vmem>>
    %dma_start3A_494 = tpu.memref_squeeze %dma_start3A_493 : memref<1x32xi32, #tpu.memory_space<vmem>> -> memref<32xi32, #tpu.memory_space<vmem>>
    %dma_start3A_495 = arith.constant 0 : i32
    %dma_start3A_496 = arith.constant 0 : i32
    %dma_start3A_497 = tpu.memref_slice %arg2[%dma_start3A_495, %dma_start3A_496] : memref<4608x1024xf32, #tpu.memory_space<hbm>> -> memref<4608x1024xf32, #tpu.memory_space<hbm>>
    tpu.enqueue_indirect_dma source(%dma_start3A_497 : memref<4608x1024xf32, #tpu.memory_space<hbm>>) target(%dma_start3A_491 : memref<32x1024xf32, #tpu.memory_space<vmem>>) offsets(%dma_start3A_494 : memref<32xi32, #tpu.memory_space<vmem>>) semaphore(%arg10 : memref<!tpu.dma_semaphore, #tpu.memory_space<semaphore_mem>>)
    %dma_wait3A_498 = arith.constant 1 : i32
    %dma_wait3A_499 = arith.constant 1 : i32
    %dma_wait3A_500 = arith.constant 0 : i32
    %dma_wait3A_501 = arith.constant 0 : i32
    %dma_wait3A_502 = tpu.memref_slice %arg8[%dma_wait3A_499, %dma_wait3A_500, %dma_wait3A_501] : memref<3x32x1024xf32, #tpu.memory_space<vmem>> -> memref<1x32x1024xf32, #tpu.memory_space<vmem>>
    %dma_wait3A_503 = tpu.memref_squeeze %dma_wait3A_502 : memref<1x32x1024xf32, #tpu.memory_space<vmem>> -> memref<32x1024xf32, #tpu.memory_space<vmem>>
    %dma_wait3A_504 = arith.constant 0 : i32
    %dma_wait3A_505 = tpu.memref_slice %arg6[%dma_wait3A_498, %dma_wait3A_504] : memref<4x32xi32, #tpu.memory_space<vmem>> -> memref<1x32xi32, #tpu.memory_space<vmem>>
    %dma_wait3A_506 = tpu.memref_squeeze %dma_wait3A_505 : memref<1x32xi32, #tpu.memory_space<vmem>> -> memref<32xi32, #tpu.memory_space<vmem>>
    %dma_wait3A_507 = arith.constant 0 : i32
    %dma_wait3A_508 = arith.constant 0 : i32
    %dma_wait3A_509 = tpu.memref_slice %arg2[%dma_wait3A_507, %dma_wait3A_508] : memref<4608x1024xf32, #tpu.memory_space<hbm>> -> memref<4608x1024xf32, #tpu.memory_space<hbm>>
    tpu.wait_indirect_dma semaphore(%arg11 : memref<!tpu.dma_semaphore, #tpu.memory_space<semaphore_mem>>) src(%dma_wait3A_509 : memref<4608x1024xf32, #tpu.memory_space<hbm>>) dst(%dma_wait3A_503 : memref<32x1024xf32, #tpu.memory_space<vmem>>)
    %get3A_510 = arith.constant 1 : i32
    %get3A_511 = arith.index_cast %get3A_510 : i32 to index
    %get3A_512 = arith.constant 0 : index
    %get3A_513 = tpu.vector_load %arg7[%get3A_511, %get3A_512] {strides = array<i32>} : memref<4x32xi32, #tpu.memory_space<vmem>>, vector<16xi32>,
    %add3A_514 = arith.constant 0 : i32
    %add3A_515 = vector.broadcast %add3A_514 : i32 to vector<16xi32>
    %add3A_516 = arith.addi %get3A_513, %add3A_515 : vector<16xi32>
    %swap3A_517 = arith.constant 1 : i32
    %swap3A_518 = arith.constant 0 : i32
    %swap3A_519 = arith.index_cast %swap3A_517 : i32 to index
    %swap3A_520 = arith.index_cast %swap3A_518 : i32 to index
    %swap3A_521 = arith.constant 0 : index
    %swap3A_522 = tpu.vector_load %arg9[%swap3A_519, %swap3A_520, %swap3A_521] {strides = array<i32>} : memref<3x8x32xi32, #tpu.memory_space<vmem>>, vector<16xi32>,
    tpu.vector_store %arg9[%swap3A_519, %swap3A_520, %swap3A_521], %add3A_516 {strides = array<i32>} : memref<3x8x32xi32, #tpu.memory_space<vmem>>, vector<16xi32>,
    %get3A_523 = arith.constant 1 : i32
    %get3A_524 = arith.index_cast %get3A_523 : i32 to index
    %get3A_525 = arith.constant 16 : index
    %get3A_526 = tpu.vector_load %arg7[%get3A_524, %get3A_525] {strides = array<i32>} : memref<4x32xi32, #tpu.memory_space<vmem>>, vector<16xi32>,
    %add3A_527 = arith.constant 0 : i32
    %add3A_528 = vector.broadcast %add3A_527 : i32 to vector<16xi32>
    %add3A_529 = arith.addi %get3A_526, %add3A_528 : vector<16xi32>
    %swap3A_530 = arith.constant 1 : i32
    %swap3A_531 = arith.constant 0 : i32
    %swap3A_532 = arith.index_cast %swap3A_530 : i32 to index
    %swap3A_533 = arith.index_cast %swap3A_531 : i32 to index
    %swap3A_534 = arith.constant 16 : index
    %swap3A_535 = tpu.vector_load %arg9[%swap3A_532, %swap3A_533, %swap3A_534] {strides = array<i32>} : memref<3x8x32xi32, #tpu.memory_space<vmem>>, vector<16xi32>,
    tpu.vector_store %arg9[%swap3A_532, %swap3A_533, %swap3A_534], %add3A_529 {strides = array<i32>} : memref<3x8x32xi32, #tpu.memory_space<vmem>>, vector<16xi32>,
    %get3A_536 = arith.constant 1 : i32
    %get3A_537 = arith.index_cast %get3A_536 : i32 to index
    %get3A_538 = arith.constant 0 : index
    %get3A_539 = tpu.vector_load %arg7[%get3A_537, %get3A_538] {strides = array<i32>} : memref<4x32xi32, #tpu.memory_space<vmem>>, vector<16xi32>,
    %add3A_540 = arith.constant 2 : i32
    %add3A_541 = vector.broadcast %add3A_540 : i32 to vector<16xi32>
    %add3A_542 = arith.addi %get3A_539, %add3A_541 : vector<16xi32>
    %swap3A_543 = arith.constant 1 : i32
    %swap3A_544 = arith.constant 1 : i32
    %swap3A_545 = arith.index_cast %swap3A_543 : i32 to index
    %swap3A_546 = arith.index_cast %swap3A_544 : i32 to index
    %swap3A_547 = arith.constant 0 : index
    %swap3A_548 = tpu.vector_load %arg9[%swap3A_545, %swap3A_546, %swap3A_547] {strides = array<i32>} : memref<3x8x32xi32, #tpu.memory_space<vmem>>, vector<16xi32>,
    tpu.vector_store %arg9[%swap3A_545, %swap3A_546, %swap3A_547], %add3A_542 {strides = array<i32>} : memref<3x8x32xi32, #tpu.memory_space<vmem>>, vector<16xi32>,
    %get3A_549 = arith.constant 1 : i32
    %get3A_550 = arith.index_cast %get3A_549 : i32 to index
    %get3A_551 = arith.constant 16 : index
    %get3A_552 = tpu.vector_load %arg7[%get3A_550, %get3A_551] {strides = array<i32>} : memref<4x32xi32, #tpu.memory_space<vmem>>, vector<16xi32>,
    %add3A_553 = arith.constant 2 : i32
    %add3A_554 = vector.broadcast %add3A_553 : i32 to vector<16xi32>
    %add3A_555 = arith.addi %get3A_552, %add3A_554 : vector<16xi32>
    %swap3A_556 = arith.constant 1 : i32
    %swap3A_557 = arith.constant 1 : i32
    %swap3A_558 = arith.index_cast %swap3A_556 : i32 to index
    %swap3A_559 = arith.index_cast %swap3A_557 : i32 to index
    %swap3A_560 = arith.constant 16 : index
    %swap3A_561 = tpu.vector_load %arg9[%swap3A_558, %swap3A_559, %swap3A_560] {strides = array<i32>} : memref<3x8x32xi32, #tpu.memory_space<vmem>>, vector<16xi32>,
    tpu.vector_store %arg9[%swap3A_558, %swap3A_559, %swap3A_560], %add3A_555 {strides = array<i32>} : memref<3x8x32xi32, #tpu.memory_space<vmem>>, vector<16xi32>,
    %get3A_562 = arith.constant 1 : i32
    %get3A_563 = arith.index_cast %get3A_562 : i32 to index
    %get3A_564 = arith.constant 0 : index
    %get3A_565 = tpu.vector_load %arg7[%get3A_563, %get3A_564] {strides = array<i32>} : memref<4x32xi32, #tpu.memory_space<vmem>>, vector<16xi32>,
    %add3A_566 = arith.constant 4 : i32
    %add3A_567 = vector.broadcast %add3A_566 : i32 to vector<16xi32>
    %add3A_568 = arith.addi %get3A_565, %add3A_567 : vector<16xi32>
    %swap3A_569 = arith.constant 1 : i32
    %swap3A_570 = arith.constant 2 : i32
    %swap3A_571 = arith.index_cast %swap3A_569 : i32 to index
    %swap3A_572 = arith.index_cast %swap3A_570 : i32 to index
    %swap3A_573 = arith.constant 0 : index
    %swap3A_574 = tpu.vector_load %arg9[%swap3A_571, %swap3A_572, %swap3A_573] {strides = array<i32>} : memref<3x8x32xi32, #tpu.memory_space<vmem>>, vector<16xi32>,
    tpu.vector_store %arg9[%swap3A_571, %swap3A_572, %swap3A_573], %add3A_568 {strides = array<i32>} : memref<3x8x32xi32, #tpu.memory_space<vmem>>, vector<16xi32>,
    %get3A_575 = arith.constant 1 : i32
    %get3A_576 = arith.index_cast %get3A_575 : i32 to index
    %get3A_577 = arith.constant 16 : index
    %get3A_578 = tpu.vector_load %arg7[%get3A_576, %get3A_577] {strides = array<i32>} : memref<4x32xi32, #tpu.memory_space<vmem>>, vector<16xi32>,
    %add3A_579 = arith.constant 4 : i32
    %add3A_580 = vector.broadcast %add3A_579 : i32 to vector<16xi32>
    %add3A_581 = arith.addi %get3A_578, %add3A_580 : vector<16xi32>
    %swap3A_582 = arith.constant 1 : i32
    %swap3A_583 = arith.constant 2 : i32
    %swap3A_584 = arith.index_cast %swap3A_582 : i32 to index
    %swap3A_585 = arith.index_cast %swap3A_583 : i32 to index
    %swap3A_586 = arith.constant 16 : index
    %swap3A_587 = tpu.vector_load %arg9[%swap3A_584, %swap3A_585, %swap3A_586] {strides = array<i32>} : memref<3x8x32xi32, #tpu.memory_space<vmem>>, vector<16xi32>,
    tpu.vector_store %arg9[%swap3A_584, %swap3A_585, %swap3A_586], %add3A_581 {strides = array<i32>} : memref<3x8x32xi32, #tpu.memory_space<vmem>>, vector<16xi32>,
    %get3A_588 = arith.constant 1 : i32
    %get3A_589 = arith.index_cast %get3A_588 : i32 to index
    %get3A_590 = arith.constant 0 : index
    %get3A_591 = tpu.vector_load %arg7[%get3A_589, %get3A_590] {strides = array<i32>} : memref<4x32xi32, #tpu.memory_space<vmem>>, vector<16xi32>,
    %add3A_592 = arith.constant 6 : i32
    %add3A_593 = vector.broadcast %add3A_592 : i32 to vector<16xi32>
    %add3A_594 = arith.addi %get3A_591, %add3A_593 : vector<16xi32>
    %swap3A_595 = arith.constant 1 : i32
    %swap3A_596 = arith.constant 3 : i32
    %swap3A_597 = arith.index_cast %swap3A_595 : i32 to index
    %swap3A_598 = arith.index_cast %swap3A_596 : i32 to index
    %swap3A_599 = arith.constant 0 : index
    %swap3A_600 = tpu.vector_load %arg9[%swap3A_597, %swap3A_598, %swap3A_599] {strides = array<i32>} : memref<3x8x32xi32, #tpu.memory_space<vmem>>, vector<16xi32>,
    tpu.vector_store %arg9[%swap3A_597, %swap3A_598, %swap3A_599], %add3A_594 {strides = array<i32>} : memref<3x8x32xi32, #tpu.memory_space<vmem>>, vector<16xi32>,
    %get3A_601 = arith.constant 1 : i32
    %get3A_602 = arith.index_cast %get3A_601 : i32 to index
    %get3A_603 = arith.constant 16 : index
    %get3A_604 = tpu.vector_load %arg7[%get3A_602, %get3A_603] {strides = array<i32>} : memref<4x32xi32, #tpu.memory_space<vmem>>, vector<16xi32>,
    %add3A_605 = arith.constant 6 : i32
    %add3A_606 = vector.broadcast %add3A_605 : i32 to vector<16xi32>
    %add3A_607 = arith.addi %get3A_604, %add3A_606 : vector<16xi32>
    %swap3A_608 = arith.constant 1 : i32
    %swap3A_609 = arith.constant 3 : i32
    %swap3A_610 = arith.index_cast %swap3A_608 : i32 to index
    %swap3A_611 = arith.index_cast %swap3A_609 : i32 to index
    %swap3A_612 = arith.constant 16 : index
    %swap3A_613 = tpu.vector_load %arg9[%swap3A_610, %swap3A_611, %swap3A_612] {strides = array<i32>} : memref<3x8x32xi32, #tpu.memory_space<vmem>>, vector<16xi32>,
    tpu.vector_store %arg9[%swap3A_610, %swap3A_611, %swap3A_612], %add3A_607 {strides = array<i32>} : memref<3x8x32xi32, #tpu.memory_space<vmem>>, vector<16xi32>,
    %get3A_614 = arith.constant 1 : i32
    %get3A_615 = arith.index_cast %get3A_614 : i32 to index
    %get3A_616 = arith.constant 0 : index
    %get3A_617 = tpu.vector_load %arg7[%get3A_615, %get3A_616] {strides = array<i32>} : memref<4x32xi32, #tpu.memory_space<vmem>>, vector<16xi32>,
    %add3A_618 = arith.constant 8 : i32
    %add3A_619 = vector.broadcast %add3A_618 : i32 to vector<16xi32>
    %add3A_620 = arith.addi %get3A_617, %add3A_619 : vector<16xi32>
    %swap3A_621 = arith.constant 1 : i32
    %swap3A_622 = arith.constant 4 : i32
    %swap3A_623 = arith.index_cast %swap3A_621 : i32 to index
    %swap3A_624 = arith.index_cast %swap3A_622 : i32 to index
    %swap3A_625 = arith.constant 0 : index
    %swap3A_626 = tpu.vector_load %arg9[%swap3A_623, %swap3A_624, %swap3A_625] {strides = array<i32>} : memref<3x8x32xi32, #tpu.memory_space<vmem>>, vector<16xi32>,
    tpu.vector_store %arg9[%swap3A_623, %swap3A_624, %swap3A_625], %add3A_620 {strides = array<i32>} : memref<3x8x32xi32, #tpu.memory_space<vmem>>, vector<16xi32>,
    %get3A_627 = arith.constant 1 : i32
    %get3A_628 = arith.index_cast %get3A_627 : i32 to index
    %get3A_629 = arith.constant 16 : index
    %get3A_630 = tpu.vector_load %arg7[%get3A_628, %get3A_629] {strides = array<i32>} : memref<4x32xi32, #tpu.memory_space<vmem>>, vector<16xi32>,
    %add3A_631 = arith.constant 8 : i32
    %add3A_632 = vector.broadcast %add3A_631 : i32 to vector<16xi32>
    %add3A_633 = arith.addi %get3A_630, %add3A_632 : vector<16xi32>
    %swap3A_634 = arith.constant 1 : i32
    %swap3A_635 = arith.constant 4 : i32
    %swap3A_636 = arith.index_cast %swap3A_634 : i32 to index
    %swap3A_637 = arith.index_cast %swap3A_635 : i32 to index
    %swap3A_638 = arith.constant 16 : index
    %swap3A_639 = tpu.vector_load %arg9[%swap3A_636, %swap3A_637, %swap3A_638] {strides = array<i32>} : memref<3x8x32xi32, #tpu.memory_space<vmem>>, vector<16xi32>,
    tpu.vector_store %arg9[%swap3A_636, %swap3A_637, %swap3A_638], %add3A_633 {strides = array<i32>} : memref<3x8x32xi32, #tpu.memory_space<vmem>>, vector<16xi32>,
    %get3A_640 = arith.constant 1 : i32
    %get3A_641 = arith.index_cast %get3A_640 : i32 to index
    %get3A_642 = arith.constant 0 : index
    %get3A_643 = tpu.vector_load %arg7[%get3A_641, %get3A_642] {strides = array<i32>} : memref<4x32xi32, #tpu.memory_space<vmem>>, vector<16xi32>,
    %add3A_644 = arith.constant 10 : i32
    %add3A_645 = vector.broadcast %add3A_644 : i32 to vector<16xi32>
    %add3A_646 = arith.addi %get3A_643, %add3A_645 : vector<16xi32>
    %swap3A_647 = arith.constant 1 : i32
    %swap3A_648 = arith.constant 5 : i32
    %swap3A_649 = arith.index_cast %swap3A_647 : i32 to index
    %swap3A_650 = arith.index_cast %swap3A_648 : i32 to index
    %swap3A_651 = arith.constant 0 : index
    %swap3A_652 = tpu.vector_load %arg9[%swap3A_649, %swap3A_650, %swap3A_651] {strides = array<i32>} : memref<3x8x32xi32, #tpu.memory_space<vmem>>, vector<16xi32>,
    tpu.vector_store %arg9[%swap3A_649, %swap3A_650, %swap3A_651], %add3A_646 {strides = array<i32>} : memref<3x8x32xi32, #tpu.memory_space<vmem>>, vector<16xi32>,
    %get3A_653 = arith.constant 1 : i32
    %get3A_654 = arith.index_cast %get3A_653 : i32 to index
    %get3A_655 = arith.constant 16 : index
    %get3A_656 = tpu.vector_load %arg7[%get3A_654, %get3A_655] {strides = array<i32>} : memref<4x32xi32, #tpu.memory_space<vmem>>, vector<16xi32>,
    %add3A_657 = arith.constant 10 : i32
    %add3A_658 = vector.broadcast %add3A_657 : i32 to vector<16xi32>
    %add3A_659 = arith.addi %get3A_656, %add3A_658 : vector<16xi32>
    %swap3A_660 = arith.constant 1 : i32
    %swap3A_661 = arith.constant 5 : i32
    %swap3A_662 = arith.index_cast %swap3A_660 : i32 to index
    %swap3A_663 = arith.index_cast %swap3A_661 : i32 to index
    %swap3A_664 = arith.constant 16 : index
    %swap3A_665 = tpu.vector_load %arg9[%swap3A_662, %swap3A_663, %swap3A_664] {strides = array<i32>} : memref<3x8x32xi32, #tpu.memory_space<vmem>>, vector<16xi32>,
    tpu.vector_store %arg9[%swap3A_662, %swap3A_663, %swap3A_664], %add3A_659 {strides = array<i32>} : memref<3x8x32xi32, #tpu.memory_space<vmem>>, vector<16xi32>,
    %get3A_666 = arith.constant 1 : i32
    %get3A_667 = arith.index_cast %get3A_666 : i32 to index
    %get3A_668 = arith.constant 0 : index
    %get3A_669 = tpu.vector_load %arg7[%get3A_667, %get3A_668] {strides = array<i32>} : memref<4x32xi32, #tpu.memory_space<vmem>>, vector<16xi32>,
    %add3A_670 = arith.constant 12 : i32
    %add3A_671 = vector.broadcast %add3A_670 : i32 to vector<16xi32>
    %add3A_672 = arith.addi %get3A_669, %add3A_671 : vector<16xi32>
    %swap3A_673 = arith.constant 1 : i32
    %swap3A_674 = arith.constant 6 : i32
    %swap3A_675 = arith.index_cast %swap3A_673 : i32 to index
    %swap3A_676 = arith.index_cast %swap3A_674 : i32 to index
    %swap3A_677 = arith.constant 0 : index
    %swap3A_678 = tpu.vector_load %arg9[%swap3A_675, %swap3A_676, %swap3A_677] {strides = array<i32>} : memref<3x8x32xi32, #tpu.memory_space<vmem>>, vector<16xi32>,
    tpu.vector_store %arg9[%swap3A_675, %swap3A_676, %swap3A_677], %add3A_672 {strides = array<i32>} : memref<3x8x32xi32, #tpu.memory_space<vmem>>, vector<16xi32>,
    %get3A_679 = arith.constant 1 : i32
    %get3A_680 = arith.index_cast %get3A_679 : i32 to index
    %get3A_681 = arith.constant 16 : index
    %get3A_682 = tpu.vector_load %arg7[%get3A_680, %get3A_681] {strides = array<i32>} : memref<4x32xi32, #tpu.memory_space<vmem>>, vector<16xi32>,
    %add3A_683 = arith.constant 12 : i32
    %add3A_684 = vector.broadcast %add3A_683 : i32 to vector<16xi32>
    %add3A_685 = arith.addi %get3A_682, %add3A_684 : vector<16xi32>
    %swap3A_686 = arith.constant 1 : i32
    %swap3A_687 = arith.constant 6 : i32
    %swap3A_688 = arith.index_cast %swap3A_686 : i32 to index
    %swap3A_689 = arith.index_cast %swap3A_687 : i32 to index
    %swap3A_690 = arith.constant 16 : index
    %swap3A_691 = tpu.vector_load %arg9[%swap3A_688, %swap3A_689, %swap3A_690] {strides = array<i32>} : memref<3x8x32xi32, #tpu.memory_space<vmem>>, vector<16xi32>,
    tpu.vector_store %arg9[%swap3A_688, %swap3A_689, %swap3A_690], %add3A_685 {strides = array<i32>} : memref<3x8x32xi32, #tpu.memory_space<vmem>>, vector<16xi32>,
    %get3A_692 = arith.constant 1 : i32
    %get3A_693 = arith.index_cast %get3A_692 : i32 to index
    %get3A_694 = arith.constant 0 : index
    %get3A_695 = tpu.vector_load %arg7[%get3A_693, %get3A_694] {strides = array<i32>} : memref<4x32xi32, #tpu.memory_space<vmem>>, vector<16xi32>,
    %add3A_696 = arith.constant 14 : i32
    %add3A_697 = vector.broadcast %add3A_696 : i32 to vector<16xi32>
    %add3A_698 = arith.addi %get3A_695, %add3A_697 : vector<16xi32>
    %swap3A_699 = arith.constant 1 : i32
    %swap3A_700 = arith.constant 7 : i32
    %swap3A_701 = arith.index_cast %swap3A_699 : i32 to index
    %swap3A_702 = arith.index_cast %swap3A_700 : i32 to index
    %swap3A_703 = arith.constant 0 : index
    %swap3A_704 = tpu.vector_load %arg9[%swap3A_701, %swap3A_702, %swap3A_703] {strides = array<i32>} : memref<3x8x32xi32, #tpu.memory_space<vmem>>, vector<16xi32>,
    tpu.vector_store %arg9[%swap3A_701, %swap3A_702, %swap3A_703], %add3A_698 {strides = array<i32>} : memref<3x8x32xi32, #tpu.memory_space<vmem>>, vector<16xi32>,
    %get3A_705 = arith.constant 1 : i32
    %get3A_706 = arith.index_cast %get3A_705 : i32 to index
    %get3A_707 = arith.constant 16 : index
    %get3A_708 = tpu.vector_load %arg7[%get3A_706, %get3A_707] {strides = array<i32>} : memref<4x32xi32, #tpu.memory_space<vmem>>, vector<16xi32>,
    %add3A_709 = arith.constant 14 : i32
    %add3A_710 = vector.broadcast %add3A_709 : i32 to vector<16xi32>
    %add3A_711 = arith.addi %get3A_708, %add3A_710 : vector<16xi32>
    %swap3A_712 = arith.constant 1 : i32
    %swap3A_713 = arith.constant 7 : i32
    %swap3A_714 = arith.index_cast %swap3A_712 : i32 to index
    %swap3A_715 = arith.index_cast %swap3A_713 : i32 to index
    %swap3A_716 = arith.constant 16 : index
    %swap3A_717 = tpu.vector_load %arg9[%swap3A_714, %swap3A_715, %swap3A_716] {strides = array<i32>} : memref<3x8x32xi32, #tpu.memory_space<vmem>>, vector<16xi32>,
    tpu.vector_store %arg9[%swap3A_714, %swap3A_715, %swap3A_716], %add3A_711 {strides = array<i32>} : memref<3x8x32xi32, #tpu.memory_space<vmem>>, vector<16xi32>,
    %dma_start3A_718 = arith.constant 1 : i32
    %dma_start3A_719 = arith.constant 1 : i32
    %dma_start3A_720 = arith.constant 0 : i32
    %dma_start3A_721 = arith.constant 0 : i32
    %dma_start3A_722 = arith.constant 0 : i32
    %dma_start3A_723 = tpu.memref_slice %arg8[%dma_start3A_718, %dma_start3A_721, %dma_start3A_722] : memref<3x32x1024xf32, #tpu.memory_space<vmem>> -> memref<1x32x128xf32, #tpu.memory_space<vmem>>
    %dma_start3A_724 = tpu.memref_squeeze %dma_start3A_723 : memref<1x32x128xf32, #tpu.memory_space<vmem>> -> memref<32x128xf32, #tpu.memory_space<vmem>>
    %dma_start3A_725 = arith.constant 0 : i32
    %dma_start3A_726 = tpu.memref_slice %arg9[%dma_start3A_719, %dma_start3A_720, %dma_start3A_725] : memref<3x8x32xi32, #tpu.memory_space<vmem>> -> memref<1x1x32xi32, #tpu.memory_space<vmem>>
    %dma_start3A_727 = tpu.memref_squeeze %dma_start3A_726 : memref<1x1x32xi32, #tpu.memory_space<vmem>> -> memref<32xi32, #tpu.memory_space<vmem>>
    %dma_start3A_728 = arith.constant 0 : i32
    %dma_start3A_729 = arith.constant 0 : i32
    %dma_start3A_730 = tpu.memref_slice %arg5[%dma_start3A_728, %dma_start3A_729] : memref<32768x128xf32, #tpu.memory_space<hbm>> -> memref<32768x128xf32, #tpu.memory_space<hbm>>
    tpu.enqueue_indirect_dma source(%dma_start3A_724 : memref<32x128xf32, #tpu.memory_space<vmem>>) target(%dma_start3A_730 : memref<32768x128xf32, #tpu.memory_space<hbm>>) offsets(%dma_start3A_727 : memref<32xi32, #tpu.memory_space<vmem>>) semaphore(%arg14 : memref<!tpu.dma_semaphore, #tpu.memory_space<semaphore_mem>>)
    %dma_start3A_731 = arith.constant 1 : i32
    %dma_start3A_732 = arith.constant 1 : i32
    %dma_start3A_733 = arith.constant 1 : i32
    %dma_start3A_734 = arith.constant 0 : i32
    %dma_start3A_735 = arith.constant 128 : i32
    %dma_start3A_736 = tpu.memref_slice %arg8[%dma_start3A_731, %dma_start3A_734, %dma_start3A_735] : memref<3x32x1024xf32, #tpu.memory_space<vmem>> -> memref<1x32x128xf32, #tpu.memory_space<vmem>>
    %dma_start3A_737 = tpu.memref_squeeze %dma_start3A_736 : memref<1x32x128xf32, #tpu.memory_space<vmem>> -> memref<32x128xf32, #tpu.memory_space<vmem>>
    %dma_start3A_738 = arith.constant 0 : i32
    %dma_start3A_739 = tpu.memref_slice %arg9[%dma_start3A_732, %dma_start3A_733, %dma_start3A_738] : memref<3x8x32xi32, #tpu.memory_space<vmem>> -> memref<1x1x32xi32, #tpu.memory_space<vmem>>
    %dma_start3A_740 = tpu.memref_squeeze %dma_start3A_739 : memref<1x1x32xi32, #tpu.memory_space<vmem>> -> memref<32xi32, #tpu.memory_space<vmem>>
    %dma_start3A_741 = arith.constant 0 : i32
    %dma_start3A_742 = arith.constant 0 : i32
    %dma_start3A_743 = tpu.memref_slice %arg5[%dma_start3A_741, %dma_start3A_742] : memref<32768x128xf32, #tpu.memory_space<hbm>> -> memref<32768x128xf32, #tpu.memory_space<hbm>>
    tpu.enqueue_indirect_dma source(%dma_start3A_737 : memref<32x128xf32, #tpu.memory_space<vmem>>) target(%dma_start3A_743 : memref<32768x128xf32, #tpu.memory_space<hbm>>) offsets(%dma_start3A_740 : memref<32xi32, #tpu.memory_space<vmem>>) semaphore(%arg14 : memref<!tpu.dma_semaphore, #tpu.memory_space<semaphore_mem>>)
    %dma_start3A_744 = arith.constant 1 : i32
    %dma_start3A_745 = arith.constant 1 : i32
    %dma_start3A_746 = arith.constant 2 : i32
    %dma_start3A_747 = arith.constant 0 : i32
    %dma_start3A_748 = arith.constant 256 : i32
    %dma_start3A_749 = tpu.memref_slice %arg8[%dma_start3A_744, %dma_start3A_747, %dma_start3A_748] : memref<3x32x1024xf32, #tpu.memory_space<vmem>> -> memref<1x32x128xf32, #tpu.memory_space<vmem>>
    %dma_start3A_750 = tpu.memref_squeeze %dma_start3A_749 : memref<1x32x128xf32, #tpu.memory_space<vmem>> -> memref<32x128xf32, #tpu.memory_space<vmem>>
    %dma_start3A_751 = arith.constant 0 : i32
    %dma_start3A_752 = tpu.memref_slice %arg9[%dma_start3A_745, %dma_start3A_746, %dma_start3A_751] : memref<3x8x32xi32, #tpu.memory_space<vmem>> -> memref<1x1x32xi32, #tpu.memory_space<vmem>>
    %dma_start3A_753 = tpu.memref_squeeze %dma_start3A_752 : memref<1x1x32xi32, #tpu.memory_space<vmem>> -> memref<32xi32, #tpu.memory_space<vmem>>
    %dma_start3A_754 = arith.constant 0 : i32
    %dma_start3A_755 = arith.constant 0 : i32
    %dma_start3A_756 = tpu.memref_slice %arg5[%dma_start3A_754, %dma_start3A_755] : memref<32768x128xf32, #tpu.memory_space<hbm>> -> memref<32768x128xf32, #tpu.memory_space<hbm>>
    tpu.enqueue_indirect_dma source(%dma_start3A_750 : memref<32x128xf32, #tpu.memory_space<vmem>>) target(%dma_start3A_756 : memref<32768x128xf32, #tpu.memory_space<hbm>>) offsets(%dma_start3A_753 : memref<32xi32, #tpu.memory_space<vmem>>) semaphore(%arg14 : memref<!tpu.dma_semaphore, #tpu.memory_space<semaphore_mem>>)
    %dma_start3A_757 = arith.constant 1 : i32
    %dma_start3A_758 = arith.constant 1 : i32
    %dma_start3A_759 = arith.constant 3 : i32
    %dma_start3A_760 = arith.constant 0 : i32
    %dma_start3A_761 = arith.constant 384 : i32
    %dma_start3A_762 = tpu.memref_slice %arg8[%dma_start3A_757, %dma_start3A_760, %dma_start3A_761] : memref<3x32x1024xf32, #tpu.memory_space<vmem>> -> memref<1x32x128xf32, #tpu.memory_space<vmem>>
    %dma_start3A_763 = tpu.memref_squeeze %dma_start3A_762 : memref<1x32x128xf32, #tpu.memory_space<vmem>> -> memref<32x128xf32, #tpu.memory_space<vmem>>
    %dma_start3A_764 = arith.constant 0 : i32
    %dma_start3A_765 = tpu.memref_slice %arg9[%dma_start3A_758, %dma_start3A_759, %dma_start3A_764] : memref<3x8x32xi32, #tpu.memory_space<vmem>> -> memref<1x1x32xi32, #tpu.memory_space<vmem>>
    %dma_start3A_766 = tpu.memref_squeeze %dma_start3A_765 : memref<1x1x32xi32, #tpu.memory_space<vmem>> -> memref<32xi32, #tpu.memory_space<vmem>>
    %dma_start3A_767 = arith.constant 0 : i32
    %dma_start3A_768 = arith.constant 0 : i32
    %dma_start3A_769 = tpu.memref_slice %arg5[%dma_start3A_767, %dma_start3A_768] : memref<32768x128xf32, #tpu.memory_space<hbm>> -> memref<32768x128xf32, #tpu.memory_space<hbm>>
    tpu.enqueue_indirect_dma source(%dma_start3A_763 : memref<32x128xf32, #tpu.memory_space<vmem>>) target(%dma_start3A_769 : memref<32768x128xf32, #tpu.memory_space<hbm>>) offsets(%dma_start3A_766 : memref<32xi32, #tpu.memory_space<vmem>>) semaphore(%arg14 : memref<!tpu.dma_semaphore, #tpu.memory_space<semaphore_mem>>)
    %dma_start3A_770 = arith.constant 1 : i32
    %dma_start3A_771 = arith.constant 1 : i32
    %dma_start3A_772 = arith.constant 4 : i32
    %dma_start3A_773 = arith.constant 0 : i32
    %dma_start3A_774 = arith.constant 512 : i32
    %dma_start3A_775 = tpu.memref_slice %arg8[%dma_start3A_770, %dma_start3A_773, %dma_start3A_774] : memref<3x32x1024xf32, #tpu.memory_space<vmem>> -> memref<1x32x128xf32, #tpu.memory_space<vmem>>
    %dma_start3A_776 = tpu.memref_squeeze %dma_start3A_775 : memref<1x32x128xf32, #tpu.memory_space<vmem>> -> memref<32x128xf32, #tpu.memory_space<vmem>>
    %dma_start3A_777 = arith.constant 0 : i32
    %dma_start3A_778 = tpu.memref_slice %arg9[%dma_start3A_771, %dma_start3A_772, %dma_start3A_777] : memref<3x8x32xi32, #tpu.memory_space<vmem>> -> memref<1x1x32xi32, #tpu.memory_space<vmem>>
    %dma_start3A_779 = tpu.memref_squeeze %dma_start3A_778 : memref<1x1x32xi32, #tpu.memory_space<vmem>> -> memref<32xi32, #tpu.memory_space<vmem>>
    %dma_start3A_780 = arith.constant 0 : i32
    %dma_start3A_781 = arith.constant 0 : i32
    %dma_start3A_782 = tpu.memref_slice %arg5[%dma_start3A_780, %dma_start3A_781] : memref<32768x128xf32, #tpu.memory_space<hbm>> -> memref<32768x128xf32, #tpu.memory_space<hbm>>
    tpu.enqueue_indirect_dma source(%dma_start3A_776 : memref<32x128xf32, #tpu.memory_space<vmem>>) target(%dma_start3A_782 : memref<32768x128xf32, #tpu.memory_space<hbm>>) offsets(%dma_start3A_779 : memref<32xi32, #tpu.memory_space<vmem>>) semaphore(%arg14 : memref<!tpu.dma_semaphore, #tpu.memory_space<semaphore_mem>>)
    %dma_start3A_783 = arith.constant 1 : i32
    %dma_start3A_784 = arith.constant 1 : i32
    %dma_start3A_785 = arith.constant 5 : i32
    %dma_start3A_786 = arith.constant 0 : i32
    %dma_start3A_787 = arith.constant 640 : i32
    %dma_start3A_788 = tpu.memref_slice %arg8[%dma_start3A_783, %dma_start3A_786, %dma_start3A_787] : memref<3x32x1024xf32, #tpu.memory_space<vmem>> -> memref<1x32x128xf32, #tpu.memory_space<vmem>>
    %dma_start3A_789 = tpu.memref_squeeze %dma_start3A_788 : memref<1x32x128xf32, #tpu.memory_space<vmem>> -> memref<32x128xf32, #tpu.memory_space<vmem>>
    %dma_start3A_790 = arith.constant 0 : i32
    %dma_start3A_791 = tpu.memref_slice %arg9[%dma_start3A_784, %dma_start3A_785, %dma_start3A_790] : memref<3x8x32xi32, #tpu.memory_space<vmem>> -> memref<1x1x32xi32, #tpu.memory_space<vmem>>
    %dma_start3A_792 = tpu.memref_squeeze %dma_start3A_791 : memref<1x1x32xi32, #tpu.memory_space<vmem>> -> memref<32xi32, #tpu.memory_space<vmem>>
    %dma_start3A_793 = arith.constant 0 : i32
    %dma_start3A_794 = arith.constant 0 : i32
    %dma_start3A_795 = tpu.memref_slice %arg5[%dma_start3A_793, %dma_start3A_794] : memref<32768x128xf32, #tpu.memory_space<hbm>> -> memref<32768x128xf32, #tpu.memory_space<hbm>>
    tpu.enqueue_indirect_dma source(%dma_start3A_789 : memref<32x128xf32, #tpu.memory_space<vmem>>) target(%dma_start3A_795 : memref<32768x128xf32, #tpu.memory_space<hbm>>) offsets(%dma_start3A_792 : memref<32xi32, #tpu.memory_space<vmem>>) semaphore(%arg14 : memref<!tpu.dma_semaphore, #tpu.memory_space<semaphore_mem>>)
    %dma_start3A_796 = arith.constant 1 : i32
    %dma_start3A_797 = arith.constant 1 : i32
    %dma_start3A_798 = arith.constant 6 : i32
    %dma_start3A_799 = arith.constant 0 : i32
    %dma_start3A_800 = arith.constant 768 : i32
    %dma_start3A_801 = tpu.memref_slice %arg8[%dma_start3A_796, %dma_start3A_799, %dma_start3A_800] : memref<3x32x1024xf32, #tpu.memory_space<vmem>> -> memref<1x32x128xf32, #tpu.memory_space<vmem>>
    %dma_start3A_802 = tpu.memref_squeeze %dma_start3A_801 : memref<1x32x128xf32, #tpu.memory_space<vmem>> -> memref<32x128xf32, #tpu.memory_space<vmem>>
    %dma_start3A_803 = arith.constant 0 : i32
    %dma_start3A_804 = tpu.memref_slice %arg9[%dma_start3A_797, %dma_start3A_798, %dma_start3A_803] : memref<3x8x32xi32, #tpu.memory_space<vmem>> -> memref<1x1x32xi32, #tpu.memory_space<vmem>>
    %dma_start3A_805 = tpu.memref_squeeze %dma_start3A_804 : memref<1x1x32xi32, #tpu.memory_space<vmem>> -> memref<32xi32, #tpu.memory_space<vmem>>
    %dma_start3A_806 = arith.constant 0 : i32
    %dma_start3A_807 = arith.constant 0 : i32
    %dma_start3A_808 = tpu.memref_slice %arg5[%dma_start3A_806, %dma_start3A_807] : memref<32768x128xf32, #tpu.memory_space<hbm>> -> memref<32768x128xf32, #tpu.memory_space<hbm>>
    tpu.enqueue_indirect_dma source(%dma_start3A_802 : memref<32x128xf32, #tpu.memory_space<vmem>>) target(%dma_start3A_808 : memref<32768x128xf32, #tpu.memory_space<hbm>>) offsets(%dma_start3A_805 : memref<32xi32, #tpu.memory_space<vmem>>) semaphore(%arg14 : memref<!tpu.dma_semaphore, #tpu.memory_space<semaphore_mem>>)
    %dma_start3A_809 = arith.constant 1 : i32
    %dma_start3A_810 = arith.constant 1 : i32
    %dma_start3A_811 = arith.constant 7 : i32
    %dma_start3A_812 = arith.constant 0 : i32
    %dma_start3A_813 = arith.constant 896 : i32
    %dma_start3A_814 = tpu.memref_slice %arg8[%dma_start3A_809, %dma_start3A_812, %dma_start3A_813] : memref<3x32x1024xf32, #tpu.memory_space<vmem>> -> memref<1x32x128xf32, #tpu.memory_space<vmem>>
    %dma_start3A_815 = tpu.memref_squeeze %dma_start3A_814 : memref<1x32x128xf32, #tpu.memory_space<vmem>> -> memref<32x128xf32, #tpu.memory_space<vmem>>
    %dma_start3A_816 = arith.constant 0 : i32
    %dma_start3A_817 = tpu.memref_slice %arg9[%dma_start3A_810, %dma_start3A_811, %dma_start3A_816] : memref<3x8x32xi32, #tpu.memory_space<vmem>> -> memref<1x1x32xi32, #tpu.memory_space<vmem>>
    %dma_start3A_818 = tpu.memref_squeeze %dma_start3A_817 : memref<1x1x32xi32, #tpu.memory_space<vmem>> -> memref<32xi32, #tpu.memory_space<vmem>>
    %dma_start3A_819 = arith.constant 0 : i32
    %dma_start3A_820 = arith.constant 0 : i32
    %dma_start3A_821 = tpu.memref_slice %arg5[%dma_start3A_819, %dma_start3A_820] : memref<32768x128xf32, #tpu.memory_space<hbm>> -> memref<32768x128xf32, #tpu.memory_space<hbm>>
    tpu.enqueue_indirect_dma source(%dma_start3A_815 : memref<32x128xf32, #tpu.memory_space<vmem>>) target(%dma_start3A_821 : memref<32768x128xf32, #tpu.memory_space<hbm>>) offsets(%dma_start3A_818 : memref<32xi32, #tpu.memory_space<vmem>>) semaphore(%arg14 : memref<!tpu.dma_semaphore, #tpu.memory_space<semaphore_mem>>)
    %dma_wait3A_822 = arith.constant 2 : i32
    %dma_wait3A_823 = arith.constant 2 : i32
    %dma_wait3A_824 = arith.constant 0 : i32
    %dma_wait3A_825 = arith.constant 0 : i32
    %dma_wait3A_826 = tpu.memref_slice %arg8[%dma_wait3A_823, %dma_wait3A_824, %dma_wait3A_825] : memref<3x32x1024xf32, #tpu.memory_space<vmem>> -> memref<1x32x1024xf32, #tpu.memory_space<vmem>>
    %dma_wait3A_827 = tpu.memref_squeeze %dma_wait3A_826 : memref<1x32x1024xf32, #tpu.memory_space<vmem>> -> memref<32x1024xf32, #tpu.memory_space<vmem>>
    %dma_wait3A_828 = arith.constant 0 : i32
    %dma_wait3A_829 = tpu.memref_slice %arg6[%dma_wait3A_822, %dma_wait3A_828] : memref<4x32xi32, #tpu.memory_space<vmem>> -> memref<1x32xi32, #tpu.memory_space<vmem>>
    %dma_wait3A_830 = tpu.memref_squeeze %dma_wait3A_829 : memref<1x32xi32, #tpu.memory_space<vmem>> -> memref<32xi32, #tpu.memory_space<vmem>>
    %dma_wait3A_831 = arith.constant 0 : i32
    %dma_wait3A_832 = arith.constant 0 : i32
    %dma_wait3A_833 = tpu.memref_slice %arg2[%dma_wait3A_831, %dma_wait3A_832] : memref<4608x1024xf32, #tpu.memory_space<hbm>> -> memref<4608x1024xf32, #tpu.memory_space<hbm>>
    tpu.wait_indirect_dma semaphore(%arg12 : memref<!tpu.dma_semaphore, #tpu.memory_space<semaphore_mem>>) src(%dma_wait3A_833 : memref<4608x1024xf32, #tpu.memory_space<hbm>>) dst(%dma_wait3A_827 : memref<32x1024xf32, #tpu.memory_space<vmem>>)
    %get3A_834 = arith.constant 2 : i32
    %get3A_835 = arith.index_cast %get3A_834 : i32 to index
    %get3A_836 = arith.constant 0 : index
    %get3A_837 = tpu.vector_load %arg7[%get3A_835, %get3A_836] {strides = array<i32>} : memref<4x32xi32, #tpu.memory_space<vmem>>, vector<16xi32>,
    %add3A_838 = arith.constant 0 : i32
    %add3A_839 = vector.broadcast %add3A_838 : i32 to vector<16xi32>
    %add3A_840 = arith.addi %get3A_837, %add3A_839 : vector<16xi32>
    %swap3A_841 = arith.constant 2 : i32
    %swap3A_842 = arith.constant 0 : i32
    %swap3A_843 = arith.index_cast %swap3A_841 : i32 to index
    %swap3A_844 = arith.index_cast %swap3A_842 : i32 to index
    %swap3A_845 = arith.constant 0 : index
    %swap3A_846 = tpu.vector_load %arg9[%swap3A_843, %swap3A_844, %swap3A_845] {strides = array<i32>} : memref<3x8x32xi32, #tpu.memory_space<vmem>>, vector<16xi32>,
    tpu.vector_store %arg9[%swap3A_843, %swap3A_844, %swap3A_845], %add3A_840 {strides = array<i32>} : memref<3x8x32xi32, #tpu.memory_space<vmem>>, vector<16xi32>,
    %get3A_847 = arith.constant 2 : i32
    %get3A_848 = arith.index_cast %get3A_847 : i32 to index
    %get3A_849 = arith.constant 16 : index
    %get3A_850 = tpu.vector_load %arg7[%get3A_848, %get3A_849] {strides = array<i32>} : memref<4x32xi32, #tpu.memory_space<vmem>>, vector<16xi32>,
    %add3A_851 = arith.constant 0 : i32
    %add3A_852 = vector.broadcast %add3A_851 : i32 to vector<16xi32>
    %add3A_853 = arith.addi %get3A_850, %add3A_852 : vector<16xi32>
    %swap3A_854 = arith.constant 2 : i32
    %swap3A_855 = arith.constant 0 : i32
    %swap3A_856 = arith.index_cast %swap3A_854 : i32 to index
    %swap3A_857 = arith.index_cast %swap3A_855 : i32 to index
    %swap3A_858 = arith.constant 16 : index
    %swap3A_859 = tpu.vector_load %arg9[%swap3A_856, %swap3A_857, %swap3A_858] {strides = array<i32>} : memref<3x8x32xi32, #tpu.memory_space<vmem>>, vector<16xi32>,
    tpu.vector_store %arg9[%swap3A_856, %swap3A_857, %swap3A_858], %add3A_853 {strides = array<i32>} : memref<3x8x32xi32, #tpu.memory_space<vmem>>, vector<16xi32>,
    %get3A_860 = arith.constant 2 : i32
    %get3A_861 = arith.index_cast %get3A_860 : i32 to index
    %get3A_862 = arith.constant 0 : index
    %get3A_863 = tpu.vector_load %arg7[%get3A_861, %get3A_862] {strides = array<i32>} : memref<4x32xi32, #tpu.memory_space<vmem>>, vector<16xi32>,
    %add3A_864 = arith.constant 2 : i32
    %add3A_865 = vector.broadcast %add3A_864 : i32 to vector<16xi32>
    %add3A_866 = arith.addi %get3A_863, %add3A_865 : vector<16xi32>
    %swap3A_867 = arith.constant 2 : i32
    %swap3A_868 = arith.constant 1 : i32
    %swap3A_869 = arith.index_cast %swap3A_867 : i32 to index
    %swap3A_870 = arith.index_cast %swap3A_868 : i32 to index
    %swap3A_871 = arith.constant 0 : index
    %swap3A_872 = tpu.vector_load %arg9[%swap3A_869, %swap3A_870, %swap3A_871] {strides = array<i32>} : memref<3x8x32xi32, #tpu.memory_space<vmem>>, vector<16xi32>,
    tpu.vector_store %arg9[%swap3A_869, %swap3A_870, %swap3A_871], %add3A_866 {strides = array<i32>} : memref<3x8x32xi32, #tpu.memory_space<vmem>>, vector<16xi32>,
    %get3A_873 = arith.constant 2 : i32
    %get3A_874 = arith.index_cast %get3A_873 : i32 to index
    %get3A_875 = arith.constant 16 : index
    %get3A_876 = tpu.vector_load %arg7[%get3A_874, %get3A_875] {strides = array<i32>} : memref<4x32xi32, #tpu.memory_space<vmem>>, vector<16xi32>,
    %add3A_877 = arith.constant 2 : i32
    %add3A_878 = vector.broadcast %add3A_877 : i32 to vector<16xi32>
    %add3A_879 = arith.addi %get3A_876, %add3A_878 : vector<16xi32>
    %swap3A_880 = arith.constant 2 : i32
    %swap3A_881 = arith.constant 1 : i32
    %swap3A_882 = arith.index_cast %swap3A_880 : i32 to index
    %swap3A_883 = arith.index_cast %swap3A_881 : i32 to index
    %swap3A_884 = arith.constant 16 : index
    %swap3A_885 = tpu.vector_load %arg9[%swap3A_882, %swap3A_883, %swap3A_884] {strides = array<i32>} : memref<3x8x32xi32, #tpu.memory_space<vmem>>, vector<16xi32>,
    tpu.vector_store %arg9[%swap3A_882, %swap3A_883, %swap3A_884], %add3A_879 {strides = array<i32>} : memref<3x8x32xi32, #tpu.memory_space<vmem>>, vector<16xi32>,
    %get3A_886 = arith.constant 2 : i32
    %get3A_887 = arith.index_cast %get3A_886 : i32 to index
    %get3A_888 = arith.constant 0 : index
    %get3A_889 = tpu.vector_load %arg7[%get3A_887, %get3A_888] {strides = array<i32>} : memref<4x32xi32, #tpu.memory_space<vmem>>, vector<16xi32>,
    %add3A_890 = arith.constant 4 : i32
    %add3A_891 = vector.broadcast %add3A_890 : i32 to vector<16xi32>
    %add3A_892 = arith.addi %get3A_889, %add3A_891 : vector<16xi32>
    %swap3A_893 = arith.constant 2 : i32
    %swap3A_894 = arith.constant 2 : i32
    %swap3A_895 = arith.index_cast %swap3A_893 : i32 to index
    %swap3A_896 = arith.index_cast %swap3A_894 : i32 to index
    %swap3A_897 = arith.constant 0 : index
    %swap3A_898 = tpu.vector_load %arg9[%swap3A_895, %swap3A_896, %swap3A_897] {strides = array<i32>} : memref<3x8x32xi32, #tpu.memory_space<vmem>>, vector<16xi32>,
    tpu.vector_store %arg9[%swap3A_895, %swap3A_896, %swap3A_897], %add3A_892 {strides = array<i32>} : memref<3x8x32xi32, #tpu.memory_space<vmem>>, vector<16xi32>,
    %get3A_899 = arith.constant 2 : i32
    %get3A_900 = arith.index_cast %get3A_899 : i32 to index
    %get3A_901 = arith.constant 16 : index
    %get3A_902 = tpu.vector_load %arg7[%get3A_900, %get3A_901] {strides = array<i32>} : memref<4x32xi32, #tpu.memory_space<vmem>>, vector<16xi32>,
    %add3A_903 = arith.constant 4 : i32
    %add3A_904 = vector.broadcast %add3A_903 : i32 to vector<16xi32>
    %add3A_905 = arith.addi %get3A_902, %add3A_904 : vector<16xi32>
    %swap3A_906 = arith.constant 2 : i32
    %swap3A_907 = arith.constant 2 : i32
    %swap3A_908 = arith.index_cast %swap3A_906 : i32 to index
    %swap3A_909 = arith.index_cast %swap3A_907 : i32 to index
    %swap3A_910 = arith.constant 16 : index
    %swap3A_911 = tpu.vector_load %arg9[%swap3A_908, %swap3A_909, %swap3A_910] {strides = array<i32>} : memref<3x8x32xi32, #tpu.memory_space<vmem>>, vector<16xi32>,
    tpu.vector_store %arg9[%swap3A_908, %swap3A_909, %swap3A_910], %add3A_905 {strides = array<i32>} : memref<3x8x32xi32, #tpu.memory_space<vmem>>, vector<16xi32>,
    %get3A_912 = arith.constant 2 : i32
    %get3A_913 = arith.index_cast %get3A_912 : i32 to index
    %get3A_914 = arith.constant 0 : index
    %get3A_915 = tpu.vector_load %arg7[%get3A_913, %get3A_914] {strides = array<i32>} : memref<4x32xi32, #tpu.memory_space<vmem>>, vector<16xi32>,
    %add3A_916 = arith.constant 6 : i32
    %add3A_917 = vector.broadcast %add3A_916 : i32 to vector<16xi32>
    %add3A_918 = arith.addi %get3A_915, %add3A_917 : vector<16xi32>
    %swap3A_919 = arith.constant 2 : i32
    %swap3A_920 = arith.constant 3 : i32
    %swap3A_921 = arith.index_cast %swap3A_919 : i32 to index
    %swap3A_922 = arith.index_cast %swap3A_920 : i32 to index
    %swap3A_923 = arith.constant 0 : index
    %swap3A_924 = tpu.vector_load %arg9[%swap3A_921, %swap3A_922, %swap3A_923] {strides = array<i32>} : memref<3x8x32xi32, #tpu.memory_space<vmem>>, vector<16xi32>,
    tpu.vector_store %arg9[%swap3A_921, %swap3A_922, %swap3A_923], %add3A_918 {strides = array<i32>} : memref<3x8x32xi32, #tpu.memory_space<vmem>>, vector<16xi32>,
    %get3A_925 = arith.constant 2 : i32
    %get3A_926 = arith.index_cast %get3A_925 : i32 to index
    %get3A_927 = arith.constant 16 : index
    %get3A_928 = tpu.vector_load %arg7[%get3A_926, %get3A_927] {strides = array<i32>} : memref<4x32xi32, #tpu.memory_space<vmem>>, vector<16xi32>,
    %add3A_929 = arith.constant 6 : i32
    %add3A_930 = vector.broadcast %add3A_929 : i32 to vector<16xi32>
    %add3A_931 = arith.addi %get3A_928, %add3A_930 : vector<16xi32>
    %swap3A_932 = arith.constant 2 : i32
    %swap3A_933 = arith.constant 3 : i32
    %swap3A_934 = arith.index_cast %swap3A_932 : i32 to index
    %swap3A_935 = arith.index_cast %swap3A_933 : i32 to index
    %swap3A_936 = arith.constant 16 : index
    %swap3A_937 = tpu.vector_load %arg9[%swap3A_934, %swap3A_935, %swap3A_936] {strides = array<i32>} : memref<3x8x32xi32, #tpu.memory_space<vmem>>, vector<16xi32>,
    tpu.vector_store %arg9[%swap3A_934, %swap3A_935, %swap3A_936], %add3A_931 {strides = array<i32>} : memref<3x8x32xi32, #tpu.memory_space<vmem>>, vector<16xi32>,
    %get3A_938 = arith.constant 2 : i32
    %get3A_939 = arith.index_cast %get3A_938 : i32 to index
    %get3A_940 = arith.constant 0 : index
    %get3A_941 = tpu.vector_load %arg7[%get3A_939, %get3A_940] {strides = array<i32>} : memref<4x32xi32, #tpu.memory_space<vmem>>, vector<16xi32>,
    %add3A_942 = arith.constant 8 : i32
    %add3A_943 = vector.broadcast %add3A_942 : i32 to vector<16xi32>
    %add3A_944 = arith.addi %get3A_941, %add3A_943 : vector<16xi32>
    %swap3A_945 = arith.constant 2 : i32
    %swap3A_946 = arith.constant 4 : i32
    %swap3A_947 = arith.index_cast %swap3A_945 : i32 to index
    %swap3A_948 = arith.index_cast %swap3A_946 : i32 to index
    %swap3A_949 = arith.constant 0 : index
    %swap3A_950 = tpu.vector_load %arg9[%swap3A_947, %swap3A_948, %swap3A_949] {strides = array<i32>} : memref<3x8x32xi32, #tpu.memory_space<vmem>>, vector<16xi32>,
    tpu.vector_store %arg9[%swap3A_947, %swap3A_948, %swap3A_949], %add3A_944 {strides = array<i32>} : memref<3x8x32xi32, #tpu.memory_space<vmem>>, vector<16xi32>,
    %get3A_951 = arith.constant 2 : i32
    %get3A_952 = arith.index_cast %get3A_951 : i32 to index
    %get3A_953 = arith.constant 16 : index
    %get3A_954 = tpu.vector_load %arg7[%get3A_952, %get3A_953] {strides = array<i32>} : memref<4x32xi32, #tpu.memory_space<vmem>>, vector<16xi32>,
    %add3A_955 = arith.constant 8 : i32
    %add3A_956 = vector.broadcast %add3A_955 : i32 to vector<16xi32>
    %add3A_957 = arith.addi %get3A_954, %add3A_956 : vector<16xi32>
    %swap3A_958 = arith.constant 2 : i32
    %swap3A_959 = arith.constant 4 : i32
    %swap3A_960 = arith.index_cast %swap3A_958 : i32 to index
    %swap3A_961 = arith.index_cast %swap3A_959 : i32 to index
    %swap3A_962 = arith.constant 16 : index
    %swap3A_963 = tpu.vector_load %arg9[%swap3A_960, %swap3A_961, %swap3A_962] {strides = array<i32>} : memref<3x8x32xi32, #tpu.memory_space<vmem>>, vector<16xi32>,
    tpu.vector_store %arg9[%swap3A_960, %swap3A_961, %swap3A_962], %add3A_957 {strides = array<i32>} : memref<3x8x32xi32, #tpu.memory_space<vmem>>, vector<16xi32>,
    %get3A_964 = arith.constant 2 : i32
    %get3A_965 = arith.index_cast %get3A_964 : i32 to index
    %get3A_966 = arith.constant 0 : index
    %get3A_967 = tpu.vector_load %arg7[%get3A_965, %get3A_966] {strides = array<i32>} : memref<4x32xi32, #tpu.memory_space<vmem>>, vector<16xi32>,
    %add3A_968 = arith.constant 10 : i32
    %add3A_969 = vector.broadcast %add3A_968 : i32 to vector<16xi32>
    %add3A_970 = arith.addi %get3A_967, %add3A_969 : vector<16xi32>
    %swap3A_971 = arith.constant 2 : i32
    %swap3A_972 = arith.constant 5 : i32
    %swap3A_973 = arith.index_cast %swap3A_971 : i32 to index
    %swap3A_974 = arith.index_cast %swap3A_972 : i32 to index
    %swap3A_975 = arith.constant 0 : index
    %swap3A_976 = tpu.vector_load %arg9[%swap3A_973, %swap3A_974, %swap3A_975] {strides = array<i32>} : memref<3x8x32xi32, #tpu.memory_space<vmem>>, vector<16xi32>,
    tpu.vector_store %arg9[%swap3A_973, %swap3A_974, %swap3A_975], %add3A_970 {strides = array<i32>} : memref<3x8x32xi32, #tpu.memory_space<vmem>>, vector<16xi32>,
    %get3A_977 = arith.constant 2 : i32
    %get3A_978 = arith.index_cast %get3A_977 : i32 to index
    %get3A_979 = arith.constant 16 : index
    %get3A_980 = tpu.vector_load %arg7[%get3A_978, %get3A_979] {strides = array<i32>} : memref<4x32xi32, #tpu.memory_space<vmem>>, vector<16xi32>,
    %add3A_981 = arith.constant 10 : i32
    %add3A_982 = vector.broadcast %add3A_981 : i32 to vector<16xi32>
    %add3A_983 = arith.addi %get3A_980, %add3A_982 : vector<16xi32>
    %swap3A_984 = arith.constant 2 : i32
    %swap3A_985 = arith.constant 5 : i32
    %swap3A_986 = arith.index_cast %swap3A_984 : i32 to index
    %swap3A_987 = arith.index_cast %swap3A_985 : i32 to index
    %swap3A_988 = arith.constant 16 : index
    %swap3A_989 = tpu.vector_load %arg9[%swap3A_986, %swap3A_987, %swap3A_988] {strides = array<i32>} : memref<3x8x32xi32, #tpu.memory_space<vmem>>, vector<16xi32>,
    tpu.vector_store %arg9[%swap3A_986, %swap3A_987, %swap3A_988], %add3A_983 {strides = array<i32>} : memref<3x8x32xi32, #tpu.memory_space<vmem>>, vector<16xi32>,
    %get3A_990 = arith.constant 2 : i32
    %get3A_991 = arith.index_cast %get3A_990 : i32 to index
    %get3A_992 = arith.constant 0 : index
    %get3A_993 = tpu.vector_load %arg7[%get3A_991, %get3A_992] {strides = array<i32>} : memref<4x32xi32, #tpu.memory_space<vmem>>, vector<16xi32>,
    %add3A_994 = arith.constant 12 : i32
    %add3A_995 = vector.broadcast %add3A_994 : i32 to vector<16xi32>
    %add3A_996 = arith.addi %get3A_993, %add3A_995 : vector<16xi32>
    %swap3A_997 = arith.constant 2 : i32
    %swap3A_998 = arith.constant 6 : i32
    %swap3A_999 = arith.index_cast %swap3A_997 : i32 to index
    %swap3A_1000 = arith.index_cast %swap3A_998 : i32 to index
    %swap3A_1001 = arith.constant 0 : index
    %swap3A_1002 = tpu.vector_load %arg9[%swap3A_999, %swap3A_1000, %swap3A_1001] {strides = array<i32>} : memref<3x8x32xi32, #tpu.memory_space<vmem>>, vector<16xi32>,
    tpu.vector_store %arg9[%swap3A_999, %swap3A_1000, %swap3A_1001], %add3A_996 {strides = array<i32>} : memref<3x8x32xi32, #tpu.memory_space<vmem>>, vector<16xi32>,
    %get3A_1003 = arith.constant 2 : i32
    %get3A_1004 = arith.index_cast %get3A_1003 : i32 to index
    %get3A_1005 = arith.constant 16 : index
    %get3A_1006 = tpu.vector_load %arg7[%get3A_1004, %get3A_1005] {strides = array<i32>} : memref<4x32xi32, #tpu.memory_space<vmem>>, vector<16xi32>,
    %add3A_1007 = arith.constant 12 : i32
    %add3A_1008 = vector.broadcast %add3A_1007 : i32 to vector<16xi32>
    %add3A_1009 = arith.addi %get3A_1006, %add3A_1008 : vector<16xi32>
    %swap3A_1010 = arith.constant 2 : i32
    %swap3A_1011 = arith.constant 6 : i32
    %swap3A_1012 = arith.index_cast %swap3A_1010 : i32 to index
    %swap3A_1013 = arith.index_cast %swap3A_1011 : i32 to index
    %swap3A_1014 = arith.constant 16 : index
    %swap3A_1015 = tpu.vector_load %arg9[%swap3A_1012, %swap3A_1013, %swap3A_1014] {strides = array<i32>} : memref<3x8x32xi32, #tpu.memory_space<vmem>>, vector<16xi32>,
    tpu.vector_store %arg9[%swap3A_1012, %swap3A_1013, %swap3A_1014], %add3A_1009 {strides = array<i32>} : memref<3x8x32xi32, #tpu.memory_space<vmem>>, vector<16xi32>,
    %get3A_1016 = arith.constant 2 : i32
    %get3A_1017 = arith.index_cast %get3A_1016 : i32 to index
    %get3A_1018 = arith.constant 0 : index
    %get3A_1019 = tpu.vector_load %arg7[%get3A_1017, %get3A_1018] {strides = array<i32>} : memref<4x32xi32, #tpu.memory_space<vmem>>, vector<16xi32>,
    %add3A_1020 = arith.constant 14 : i32
    %add3A_1021 = vector.broadcast %add3A_1020 : i32 to vector<16xi32>
    %add3A_1022 = arith.addi %get3A_1019, %add3A_1021 : vector<16xi32>
    %swap3A_1023 = arith.constant 2 : i32
    %swap3A_1024 = arith.constant 7 : i32
    %swap3A_1025 = arith.index_cast %swap3A_1023 : i32 to index
    %swap3A_1026 = arith.index_cast %swap3A_1024 : i32 to index
    %swap3A_1027 = arith.constant 0 : index
    %swap3A_1028 = tpu.vector_load %arg9[%swap3A_1025, %swap3A_1026, %swap3A_1027] {strides = array<i32>} : memref<3x8x32xi32, #tpu.memory_space<vmem>>, vector<16xi32>,
    tpu.vector_store %arg9[%swap3A_1025, %swap3A_1026, %swap3A_1027], %add3A_1022 {strides = array<i32>} : memref<3x8x32xi32, #tpu.memory_space<vmem>>, vector<16xi32>,
    %get3A_1029 = arith.constant 2 : i32
    %get3A_1030 = arith.index_cast %get3A_1029 : i32 to index
    %get3A_1031 = arith.constant 16 : index
    %get3A_1032 = tpu.vector_load %arg7[%get3A_1030, %get3A_1031] {strides = array<i32>} : memref<4x32xi32, #tpu.memory_space<vmem>>, vector<16xi32>,
    %add3A_1033 = arith.constant 14 : i32
    %add3A_1034 = vector.broadcast %add3A_1033 : i32 to vector<16xi32>
    %add3A_1035 = arith.addi %get3A_1032, %add3A_1034 : vector<16xi32>
    %swap3A_1036 = arith.constant 2 : i32
    %swap3A_1037 = arith.constant 7 : i32
    %swap3A_1038 = arith.index_cast %swap3A_1036 : i32 to index
    %swap3A_1039 = arith.index_cast %swap3A_1037 : i32 to index
    %swap3A_1040 = arith.constant 16 : index
    %swap3A_1041 = tpu.vector_load %arg9[%swap3A_1038, %swap3A_1039, %swap3A_1040] {strides = array<i32>} : memref<3x8x32xi32, #tpu.memory_space<vmem>>, vector<16xi32>,
    tpu.vector_store %arg9[%swap3A_1038, %swap3A_1039, %swap3A_1040], %add3A_1035 {strides = array<i32>} : memref<3x8x32xi32, #tpu.memory_space<vmem>>, vector<16xi32>,
    %dma_start3A_1042 = arith.constant 2 : i32
    %dma_start3A_1043 = arith.constant 2 : i32
    %dma_start3A_1044 = arith.constant 0 : i32
    %dma_start3A_1045 = arith.constant 0 : i32
    %dma_start3A_1046 = arith.constant 0 : i32
    %dma_start3A_1047 = tpu.memref_slice %arg8[%dma_start3A_1042, %dma_start3A_1045, %dma_start3A_1046] : memref<3x32x1024xf32, #tpu.memory_space<vmem>> -> memref<1x32x128xf32, #tpu.memory_space<vmem>>
    %dma_start3A_1048 = tpu.memref_squeeze %dma_start3A_1047 : memref<1x32x128xf32, #tpu.memory_space<vmem>> -> memref<32x128xf32, #tpu.memory_space<vmem>>
    %dma_start3A_1049 = arith.constant 0 : i32
    %dma_start3A_1050 = tpu.memref_slice %arg9[%dma_start3A_1043, %dma_start3A_1044, %dma_start3A_1049] : memref<3x8x32xi32, #tpu.memory_space<vmem>> -> memref<1x1x32xi32, #tpu.memory_space<vmem>>
    %dma_start3A_1051 = tpu.memref_squeeze %dma_start3A_1050 : memref<1x1x32xi32, #tpu.memory_space<vmem>> -> memref<32xi32, #tpu.memory_space<vmem>>
    %dma_start3A_1052 = arith.constant 0 : i32
    %dma_start3A_1053 = arith.constant 0 : i32
    %dma_start3A_1054 = tpu.memref_slice %arg5[%dma_start3A_1052, %dma_start3A_1053] : memref<32768x128xf32, #tpu.memory_space<hbm>> -> memref<32768x128xf32, #tpu.memory_space<hbm>>
    tpu.enqueue_indirect_dma source(%dma_start3A_1048 : memref<32x128xf32, #tpu.memory_space<vmem>>) target(%dma_start3A_1054 : memref<32768x128xf32, #tpu.memory_space<hbm>>) offsets(%dma_start3A_1051 : memref<32xi32, #tpu.memory_space<vmem>>) semaphore(%arg15 : memref<!tpu.dma_semaphore, #tpu.memory_space<semaphore_mem>>)
    %dma_start3A_1055 = arith.constant 2 : i32
    %dma_start3A_1056 = arith.constant 2 : i32
    %dma_start3A_1057 = arith.constant 1 : i32
    %dma_start3A_1058 = arith.constant 0 : i32
    %dma_start3A_1059 = arith.constant 128 : i32
    %dma_start3A_1060 = tpu.memref_slice %arg8[%dma_start3A_1055, %dma_start3A_1058, %dma_start3A_1059] : memref<3x32x1024xf32, #tpu.memory_space<vmem>> -> memref<1x32x128xf32, #tpu.memory_space<vmem>>
    %dma_start3A_1061 = tpu.memref_squeeze %dma_start3A_1060 : memref<1x32x128xf32, #tpu.memory_space<vmem>> -> memref<32x128xf32, #tpu.memory_space<vmem>>
    %dma_start3A_1062 = arith.constant 0 : i32
    %dma_start3A_1063 = tpu.memref_slice %arg9[%dma_start3A_1056, %dma_start3A_1057, %dma_start3A_1062] : memref<3x8x32xi32, #tpu.memory_space<vmem>> -> memref<1x1x32xi32, #tpu.memory_space<vmem>>
    %dma_start3A_1064 = tpu.memref_squeeze %dma_start3A_1063 : memref<1x1x32xi32, #tpu.memory_space<vmem>> -> memref<32xi32, #tpu.memory_space<vmem>>
    %dma_start3A_1065 = arith.constant 0 : i32
    %dma_start3A_1066 = arith.constant 0 : i32
    %dma_start3A_1067 = tpu.memref_slice %arg5[%dma_start3A_1065, %dma_start3A_1066] : memref<32768x128xf32, #tpu.memory_space<hbm>> -> memref<32768x128xf32, #tpu.memory_space<hbm>>
    tpu.enqueue_indirect_dma source(%dma_start3A_1061 : memref<32x128xf32, #tpu.memory_space<vmem>>) target(%dma_start3A_1067 : memref<32768x128xf32, #tpu.memory_space<hbm>>) offsets(%dma_start3A_1064 : memref<32xi32, #tpu.memory_space<vmem>>) semaphore(%arg15 : memref<!tpu.dma_semaphore, #tpu.memory_space<semaphore_mem>>)
    %dma_start3A_1068 = arith.constant 2 : i32
    %dma_start3A_1069 = arith.constant 2 : i32
    %dma_start3A_1070 = arith.constant 2 : i32
    %dma_start3A_1071 = arith.constant 0 : i32
    %dma_start3A_1072 = arith.constant 256 : i32
    %dma_start3A_1073 = tpu.memref_slice %arg8[%dma_start3A_1068, %dma_start3A_1071, %dma_start3A_1072] : memref<3x32x1024xf32, #tpu.memory_space<vmem>> -> memref<1x32x128xf32, #tpu.memory_space<vmem>>
    %dma_start3A_1074 = tpu.memref_squeeze %dma_start3A_1073 : memref<1x32x128xf32, #tpu.memory_space<vmem>> -> memref<32x128xf32, #tpu.memory_space<vmem>>
    %dma_start3A_1075 = arith.constant 0 : i32
    %dma_start3A_1076 = tpu.memref_slice %arg9[%dma_start3A_1069, %dma_start3A_1070, %dma_start3A_1075] : memref<3x8x32xi32, #tpu.memory_space<vmem>> -> memref<1x1x32xi32, #tpu.memory_space<vmem>>
    %dma_start3A_1077 = tpu.memref_squeeze %dma_start3A_1076 : memref<1x1x32xi32, #tpu.memory_space<vmem>> -> memref<32xi32, #tpu.memory_space<vmem>>
    %dma_start3A_1078 = arith.constant 0 : i32
    %dma_start3A_1079 = arith.constant 0 : i32
    %dma_start3A_1080 = tpu.memref_slice %arg5[%dma_start3A_1078, %dma_start3A_1079] : memref<32768x128xf32, #tpu.memory_space<hbm>> -> memref<32768x128xf32, #tpu.memory_space<hbm>>
    tpu.enqueue_indirect_dma source(%dma_start3A_1074 : memref<32x128xf32, #tpu.memory_space<vmem>>) target(%dma_start3A_1080 : memref<32768x128xf32, #tpu.memory_space<hbm>>) offsets(%dma_start3A_1077 : memref<32xi32, #tpu.memory_space<vmem>>) semaphore(%arg15 : memref<!tpu.dma_semaphore, #tpu.memory_space<semaphore_mem>>)
    %dma_start3A_1081 = arith.constant 2 : i32
    %dma_start3A_1082 = arith.constant 2 : i32
    %dma_start3A_1083 = arith.constant 3 : i32
    %dma_start3A_1084 = arith.constant 0 : i32
    %dma_start3A_1085 = arith.constant 384 : i32
    %dma_start3A_1086 = tpu.memref_slice %arg8[%dma_start3A_1081, %dma_start3A_1084, %dma_start3A_1085] : memref<3x32x1024xf32, #tpu.memory_space<vmem>> -> memref<1x32x128xf32, #tpu.memory_space<vmem>>
    %dma_start3A_1087 = tpu.memref_squeeze %dma_start3A_1086 : memref<1x32x128xf32, #tpu.memory_space<vmem>> -> memref<32x128xf32, #tpu.memory_space<vmem>>
    %dma_start3A_1088 = arith.constant 0 : i32
    %dma_start3A_1089 = tpu.memref_slice %arg9[%dma_start3A_1082, %dma_start3A_1083, %dma_start3A_1088] : memref<3x8x32xi32, #tpu.memory_space<vmem>> -> memref<1x1x32xi32, #tpu.memory_space<vmem>>
    %dma_start3A_1090 = tpu.memref_squeeze %dma_start3A_1089 : memref<1x1x32xi32, #tpu.memory_space<vmem>> -> memref<32xi32, #tpu.memory_space<vmem>>
    %dma_start3A_1091 = arith.constant 0 : i32
    %dma_start3A_1092 = arith.constant 0 : i32
    %dma_start3A_1093 = tpu.memref_slice %arg5[%dma_start3A_1091, %dma_start3A_1092] : memref<32768x128xf32, #tpu.memory_space<hbm>> -> memref<32768x128xf32, #tpu.memory_space<hbm>>
    tpu.enqueue_indirect_dma source(%dma_start3A_1087 : memref<32x128xf32, #tpu.memory_space<vmem>>) target(%dma_start3A_1093 : memref<32768x128xf32, #tpu.memory_space<hbm>>) offsets(%dma_start3A_1090 : memref<32xi32, #tpu.memory_space<vmem>>) semaphore(%arg15 : memref<!tpu.dma_semaphore, #tpu.memory_space<semaphore_mem>>)
    %dma_start3A_1094 = arith.constant 2 : i32
    %dma_start3A_1095 = arith.constant 2 : i32
    %dma_start3A_1096 = arith.constant 4 : i32
    %dma_start3A_1097 = arith.constant 0 : i32
    %dma_start3A_1098 = arith.constant 512 : i32
    %dma_start3A_1099 = tpu.memref_slice %arg8[%dma_start3A_1094, %dma_start3A_1097, %dma_start3A_1098] : memref<3x32x1024xf32, #tpu.memory_space<vmem>> -> memref<1x32x128xf32, #tpu.memory_space<vmem>>
    %dma_start3A_1100 = tpu.memref_squeeze %dma_start3A_1099 : memref<1x32x128xf32, #tpu.memory_space<vmem>> -> memref<32x128xf32, #tpu.memory_space<vmem>>
    %dma_start3A_1101 = arith.constant 0 : i32
    %dma_start3A_1102 = tpu.memref_slice %arg9[%dma_start3A_1095, %dma_start3A_1096, %dma_start3A_1101] : memref<3x8x32xi32, #tpu.memory_space<vmem>> -> memref<1x1x32xi32, #tpu.memory_space<vmem>>
    %dma_start3A_1103 = tpu.memref_squeeze %dma_start3A_1102 : memref<1x1x32xi32, #tpu.memory_space<vmem>> -> memref<32xi32, #tpu.memory_space<vmem>>
    %dma_start3A_1104 = arith.constant 0 : i32
    %dma_start3A_1105 = arith.constant 0 : i32
    %dma_start3A_1106 = tpu.memref_slice %arg5[%dma_start3A_1104, %dma_start3A_1105] : memref<32768x128xf32, #tpu.memory_space<hbm>> -> memref<32768x128xf32, #tpu.memory_space<hbm>>
    tpu.enqueue_indirect_dma source(%dma_start3A_1100 : memref<32x128xf32, #tpu.memory_space<vmem>>) target(%dma_start3A_1106 : memref<32768x128xf32, #tpu.memory_space<hbm>>) offsets(%dma_start3A_1103 : memref<32xi32, #tpu.memory_space<vmem>>) semaphore(%arg15 : memref<!tpu.dma_semaphore, #tpu.memory_space<semaphore_mem>>)
    %dma_start3A_1107 = arith.constant 2 : i32
    %dma_start3A_1108 = arith.constant 2 : i32
    %dma_start3A_1109 = arith.constant 5 : i32
    %dma_start3A_1110 = arith.constant 0 : i32
    %dma_start3A_1111 = arith.constant 640 : i32
    %dma_start3A_1112 = tpu.memref_slice %arg8[%dma_start3A_1107, %dma_start3A_1110, %dma_start3A_1111] : memref<3x32x1024xf32, #tpu.memory_space<vmem>> -> memref<1x32x128xf32, #tpu.memory_space<vmem>>
    %dma_start3A_1113 = tpu.memref_squeeze %dma_start3A_1112 : memref<1x32x128xf32, #tpu.memory_space<vmem>> -> memref<32x128xf32, #tpu.memory_space<vmem>>
    %dma_start3A_1114 = arith.constant 0 : i32
    %dma_start3A_1115 = tpu.memref_slice %arg9[%dma_start3A_1108, %dma_start3A_1109, %dma_start3A_1114] : memref<3x8x32xi32, #tpu.memory_space<vmem>> -> memref<1x1x32xi32, #tpu.memory_space<vmem>>
    %dma_start3A_1116 = tpu.memref_squeeze %dma_start3A_1115 : memref<1x1x32xi32, #tpu.memory_space<vmem>> -> memref<32xi32, #tpu.memory_space<vmem>>
    %dma_start3A_1117 = arith.constant 0 : i32
    %dma_start3A_1118 = arith.constant 0 : i32
    %dma_start3A_1119 = tpu.memref_slice %arg5[%dma_start3A_1117, %dma_start3A_1118] : memref<32768x128xf32, #tpu.memory_space<hbm>> -> memref<32768x128xf32, #tpu.memory_space<hbm>>
    tpu.enqueue_indirect_dma source(%dma_start3A_1113 : memref<32x128xf32, #tpu.memory_space<vmem>>) target(%dma_start3A_1119 : memref<32768x128xf32, #tpu.memory_space<hbm>>) offsets(%dma_start3A_1116 : memref<32xi32, #tpu.memory_space<vmem>>) semaphore(%arg15 : memref<!tpu.dma_semaphore, #tpu.memory_space<semaphore_mem>>)
    %dma_start3A_1120 = arith.constant 2 : i32
    %dma_start3A_1121 = arith.constant 2 : i32
    %dma_start3A_1122 = arith.constant 6 : i32
    %dma_start3A_1123 = arith.constant 0 : i32
    %dma_start3A_1124 = arith.constant 768 : i32
    %dma_start3A_1125 = tpu.memref_slice %arg8[%dma_start3A_1120, %dma_start3A_1123, %dma_start3A_1124] : memref<3x32x1024xf32, #tpu.memory_space<vmem>> -> memref<1x32x128xf32, #tpu.memory_space<vmem>>
    %dma_start3A_1126 = tpu.memref_squeeze %dma_start3A_1125 : memref<1x32x128xf32, #tpu.memory_space<vmem>> -> memref<32x128xf32, #tpu.memory_space<vmem>>
    %dma_start3A_1127 = arith.constant 0 : i32
    %dma_start3A_1128 = tpu.memref_slice %arg9[%dma_start3A_1121, %dma_start3A_1122, %dma_start3A_1127] : memref<3x8x32xi32, #tpu.memory_space<vmem>> -> memref<1x1x32xi32, #tpu.memory_space<vmem>>
    %dma_start3A_1129 = tpu.memref_squeeze %dma_start3A_1128 : memref<1x1x32xi32, #tpu.memory_space<vmem>> -> memref<32xi32, #tpu.memory_space<vmem>>
    %dma_start3A_1130 = arith.constant 0 : i32
    %dma_start3A_1131 = arith.constant 0 : i32
    %dma_start3A_1132 = tpu.memref_slice %arg5[%dma_start3A_1130, %dma_start3A_1131] : memref<32768x128xf32, #tpu.memory_space<hbm>> -> memref<32768x128xf32, #tpu.memory_space<hbm>>
    tpu.enqueue_indirect_dma source(%dma_start3A_1126 : memref<32x128xf32, #tpu.memory_space<vmem>>) target(%dma_start3A_1132 : memref<32768x128xf32, #tpu.memory_space<hbm>>) offsets(%dma_start3A_1129 : memref<32xi32, #tpu.memory_space<vmem>>) semaphore(%arg15 : memref<!tpu.dma_semaphore, #tpu.memory_space<semaphore_mem>>)
    %dma_start3A_1133 = arith.constant 2 : i32
    %dma_start3A_1134 = arith.constant 2 : i32
    %dma_start3A_1135 = arith.constant 7 : i32
    %dma_start3A_1136 = arith.constant 0 : i32
    %dma_start3A_1137 = arith.constant 896 : i32
    %dma_start3A_1138 = tpu.memref_slice %arg8[%dma_start3A_1133, %dma_start3A_1136, %dma_start3A_1137] : memref<3x32x1024xf32, #tpu.memory_space<vmem>> -> memref<1x32x128xf32, #tpu.memory_space<vmem>>
    %dma_start3A_1139 = tpu.memref_squeeze %dma_start3A_1138 : memref<1x32x128xf32, #tpu.memory_space<vmem>> -> memref<32x128xf32, #tpu.memory_space<vmem>>
    %dma_start3A_1140 = arith.constant 0 : i32
    %dma_start3A_1141 = tpu.memref_slice %arg9[%dma_start3A_1134, %dma_start3A_1135, %dma_start3A_1140] : memref<3x8x32xi32, #tpu.memory_space<vmem>> -> memref<1x1x32xi32, #tpu.memory_space<vmem>>
    %dma_start3A_1142 = tpu.memref_squeeze %dma_start3A_1141 : memref<1x1x32xi32, #tpu.memory_space<vmem>> -> memref<32xi32, #tpu.memory_space<vmem>>
    %dma_start3A_1143 = arith.constant 0 : i32
    %dma_start3A_1144 = arith.constant 0 : i32
    %dma_start3A_1145 = tpu.memref_slice %arg5[%dma_start3A_1143, %dma_start3A_1144] : memref<32768x128xf32, #tpu.memory_space<hbm>> -> memref<32768x128xf32, #tpu.memory_space<hbm>>
    tpu.enqueue_indirect_dma source(%dma_start3A_1139 : memref<32x128xf32, #tpu.memory_space<vmem>>) target(%dma_start3A_1145 : memref<32768x128xf32, #tpu.memory_space<hbm>>) offsets(%dma_start3A_1142 : memref<32xi32, #tpu.memory_space<vmem>>) semaphore(%arg15 : memref<!tpu.dma_semaphore, #tpu.memory_space<semaphore_mem>>)
    %dma_wait3A_1146 = arith.constant 3 : i32
    %dma_wait3A_1147 = arith.constant 0 : i32
    %dma_wait3A_1148 = arith.constant 0 : i32
    %dma_wait3A_1149 = arith.constant 0 : i32
    %dma_wait3A_1150 = tpu.memref_slice %arg8[%dma_wait3A_1147, %dma_wait3A_1148, %dma_wait3A_1149] : memref<3x32x1024xf32, #tpu.memory_space<vmem>> -> memref<1x32x1024xf32, #tpu.memory_space<vmem>>
    %dma_wait3A_1151 = tpu.memref_squeeze %dma_wait3A_1150 : memref<1x32x1024xf32, #tpu.memory_space<vmem>> -> memref<32x1024xf32, #tpu.memory_space<vmem>>
    %dma_wait3A_1152 = arith.constant 0 : i32
    %dma_wait3A_1153 = tpu.memref_slice %arg6[%dma_wait3A_1146, %dma_wait3A_1152] : memref<4x32xi32, #tpu.memory_space<vmem>> -> memref<1x32xi32, #tpu.memory_space<vmem>>
    %dma_wait3A_1154 = tpu.memref_squeeze %dma_wait3A_1153 : memref<1x32xi32, #tpu.memory_space<vmem>> -> memref<32xi32, #tpu.memory_space<vmem>>
    %dma_wait3A_1155 = arith.constant 0 : i32
    %dma_wait3A_1156 = arith.constant 0 : i32
    %dma_wait3A_1157 = tpu.memref_slice %arg2[%dma_wait3A_1155, %dma_wait3A_1156] : memref<4608x1024xf32, #tpu.memory_space<hbm>> -> memref<4608x1024xf32, #tpu.memory_space<hbm>>
    tpu.wait_indirect_dma semaphore(%arg10 : memref<!tpu.dma_semaphore, #tpu.memory_space<semaphore_mem>>) src(%dma_wait3A_1157 : memref<4608x1024xf32, #tpu.memory_space<hbm>>) dst(%dma_wait3A_1151 : memref<32x1024xf32, #tpu.memory_space<vmem>>)
    %get3A_1158 = arith.constant 3 : i32
    %get3A_1159 = arith.index_cast %get3A_1158 : i32 to index
    %get3A_1160 = arith.constant 0 : index
    %get3A_1161 = tpu.vector_load %arg7[%get3A_1159, %get3A_1160] {strides = array<i32>} : memref<4x32xi32, #tpu.memory_space<vmem>>, vector<16xi32>,
    %add3A_1162 = arith.constant 0 : i32
    %add3A_1163 = vector.broadcast %add3A_1162 : i32 to vector<16xi32>
    %add3A_1164 = arith.addi %get3A_1161, %add3A_1163 : vector<16xi32>
    %swap3A_1165 = arith.constant 0 : i32
    %swap3A_1166 = arith.constant 0 : i32
    %swap3A_1167 = arith.index_cast %swap3A_1165 : i32 to index
    %swap3A_1168 = arith.index_cast %swap3A_1166 : i32 to index
    %swap3A_1169 = arith.constant 0 : index
    %swap3A_1170 = tpu.vector_load %arg9[%swap3A_1167, %swap3A_1168, %swap3A_1169] {strides = array<i32>} : memref<3x8x32xi32, #tpu.memory_space<vmem>>, vector<16xi32>,
    tpu.vector_store %arg9[%swap3A_1167, %swap3A_1168, %swap3A_1169], %add3A_1164 {strides = array<i32>} : memref<3x8x32xi32, #tpu.memory_space<vmem>>, vector<16xi32>,
    %get3A_1171 = arith.constant 3 : i32
    %get3A_1172 = arith.index_cast %get3A_1171 : i32 to index
    %get3A_1173 = arith.constant 16 : index
    %get3A_1174 = tpu.vector_load %arg7[%get3A_1172, %get3A_1173] {strides = array<i32>} : memref<4x32xi32, #tpu.memory_space<vmem>>, vector<16xi32>,
    %add3A_1175 = arith.constant 0 : i32
    %add3A_1176 = vector.broadcast %add3A_1175 : i32 to vector<16xi32>
    %add3A_1177 = arith.addi %get3A_1174, %add3A_1176 : vector<16xi32>
    %swap3A_1178 = arith.constant 0 : i32
    %swap3A_1179 = arith.constant 0 : i32
    %swap3A_1180 = arith.index_cast %swap3A_1178 : i32 to index
    %swap3A_1181 = arith.index_cast %swap3A_1179 : i32 to index
    %swap3A_1182 = arith.constant 16 : index
    %swap3A_1183 = tpu.vector_load %arg9[%swap3A_1180, %swap3A_1181, %swap3A_1182] {strides = array<i32>} : memref<3x8x32xi32, #tpu.memory_space<vmem>>, vector<16xi32>,
    tpu.vector_store %arg9[%swap3A_1180, %swap3A_1181, %swap3A_1182], %add3A_1177 {strides = array<i32>} : memref<3x8x32xi32, #tpu.memory_space<vmem>>, vector<16xi32>,
    %get3A_1184 = arith.constant 3 : i32
    %get3A_1185 = arith.index_cast %get3A_1184 : i32 to index
    %get3A_1186 = arith.constant 0 : index
    %get3A_1187 = tpu.vector_load %arg7[%get3A_1185, %get3A_1186] {strides = array<i32>} : memref<4x32xi32, #tpu.memory_space<vmem>>, vector<16xi32>,
    %add3A_1188 = arith.constant 2 : i32
    %add3A_1189 = vector.broadcast %add3A_1188 : i32 to vector<16xi32>
    %add3A_1190 = arith.addi %get3A_1187, %add3A_1189 : vector<16xi32>
    %swap3A_1191 = arith.constant 0 : i32
    %swap3A_1192 = arith.constant 1 : i32
    %swap3A_1193 = arith.index_cast %swap3A_1191 : i32 to index
    %swap3A_1194 = arith.index_cast %swap3A_1192 : i32 to index
    %swap3A_1195 = arith.constant 0 : index
    %swap3A_1196 = tpu.vector_load %arg9[%swap3A_1193, %swap3A_1194, %swap3A_1195] {strides = array<i32>} : memref<3x8x32xi32, #tpu.memory_space<vmem>>, vector<16xi32>,
    tpu.vector_store %arg9[%swap3A_1193, %swap3A_1194, %swap3A_1195], %add3A_1190 {strides = array<i32>} : memref<3x8x32xi32, #tpu.memory_space<vmem>>, vector<16xi32>,
    %get3A_1197 = arith.constant 3 : i32
    %get3A_1198 = arith.index_cast %get3A_1197 : i32 to index
    %get3A_1199 = arith.constant 16 : index
    %get3A_1200 = tpu.vector_load %arg7[%get3A_1198, %get3A_1199] {strides = array<i32>} : memref<4x32xi32, #tpu.memory_space<vmem>>, vector<16xi32>,
    %add3A_1201 = arith.constant 2 : i32
    %add3A_1202 = vector.broadcast %add3A_1201 : i32 to vector<16xi32>
    %add3A_1203 = arith.addi %get3A_1200, %add3A_1202 : vector<16xi32>
    %swap3A_1204 = arith.constant 0 : i32
    %swap3A_1205 = arith.constant 1 : i32
    %swap3A_1206 = arith.index_cast %swap3A_1204 : i32 to index
    %swap3A_1207 = arith.index_cast %swap3A_1205 : i32 to index
    %swap3A_1208 = arith.constant 16 : index
    %swap3A_1209 = tpu.vector_load %arg9[%swap3A_1206, %swap3A_1207, %swap3A_1208] {strides = array<i32>} : memref<3x8x32xi32, #tpu.memory_space<vmem>>, vector<16xi32>,
    tpu.vector_store %arg9[%swap3A_1206, %swap3A_1207, %swap3A_1208], %add3A_1203 {strides = array<i32>} : memref<3x8x32xi32, #tpu.memory_space<vmem>>, vector<16xi32>,
    %get3A_1210 = arith.constant 3 : i32
    %get3A_1211 = arith.index_cast %get3A_1210 : i32 to index
    %get3A_1212 = arith.constant 0 : index
    %get3A_1213 = tpu.vector_load %arg7[%get3A_1211, %get3A_1212] {strides = array<i32>} : memref<4x32xi32, #tpu.memory_space<vmem>>, vector<16xi32>,
    %add3A_1214 = arith.constant 4 : i32
    %add3A_1215 = vector.broadcast %add3A_1214 : i32 to vector<16xi32>
    %add3A_1216 = arith.addi %get3A_1213, %add3A_1215 : vector<16xi32>
    %swap3A_1217 = arith.constant 0 : i32
    %swap3A_1218 = arith.constant 2 : i32
    %swap3A_1219 = arith.index_cast %swap3A_1217 : i32 to index
    %swap3A_1220 = arith.index_cast %swap3A_1218 : i32 to index
    %swap3A_1221 = arith.constant 0 : index
    %swap3A_1222 = tpu.vector_load %arg9[%swap3A_1219, %swap3A_1220, %swap3A_1221] {strides = array<i32>} : memref<3x8x32xi32, #tpu.memory_space<vmem>>, vector<16xi32>,
    tpu.vector_store %arg9[%swap3A_1219, %swap3A_1220, %swap3A_1221], %add3A_1216 {strides = array<i32>} : memref<3x8x32xi32, #tpu.memory_space<vmem>>, vector<16xi32>,
    %get3A_1223 = arith.constant 3 : i32
    %get3A_1224 = arith.index_cast %get3A_1223 : i32 to index
    %get3A_1225 = arith.constant 16 : index
    %get3A_1226 = tpu.vector_load %arg7[%get3A_1224, %get3A_1225] {strides = array<i32>} : memref<4x32xi32, #tpu.memory_space<vmem>>, vector<16xi32>,
    %add3A_1227 = arith.constant 4 : i32
    %add3A_1228 = vector.broadcast %add3A_1227 : i32 to vector<16xi32>
    %add3A_1229 = arith.addi %get3A_1226, %add3A_1228 : vector<16xi32>
    %swap3A_1230 = arith.constant 0 : i32
    %swap3A_1231 = arith.constant 2 : i32
    %swap3A_1232 = arith.index_cast %swap3A_1230 : i32 to index
    %swap3A_1233 = arith.index_cast %swap3A_1231 : i32 to index
    %swap3A_1234 = arith.constant 16 : index
    %swap3A_1235 = tpu.vector_load %arg9[%swap3A_1232, %swap3A_1233, %swap3A_1234] {strides = array<i32>} : memref<3x8x32xi32, #tpu.memory_space<vmem>>, vector<16xi32>,
    tpu.vector_store %arg9[%swap3A_1232, %swap3A_1233, %swap3A_1234], %add3A_1229 {strides = array<i32>} : memref<3x8x32xi32, #tpu.memory_space<vmem>>, vector<16xi32>,
    %get3A_1236 = arith.constant 3 : i32
    %get3A_1237 = arith.index_cast %get3A_1236 : i32 to index
    %get3A_1238 = arith.constant 0 : index
    %get3A_1239 = tpu.vector_load %arg7[%get3A_1237, %get3A_1238] {strides = array<i32>} : memref<4x32xi32, #tpu.memory_space<vmem>>, vector<16xi32>,
    %add3A_1240 = arith.constant 6 : i32
    %add3A_1241 = vector.broadcast %add3A_1240 : i32 to vector<16xi32>
    %add3A_1242 = arith.addi %get3A_1239, %add3A_1241 : vector<16xi32>
    %swap3A_1243 = arith.constant 0 : i32
    %swap3A_1244 = arith.constant 3 : i32
    %swap3A_1245 = arith.index_cast %swap3A_1243 : i32 to index
    %swap3A_1246 = arith.index_cast %swap3A_1244 : i32 to index
    %swap3A_1247 = arith.constant 0 : index
    %swap3A_1248 = tpu.vector_load %arg9[%swap3A_1245, %swap3A_1246, %swap3A_1247] {strides = array<i32>} : memref<3x8x32xi32, #tpu.memory_space<vmem>>, vector<16xi32>,
    tpu.vector_store %arg9[%swap3A_1245, %swap3A_1246, %swap3A_1247], %add3A_1242 {strides = array<i32>} : memref<3x8x32xi32, #tpu.memory_space<vmem>>, vector<16xi32>,
    %get3A_1249 = arith.constant 3 : i32
    %get3A_1250 = arith.index_cast %get3A_1249 : i32 to index
    %get3A_1251 = arith.constant 16 : index
    %get3A_1252 = tpu.vector_load %arg7[%get3A_1250, %get3A_1251] {strides = array<i32>} : memref<4x32xi32, #tpu.memory_space<vmem>>, vector<16xi32>,
    %add3A_1253 = arith.constant 6 : i32
    %add3A_1254 = vector.broadcast %add3A_1253 : i32 to vector<16xi32>
    %add3A_1255 = arith.addi %get3A_1252, %add3A_1254 : vector<16xi32>
    %swap3A_1256 = arith.constant 0 : i32
    %swap3A_1257 = arith.constant 3 : i32
    %swap3A_1258 = arith.index_cast %swap3A_1256 : i32 to index
    %swap3A_1259 = arith.index_cast %swap3A_1257 : i32 to index
    %swap3A_1260 = arith.constant 16 : index
    %swap3A_1261 = tpu.vector_load %arg9[%swap3A_1258, %swap3A_1259, %swap3A_1260] {strides = array<i32>} : memref<3x8x32xi32, #tpu.memory_space<vmem>>, vector<16xi32>,
    tpu.vector_store %arg9[%swap3A_1258, %swap3A_1259, %swap3A_1260], %add3A_1255 {strides = array<i32>} : memref<3x8x32xi32, #tpu.memory_space<vmem>>, vector<16xi32>,
    %get3A_1262 = arith.constant 3 : i32
    %get3A_1263 = arith.index_cast %get3A_1262 : i32 to index
    %get3A_1264 = arith.constant 0 : index
    %get3A_1265 = tpu.vector_load %arg7[%get3A_1263, %get3A_1264] {strides = array<i32>} : memref<4x32xi32, #tpu.memory_space<vmem>>, vector<16xi32>,
    %add3A_1266 = arith.constant 8 : i32
    %add3A_1267 = vector.broadcast %add3A_1266 : i32 to vector<16xi32>
    %add3A_1268 = arith.addi %get3A_1265, %add3A_1267 : vector<16xi32>
    %swap3A_1269 = arith.constant 0 : i32
    %swap3A_1270 = arith.constant 4 : i32
    %swap3A_1271 = arith.index_cast %swap3A_1269 : i32 to index
    %swap3A_1272 = arith.index_cast %swap3A_1270 : i32 to index
    %swap3A_1273 = arith.constant 0 : index
    %swap3A_1274 = tpu.vector_load %arg9[%swap3A_1271, %swap3A_1272, %swap3A_1273] {strides = array<i32>} : memref<3x8x32xi32, #tpu.memory_space<vmem>>, vector<16xi32>,
    tpu.vector_store %arg9[%swap3A_1271, %swap3A_1272, %swap3A_1273], %add3A_1268 {strides = array<i32>} : memref<3x8x32xi32, #tpu.memory_space<vmem>>, vector<16xi32>,
    %get3A_1275 = arith.constant 3 : i32
    %get3A_1276 = arith.index_cast %get3A_1275 : i32 to index
    %get3A_1277 = arith.constant 16 : index
    %get3A_1278 = tpu.vector_load %arg7[%get3A_1276, %get3A_1277] {strides = array<i32>} : memref<4x32xi32, #tpu.memory_space<vmem>>, vector<16xi32>,
    %add3A_1279 = arith.constant 8 : i32
    %add3A_1280 = vector.broadcast %add3A_1279 : i32 to vector<16xi32>
    %add3A_1281 = arith.addi %get3A_1278, %add3A_1280 : vector<16xi32>
    %swap3A_1282 = arith.constant 0 : i32
    %swap3A_1283 = arith.constant 4 : i32
    %swap3A_1284 = arith.index_cast %swap3A_1282 : i32 to index
    %swap3A_1285 = arith.index_cast %swap3A_1283 : i32 to index
    %swap3A_1286 = arith.constant 16 : index
    %swap3A_1287 = tpu.vector_load %arg9[%swap3A_1284, %swap3A_1285, %swap3A_1286] {strides = array<i32>} : memref<3x8x32xi32, #tpu.memory_space<vmem>>, vector<16xi32>,
    tpu.vector_store %arg9[%swap3A_1284, %swap3A_1285, %swap3A_1286], %add3A_1281 {strides = array<i32>} : memref<3x8x32xi32, #tpu.memory_space<vmem>>, vector<16xi32>,
    %get3A_1288 = arith.constant 3 : i32
    %get3A_1289 = arith.index_cast %get3A_1288 : i32 to index
    %get3A_1290 = arith.constant 0 : index
    %get3A_1291 = tpu.vector_load %arg7[%get3A_1289, %get3A_1290] {strides = array<i32>} : memref<4x32xi32, #tpu.memory_space<vmem>>, vector<16xi32>,
    %add3A_1292 = arith.constant 10 : i32
    %add3A_1293 = vector.broadcast %add3A_1292 : i32 to vector<16xi32>
    %add3A_1294 = arith.addi %get3A_1291, %add3A_1293 : vector<16xi32>
    %swap3A_1295 = arith.constant 0 : i32
    %swap3A_1296 = arith.constant 5 : i32
    %swap3A_1297 = arith.index_cast %swap3A_1295 : i32 to index
    %swap3A_1298 = arith.index_cast %swap3A_1296 : i32 to index
    %swap3A_1299 = arith.constant 0 : index
    %swap3A_1300 = tpu.vector_load %arg9[%swap3A_1297, %swap3A_1298, %swap3A_1299] {strides = array<i32>} : memref<3x8x32xi32, #tpu.memory_space<vmem>>, vector<16xi32>,
    tpu.vector_store %arg9[%swap3A_1297, %swap3A_1298, %swap3A_1299], %add3A_1294 {strides = array<i32>} : memref<3x8x32xi32, #tpu.memory_space<vmem>>, vector<16xi32>,
    %get3A_1301 = arith.constant 3 : i32
    %get3A_1302 = arith.index_cast %get3A_1301 : i32 to index
    %get3A_1303 = arith.constant 16 : index
    %get3A_1304 = tpu.vector_load %arg7[%get3A_1302, %get3A_1303] {strides = array<i32>} : memref<4x32xi32, #tpu.memory_space<vmem>>, vector<16xi32>,
    %add3A_1305 = arith.constant 10 : i32
    %add3A_1306 = vector.broadcast %add3A_1305 : i32 to vector<16xi32>
    %add3A_1307 = arith.addi %get3A_1304, %add3A_1306 : vector<16xi32>
    %swap3A_1308 = arith.constant 0 : i32
    %swap3A_1309 = arith.constant 5 : i32
    %swap3A_1310 = arith.index_cast %swap3A_1308 : i32 to index
    %swap3A_1311 = arith.index_cast %swap3A_1309 : i32 to index
    %swap3A_1312 = arith.constant 16 : index
    %swap3A_1313 = tpu.vector_load %arg9[%swap3A_1310, %swap3A_1311, %swap3A_1312] {strides = array<i32>} : memref<3x8x32xi32, #tpu.memory_space<vmem>>, vector<16xi32>,
    tpu.vector_store %arg9[%swap3A_1310, %swap3A_1311, %swap3A_1312], %add3A_1307 {strides = array<i32>} : memref<3x8x32xi32, #tpu.memory_space<vmem>>, vector<16xi32>,
    %get3A_1314 = arith.constant 3 : i32
    %get3A_1315 = arith.index_cast %get3A_1314 : i32 to index
    %get3A_1316 = arith.constant 0 : index
    %get3A_1317 = tpu.vector_load %arg7[%get3A_1315, %get3A_1316] {strides = array<i32>} : memref<4x32xi32, #tpu.memory_space<vmem>>, vector<16xi32>,
    %add3A_1318 = arith.constant 12 : i32
    %add3A_1319 = vector.broadcast %add3A_1318 : i32 to vector<16xi32>
    %add3A_1320 = arith.addi %get3A_1317, %add3A_1319 : vector<16xi32>
    %swap3A_1321 = arith.constant 0 : i32
    %swap3A_1322 = arith.constant 6 : i32
    %swap3A_1323 = arith.index_cast %swap3A_1321 : i32 to index
    %swap3A_1324 = arith.index_cast %swap3A_1322 : i32 to index
    %swap3A_1325 = arith.constant 0 : index
    %swap3A_1326 = tpu.vector_load %arg9[%swap3A_1323, %swap3A_1324, %swap3A_1325] {strides = array<i32>} : memref<3x8x32xi32, #tpu.memory_space<vmem>>, vector<16xi32>,
    tpu.vector_store %arg9[%swap3A_1323, %swap3A_1324, %swap3A_1325], %add3A_1320 {strides = array<i32>} : memref<3x8x32xi32, #tpu.memory_space<vmem>>, vector<16xi32>,
    %get3A_1327 = arith.constant 3 : i32
    %get3A_1328 = arith.index_cast %get3A_1327 : i32 to index
    %get3A_1329 = arith.constant 16 : index
    %get3A_1330 = tpu.vector_load %arg7[%get3A_1328, %get3A_1329] {strides = array<i32>} : memref<4x32xi32, #tpu.memory_space<vmem>>, vector<16xi32>,
    %add3A_1331 = arith.constant 12 : i32
    %add3A_1332 = vector.broadcast %add3A_1331 : i32 to vector<16xi32>
    %add3A_1333 = arith.addi %get3A_1330, %add3A_1332 : vector<16xi32>
    %swap3A_1334 = arith.constant 0 : i32
    %swap3A_1335 = arith.constant 6 : i32
    %swap3A_1336 = arith.index_cast %swap3A_1334 : i32 to index
    %swap3A_1337 = arith.index_cast %swap3A_1335 : i32 to index
    %swap3A_1338 = arith.constant 16 : index
    %swap3A_1339 = tpu.vector_load %arg9[%swap3A_1336, %swap3A_1337, %swap3A_1338] {strides = array<i32>} : memref<3x8x32xi32, #tpu.memory_space<vmem>>, vector<16xi32>,
    tpu.vector_store %arg9[%swap3A_1336, %swap3A_1337, %swap3A_1338], %add3A_1333 {strides = array<i32>} : memref<3x8x32xi32, #tpu.memory_space<vmem>>, vector<16xi32>,
    %get3A_1340 = arith.constant 3 : i32
    %get3A_1341 = arith.index_cast %get3A_1340 : i32 to index
    %get3A_1342 = arith.constant 0 : index
    %get3A_1343 = tpu.vector_load %arg7[%get3A_1341, %get3A_1342] {strides = array<i32>} : memref<4x32xi32, #tpu.memory_space<vmem>>, vector<16xi32>,
    %add3A_1344 = arith.constant 14 : i32
    %add3A_1345 = vector.broadcast %add3A_1344 : i32 to vector<16xi32>
    %add3A_1346 = arith.addi %get3A_1343, %add3A_1345 : vector<16xi32>
    %swap3A_1347 = arith.constant 0 : i32
    %swap3A_1348 = arith.constant 7 : i32
    %swap3A_1349 = arith.index_cast %swap3A_1347 : i32 to index
    %swap3A_1350 = arith.index_cast %swap3A_1348 : i32 to index
    %swap3A_1351 = arith.constant 0 : index
    %swap3A_1352 = tpu.vector_load %arg9[%swap3A_1349, %swap3A_1350, %swap3A_1351] {strides = array<i32>} : memref<3x8x32xi32, #tpu.memory_space<vmem>>, vector<16xi32>,
    tpu.vector_store %arg9[%swap3A_1349, %swap3A_1350, %swap3A_1351], %add3A_1346 {strides = array<i32>} : memref<3x8x32xi32, #tpu.memory_space<vmem>>, vector<16xi32>,
    %get3A_1353 = arith.constant 3 : i32
    %get3A_1354 = arith.index_cast %get3A_1353 : i32 to index
    %get3A_1355 = arith.constant 16 : index
    %get3A_1356 = tpu.vector_load %arg7[%get3A_1354, %get3A_1355] {strides = array<i32>} : memref<4x32xi32, #tpu.memory_space<vmem>>, vector<16xi32>,
    %add3A_1357 = arith.constant 14 : i32
    %add3A_1358 = vector.broadcast %add3A_1357 : i32 to vector<16xi32>
    %add3A_1359 = arith.addi %get3A_1356, %add3A_1358 : vector<16xi32>
    %swap3A_1360 = arith.constant 0 : i32
    %swap3A_1361 = arith.constant 7 : i32
    %swap3A_1362 = arith.index_cast %swap3A_1360 : i32 to index
    %swap3A_1363 = arith.index_cast %swap3A_1361 : i32 to index
    %swap3A_1364 = arith.constant 16 : index
    %swap3A_1365 = tpu.vector_load %arg9[%swap3A_1362, %swap3A_1363, %swap3A_1364] {strides = array<i32>} : memref<3x8x32xi32, #tpu.memory_space<vmem>>, vector<16xi32>,
    tpu.vector_store %arg9[%swap3A_1362, %swap3A_1363, %swap3A_1364], %add3A_1359 {strides = array<i32>} : memref<3x8x32xi32, #tpu.memory_space<vmem>>, vector<16xi32>,
    %dma_start3A_1366 = arith.constant 0 : i32
    %dma_start3A_1367 = arith.constant 0 : i32
    %dma_start3A_1368 = arith.constant 0 : i32
    %dma_start3A_1369 = arith.constant 0 : i32
    %dma_start3A_1370 = arith.constant 0 : i32
    %dma_start3A_1371 = tpu.memref_slice %arg8[%dma_start3A_1366, %dma_start3A_1369, %dma_start3A_1370] : memref<3x32x1024xf32, #tpu.memory_space<vmem>> -> memref<1x32x128xf32, #tpu.memory_space<vmem>>
    %dma_start3A_1372 = tpu.memref_squeeze %dma_start3A_1371 : memref<1x32x128xf32, #tpu.memory_space<vmem>> -> memref<32x128xf32, #tpu.memory_space<vmem>>
    %dma_start3A_1373 = arith.constant 0 : i32
    %dma_start3A_1374 = tpu.memref_slice %arg9[%dma_start3A_1367, %dma_start3A_1368, %dma_start3A_1373] : memref<3x8x32xi32, #tpu.memory_space<vmem>> -> memref<1x1x32xi32, #tpu.memory_space<vmem>>
    %dma_start3A_1375 = tpu.memref_squeeze %dma_start3A_1374 : memref<1x1x32xi32, #tpu.memory_space<vmem>> -> memref<32xi32, #tpu.memory_space<vmem>>
    %dma_start3A_1376 = arith.constant 0 : i32
    %dma_start3A_1377 = arith.constant 0 : i32
    %dma_start3A_1378 = tpu.memref_slice %arg5[%dma_start3A_1376, %dma_start3A_1377] : memref<32768x128xf32, #tpu.memory_space<hbm>> -> memref<32768x128xf32, #tpu.memory_space<hbm>>
    tpu.enqueue_indirect_dma source(%dma_start3A_1372 : memref<32x128xf32, #tpu.memory_space<vmem>>) target(%dma_start3A_1378 : memref<32768x128xf32, #tpu.memory_space<hbm>>) offsets(%dma_start3A_1375 : memref<32xi32, #tpu.memory_space<vmem>>) semaphore(%arg13 : memref<!tpu.dma_semaphore, #tpu.memory_space<semaphore_mem>>)
    %dma_start3A_1379 = arith.constant 0 : i32
    %dma_start3A_1380 = arith.constant 0 : i32
    %dma_start3A_1381 = arith.constant 1 : i32
    %dma_start3A_1382 = arith.constant 0 : i32
    %dma_start3A_1383 = arith.constant 128 : i32
    %dma_start3A_1384 = tpu.memref_slice %arg8[%dma_start3A_1379, %dma_start3A_1382, %dma_start3A_1383] : memref<3x32x1024xf32, #tpu.memory_space<vmem>> -> memref<1x32x128xf32, #tpu.memory_space<vmem>>
    %dma_start3A_1385 = tpu.memref_squeeze %dma_start3A_1384 : memref<1x32x128xf32, #tpu.memory_space<vmem>> -> memref<32x128xf32, #tpu.memory_space<vmem>>
    %dma_start3A_1386 = arith.constant 0 : i32
    %dma_start3A_1387 = tpu.memref_slice %arg9[%dma_start3A_1380, %dma_start3A_1381, %dma_start3A_1386] : memref<3x8x32xi32, #tpu.memory_space<vmem>> -> memref<1x1x32xi32, #tpu.memory_space<vmem>>
    %dma_start3A_1388 = tpu.memref_squeeze %dma_start3A_1387 : memref<1x1x32xi32, #tpu.memory_space<vmem>> -> memref<32xi32, #tpu.memory_space<vmem>>
    %dma_start3A_1389 = arith.constant 0 : i32
    %dma_start3A_1390 = arith.constant 0 : i32
    %dma_start3A_1391 = tpu.memref_slice %arg5[%dma_start3A_1389, %dma_start3A_1390] : memref<32768x128xf32, #tpu.memory_space<hbm>> -> memref<32768x128xf32, #tpu.memory_space<hbm>>
    tpu.enqueue_indirect_dma source(%dma_start3A_1385 : memref<32x128xf32, #tpu.memory_space<vmem>>) target(%dma_start3A_1391 : memref<32768x128xf32, #tpu.memory_space<hbm>>) offsets(%dma_start3A_1388 : memref<32xi32, #tpu.memory_space<vmem>>) semaphore(%arg13 : memref<!tpu.dma_semaphore, #tpu.memory_space<semaphore_mem>>)
    %dma_start3A_1392 = arith.constant 0 : i32
    %dma_start3A_1393 = arith.constant 0 : i32
    %dma_start3A_1394 = arith.constant 2 : i32
    %dma_start3A_1395 = arith.constant 0 : i32
    %dma_start3A_1396 = arith.constant 256 : i32
    %dma_start3A_1397 = tpu.memref_slice %arg8[%dma_start3A_1392, %dma_start3A_1395, %dma_start3A_1396] : memref<3x32x1024xf32, #tpu.memory_space<vmem>> -> memref<1x32x128xf32, #tpu.memory_space<vmem>>
    %dma_start3A_1398 = tpu.memref_squeeze %dma_start3A_1397 : memref<1x32x128xf32, #tpu.memory_space<vmem>> -> memref<32x128xf32, #tpu.memory_space<vmem>>
    %dma_start3A_1399 = arith.constant 0 : i32
    %dma_start3A_1400 = tpu.memref_slice %arg9[%dma_start3A_1393, %dma_start3A_1394, %dma_start3A_1399] : memref<3x8x32xi32, #tpu.memory_space<vmem>> -> memref<1x1x32xi32, #tpu.memory_space<vmem>>
    %dma_start3A_1401 = tpu.memref_squeeze %dma_start3A_1400 : memref<1x1x32xi32, #tpu.memory_space<vmem>> -> memref<32xi32, #tpu.memory_space<vmem>>
    %dma_start3A_1402 = arith.constant 0 : i32
    %dma_start3A_1403 = arith.constant 0 : i32
    %dma_start3A_1404 = tpu.memref_slice %arg5[%dma_start3A_1402, %dma_start3A_1403] : memref<32768x128xf32, #tpu.memory_space<hbm>> -> memref<32768x128xf32, #tpu.memory_space<hbm>>
    tpu.enqueue_indirect_dma source(%dma_start3A_1398 : memref<32x128xf32, #tpu.memory_space<vmem>>) target(%dma_start3A_1404 : memref<32768x128xf32, #tpu.memory_space<hbm>>) offsets(%dma_start3A_1401 : memref<32xi32, #tpu.memory_space<vmem>>) semaphore(%arg13 : memref<!tpu.dma_semaphore, #tpu.memory_space<semaphore_mem>>)
    %dma_start3A_1405 = arith.constant 0 : i32
    %dma_start3A_1406 = arith.constant 0 : i32
    %dma_start3A_1407 = arith.constant 3 : i32
    %dma_start3A_1408 = arith.constant 0 : i32
    %dma_start3A_1409 = arith.constant 384 : i32
    %dma_start3A_1410 = tpu.memref_slice %arg8[%dma_start3A_1405, %dma_start3A_1408, %dma_start3A_1409] : memref<3x32x1024xf32, #tpu.memory_space<vmem>> -> memref<1x32x128xf32, #tpu.memory_space<vmem>>
    %dma_start3A_1411 = tpu.memref_squeeze %dma_start3A_1410 : memref<1x32x128xf32, #tpu.memory_space<vmem>> -> memref<32x128xf32, #tpu.memory_space<vmem>>
    %dma_start3A_1412 = arith.constant 0 : i32
    %dma_start3A_1413 = tpu.memref_slice %arg9[%dma_start3A_1406, %dma_start3A_1407, %dma_start3A_1412] : memref<3x8x32xi32, #tpu.memory_space<vmem>> -> memref<1x1x32xi32, #tpu.memory_space<vmem>>
    %dma_start3A_1414 = tpu.memref_squeeze %dma_start3A_1413 : memref<1x1x32xi32, #tpu.memory_space<vmem>> -> memref<32xi32, #tpu.memory_space<vmem>>
    %dma_start3A_1415 = arith.constant 0 : i32
    %dma_start3A_1416 = arith.constant 0 : i32
    %dma_start3A_1417 = tpu.memref_slice %arg5[%dma_start3A_1415, %dma_start3A_1416] : memref<32768x128xf32, #tpu.memory_space<hbm>> -> memref<32768x128xf32, #tpu.memory_space<hbm>>
    tpu.enqueue_indirect_dma source(%dma_start3A_1411 : memref<32x128xf32, #tpu.memory_space<vmem>>) target(%dma_start3A_1417 : memref<32768x128xf32, #tpu.memory_space<hbm>>) offsets(%dma_start3A_1414 : memref<32xi32, #tpu.memory_space<vmem>>) semaphore(%arg13 : memref<!tpu.dma_semaphore, #tpu.memory_space<semaphore_mem>>)
    %dma_start3A_1418 = arith.constant 0 : i32
    %dma_start3A_1419 = arith.constant 0 : i32
    %dma_start3A_1420 = arith.constant 4 : i32
    %dma_start3A_1421 = arith.constant 0 : i32
    %dma_start3A_1422 = arith.constant 512 : i32
    %dma_start3A_1423 = tpu.memref_slice %arg8[%dma_start3A_1418, %dma_start3A_1421, %dma_start3A_1422] : memref<3x32x1024xf32, #tpu.memory_space<vmem>> -> memref<1x32x128xf32, #tpu.memory_space<vmem>>
    %dma_start3A_1424 = tpu.memref_squeeze %dma_start3A_1423 : memref<1x32x128xf32, #tpu.memory_space<vmem>> -> memref<32x128xf32, #tpu.memory_space<vmem>>
    %dma_start3A_1425 = arith.constant 0 : i32
    %dma_start3A_1426 = tpu.memref_slice %arg9[%dma_start3A_1419, %dma_start3A_1420, %dma_start3A_1425] : memref<3x8x32xi32, #tpu.memory_space<vmem>> -> memref<1x1x32xi32, #tpu.memory_space<vmem>>
    %dma_start3A_1427 = tpu.memref_squeeze %dma_start3A_1426 : memref<1x1x32xi32, #tpu.memory_space<vmem>> -> memref<32xi32, #tpu.memory_space<vmem>>
    %dma_start3A_1428 = arith.constant 0 : i32
    %dma_start3A_1429 = arith.constant 0 : i32
    %dma_start3A_1430 = tpu.memref_slice %arg5[%dma_start3A_1428, %dma_start3A_1429] : memref<32768x128xf32, #tpu.memory_space<hbm>> -> memref<32768x128xf32, #tpu.memory_space<hbm>>
    tpu.enqueue_indirect_dma source(%dma_start3A_1424 : memref<32x128xf32, #tpu.memory_space<vmem>>) target(%dma_start3A_1430 : memref<32768x128xf32, #tpu.memory_space<hbm>>) offsets(%dma_start3A_1427 : memref<32xi32, #tpu.memory_space<vmem>>) semaphore(%arg13 : memref<!tpu.dma_semaphore, #tpu.memory_space<semaphore_mem>>)
    %dma_start3A_1431 = arith.constant 0 : i32
    %dma_start3A_1432 = arith.constant 0 : i32
    %dma_start3A_1433 = arith.constant 5 : i32
    %dma_start3A_1434 = arith.constant 0 : i32
    %dma_start3A_1435 = arith.constant 640 : i32
    %dma_start3A_1436 = tpu.memref_slice %arg8[%dma_start3A_1431, %dma_start3A_1434, %dma_start3A_1435] : memref<3x32x1024xf32, #tpu.memory_space<vmem>> -> memref<1x32x128xf32, #tpu.memory_space<vmem>>
    %dma_start3A_1437 = tpu.memref_squeeze %dma_start3A_1436 : memref<1x32x128xf32, #tpu.memory_space<vmem>> -> memref<32x128xf32, #tpu.memory_space<vmem>>
    %dma_start3A_1438 = arith.constant 0 : i32
    %dma_start3A_1439 = tpu.memref_slice %arg9[%dma_start3A_1432, %dma_start3A_1433, %dma_start3A_1438] : memref<3x8x32xi32, #tpu.memory_space<vmem>> -> memref<1x1x32xi32, #tpu.memory_space<vmem>>
    %dma_start3A_1440 = tpu.memref_squeeze %dma_start3A_1439 : memref<1x1x32xi32, #tpu.memory_space<vmem>> -> memref<32xi32, #tpu.memory_space<vmem>>
    %dma_start3A_1441 = arith.constant 0 : i32
    %dma_start3A_1442 = arith.constant 0 : i32
    %dma_start3A_1443 = tpu.memref_slice %arg5[%dma_start3A_1441, %dma_start3A_1442] : memref<32768x128xf32, #tpu.memory_space<hbm>> -> memref<32768x128xf32, #tpu.memory_space<hbm>>
    tpu.enqueue_indirect_dma source(%dma_start3A_1437 : memref<32x128xf32, #tpu.memory_space<vmem>>) target(%dma_start3A_1443 : memref<32768x128xf32, #tpu.memory_space<hbm>>) offsets(%dma_start3A_1440 : memref<32xi32, #tpu.memory_space<vmem>>) semaphore(%arg13 : memref<!tpu.dma_semaphore, #tpu.memory_space<semaphore_mem>>)
    %dma_start3A_1444 = arith.constant 0 : i32
    %dma_start3A_1445 = arith.constant 0 : i32
    %dma_start3A_1446 = arith.constant 6 : i32
    %dma_start3A_1447 = arith.constant 0 : i32
    %dma_start3A_1448 = arith.constant 768 : i32
    %dma_start3A_1449 = tpu.memref_slice %arg8[%dma_start3A_1444, %dma_start3A_1447, %dma_start3A_1448] : memref<3x32x1024xf32, #tpu.memory_space<vmem>> -> memref<1x32x128xf32, #tpu.memory_space<vmem>>
    %dma_start3A_1450 = tpu.memref_squeeze %dma_start3A_1449 : memref<1x32x128xf32, #tpu.memory_space<vmem>> -> memref<32x128xf32, #tpu.memory_space<vmem>>
    %dma_start3A_1451 = arith.constant 0 : i32
    %dma_start3A_1452 = tpu.memref_slice %arg9[%dma_start3A_1445, %dma_start3A_1446, %dma_start3A_1451] : memref<3x8x32xi32, #tpu.memory_space<vmem>> -> memref<1x1x32xi32, #tpu.memory_space<vmem>>
    %dma_start3A_1453 = tpu.memref_squeeze %dma_start3A_1452 : memref<1x1x32xi32, #tpu.memory_space<vmem>> -> memref<32xi32, #tpu.memory_space<vmem>>
    %dma_start3A_1454 = arith.constant 0 : i32
    %dma_start3A_1455 = arith.constant 0 : i32
    %dma_start3A_1456 = tpu.memref_slice %arg5[%dma_start3A_1454, %dma_start3A_1455] : memref<32768x128xf32, #tpu.memory_space<hbm>> -> memref<32768x128xf32, #tpu.memory_space<hbm>>
    tpu.enqueue_indirect_dma source(%dma_start3A_1450 : memref<32x128xf32, #tpu.memory_space<vmem>>) target(%dma_start3A_1456 : memref<32768x128xf32, #tpu.memory_space<hbm>>) offsets(%dma_start3A_1453 : memref<32xi32, #tpu.memory_space<vmem>>) semaphore(%arg13 : memref<!tpu.dma_semaphore, #tpu.memory_space<semaphore_mem>>)
    %dma_start3A_1457 = arith.constant 0 : i32
    %dma_start3A_1458 = arith.constant 0 : i32
    %dma_start3A_1459 = arith.constant 7 : i32
    %dma_start3A_1460 = arith.constant 0 : i32
    %dma_start3A_1461 = arith.constant 896 : i32
    %dma_start3A_1462 = tpu.memref_slice %arg8[%dma_start3A_1457, %dma_start3A_1460, %dma_start3A_1461] : memref<3x32x1024xf32, #tpu.memory_space<vmem>> -> memref<1x32x128xf32, #tpu.memory_space<vmem>>
    %dma_start3A_1463 = tpu.memref_squeeze %dma_start3A_1462 : memref<1x32x128xf32, #tpu.memory_space<vmem>> -> memref<32x128xf32, #tpu.memory_space<vmem>>
    %dma_start3A_1464 = arith.constant 0 : i32
    %dma_start3A_1465 = tpu.memref_slice %arg9[%dma_start3A_1458, %dma_start3A_1459, %dma_start3A_1464] : memref<3x8x32xi32, #tpu.memory_space<vmem>> -> memref<1x1x32xi32, #tpu.memory_space<vmem>>
    %dma_start3A_1466 = tpu.memref_squeeze %dma_start3A_1465 : memref<1x1x32xi32, #tpu.memory_space<vmem>> -> memref<32xi32, #tpu.memory_space<vmem>>
    %dma_start3A_1467 = arith.constant 0 : i32
    %dma_start3A_1468 = arith.constant 0 : i32
    %dma_start3A_1469 = tpu.memref_slice %arg5[%dma_start3A_1467, %dma_start3A_1468] : memref<32768x128xf32, #tpu.memory_space<hbm>> -> memref<32768x128xf32, #tpu.memory_space<hbm>>
    tpu.enqueue_indirect_dma source(%dma_start3A_1463 : memref<32x128xf32, #tpu.memory_space<vmem>>) target(%dma_start3A_1469 : memref<32768x128xf32, #tpu.memory_space<hbm>>) offsets(%dma_start3A_1466 : memref<32xi32, #tpu.memory_space<vmem>>) semaphore(%arg13 : memref<!tpu.dma_semaphore, #tpu.memory_space<semaphore_mem>>)
    %dma_wait3A_1470 = arith.constant 1 : i32
    %dma_wait3A_1471 = arith.constant 1 : i32
    %dma_wait3A_1472 = arith.constant 0 : i32
    %dma_wait3A_1473 = arith.constant 0 : i32
    %dma_wait3A_1474 = arith.constant 0 : i32
    %dma_wait3A_1475 = tpu.memref_slice %arg8[%dma_wait3A_1470, %dma_wait3A_1473, %dma_wait3A_1474] : memref<3x32x1024xf32, #tpu.memory_space<vmem>> -> memref<1x32x128xf32, #tpu.memory_space<vmem>>
    %dma_wait3A_1476 = tpu.memref_squeeze %dma_wait3A_1475 : memref<1x32x128xf32, #tpu.memory_space<vmem>> -> memref<32x128xf32, #tpu.memory_space<vmem>>
    %dma_wait3A_1477 = arith.constant 0 : i32
    %dma_wait3A_1478 = tpu.memref_slice %arg9[%dma_wait3A_1471, %dma_wait3A_1472, %dma_wait3A_1477] : memref<3x8x32xi32, #tpu.memory_space<vmem>> -> memref<1x1x32xi32, #tpu.memory_space<vmem>>
    %dma_wait3A_1479 = tpu.memref_squeeze %dma_wait3A_1478 : memref<1x1x32xi32, #tpu.memory_space<vmem>> -> memref<32xi32, #tpu.memory_space<vmem>>
    %dma_wait3A_1480 = arith.constant 0 : i32
    %dma_wait3A_1481 = arith.constant 0 : i32
    %dma_wait3A_1482 = tpu.memref_slice %arg5[%dma_wait3A_1480, %dma_wait3A_1481] : memref<32768x128xf32, #tpu.memory_space<hbm>> -> memref<32768x128xf32, #tpu.memory_space<hbm>>
    tpu.wait_indirect_dma semaphore(%arg14 : memref<!tpu.dma_semaphore, #tpu.memory_space<semaphore_mem>>) src(%dma_wait3A_1476 : memref<32x128xf32, #tpu.memory_space<vmem>>) dst(%dma_wait3A_1482 : memref<32768x128xf32, #tpu.memory_space<hbm>>)
    %dma_wait3A_1483 = arith.constant 1 : i32
    %dma_wait3A_1484 = arith.constant 1 : i32
    %dma_wait3A_1485 = arith.constant 1 : i32
    %dma_wait3A_1486 = arith.constant 0 : i32
    %dma_wait3A_1487 = arith.constant 128 : i32
    %dma_wait3A_1488 = tpu.memref_slice %arg8[%dma_wait3A_1483, %dma_wait3A_1486, %dma_wait3A_1487] : memref<3x32x1024xf32, #tpu.memory_space<vmem>> -> memref<1x32x128xf32, #tpu.memory_space<vmem>>
    %dma_wait3A_1489 = tpu.memref_squeeze %dma_wait3A_1488 : memref<1x32x128xf32, #tpu.memory_space<vmem>> -> memref<32x128xf32, #tpu.memory_space<vmem>>
    %dma_wait3A_1490 = arith.constant 0 : i32
    %dma_wait3A_1491 = tpu.memref_slice %arg9[%dma_wait3A_1484, %dma_wait3A_1485, %dma_wait3A_1490] : memref<3x8x32xi32, #tpu.memory_space<vmem>> -> memref<1x1x32xi32, #tpu.memory_space<vmem>>
    %dma_wait3A_1492 = tpu.memref_squeeze %dma_wait3A_1491 : memref<1x1x32xi32, #tpu.memory_space<vmem>> -> memref<32xi32, #tpu.memory_space<vmem>>
    %dma_wait3A_1493 = arith.constant 0 : i32
    %dma_wait3A_1494 = arith.constant 0 : i32
    %dma_wait3A_1495 = tpu.memref_slice %arg5[%dma_wait3A_1493, %dma_wait3A_1494] : memref<32768x128xf32, #tpu.memory_space<hbm>> -> memref<32768x128xf32, #tpu.memory_space<hbm>>
    tpu.wait_indirect_dma semaphore(%arg14 : memref<!tpu.dma_semaphore, #tpu.memory_space<semaphore_mem>>) src(%dma_wait3A_1489 : memref<32x128xf32, #tpu.memory_space<vmem>>) dst(%dma_wait3A_1495 : memref<32768x128xf32, #tpu.memory_space<hbm>>)
    %dma_wait3A_1496 = arith.constant 1 : i32
    %dma_wait3A_1497 = arith.constant 1 : i32
    %dma_wait3A_1498 = arith.constant 2 : i32
    %dma_wait3A_1499 = arith.constant 0 : i32
    %dma_wait3A_1500 = arith.constant 256 : i32
    %dma_wait3A_1501 = tpu.memref_slice %arg8[%dma_wait3A_1496, %dma_wait3A_1499, %dma_wait3A_1500] : memref<3x32x1024xf32, #tpu.memory_space<vmem>> -> memref<1x32x128xf32, #tpu.memory_space<vmem>>
    %dma_wait3A_1502 = tpu.memref_squeeze %dma_wait3A_1501 : memref<1x32x128xf32, #tpu.memory_space<vmem>> -> memref<32x128xf32, #tpu.memory_space<vmem>>
    %dma_wait3A_1503 = arith.constant 0 : i32
    %dma_wait3A_1504 = tpu.memref_slice %arg9[%dma_wait3A_1497, %dma_wait3A_1498, %dma_wait3A_1503] : memref<3x8x32xi32, #tpu.memory_space<vmem>> -> memref<1x1x32xi32, #tpu.memory_space<vmem>>
    %dma_wait3A_1505 = tpu.memref_squeeze %dma_wait3A_1504 : memref<1x1x32xi32, #tpu.memory_space<vmem>> -> memref<32xi32, #tpu.memory_space<vmem>>
    %dma_wait3A_1506 = arith.constant 0 : i32
    %dma_wait3A_1507 = arith.constant 0 : i32
    %dma_wait3A_1508 = tpu.memref_slice %arg5[%dma_wait3A_1506, %dma_wait3A_1507] : memref<32768x128xf32, #tpu.memory_space<hbm>> -> memref<32768x128xf32, #tpu.memory_space<hbm>>
    tpu.wait_indirect_dma semaphore(%arg14 : memref<!tpu.dma_semaphore, #tpu.memory_space<semaphore_mem>>) src(%dma_wait3A_1502 : memref<32x128xf32, #tpu.memory_space<vmem>>) dst(%dma_wait3A_1508 : memref<32768x128xf32, #tpu.memory_space<hbm>>)
    %dma_wait3A_1509 = arith.constant 1 : i32
    %dma_wait3A_1510 = arith.constant 1 : i32
    %dma_wait3A_1511 = arith.constant 3 : i32
    %dma_wait3A_1512 = arith.constant 0 : i32
    %dma_wait3A_1513 = arith.constant 384 : i32
    %dma_wait3A_1514 = tpu.memref_slice %arg8[%dma_wait3A_1509, %dma_wait3A_1512, %dma_wait3A_1513] : memref<3x32x1024xf32, #tpu.memory_space<vmem>> -> memref<1x32x128xf32, #tpu.memory_space<vmem>>
    %dma_wait3A_1515 = tpu.memref_squeeze %dma_wait3A_1514 : memref<1x32x128xf32, #tpu.memory_space<vmem>> -> memref<32x128xf32, #tpu.memory_space<vmem>>
    %dma_wait3A_1516 = arith.constant 0 : i32
    %dma_wait3A_1517 = tpu.memref_slice %arg9[%dma_wait3A_1510, %dma_wait3A_1511, %dma_wait3A_1516] : memref<3x8x32xi32, #tpu.memory_space<vmem>> -> memref<1x1x32xi32, #tpu.memory_space<vmem>>
    %dma_wait3A_1518 = tpu.memref_squeeze %dma_wait3A_1517 : memref<1x1x32xi32, #tpu.memory_space<vmem>> -> memref<32xi32, #tpu.memory_space<vmem>>
    %dma_wait3A_1519 = arith.constant 0 : i32
    %dma_wait3A_1520 = arith.constant 0 : i32
    %dma_wait3A_1521 = tpu.memref_slice %arg5[%dma_wait3A_1519, %dma_wait3A_1520] : memref<32768x128xf32, #tpu.memory_space<hbm>> -> memref<32768x128xf32, #tpu.memory_space<hbm>>
    tpu.wait_indirect_dma semaphore(%arg14 : memref<!tpu.dma_semaphore, #tpu.memory_space<semaphore_mem>>) src(%dma_wait3A_1515 : memref<32x128xf32, #tpu.memory_space<vmem>>) dst(%dma_wait3A_1521 : memref<32768x128xf32, #tpu.memory_space<hbm>>)
    %dma_wait3A_1522 = arith.constant 1 : i32
    %dma_wait3A_1523 = arith.constant 1 : i32
    %dma_wait3A_1524 = arith.constant 4 : i32
    %dma_wait3A_1525 = arith.constant 0 : i32
    %dma_wait3A_1526 = arith.constant 512 : i32
    %dma_wait3A_1527 = tpu.memref_slice %arg8[%dma_wait3A_1522, %dma_wait3A_1525, %dma_wait3A_1526] : memref<3x32x1024xf32, #tpu.memory_space<vmem>> -> memref<1x32x128xf32, #tpu.memory_space<vmem>>
    %dma_wait3A_1528 = tpu.memref_squeeze %dma_wait3A_1527 : memref<1x32x128xf32, #tpu.memory_space<vmem>> -> memref<32x128xf32, #tpu.memory_space<vmem>>
    %dma_wait3A_1529 = arith.constant 0 : i32
    %dma_wait3A_1530 = tpu.memref_slice %arg9[%dma_wait3A_1523, %dma_wait3A_1524, %dma_wait3A_1529] : memref<3x8x32xi32, #tpu.memory_space<vmem>> -> memref<1x1x32xi32, #tpu.memory_space<vmem>>
    %dma_wait3A_1531 = tpu.memref_squeeze %dma_wait3A_1530 : memref<1x1x32xi32, #tpu.memory_space<vmem>> -> memref<32xi32, #tpu.memory_space<vmem>>
    %dma_wait3A_1532 = arith.constant 0 : i32
    %dma_wait3A_1533 = arith.constant 0 : i32
    %dma_wait3A_1534 = tpu.memref_slice %arg5[%dma_wait3A_1532, %dma_wait3A_1533] : memref<32768x128xf32, #tpu.memory_space<hbm>> -> memref<32768x128xf32, #tpu.memory_space<hbm>>
    tpu.wait_indirect_dma semaphore(%arg14 : memref<!tpu.dma_semaphore, #tpu.memory_space<semaphore_mem>>) src(%dma_wait3A_1528 : memref<32x128xf32, #tpu.memory_space<vmem>>) dst(%dma_wait3A_1534 : memref<32768x128xf32, #tpu.memory_space<hbm>>)
    %dma_wait3A_1535 = arith.constant 1 : i32
    %dma_wait3A_1536 = arith.constant 1 : i32
    %dma_wait3A_1537 = arith.constant 5 : i32
    %dma_wait3A_1538 = arith.constant 0 : i32
    %dma_wait3A_1539 = arith.constant 640 : i32
    %dma_wait3A_1540 = tpu.memref_slice %arg8[%dma_wait3A_1535, %dma_wait3A_1538, %dma_wait3A_1539] : memref<3x32x1024xf32, #tpu.memory_space<vmem>> -> memref<1x32x128xf32, #tpu.memory_space<vmem>>
    %dma_wait3A_1541 = tpu.memref_squeeze %dma_wait3A_1540 : memref<1x32x128xf32, #tpu.memory_space<vmem>> -> memref<32x128xf32, #tpu.memory_space<vmem>>
    %dma_wait3A_1542 = arith.constant 0 : i32
    %dma_wait3A_1543 = tpu.memref_slice %arg9[%dma_wait3A_1536, %dma_wait3A_1537, %dma_wait3A_1542] : memref<3x8x32xi32, #tpu.memory_space<vmem>> -> memref<1x1x32xi32, #tpu.memory_space<vmem>>
    %dma_wait3A_1544 = tpu.memref_squeeze %dma_wait3A_1543 : memref<1x1x32xi32, #tpu.memory_space<vmem>> -> memref<32xi32, #tpu.memory_space<vmem>>
    %dma_wait3A_1545 = arith.constant 0 : i32
    %dma_wait3A_1546 = arith.constant 0 : i32
    %dma_wait3A_1547 = tpu.memref_slice %arg5[%dma_wait3A_1545, %dma_wait3A_1546] : memref<32768x128xf32, #tpu.memory_space<hbm>> -> memref<32768x128xf32, #tpu.memory_space<hbm>>
    tpu.wait_indirect_dma semaphore(%arg14 : memref<!tpu.dma_semaphore, #tpu.memory_space<semaphore_mem>>) src(%dma_wait3A_1541 : memref<32x128xf32, #tpu.memory_space<vmem>>) dst(%dma_wait3A_1547 : memref<32768x128xf32, #tpu.memory_space<hbm>>)
    %dma_wait3A_1548 = arith.constant 1 : i32
    %dma_wait3A_1549 = arith.constant 1 : i32
    %dma_wait3A_1550 = arith.constant 6 : i32
    %dma_wait3A_1551 = arith.constant 0 : i32
    %dma_wait3A_1552 = arith.constant 768 : i32
    %dma_wait3A_1553 = tpu.memref_slice %arg8[%dma_wait3A_1548, %dma_wait3A_1551, %dma_wait3A_1552] : memref<3x32x1024xf32, #tpu.memory_space<vmem>> -> memref<1x32x128xf32, #tpu.memory_space<vmem>>
    %dma_wait3A_1554 = tpu.memref_squeeze %dma_wait3A_1553 : memref<1x32x128xf32, #tpu.memory_space<vmem>> -> memref<32x128xf32, #tpu.memory_space<vmem>>
    %dma_wait3A_1555 = arith.constant 0 : i32
    %dma_wait3A_1556 = tpu.memref_slice %arg9[%dma_wait3A_1549, %dma_wait3A_1550, %dma_wait3A_1555] : memref<3x8x32xi32, #tpu.memory_space<vmem>> -> memref<1x1x32xi32, #tpu.memory_space<vmem>>
    %dma_wait3A_1557 = tpu.memref_squeeze %dma_wait3A_1556 : memref<1x1x32xi32, #tpu.memory_space<vmem>> -> memref<32xi32, #tpu.memory_space<vmem>>
    %dma_wait3A_1558 = arith.constant 0 : i32
    %dma_wait3A_1559 = arith.constant 0 : i32
    %dma_wait3A_1560 = tpu.memref_slice %arg5[%dma_wait3A_1558, %dma_wait3A_1559] : memref<32768x128xf32, #tpu.memory_space<hbm>> -> memref<32768x128xf32, #tpu.memory_space<hbm>>
    tpu.wait_indirect_dma semaphore(%arg14 : memref<!tpu.dma_semaphore, #tpu.memory_space<semaphore_mem>>) src(%dma_wait3A_1554 : memref<32x128xf32, #tpu.memory_space<vmem>>) dst(%dma_wait3A_1560 : memref<32768x128xf32, #tpu.memory_space<hbm>>)
    %dma_wait3A_1561 = arith.constant 1 : i32
    %dma_wait3A_1562 = arith.constant 1 : i32
    %dma_wait3A_1563 = arith.constant 7 : i32
    %dma_wait3A_1564 = arith.constant 0 : i32
    %dma_wait3A_1565 = arith.constant 896 : i32
    %dma_wait3A_1566 = tpu.memref_slice %arg8[%dma_wait3A_1561, %dma_wait3A_1564, %dma_wait3A_1565] : memref<3x32x1024xf32, #tpu.memory_space<vmem>> -> memref<1x32x128xf32, #tpu.memory_space<vmem>>
    %dma_wait3A_1567 = tpu.memref_squeeze %dma_wait3A_1566 : memref<1x32x128xf32, #tpu.memory_space<vmem>> -> memref<32x128xf32, #tpu.memory_space<vmem>>
    %dma_wait3A_1568 = arith.constant 0 : i32
    %dma_wait3A_1569 = tpu.memref_slice %arg9[%dma_wait3A_1562, %dma_wait3A_1563, %dma_wait3A_1568] : memref<3x8x32xi32, #tpu.memory_space<vmem>> -> memref<1x1x32xi32, #tpu.memory_space<vmem>>
    %dma_wait3A_1570 = tpu.memref_squeeze %dma_wait3A_1569 : memref<1x1x32xi32, #tpu.memory_space<vmem>> -> memref<32xi32, #tpu.memory_space<vmem>>
    %dma_wait3A_1571 = arith.constant 0 : i32
    %dma_wait3A_1572 = arith.constant 0 : i32
    %dma_wait3A_1573 = tpu.memref_slice %arg5[%dma_wait3A_1571, %dma_wait3A_1572] : memref<32768x128xf32, #tpu.memory_space<hbm>> -> memref<32768x128xf32, #tpu.memory_space<hbm>>
    tpu.wait_indirect_dma semaphore(%arg14 : memref<!tpu.dma_semaphore, #tpu.memory_space<semaphore_mem>>) src(%dma_wait3A_1567 : memref<32x128xf32, #tpu.memory_space<vmem>>) dst(%dma_wait3A_1573 : memref<32768x128xf32, #tpu.memory_space<hbm>>)
    %dma_wait3A_1574 = arith.constant 2 : i32
    %dma_wait3A_1575 = arith.constant 2 : i32
    %dma_wait3A_1576 = arith.constant 0 : i32
    %dma_wait3A_1577 = arith.constant 0 : i32
    %dma_wait3A_1578 = arith.constant 0 : i32
    %dma_wait3A_1579 = tpu.memref_slice %arg8[%dma_wait3A_1574, %dma_wait3A_1577, %dma_wait3A_1578] : memref<3x32x1024xf32, #tpu.memory_space<vmem>> -> memref<1x32x128xf32, #tpu.memory_space<vmem>>
    %dma_wait3A_1580 = tpu.memref_squeeze %dma_wait3A_1579 : memref<1x32x128xf32, #tpu.memory_space<vmem>> -> memref<32x128xf32, #tpu.memory_space<vmem>>
    %dma_wait3A_1581 = arith.constant 0 : i32
    %dma_wait3A_1582 = tpu.memref_slice %arg9[%dma_wait3A_1575, %dma_wait3A_1576, %dma_wait3A_1581] : memref<3x8x32xi32, #tpu.memory_space<vmem>> -> memref<1x1x32xi32, #tpu.memory_space<vmem>>
    %dma_wait3A_1583 = tpu.memref_squeeze %dma_wait3A_1582 : memref<1x1x32xi32, #tpu.memory_space<vmem>> -> memref<32xi32, #tpu.memory_space<vmem>>
    %dma_wait3A_1584 = arith.constant 0 : i32
    %dma_wait3A_1585 = arith.constant 0 : i32
    %dma_wait3A_1586 = tpu.memref_slice %arg5[%dma_wait3A_1584, %dma_wait3A_1585] : memref<32768x128xf32, #tpu.memory_space<hbm>> -> memref<32768x128xf32, #tpu.memory_space<hbm>>
    tpu.wait_indirect_dma semaphore(%arg15 : memref<!tpu.dma_semaphore, #tpu.memory_space<semaphore_mem>>) src(%dma_wait3A_1580 : memref<32x128xf32, #tpu.memory_space<vmem>>) dst(%dma_wait3A_1586 : memref<32768x128xf32, #tpu.memory_space<hbm>>)
    %dma_wait3A_1587 = arith.constant 2 : i32
    %dma_wait3A_1588 = arith.constant 2 : i32
    %dma_wait3A_1589 = arith.constant 1 : i32
    %dma_wait3A_1590 = arith.constant 0 : i32
    %dma_wait3A_1591 = arith.constant 128 : i32
    %dma_wait3A_1592 = tpu.memref_slice %arg8[%dma_wait3A_1587, %dma_wait3A_1590, %dma_wait3A_1591] : memref<3x32x1024xf32, #tpu.memory_space<vmem>> -> memref<1x32x128xf32, #tpu.memory_space<vmem>>
    %dma_wait3A_1593 = tpu.memref_squeeze %dma_wait3A_1592 : memref<1x32x128xf32, #tpu.memory_space<vmem>> -> memref<32x128xf32, #tpu.memory_space<vmem>>
    %dma_wait3A_1594 = arith.constant 0 : i32
    %dma_wait3A_1595 = tpu.memref_slice %arg9[%dma_wait3A_1588, %dma_wait3A_1589, %dma_wait3A_1594] : memref<3x8x32xi32, #tpu.memory_space<vmem>> -> memref<1x1x32xi32, #tpu.memory_space<vmem>>
    %dma_wait3A_1596 = tpu.memref_squeeze %dma_wait3A_1595 : memref<1x1x32xi32, #tpu.memory_space<vmem>> -> memref<32xi32, #tpu.memory_space<vmem>>
    %dma_wait3A_1597 = arith.constant 0 : i32
    %dma_wait3A_1598 = arith.constant 0 : i32
    %dma_wait3A_1599 = tpu.memref_slice %arg5[%dma_wait3A_1597, %dma_wait3A_1598] : memref<32768x128xf32, #tpu.memory_space<hbm>> -> memref<32768x128xf32, #tpu.memory_space<hbm>>
    tpu.wait_indirect_dma semaphore(%arg15 : memref<!tpu.dma_semaphore, #tpu.memory_space<semaphore_mem>>) src(%dma_wait3A_1593 : memref<32x128xf32, #tpu.memory_space<vmem>>) dst(%dma_wait3A_1599 : memref<32768x128xf32, #tpu.memory_space<hbm>>)
    %dma_wait3A_1600 = arith.constant 2 : i32
    %dma_wait3A_1601 = arith.constant 2 : i32
    %dma_wait3A_1602 = arith.constant 2 : i32
    %dma_wait3A_1603 = arith.constant 0 : i32
    %dma_wait3A_1604 = arith.constant 256 : i32
    %dma_wait3A_1605 = tpu.memref_slice %arg8[%dma_wait3A_1600, %dma_wait3A_1603, %dma_wait3A_1604] : memref<3x32x1024xf32, #tpu.memory_space<vmem>> -> memref<1x32x128xf32, #tpu.memory_space<vmem>>
    %dma_wait3A_1606 = tpu.memref_squeeze %dma_wait3A_1605 : memref<1x32x128xf32, #tpu.memory_space<vmem>> -> memref<32x128xf32, #tpu.memory_space<vmem>>
    %dma_wait3A_1607 = arith.constant 0 : i32
    %dma_wait3A_1608 = tpu.memref_slice %arg9[%dma_wait3A_1601, %dma_wait3A_1602, %dma_wait3A_1607] : memref<3x8x32xi32, #tpu.memory_space<vmem>> -> memref<1x1x32xi32, #tpu.memory_space<vmem>>
    %dma_wait3A_1609 = tpu.memref_squeeze %dma_wait3A_1608 : memref<1x1x32xi32, #tpu.memory_space<vmem>> -> memref<32xi32, #tpu.memory_space<vmem>>
    %dma_wait3A_1610 = arith.constant 0 : i32
    %dma_wait3A_1611 = arith.constant 0 : i32
    %dma_wait3A_1612 = tpu.memref_slice %arg5[%dma_wait3A_1610, %dma_wait3A_1611] : memref<32768x128xf32, #tpu.memory_space<hbm>> -> memref<32768x128xf32, #tpu.memory_space<hbm>>
    tpu.wait_indirect_dma semaphore(%arg15 : memref<!tpu.dma_semaphore, #tpu.memory_space<semaphore_mem>>) src(%dma_wait3A_1606 : memref<32x128xf32, #tpu.memory_space<vmem>>) dst(%dma_wait3A_1612 : memref<32768x128xf32, #tpu.memory_space<hbm>>)
    %dma_wait3A_1613 = arith.constant 2 : i32
    %dma_wait3A_1614 = arith.constant 2 : i32
    %dma_wait3A_1615 = arith.constant 3 : i32
    %dma_wait3A_1616 = arith.constant 0 : i32
    %dma_wait3A_1617 = arith.constant 384 : i32
    %dma_wait3A_1618 = tpu.memref_slice %arg8[%dma_wait3A_1613, %dma_wait3A_1616, %dma_wait3A_1617] : memref<3x32x1024xf32, #tpu.memory_space<vmem>> -> memref<1x32x128xf32, #tpu.memory_space<vmem>>
    %dma_wait3A_1619 = tpu.memref_squeeze %dma_wait3A_1618 : memref<1x32x128xf32, #tpu.memory_space<vmem>> -> memref<32x128xf32, #tpu.memory_space<vmem>>
    %dma_wait3A_1620 = arith.constant 0 : i32
    %dma_wait3A_1621 = tpu.memref_slice %arg9[%dma_wait3A_1614, %dma_wait3A_1615, %dma_wait3A_1620] : memref<3x8x32xi32, #tpu.memory_space<vmem>> -> memref<1x1x32xi32, #tpu.memory_space<vmem>>
    %dma_wait3A_1622 = tpu.memref_squeeze %dma_wait3A_1621 : memref<1x1x32xi32, #tpu.memory_space<vmem>> -> memref<32xi32, #tpu.memory_space<vmem>>
    %dma_wait3A_1623 = arith.constant 0 : i32
    %dma_wait3A_1624 = arith.constant 0 : i32
    %dma_wait3A_1625 = tpu.memref_slice %arg5[%dma_wait3A_1623, %dma_wait3A_1624] : memref<32768x128xf32, #tpu.memory_space<hbm>> -> memref<32768x128xf32, #tpu.memory_space<hbm>>
    tpu.wait_indirect_dma semaphore(%arg15 : memref<!tpu.dma_semaphore, #tpu.memory_space<semaphore_mem>>) src(%dma_wait3A_1619 : memref<32x128xf32, #tpu.memory_space<vmem>>) dst(%dma_wait3A_1625 : memref<32768x128xf32, #tpu.memory_space<hbm>>)
    %dma_wait3A_1626 = arith.constant 2 : i32
    %dma_wait3A_1627 = arith.constant 2 : i32
    %dma_wait3A_1628 = arith.constant 4 : i32
    %dma_wait3A_1629 = arith.constant 0 : i32
    %dma_wait3A_1630 = arith.constant 512 : i32
    %dma_wait3A_1631 = tpu.memref_slice %arg8[%dma_wait3A_1626, %dma_wait3A_1629, %dma_wait3A_1630] : memref<3x32x1024xf32, #tpu.memory_space<vmem>> -> memref<1x32x128xf32, #tpu.memory_space<vmem>>
    %dma_wait3A_1632 = tpu.memref_squeeze %dma_wait3A_1631 : memref<1x32x128xf32, #tpu.memory_space<vmem>> -> memref<32x128xf32, #tpu.memory_space<vmem>>
    %dma_wait3A_1633 = arith.constant 0 : i32
    %dma_wait3A_1634 = tpu.memref_slice %arg9[%dma_wait3A_1627, %dma_wait3A_1628, %dma_wait3A_1633] : memref<3x8x32xi32, #tpu.memory_space<vmem>> -> memref<1x1x32xi32, #tpu.memory_space<vmem>>
    %dma_wait3A_1635 = tpu.memref_squeeze %dma_wait3A_1634 : memref<1x1x32xi32, #tpu.memory_space<vmem>> -> memref<32xi32, #tpu.memory_space<vmem>>
    %dma_wait3A_1636 = arith.constant 0 : i32
    %dma_wait3A_1637 = arith.constant 0 : i32
    %dma_wait3A_1638 = tpu.memref_slice %arg5[%dma_wait3A_1636, %dma_wait3A_1637] : memref<32768x128xf32, #tpu.memory_space<hbm>> -> memref<32768x128xf32, #tpu.memory_space<hbm>>
    tpu.wait_indirect_dma semaphore(%arg15 : memref<!tpu.dma_semaphore, #tpu.memory_space<semaphore_mem>>) src(%dma_wait3A_1632 : memref<32x128xf32, #tpu.memory_space<vmem>>) dst(%dma_wait3A_1638 : memref<32768x128xf32, #tpu.memory_space<hbm>>)
    %dma_wait3A_1639 = arith.constant 2 : i32
    %dma_wait3A_1640 = arith.constant 2 : i32
    %dma_wait3A_1641 = arith.constant 5 : i32
    %dma_wait3A_1642 = arith.constant 0 : i32
    %dma_wait3A_1643 = arith.constant 640 : i32
    %dma_wait3A_1644 = tpu.memref_slice %arg8[%dma_wait3A_1639, %dma_wait3A_1642, %dma_wait3A_1643] : memref<3x32x1024xf32, #tpu.memory_space<vmem>> -> memref<1x32x128xf32, #tpu.memory_space<vmem>>
    %dma_wait3A_1645 = tpu.memref_squeeze %dma_wait3A_1644 : memref<1x32x128xf32, #tpu.memory_space<vmem>> -> memref<32x128xf32, #tpu.memory_space<vmem>>
    %dma_wait3A_1646 = arith.constant 0 : i32
    %dma_wait3A_1647 = tpu.memref_slice %arg9[%dma_wait3A_1640, %dma_wait3A_1641, %dma_wait3A_1646] : memref<3x8x32xi32, #tpu.memory_space<vmem>> -> memref<1x1x32xi32, #tpu.memory_space<vmem>>
    %dma_wait3A_1648 = tpu.memref_squeeze %dma_wait3A_1647 : memref<1x1x32xi32, #tpu.memory_space<vmem>> -> memref<32xi32, #tpu.memory_space<vmem>>
    %dma_wait3A_1649 = arith.constant 0 : i32
    %dma_wait3A_1650 = arith.constant 0 : i32
    %dma_wait3A_1651 = tpu.memref_slice %arg5[%dma_wait3A_1649, %dma_wait3A_1650] : memref<32768x128xf32, #tpu.memory_space<hbm>> -> memref<32768x128xf32, #tpu.memory_space<hbm>>
    tpu.wait_indirect_dma semaphore(%arg15 : memref<!tpu.dma_semaphore, #tpu.memory_space<semaphore_mem>>) src(%dma_wait3A_1645 : memref<32x128xf32, #tpu.memory_space<vmem>>) dst(%dma_wait3A_1651 : memref<32768x128xf32, #tpu.memory_space<hbm>>)
    %dma_wait3A_1652 = arith.constant 2 : i32
    %dma_wait3A_1653 = arith.constant 2 : i32
    %dma_wait3A_1654 = arith.constant 6 : i32
    %dma_wait3A_1655 = arith.constant 0 : i32
    %dma_wait3A_1656 = arith.constant 768 : i32
    %dma_wait3A_1657 = tpu.memref_slice %arg8[%dma_wait3A_1652, %dma_wait3A_1655, %dma_wait3A_1656] : memref<3x32x1024xf32, #tpu.memory_space<vmem>> -> memref<1x32x128xf32, #tpu.memory_space<vmem>>
    %dma_wait3A_1658 = tpu.memref_squeeze %dma_wait3A_1657 : memref<1x32x128xf32, #tpu.memory_space<vmem>> -> memref<32x128xf32, #tpu.memory_space<vmem>>
    %dma_wait3A_1659 = arith.constant 0 : i32
    %dma_wait3A_1660 = tpu.memref_slice %arg9[%dma_wait3A_1653, %dma_wait3A_1654, %dma_wait3A_1659] : memref<3x8x32xi32, #tpu.memory_space<vmem>> -> memref<1x1x32xi32, #tpu.memory_space<vmem>>
    %dma_wait3A_1661 = tpu.memref_squeeze %dma_wait3A_1660 : memref<1x1x32xi32, #tpu.memory_space<vmem>> -> memref<32xi32, #tpu.memory_space<vmem>>
    %dma_wait3A_1662 = arith.constant 0 : i32
    %dma_wait3A_1663 = arith.constant 0 : i32
    %dma_wait3A_1664 = tpu.memref_slice %arg5[%dma_wait3A_1662, %dma_wait3A_1663] : memref<32768x128xf32, #tpu.memory_space<hbm>> -> memref<32768x128xf32, #tpu.memory_space<hbm>>
    tpu.wait_indirect_dma semaphore(%arg15 : memref<!tpu.dma_semaphore, #tpu.memory_space<semaphore_mem>>) src(%dma_wait3A_1658 : memref<32x128xf32, #tpu.memory_space<vmem>>) dst(%dma_wait3A_1664 : memref<32768x128xf32, #tpu.memory_space<hbm>>)
    %dma_wait3A_1665 = arith.constant 2 : i32
    %dma_wait3A_1666 = arith.constant 2 : i32
    %dma_wait3A_1667 = arith.constant 7 : i32
    %dma_wait3A_1668 = arith.constant 0 : i32
    %dma_wait3A_1669 = arith.constant 896 : i32
    %dma_wait3A_1670 = tpu.memref_slice %arg8[%dma_wait3A_1665, %dma_wait3A_1668, %dma_wait3A_1669] : memref<3x32x1024xf32, #tpu.memory_space<vmem>> -> memref<1x32x128xf32, #tpu.memory_space<vmem>>
    %dma_wait3A_1671 = tpu.memref_squeeze %dma_wait3A_1670 : memref<1x32x128xf32, #tpu.memory_space<vmem>> -> memref<32x128xf32, #tpu.memory_space<vmem>>
    %dma_wait3A_1672 = arith.constant 0 : i32
    %dma_wait3A_1673 = tpu.memref_slice %arg9[%dma_wait3A_1666, %dma_wait3A_1667, %dma_wait3A_1672] : memref<3x8x32xi32, #tpu.memory_space<vmem>> -> memref<1x1x32xi32, #tpu.memory_space<vmem>>
    %dma_wait3A_1674 = tpu.memref_squeeze %dma_wait3A_1673 : memref<1x1x32xi32, #tpu.memory_space<vmem>> -> memref<32xi32, #tpu.memory_space<vmem>>
    %dma_wait3A_1675 = arith.constant 0 : i32
    %dma_wait3A_1676 = arith.constant 0 : i32
    %dma_wait3A_1677 = tpu.memref_slice %arg5[%dma_wait3A_1675, %dma_wait3A_1676] : memref<32768x128xf32, #tpu.memory_space<hbm>> -> memref<32768x128xf32, #tpu.memory_space<hbm>>
    tpu.wait_indirect_dma semaphore(%arg15 : memref<!tpu.dma_semaphore, #tpu.memory_space<semaphore_mem>>) src(%dma_wait3A_1671 : memref<32x128xf32, #tpu.memory_space<vmem>>) dst(%dma_wait3A_1677 : memref<32768x128xf32, #tpu.memory_space<hbm>>)
    %dma_wait3A_1678 = arith.constant 0 : i32
    %dma_wait3A_1679 = arith.constant 0 : i32
    %dma_wait3A_1680 = arith.constant 0 : i32
    %dma_wait3A_1681 = arith.constant 0 : i32
    %dma_wait3A_1682 = arith.constant 0 : i32
    %dma_wait3A_1683 = tpu.memref_slice %arg8[%dma_wait3A_1678, %dma_wait3A_1681, %dma_wait3A_1682] : memref<3x32x1024xf32, #tpu.memory_space<vmem>> -> memref<1x32x128xf32, #tpu.memory_space<vmem>>
    %dma_wait3A_1684 = tpu.memref_squeeze %dma_wait3A_1683 : memref<1x32x128xf32, #tpu.memory_space<vmem>> -> memref<32x128xf32, #tpu.memory_space<vmem>>
    %dma_wait3A_1685 = arith.constant 0 : i32
    %dma_wait3A_1686 = tpu.memref_slice %arg9[%dma_wait3A_1679, %dma_wait3A_1680, %dma_wait3A_1685] : memref<3x8x32xi32, #tpu.memory_space<vmem>> -> memref<1x1x32xi32, #tpu.memory_space<vmem>>
    %dma_wait3A_1687 = tpu.memref_squeeze %dma_wait3A_1686 : memref<1x1x32xi32, #tpu.memory_space<vmem>> -> memref<32xi32, #tpu.memory_space<vmem>>
    %dma_wait3A_1688 = arith.constant 0 : i32
    %dma_wait3A_1689 = arith.constant 0 : i32
    %dma_wait3A_1690 = tpu.memref_slice %arg5[%dma_wait3A_1688, %dma_wait3A_1689] : memref<32768x128xf32, #tpu.memory_space<hbm>> -> memref<32768x128xf32, #tpu.memory_space<hbm>>
    tpu.wait_indirect_dma semaphore(%arg13 : memref<!tpu.dma_semaphore, #tpu.memory_space<semaphore_mem>>) src(%dma_wait3A_1684 : memref<32x128xf32, #tpu.memory_space<vmem>>) dst(%dma_wait3A_1690 : memref<32768x128xf32, #tpu.memory_space<hbm>>)
    %dma_wait3A_1691 = arith.constant 0 : i32
    %dma_wait3A_1692 = arith.constant 0 : i32
    %dma_wait3A_1693 = arith.constant 1 : i32
    %dma_wait3A_1694 = arith.constant 0 : i32
    %dma_wait3A_1695 = arith.constant 128 : i32
    %dma_wait3A_1696 = tpu.memref_slice %arg8[%dma_wait3A_1691, %dma_wait3A_1694, %dma_wait3A_1695] : memref<3x32x1024xf32, #tpu.memory_space<vmem>> -> memref<1x32x128xf32, #tpu.memory_space<vmem>>
    %dma_wait3A_1697 = tpu.memref_squeeze %dma_wait3A_1696 : memref<1x32x128xf32, #tpu.memory_space<vmem>> -> memref<32x128xf32, #tpu.memory_space<vmem>>
    %dma_wait3A_1698 = arith.constant 0 : i32
    %dma_wait3A_1699 = tpu.memref_slice %arg9[%dma_wait3A_1692, %dma_wait3A_1693, %dma_wait3A_1698] : memref<3x8x32xi32, #tpu.memory_space<vmem>> -> memref<1x1x32xi32, #tpu.memory_space<vmem>>
    %dma_wait3A_1700 = tpu.memref_squeeze %dma_wait3A_1699 : memref<1x1x32xi32, #tpu.memory_space<vmem>> -> memref<32xi32, #tpu.memory_space<vmem>>
    %dma_wait3A_1701 = arith.constant 0 : i32
    %dma_wait3A_1702 = arith.constant 0 : i32
    %dma_wait3A_1703 = tpu.memref_slice %arg5[%dma_wait3A_1701, %dma_wait3A_1702] : memref<32768x128xf32, #tpu.memory_space<hbm>> -> memref<32768x128xf32, #tpu.memory_space<hbm>>
    tpu.wait_indirect_dma semaphore(%arg13 : memref<!tpu.dma_semaphore, #tpu.memory_space<semaphore_mem>>) src(%dma_wait3A_1697 : memref<32x128xf32, #tpu.memory_space<vmem>>) dst(%dma_wait3A_1703 : memref<32768x128xf32, #tpu.memory_space<hbm>>)
    %dma_wait3A_1704 = arith.constant 0 : i32
    %dma_wait3A_1705 = arith.constant 0 : i32
    %dma_wait3A_1706 = arith.constant 2 : i32
    %dma_wait3A_1707 = arith.constant 0 : i32
    %dma_wait3A_1708 = arith.constant 256 : i32
    %dma_wait3A_1709 = tpu.memref_slice %arg8[%dma_wait3A_1704, %dma_wait3A_1707, %dma_wait3A_1708] : memref<3x32x1024xf32, #tpu.memory_space<vmem>> -> memref<1x32x128xf32, #tpu.memory_space<vmem>>
    %dma_wait3A_1710 = tpu.memref_squeeze %dma_wait3A_1709 : memref<1x32x128xf32, #tpu.memory_space<vmem>> -> memref<32x128xf32, #tpu.memory_space<vmem>>
    %dma_wait3A_1711 = arith.constant 0 : i32
    %dma_wait3A_1712 = tpu.memref_slice %arg9[%dma_wait3A_1705, %dma_wait3A_1706, %dma_wait3A_1711] : memref<3x8x32xi32, #tpu.memory_space<vmem>> -> memref<1x1x32xi32, #tpu.memory_space<vmem>>
    %dma_wait3A_1713 = tpu.memref_squeeze %dma_wait3A_1712 : memref<1x1x32xi32, #tpu.memory_space<vmem>> -> memref<32xi32, #tpu.memory_space<vmem>>
    %dma_wait3A_1714 = arith.constant 0 : i32
    %dma_wait3A_1715 = arith.constant 0 : i32
    %dma_wait3A_1716 = tpu.memref_slice %arg5[%dma_wait3A_1714, %dma_wait3A_1715] : memref<32768x128xf32, #tpu.memory_space<hbm>> -> memref<32768x128xf32, #tpu.memory_space<hbm>>
    tpu.wait_indirect_dma semaphore(%arg13 : memref<!tpu.dma_semaphore, #tpu.memory_space<semaphore_mem>>) src(%dma_wait3A_1710 : memref<32x128xf32, #tpu.memory_space<vmem>>) dst(%dma_wait3A_1716 : memref<32768x128xf32, #tpu.memory_space<hbm>>)
    %dma_wait3A_1717 = arith.constant 0 : i32
    %dma_wait3A_1718 = arith.constant 0 : i32
    %dma_wait3A_1719 = arith.constant 3 : i32
    %dma_wait3A_1720 = arith.constant 0 : i32
    %dma_wait3A_1721 = arith.constant 384 : i32
    %dma_wait3A_1722 = tpu.memref_slice %arg8[%dma_wait3A_1717, %dma_wait3A_1720, %dma_wait3A_1721] : memref<3x32x1024xf32, #tpu.memory_space<vmem>> -> memref<1x32x128xf32, #tpu.memory_space<vmem>>
    %dma_wait3A_1723 = tpu.memref_squeeze %dma_wait3A_1722 : memref<1x32x128xf32, #tpu.memory_space<vmem>> -> memref<32x128xf32, #tpu.memory_space<vmem>>
    %dma_wait3A_1724 = arith.constant 0 : i32
    %dma_wait3A_1725 = tpu.memref_slice %arg9[%dma_wait3A_1718, %dma_wait3A_1719, %dma_wait3A_1724] : memref<3x8x32xi32, #tpu.memory_space<vmem>> -> memref<1x1x32xi32, #tpu.memory_space<vmem>>
    %dma_wait3A_1726 = tpu.memref_squeeze %dma_wait3A_1725 : memref<1x1x32xi32, #tpu.memory_space<vmem>> -> memref<32xi32, #tpu.memory_space<vmem>>
    %dma_wait3A_1727 = arith.constant 0 : i32
    %dma_wait3A_1728 = arith.constant 0 : i32
    %dma_wait3A_1729 = tpu.memref_slice %arg5[%dma_wait3A_1727, %dma_wait3A_1728] : memref<32768x128xf32, #tpu.memory_space<hbm>> -> memref<32768x128xf32, #tpu.memory_space<hbm>>
    tpu.wait_indirect_dma semaphore(%arg13 : memref<!tpu.dma_semaphore, #tpu.memory_space<semaphore_mem>>) src(%dma_wait3A_1723 : memref<32x128xf32, #tpu.memory_space<vmem>>) dst(%dma_wait3A_1729 : memref<32768x128xf32, #tpu.memory_space<hbm>>)
    %dma_wait3A_1730 = arith.constant 0 : i32
    %dma_wait3A_1731 = arith.constant 0 : i32
    %dma_wait3A_1732 = arith.constant 4 : i32
    %dma_wait3A_1733 = arith.constant 0 : i32
    %dma_wait3A_1734 = arith.constant 512 : i32
    %dma_wait3A_1735 = tpu.memref_slice %arg8[%dma_wait3A_1730, %dma_wait3A_1733, %dma_wait3A_1734] : memref<3x32x1024xf32, #tpu.memory_space<vmem>> -> memref<1x32x128xf32, #tpu.memory_space<vmem>>
    %dma_wait3A_1736 = tpu.memref_squeeze %dma_wait3A_1735 : memref<1x32x128xf32, #tpu.memory_space<vmem>> -> memref<32x128xf32, #tpu.memory_space<vmem>>
    %dma_wait3A_1737 = arith.constant 0 : i32
    %dma_wait3A_1738 = tpu.memref_slice %arg9[%dma_wait3A_1731, %dma_wait3A_1732, %dma_wait3A_1737] : memref<3x8x32xi32, #tpu.memory_space<vmem>> -> memref<1x1x32xi32, #tpu.memory_space<vmem>>
    %dma_wait3A_1739 = tpu.memref_squeeze %dma_wait3A_1738 : memref<1x1x32xi32, #tpu.memory_space<vmem>> -> memref<32xi32, #tpu.memory_space<vmem>>
    %dma_wait3A_1740 = arith.constant 0 : i32
    %dma_wait3A_1741 = arith.constant 0 : i32
    %dma_wait3A_1742 = tpu.memref_slice %arg5[%dma_wait3A_1740, %dma_wait3A_1741] : memref<32768x128xf32, #tpu.memory_space<hbm>> -> memref<32768x128xf32, #tpu.memory_space<hbm>>
    tpu.wait_indirect_dma semaphore(%arg13 : memref<!tpu.dma_semaphore, #tpu.memory_space<semaphore_mem>>) src(%dma_wait3A_1736 : memref<32x128xf32, #tpu.memory_space<vmem>>) dst(%dma_wait3A_1742 : memref<32768x128xf32, #tpu.memory_space<hbm>>)
    %dma_wait3A_1743 = arith.constant 0 : i32
    %dma_wait3A_1744 = arith.constant 0 : i32
    %dma_wait3A_1745 = arith.constant 5 : i32
    %dma_wait3A_1746 = arith.constant 0 : i32
    %dma_wait3A_1747 = arith.constant 640 : i32
    %dma_wait3A_1748 = tpu.memref_slice %arg8[%dma_wait3A_1743, %dma_wait3A_1746, %dma_wait3A_1747] : memref<3x32x1024xf32, #tpu.memory_space<vmem>> -> memref<1x32x128xf32, #tpu.memory_space<vmem>>
    %dma_wait3A_1749 = tpu.memref_squeeze %dma_wait3A_1748 : memref<1x32x128xf32, #tpu.memory_space<vmem>> -> memref<32x128xf32, #tpu.memory_space<vmem>>
    %dma_wait3A_1750 = arith.constant 0 : i32
    %dma_wait3A_1751 = tpu.memref_slice %arg9[%dma_wait3A_1744, %dma_wait3A_1745, %dma_wait3A_1750] : memref<3x8x32xi32, #tpu.memory_space<vmem>> -> memref<1x1x32xi32, #tpu.memory_space<vmem>>
    %dma_wait3A_1752 = tpu.memref_squeeze %dma_wait3A_1751 : memref<1x1x32xi32, #tpu.memory_space<vmem>> -> memref<32xi32, #tpu.memory_space<vmem>>
    %dma_wait3A_1753 = arith.constant 0 : i32
    %dma_wait3A_1754 = arith.constant 0 : i32
    %dma_wait3A_1755 = tpu.memref_slice %arg5[%dma_wait3A_1753, %dma_wait3A_1754] : memref<32768x128xf32, #tpu.memory_space<hbm>> -> memref<32768x128xf32, #tpu.memory_space<hbm>>
    tpu.wait_indirect_dma semaphore(%arg13 : memref<!tpu.dma_semaphore, #tpu.memory_space<semaphore_mem>>) src(%dma_wait3A_1749 : memref<32x128xf32, #tpu.memory_space<vmem>>) dst(%dma_wait3A_1755 : memref<32768x128xf32, #tpu.memory_space<hbm>>)
    %dma_wait3A_1756 = arith.constant 0 : i32
    %dma_wait3A_1757 = arith.constant 0 : i32
    %dma_wait3A_1758 = arith.constant 6 : i32
    %dma_wait3A_1759 = arith.constant 0 : i32
    %dma_wait3A_1760 = arith.constant 768 : i32
    %dma_wait3A_1761 = tpu.memref_slice %arg8[%dma_wait3A_1756, %dma_wait3A_1759, %dma_wait3A_1760] : memref<3x32x1024xf32, #tpu.memory_space<vmem>> -> memref<1x32x128xf32, #tpu.memory_space<vmem>>
    %dma_wait3A_1762 = tpu.memref_squeeze %dma_wait3A_1761 : memref<1x32x128xf32, #tpu.memory_space<vmem>> -> memref<32x128xf32, #tpu.memory_space<vmem>>
    %dma_wait3A_1763 = arith.constant 0 : i32
    %dma_wait3A_1764 = tpu.memref_slice %arg9[%dma_wait3A_1757, %dma_wait3A_1758, %dma_wait3A_1763] : memref<3x8x32xi32, #tpu.memory_space<vmem>> -> memref<1x1x32xi32, #tpu.memory_space<vmem>>
    %dma_wait3A_1765 = tpu.memref_squeeze %dma_wait3A_1764 : memref<1x1x32xi32, #tpu.memory_space<vmem>> -> memref<32xi32, #tpu.memory_space<vmem>>
    %dma_wait3A_1766 = arith.constant 0 : i32
    %dma_wait3A_1767 = arith.constant 0 : i32
    %dma_wait3A_1768 = tpu.memref_slice %arg5[%dma_wait3A_1766, %dma_wait3A_1767] : memref<32768x128xf32, #tpu.memory_space<hbm>> -> memref<32768x128xf32, #tpu.memory_space<hbm>>
    tpu.wait_indirect_dma semaphore(%arg13 : memref<!tpu.dma_semaphore, #tpu.memory_space<semaphore_mem>>) src(%dma_wait3A_1762 : memref<32x128xf32, #tpu.memory_space<vmem>>) dst(%dma_wait3A_1768 : memref<32768x128xf32, #tpu.memory_space<hbm>>)
    %dma_wait3A_1769 = arith.constant 0 : i32
    %dma_wait3A_1770 = arith.constant 0 : i32
    %dma_wait3A_1771 = arith.constant 7 : i32
    %dma_wait3A_1772 = arith.constant 0 : i32
    %dma_wait3A_1773 = arith.constant 896 : i32
    %dma_wait3A_1774 = tpu.memref_slice %arg8[%dma_wait3A_1769, %dma_wait3A_1772, %dma_wait3A_1773] : memref<3x32x1024xf32, #tpu.memory_space<vmem>> -> memref<1x32x128xf32, #tpu.memory_space<vmem>>
    %dma_wait3A_1775 = tpu.memref_squeeze %dma_wait3A_1774 : memref<1x32x128xf32, #tpu.memory_space<vmem>> -> memref<32x128xf32, #tpu.memory_space<vmem>>
    %dma_wait3A_1776 = arith.constant 0 : i32
    %dma_wait3A_1777 = tpu.memref_slice %arg9[%dma_wait3A_1770, %dma_wait3A_1771, %dma_wait3A_1776] : memref<3x8x32xi32, #tpu.memory_space<vmem>> -> memref<1x1x32xi32, #tpu.memory_space<vmem>>
    %dma_wait3A_1778 = tpu.memref_squeeze %dma_wait3A_1777 : memref<1x1x32xi32, #tpu.memory_space<vmem>> -> memref<32xi32, #tpu.memory_space<vmem>>
    %dma_wait3A_1779 = arith.constant 0 : i32
    %dma_wait3A_1780 = arith.constant 0 : i32
    %dma_wait3A_1781 = tpu.memref_slice %arg5[%dma_wait3A_1779, %dma_wait3A_1780] : memref<32768x128xf32, #tpu.memory_space<hbm>> -> memref<32768x128xf32, #tpu.memory_space<hbm>>
    tpu.wait_indirect_dma semaphore(%arg13 : memref<!tpu.dma_semaphore, #tpu.memory_space<semaphore_mem>>) src(%dma_wait3A_1775 : memref<32x128xf32, #tpu.memory_space<vmem>>) dst(%dma_wait3A_1781 : memref<32768x128xf32, #tpu.memory_space<hbm>>)
    return
  }
}

#map = affine_map<(d0, d1) -> (0, 0)>
#map1 = affine_map<(d0, d1) -> (0)>
module attributes {stable_mosaic.version = 14 : i64} {
  func.func @_dispatch_k(%arg0: i32, %arg1: i32, %arg2: memref<4096x1024xf32, #tpu.memory_space<hbm>>, %arg3: memref<4096xi32, #tpu.memory_space<hbm>>, %arg4: memref<4096xf32, #tpu.memory_space<hbm>>, %arg5: memref<4608x1024xf32, #tpu.memory_space<hbm>>, %arg6: memref<4608xf32, #tpu.memory_space<hbm>>, %arg7: memref<4x32xi32, #tpu.memory_space<vmem>>, %arg8: memref<4x32xi32, #tpu.memory_space<vmem>>, %arg9: memref<3x32x1024xf32, #tpu.memory_space<vmem>>, %arg10: memref<4096xi32, #tpu.memory_space<vmem>>, %arg11: memref<4096xf32, #tpu.memory_space<vmem>>, %arg12: memref<2304xf32, #tpu.memory_space<vmem>>, %arg13: memref<!tpu.dma_semaphore, #tpu.memory_space<semaphore_mem>>, %arg14: memref<!tpu.dma_semaphore, #tpu.memory_space<semaphore_mem>>, %arg15: memref<!tpu.dma_semaphore, #tpu.memory_space<semaphore_mem>>, %arg16: memref<!tpu.dma_semaphore, #tpu.memory_space<semaphore_mem>>, %arg17: memref<!tpu.dma_semaphore, #tpu.memory_space<semaphore_mem>>, %arg18: memref<!tpu.dma_semaphore, #tpu.memory_space<semaphore_mem>>) attributes {dimension_semantics = [#tpu.dimension_semantics<core_parallel>, #tpu.dimension_semantics<subcore_parallel>], iteration_bounds = array<i64: 2, 16>, scalar_prefetch = 0 : i64, scratch_operands = 12 : i64, tpu.core_type = #tpu.core_type<sc_vector_subcore>, window_params = [{transform_indices = #map}, {transform_indices = #map1}, {transform_indices = #map1}, {transform_indices = #map}, {transform_indices = #map1}]} {
    %mul3A = arith.constant 2 : i32
    %mul3A_0 = arith.muli %arg1, %mul3A : i32
    %add3A = arith.addi %mul3A_0, %arg0 : i32
    %eq3A = arith.constant 0 : i32
    %eq3A_1 = arith.cmpi eq, %arg1, %eq3A : i32
    %convert_element_type3A = arith.extui %eq3A_1 : i1 to i32
    %cond3A = arith.constant 0 : i32
    %cond3A_2 = arith.cmpi ne, %convert_element_type3A, %cond3A : i32
    scf.if %cond3A_2 {
      %mul3A_222 = arith.constant 2304 : i32
      %mul3A_223 = arith.muli %arg0, %mul3A_222 : i32
      "tpu.region"() ({
        %run_scoped3A_235 = tpu.sem_alloc : memref<!tpu.dma_semaphore, #tpu.memory_space<semaphore_mem>>
        tpu.enqueue_dma source(%arg3 : memref<4096xi32, #tpu.memory_space<hbm>>) target(%arg10 : memref<4096xi32, #tpu.memory_space<vmem>>) target_semaphore(%run_scoped3A_235 : memref<!tpu.dma_semaphore, #tpu.memory_space<semaphore_mem>>)
        tpu.wait_dma2 semaphore(%run_scoped3A_235 : memref<!tpu.dma_semaphore, #tpu.memory_space<semaphore_mem>>) src(%arg3 : memref<4096xi32, #tpu.memory_space<hbm>>) dst(%arg10 : memref<4096xi32, #tpu.memory_space<vmem>>)
        tpu.yield
      }) : () -> ()
      "tpu.region"() ({
        %run_scoped3A_235 = tpu.sem_alloc : memref<!tpu.dma_semaphore, #tpu.memory_space<semaphore_mem>>
        tpu.enqueue_dma source(%arg4 : memref<4096xf32, #tpu.memory_space<hbm>>) target(%arg11 : memref<4096xf32, #tpu.memory_space<vmem>>) target_semaphore(%run_scoped3A_235 : memref<!tpu.dma_semaphore, #tpu.memory_space<semaphore_mem>>)
        tpu.wait_dma2 semaphore(%run_scoped3A_235 : memref<!tpu.dma_semaphore, #tpu.memory_space<semaphore_mem>>) src(%arg4 : memref<4096xf32, #tpu.memory_space<hbm>>) dst(%arg11 : memref<4096xf32, #tpu.memory_space<vmem>>)
        tpu.yield
      }) : () -> ()
      %scan3A = arith.constant 0 : i32
      %scan3A_224 = arith.constant 0 : i32
      %scan3A_225 = arith.constant 144 : i32
      %scan3A_226 = arith.addi %scan3A_224, %scan3A_225 : i32
      %scan3A_227 = arith.constant 1 : i32
      scf.for %scan3A_235 = %scan3A_224 to %scan3A_226 step %scan3A_227  : i32 {
        %broadcast_in_dim3A = arith.constant 0.000000e+00 : f32
        %broadcast_in_dim3A_236 = vector.broadcast %broadcast_in_dim3A : f32 to vector<16xf32>
        %mul3A_237 = arith.constant 16 : i32
        %mul3A_238 = arith.muli %scan3A_235, %mul3A_237 : i32
        %swap3A = arith.index_cast %mul3A_238 : i32 to index
        %swap3A_239 = tpu.vector_load %arg12[%swap3A] {strides = array<i32>} : memref<2304xf32, #tpu.memory_space<vmem>>, vector<16xf32>,
        tpu.vector_store %arg12[%swap3A], %broadcast_in_dim3A_236 {strides = array<i32>} : memref<2304xf32, #tpu.memory_space<vmem>>, vector<16xf32>,
      }
      %scan3A_228 = arith.constant 144 : i32
      %scan3A_229 = arith.constant 0 : i32
      %scan3A_230 = arith.constant 0 : i32
      %scan3A_231 = arith.constant 256 : i32
      %scan3A_232 = arith.addi %scan3A_230, %scan3A_231 : i32
      %scan3A_233 = arith.constant 1 : i32
      scf.for %scan3A_235 = %scan3A_230 to %scan3A_232 step %scan3A_233  : i32 {
        %mul3A_236 = arith.constant 16 : i32
        %mul3A_237 = arith.muli %scan3A_235, %mul3A_236 : i32
        %get3A = arith.index_cast %mul3A_237 : i32 to index
        %get3A_238 = tpu.vector_load %arg10[%get3A] {strides = array<i32>} : memref<4096xi32, #tpu.memory_space<vmem>>, vector<16xi32>,
        %mul3A_239 = arith.constant 16 : i32
        %mul3A_240 = arith.muli %scan3A_235, %mul3A_239 : i32
        %get3A_241 = arith.index_cast %mul3A_240 : i32 to index
        %get3A_242 = tpu.vector_load %arg11[%get3A_241] {strides = array<i32>} : memref<4096xf32, #tpu.memory_space<vmem>>, vector<16xf32>,
        %sub3A = vector.broadcast %mul3A_223 : i32 to vector<16xi32>
        %sub3A_243 = arith.subi %get3A_238, %sub3A : vector<16xi32>
        %ge3A = arith.constant 0 : i32
        %ge3A_244 = vector.broadcast %ge3A : i32 to vector<16xi32>
        %ge3A_245 = arith.cmpi sge, %sub3A_243, %ge3A_244 : vector<16xi32>
        %lt3A = arith.constant 2304 : i32
        %lt3A_246 = vector.broadcast %lt3A : i32 to vector<16xi32>
        %lt3A_247 = arith.cmpi slt, %sub3A_243, %lt3A_246 : vector<16xi32>
        %and3A = arith.andi %ge3A_245, %lt3A_247 : vector<16xi1>
        %jit3A = arith.constant 0 : i32
        %broadcast_in_dim3A = vector.broadcast %jit3A : i32 to vector<16xi32>
        %select_n3A = arith.select %and3A, %sub3A_243, %broadcast_in_dim3A : vector<16xi1>, vector<16xi32>
        tpu.vector_store_idx %arg12[%select_n3A], %get3A_242 masked %and3A : memref<2304xf32, #tpu.memory_space<vmem>>[vector<16xi32>], vector<16xf32>, vector<16xi1>
      }
      %scan3A_234 = arith.constant 256 : i32
      "tpu.region"() ({
        %run_scoped3A_235 = tpu.sem_alloc : memref<!tpu.dma_semaphore, #tpu.memory_space<semaphore_mem>>
        %dma_start3A_236 = tpu.memref_slice %arg6[%mul3A_223] : memref<4608xf32, #tpu.memory_space<hbm>> -> memref<2304xf32, #tpu.memory_space<hbm>>
        %dma_start3A_237 = tpu.memref_slice %arg6[%mul3A_223] : memref<4608xf32, #tpu.memory_space<hbm>> -> memref<2304xf32, #tpu.memory_space<hbm>>
        tpu.enqueue_dma source(%arg12 : memref<2304xf32, #tpu.memory_space<vmem>>) target(%dma_start3A_237 : memref<2304xf32, #tpu.memory_space<hbm>>) target_semaphore(%run_scoped3A_235 : memref<!tpu.dma_semaphore, #tpu.memory_space<semaphore_mem>>)
        %dma_wait3A_238 = tpu.memref_slice %arg6[%mul3A_223] : memref<4608xf32, #tpu.memory_space<hbm>> -> memref<2304xf32, #tpu.memory_space<hbm>>
        %dma_wait3A_239 = tpu.memref_slice %arg6[%mul3A_223] : memref<4608xf32, #tpu.memory_space<hbm>> -> memref<2304xf32, #tpu.memory_space<hbm>>
        tpu.wait_dma2 semaphore(%run_scoped3A_235 : memref<!tpu.dma_semaphore, #tpu.memory_space<semaphore_mem>>) src(%arg12 : memref<2304xf32, #tpu.memory_space<vmem>>) dst(%dma_wait3A_239 : memref<2304xf32, #tpu.memory_space<hbm>>)
        tpu.yield
      }) : () -> ()
    } else {
    }
    %mul3A_3 = arith.constant 128 : i32
    %mul3A_4 = arith.muli %add3A, %mul3A_3 : i32
    %add3A_5 = arith.constant 0 : i32
    %add3A_6 = arith.addi %mul3A_4, %add3A_5 : i32
    %run_scoped3A = arith.constant 0 : i32
    "tpu.region"() ({
      %run_scoped3A_222 = tpu.sem_alloc : memref<!tpu.dma_semaphore, #tpu.memory_space<semaphore_mem>>
      %dma_start3A_223 = arith.constant 0 : i32
      %dma_start3A_224 = tpu.memref_slice %arg8[%run_scoped3A, %dma_start3A_223] : memref<4x32xi32, #tpu.memory_space<vmem>> -> memref<1x32xi32, #tpu.memory_space<vmem>>
      %dma_start3A_225 = tpu.memref_squeeze %dma_start3A_224 : memref<1x32xi32, #tpu.memory_space<vmem>> -> memref<32xi32, #tpu.memory_space<vmem>>
      %dma_start3A_226 = tpu.memref_slice %arg3[%add3A_6] : memref<4096xi32, #tpu.memory_space<hbm>> -> memref<32xi32, #tpu.memory_space<hbm>>
      %dma_start3A_227 = arith.constant 0 : i32
      %dma_start3A_228 = tpu.memref_slice %arg8[%run_scoped3A, %dma_start3A_227] : memref<4x32xi32, #tpu.memory_space<vmem>> -> memref<1x32xi32, #tpu.memory_space<vmem>>
      %dma_start3A_229 = tpu.memref_squeeze %dma_start3A_228 : memref<1x32xi32, #tpu.memory_space<vmem>> -> memref<32xi32, #tpu.memory_space<vmem>>
      %dma_start3A_230 = tpu.memref_slice %arg3[%add3A_6] : memref<4096xi32, #tpu.memory_space<hbm>> -> memref<32xi32, #tpu.memory_space<hbm>>
      tpu.enqueue_dma source(%dma_start3A_230 : memref<32xi32, #tpu.memory_space<hbm>>) target(%dma_start3A_229 : memref<32xi32, #tpu.memory_space<vmem>>) target_semaphore(%run_scoped3A_222 : memref<!tpu.dma_semaphore, #tpu.memory_space<semaphore_mem>>)
      %dma_wait3A_231 = arith.constant 0 : i32
      %dma_wait3A_232 = tpu.memref_slice %arg8[%run_scoped3A, %dma_wait3A_231] : memref<4x32xi32, #tpu.memory_space<vmem>> -> memref<1x32xi32, #tpu.memory_space<vmem>>
      %dma_wait3A_233 = tpu.memref_squeeze %dma_wait3A_232 : memref<1x32xi32, #tpu.memory_space<vmem>> -> memref<32xi32, #tpu.memory_space<vmem>>
      %dma_wait3A_234 = tpu.memref_slice %arg3[%add3A_6] : memref<4096xi32, #tpu.memory_space<hbm>> -> memref<32xi32, #tpu.memory_space<hbm>>
      %dma_wait3A_235 = arith.constant 0 : i32
      %dma_wait3A_236 = tpu.memref_slice %arg8[%run_scoped3A, %dma_wait3A_235] : memref<4x32xi32, #tpu.memory_space<vmem>> -> memref<1x32xi32, #tpu.memory_space<vmem>>
      %dma_wait3A_237 = tpu.memref_squeeze %dma_wait3A_236 : memref<1x32xi32, #tpu.memory_space<vmem>> -> memref<32xi32, #tpu.memory_space<vmem>>
      %dma_wait3A_238 = tpu.memref_slice %arg3[%add3A_6] : memref<4096xi32, #tpu.memory_space<hbm>> -> memref<32xi32, #tpu.memory_space<hbm>>
      tpu.wait_dma2 semaphore(%run_scoped3A_222 : memref<!tpu.dma_semaphore, #tpu.memory_space<semaphore_mem>>) src(%dma_wait3A_238 : memref<32xi32, #tpu.memory_space<hbm>>) dst(%dma_wait3A_237 : memref<32xi32, #tpu.memory_space<vmem>>)
      tpu.yield
    }) : () -> ()
    %add3A_7 = arith.constant 32 : i32
    %add3A_8 = arith.addi %mul3A_4, %add3A_7 : i32
    %run_scoped3A_9 = arith.constant 1 : i32
    "tpu.region"() ({
      %run_scoped3A_222 = tpu.sem_alloc : memref<!tpu.dma_semaphore, #tpu.memory_space<semaphore_mem>>
      %dma_start3A_223 = arith.constant 0 : i32
      %dma_start3A_224 = tpu.memref_slice %arg8[%run_scoped3A_9, %dma_start3A_223] : memref<4x32xi32, #tpu.memory_space<vmem>> -> memref<1x32xi32, #tpu.memory_space<vmem>>
      %dma_start3A_225 = tpu.memref_squeeze %dma_start3A_224 : memref<1x32xi32, #tpu.memory_space<vmem>> -> memref<32xi32, #tpu.memory_space<vmem>>
      %dma_start3A_226 = tpu.memref_slice %arg3[%add3A_8] : memref<4096xi32, #tpu.memory_space<hbm>> -> memref<32xi32, #tpu.memory_space<hbm>>
      %dma_start3A_227 = arith.constant 0 : i32
      %dma_start3A_228 = tpu.memref_slice %arg8[%run_scoped3A_9, %dma_start3A_227] : memref<4x32xi32, #tpu.memory_space<vmem>> -> memref<1x32xi32, #tpu.memory_space<vmem>>
      %dma_start3A_229 = tpu.memref_squeeze %dma_start3A_228 : memref<1x32xi32, #tpu.memory_space<vmem>> -> memref<32xi32, #tpu.memory_space<vmem>>
      %dma_start3A_230 = tpu.memref_slice %arg3[%add3A_8] : memref<4096xi32, #tpu.memory_space<hbm>> -> memref<32xi32, #tpu.memory_space<hbm>>
      tpu.enqueue_dma source(%dma_start3A_230 : memref<32xi32, #tpu.memory_space<hbm>>) target(%dma_start3A_229 : memref<32xi32, #tpu.memory_space<vmem>>) target_semaphore(%run_scoped3A_222 : memref<!tpu.dma_semaphore, #tpu.memory_space<semaphore_mem>>)
      %dma_wait3A_231 = arith.constant 0 : i32
      %dma_wait3A_232 = tpu.memref_slice %arg8[%run_scoped3A_9, %dma_wait3A_231] : memref<4x32xi32, #tpu.memory_space<vmem>> -> memref<1x32xi32, #tpu.memory_space<vmem>>
      %dma_wait3A_233 = tpu.memref_squeeze %dma_wait3A_232 : memref<1x32xi32, #tpu.memory_space<vmem>> -> memref<32xi32, #tpu.memory_space<vmem>>
      %dma_wait3A_234 = tpu.memref_slice %arg3[%add3A_8] : memref<4096xi32, #tpu.memory_space<hbm>> -> memref<32xi32, #tpu.memory_space<hbm>>
      %dma_wait3A_235 = arith.constant 0 : i32
      %dma_wait3A_236 = tpu.memref_slice %arg8[%run_scoped3A_9, %dma_wait3A_235] : memref<4x32xi32, #tpu.memory_space<vmem>> -> memref<1x32xi32, #tpu.memory_space<vmem>>
      %dma_wait3A_237 = tpu.memref_squeeze %dma_wait3A_236 : memref<1x32xi32, #tpu.memory_space<vmem>> -> memref<32xi32, #tpu.memory_space<vmem>>
      %dma_wait3A_238 = tpu.memref_slice %arg3[%add3A_8] : memref<4096xi32, #tpu.memory_space<hbm>> -> memref<32xi32, #tpu.memory_space<hbm>>
      tpu.wait_dma2 semaphore(%run_scoped3A_222 : memref<!tpu.dma_semaphore, #tpu.memory_space<semaphore_mem>>) src(%dma_wait3A_238 : memref<32xi32, #tpu.memory_space<hbm>>) dst(%dma_wait3A_237 : memref<32xi32, #tpu.memory_space<vmem>>)
      tpu.yield
    }) : () -> ()
    %add3A_10 = arith.constant 64 : i32
    %add3A_11 = arith.addi %mul3A_4, %add3A_10 : i32
    %run_scoped3A_12 = arith.constant 2 : i32
    "tpu.region"() ({
      %run_scoped3A_222 = tpu.sem_alloc : memref<!tpu.dma_semaphore, #tpu.memory_space<semaphore_mem>>
      %dma_start3A_223 = arith.constant 0 : i32
      %dma_start3A_224 = tpu.memref_slice %arg8[%run_scoped3A_12, %dma_start3A_223] : memref<4x32xi32, #tpu.memory_space<vmem>> -> memref<1x32xi32, #tpu.memory_space<vmem>>
      %dma_start3A_225 = tpu.memref_squeeze %dma_start3A_224 : memref<1x32xi32, #tpu.memory_space<vmem>> -> memref<32xi32, #tpu.memory_space<vmem>>
      %dma_start3A_226 = tpu.memref_slice %arg3[%add3A_11] : memref<4096xi32, #tpu.memory_space<hbm>> -> memref<32xi32, #tpu.memory_space<hbm>>
      %dma_start3A_227 = arith.constant 0 : i32
      %dma_start3A_228 = tpu.memref_slice %arg8[%run_scoped3A_12, %dma_start3A_227] : memref<4x32xi32, #tpu.memory_space<vmem>> -> memref<1x32xi32, #tpu.memory_space<vmem>>
      %dma_start3A_229 = tpu.memref_squeeze %dma_start3A_228 : memref<1x32xi32, #tpu.memory_space<vmem>> -> memref<32xi32, #tpu.memory_space<vmem>>
      %dma_start3A_230 = tpu.memref_slice %arg3[%add3A_11] : memref<4096xi32, #tpu.memory_space<hbm>> -> memref<32xi32, #tpu.memory_space<hbm>>
      tpu.enqueue_dma source(%dma_start3A_230 : memref<32xi32, #tpu.memory_space<hbm>>) target(%dma_start3A_229 : memref<32xi32, #tpu.memory_space<vmem>>) target_semaphore(%run_scoped3A_222 : memref<!tpu.dma_semaphore, #tpu.memory_space<semaphore_mem>>)
      %dma_wait3A_231 = arith.constant 0 : i32
      %dma_wait3A_232 = tpu.memref_slice %arg8[%run_scoped3A_12, %dma_wait3A_231] : memref<4x32xi32, #tpu.memory_space<vmem>> -> memref<1x32xi32, #tpu.memory_space<vmem>>
      %dma_wait3A_233 = tpu.memref_squeeze %dma_wait3A_232 : memref<1x32xi32, #tpu.memory_space<vmem>> -> memref<32xi32, #tpu.memory_space<vmem>>
      %dma_wait3A_234 = tpu.memref_slice %arg3[%add3A_11] : memref<4096xi32, #tpu.memory_space<hbm>> -> memref<32xi32, #tpu.memory_space<hbm>>
      %dma_wait3A_235 = arith.constant 0 : i32
      %dma_wait3A_236 = tpu.memref_slice %arg8[%run_scoped3A_12, %dma_wait3A_235] : memref<4x32xi32, #tpu.memory_space<vmem>> -> memref<1x32xi32, #tpu.memory_space<vmem>>
      %dma_wait3A_237 = tpu.memref_squeeze %dma_wait3A_236 : memref<1x32xi32, #tpu.memory_space<vmem>> -> memref<32xi32, #tpu.memory_space<vmem>>
      %dma_wait3A_238 = tpu.memref_slice %arg3[%add3A_11] : memref<4096xi32, #tpu.memory_space<hbm>> -> memref<32xi32, #tpu.memory_space<hbm>>
      tpu.wait_dma2 semaphore(%run_scoped3A_222 : memref<!tpu.dma_semaphore, #tpu.memory_space<semaphore_mem>>) src(%dma_wait3A_238 : memref<32xi32, #tpu.memory_space<hbm>>) dst(%dma_wait3A_237 : memref<32xi32, #tpu.memory_space<vmem>>)
      tpu.yield
    }) : () -> ()
    %add3A_13 = arith.constant 96 : i32
    %add3A_14 = arith.addi %mul3A_4, %add3A_13 : i32
    %run_scoped3A_15 = arith.constant 3 : i32
    "tpu.region"() ({
      %run_scoped3A_222 = tpu.sem_alloc : memref<!tpu.dma_semaphore, #tpu.memory_space<semaphore_mem>>
      %dma_start3A_223 = arith.constant 0 : i32
      %dma_start3A_224 = tpu.memref_slice %arg8[%run_scoped3A_15, %dma_start3A_223] : memref<4x32xi32, #tpu.memory_space<vmem>> -> memref<1x32xi32, #tpu.memory_space<vmem>>
      %dma_start3A_225 = tpu.memref_squeeze %dma_start3A_224 : memref<1x32xi32, #tpu.memory_space<vmem>> -> memref<32xi32, #tpu.memory_space<vmem>>
      %dma_start3A_226 = tpu.memref_slice %arg3[%add3A_14] : memref<4096xi32, #tpu.memory_space<hbm>> -> memref<32xi32, #tpu.memory_space<hbm>>
      %dma_start3A_227 = arith.constant 0 : i32
      %dma_start3A_228 = tpu.memref_slice %arg8[%run_scoped3A_15, %dma_start3A_227] : memref<4x32xi32, #tpu.memory_space<vmem>> -> memref<1x32xi32, #tpu.memory_space<vmem>>
      %dma_start3A_229 = tpu.memref_squeeze %dma_start3A_228 : memref<1x32xi32, #tpu.memory_space<vmem>> -> memref<32xi32, #tpu.memory_space<vmem>>
      %dma_start3A_230 = tpu.memref_slice %arg3[%add3A_14] : memref<4096xi32, #tpu.memory_space<hbm>> -> memref<32xi32, #tpu.memory_space<hbm>>
      tpu.enqueue_dma source(%dma_start3A_230 : memref<32xi32, #tpu.memory_space<hbm>>) target(%dma_start3A_229 : memref<32xi32, #tpu.memory_space<vmem>>) target_semaphore(%run_scoped3A_222 : memref<!tpu.dma_semaphore, #tpu.memory_space<semaphore_mem>>)
      %dma_wait3A_231 = arith.constant 0 : i32
      %dma_wait3A_232 = tpu.memref_slice %arg8[%run_scoped3A_15, %dma_wait3A_231] : memref<4x32xi32, #tpu.memory_space<vmem>> -> memref<1x32xi32, #tpu.memory_space<vmem>>
      %dma_wait3A_233 = tpu.memref_squeeze %dma_wait3A_232 : memref<1x32xi32, #tpu.memory_space<vmem>> -> memref<32xi32, #tpu.memory_space<vmem>>
      %dma_wait3A_234 = tpu.memref_slice %arg3[%add3A_14] : memref<4096xi32, #tpu.memory_space<hbm>> -> memref<32xi32, #tpu.memory_space<hbm>>
      %dma_wait3A_235 = arith.constant 0 : i32
      %dma_wait3A_236 = tpu.memref_slice %arg8[%run_scoped3A_15, %dma_wait3A_235] : memref<4x32xi32, #tpu.memory_space<vmem>> -> memref<1x32xi32, #tpu.memory_space<vmem>>
      %dma_wait3A_237 = tpu.memref_squeeze %dma_wait3A_236 : memref<1x32xi32, #tpu.memory_space<vmem>> -> memref<32xi32, #tpu.memory_space<vmem>>
      %dma_wait3A_238 = tpu.memref_slice %arg3[%add3A_14] : memref<4096xi32, #tpu.memory_space<hbm>> -> memref<32xi32, #tpu.memory_space<hbm>>
      tpu.wait_dma2 semaphore(%run_scoped3A_222 : memref<!tpu.dma_semaphore, #tpu.memory_space<semaphore_mem>>) src(%dma_wait3A_238 : memref<32xi32, #tpu.memory_space<hbm>>) dst(%dma_wait3A_237 : memref<32xi32, #tpu.memory_space<vmem>>)
      tpu.yield
    }) : () -> ()
    %add3A_16 = arith.constant 0 : i32
    %add3A_17 = arith.addi %mul3A_4, %add3A_16 : i32
    %dma_start3A = arith.constant 0 : i32
    %dma_start3A_18 = arith.constant 0 : i32
    %dma_start3A_19 = arith.constant 0 : i32
    %dma_start3A_20 = tpu.memref_slice %arg9[%dma_start3A, %dma_start3A_18, %dma_start3A_19] : memref<3x32x1024xf32, #tpu.memory_space<vmem>> -> memref<1x32x1024xf32, #tpu.memory_space<vmem>>
    %dma_start3A_21 = tpu.memref_squeeze %dma_start3A_20 : memref<1x32x1024xf32, #tpu.memory_space<vmem>> -> memref<32x1024xf32, #tpu.memory_space<vmem>>
    %dma_start3A_22 = arith.constant 0 : i32
    %dma_start3A_23 = tpu.memref_slice %arg2[%add3A_17, %dma_start3A_22] : memref<4096x1024xf32, #tpu.memory_space<hbm>> -> memref<32x1024xf32, #tpu.memory_space<hbm>>
    %dma_start3A_24 = arith.constant 0 : i32
    %dma_start3A_25 = arith.constant 0 : i32
    %dma_start3A_26 = tpu.memref_slice %arg9[%dma_start3A, %dma_start3A_24, %dma_start3A_25] : memref<3x32x1024xf32, #tpu.memory_space<vmem>> -> memref<1x32x1024xf32, #tpu.memory_space<vmem>>
    %dma_start3A_27 = tpu.memref_squeeze %dma_start3A_26 : memref<1x32x1024xf32, #tpu.memory_space<vmem>> -> memref<32x1024xf32, #tpu.memory_space<vmem>>
    %dma_start3A_28 = arith.constant 0 : i32
    %dma_start3A_29 = tpu.memref_slice %arg2[%add3A_17, %dma_start3A_28] : memref<4096x1024xf32, #tpu.memory_space<hbm>> -> memref<32x1024xf32, #tpu.memory_space<hbm>>
    tpu.enqueue_dma source(%dma_start3A_29 : memref<32x1024xf32, #tpu.memory_space<hbm>>) target(%dma_start3A_27 : memref<32x1024xf32, #tpu.memory_space<vmem>>) target_semaphore(%arg13 : memref<!tpu.dma_semaphore, #tpu.memory_space<semaphore_mem>>)
    %add3A_30 = arith.constant 32 : i32
    %add3A_31 = arith.addi %mul3A_4, %add3A_30 : i32
    %dma_start3A_32 = arith.constant 1 : i32
    %dma_start3A_33 = arith.constant 0 : i32
    %dma_start3A_34 = arith.constant 0 : i32
    %dma_start3A_35 = tpu.memref_slice %arg9[%dma_start3A_32, %dma_start3A_33, %dma_start3A_34] : memref<3x32x1024xf32, #tpu.memory_space<vmem>> -> memref<1x32x1024xf32, #tpu.memory_space<vmem>>
    %dma_start3A_36 = tpu.memref_squeeze %dma_start3A_35 : memref<1x32x1024xf32, #tpu.memory_space<vmem>> -> memref<32x1024xf32, #tpu.memory_space<vmem>>
    %dma_start3A_37 = arith.constant 0 : i32
    %dma_start3A_38 = tpu.memref_slice %arg2[%add3A_31, %dma_start3A_37] : memref<4096x1024xf32, #tpu.memory_space<hbm>> -> memref<32x1024xf32, #tpu.memory_space<hbm>>
    %dma_start3A_39 = arith.constant 0 : i32
    %dma_start3A_40 = arith.constant 0 : i32
    %dma_start3A_41 = tpu.memref_slice %arg9[%dma_start3A_32, %dma_start3A_39, %dma_start3A_40] : memref<3x32x1024xf32, #tpu.memory_space<vmem>> -> memref<1x32x1024xf32, #tpu.memory_space<vmem>>
    %dma_start3A_42 = tpu.memref_squeeze %dma_start3A_41 : memref<1x32x1024xf32, #tpu.memory_space<vmem>> -> memref<32x1024xf32, #tpu.memory_space<vmem>>
    %dma_start3A_43 = arith.constant 0 : i32
    %dma_start3A_44 = tpu.memref_slice %arg2[%add3A_31, %dma_start3A_43] : memref<4096x1024xf32, #tpu.memory_space<hbm>> -> memref<32x1024xf32, #tpu.memory_space<hbm>>
    tpu.enqueue_dma source(%dma_start3A_44 : memref<32x1024xf32, #tpu.memory_space<hbm>>) target(%dma_start3A_42 : memref<32x1024xf32, #tpu.memory_space<vmem>>) target_semaphore(%arg14 : memref<!tpu.dma_semaphore, #tpu.memory_space<semaphore_mem>>)
    %add3A_45 = arith.constant 64 : i32
    %add3A_46 = arith.addi %mul3A_4, %add3A_45 : i32
    %dma_start3A_47 = arith.constant 2 : i32
    %dma_start3A_48 = arith.constant 0 : i32
    %dma_start3A_49 = arith.constant 0 : i32
    %dma_start3A_50 = tpu.memref_slice %arg9[%dma_start3A_47, %dma_start3A_48, %dma_start3A_49] : memref<3x32x1024xf32, #tpu.memory_space<vmem>> -> memref<1x32x1024xf32, #tpu.memory_space<vmem>>
    %dma_start3A_51 = tpu.memref_squeeze %dma_start3A_50 : memref<1x32x1024xf32, #tpu.memory_space<vmem>> -> memref<32x1024xf32, #tpu.memory_space<vmem>>
    %dma_start3A_52 = arith.constant 0 : i32
    %dma_start3A_53 = tpu.memref_slice %arg2[%add3A_46, %dma_start3A_52] : memref<4096x1024xf32, #tpu.memory_space<hbm>> -> memref<32x1024xf32, #tpu.memory_space<hbm>>
    %dma_start3A_54 = arith.constant 0 : i32
    %dma_start3A_55 = arith.constant 0 : i32
    %dma_start3A_56 = tpu.memref_slice %arg9[%dma_start3A_47, %dma_start3A_54, %dma_start3A_55] : memref<3x32x1024xf32, #tpu.memory_space<vmem>> -> memref<1x32x1024xf32, #tpu.memory_space<vmem>>
    %dma_start3A_57 = tpu.memref_squeeze %dma_start3A_56 : memref<1x32x1024xf32, #tpu.memory_space<vmem>> -> memref<32x1024xf32, #tpu.memory_space<vmem>>
    %dma_start3A_58 = arith.constant 0 : i32
    %dma_start3A_59 = tpu.memref_slice %arg2[%add3A_46, %dma_start3A_58] : memref<4096x1024xf32, #tpu.memory_space<hbm>> -> memref<32x1024xf32, #tpu.memory_space<hbm>>
    tpu.enqueue_dma source(%dma_start3A_59 : memref<32x1024xf32, #tpu.memory_space<hbm>>) target(%dma_start3A_57 : memref<32x1024xf32, #tpu.memory_space<vmem>>) target_semaphore(%arg15 : memref<!tpu.dma_semaphore, #tpu.memory_space<semaphore_mem>>)
    %dma_wait3A = arith.constant 0 : i32
    %dma_wait3A_60 = arith.constant 0 : i32
    %dma_wait3A_61 = arith.constant 0 : i32
    %dma_wait3A_62 = tpu.memref_slice %arg9[%dma_wait3A, %dma_wait3A_60, %dma_wait3A_61] : memref<3x32x1024xf32, #tpu.memory_space<vmem>> -> memref<1x32x1024xf32, #tpu.memory_space<vmem>>
    %dma_wait3A_63 = tpu.memref_squeeze %dma_wait3A_62 : memref<1x32x1024xf32, #tpu.memory_space<vmem>> -> memref<32x1024xf32, #tpu.memory_space<vmem>>
    %dma_wait3A_64 = arith.constant 0 : i32
    %dma_wait3A_65 = tpu.memref_slice %arg2[%add3A_17, %dma_wait3A_64] : memref<4096x1024xf32, #tpu.memory_space<hbm>> -> memref<32x1024xf32, #tpu.memory_space<hbm>>
    %dma_wait3A_66 = arith.constant 0 : i32
    %dma_wait3A_67 = arith.constant 0 : i32
    %dma_wait3A_68 = tpu.memref_slice %arg9[%dma_wait3A, %dma_wait3A_66, %dma_wait3A_67] : memref<3x32x1024xf32, #tpu.memory_space<vmem>> -> memref<1x32x1024xf32, #tpu.memory_space<vmem>>
    %dma_wait3A_69 = tpu.memref_squeeze %dma_wait3A_68 : memref<1x32x1024xf32, #tpu.memory_space<vmem>> -> memref<32x1024xf32, #tpu.memory_space<vmem>>
    %dma_wait3A_70 = arith.constant 0 : i32
    %dma_wait3A_71 = tpu.memref_slice %arg2[%add3A_17, %dma_wait3A_70] : memref<4096x1024xf32, #tpu.memory_space<hbm>> -> memref<32x1024xf32, #tpu.memory_space<hbm>>
    tpu.wait_dma2 semaphore(%arg13 : memref<!tpu.dma_semaphore, #tpu.memory_space<semaphore_mem>>) src(%dma_wait3A_71 : memref<32x1024xf32, #tpu.memory_space<hbm>>) dst(%dma_wait3A_69 : memref<32x1024xf32, #tpu.memory_space<vmem>>)
    %dma_start3A_72 = arith.constant 0 : i32
    %dma_start3A_73 = arith.constant 0 : i32
    %dma_start3A_74 = arith.constant 0 : i32
    %dma_start3A_75 = arith.constant 0 : i32
    %dma_start3A_76 = tpu.memref_slice %arg9[%dma_start3A_72, %dma_start3A_74, %dma_start3A_75] : memref<3x32x1024xf32, #tpu.memory_space<vmem>> -> memref<1x32x1024xf32, #tpu.memory_space<vmem>>
    %dma_start3A_77 = tpu.memref_squeeze %dma_start3A_76 : memref<1x32x1024xf32, #tpu.memory_space<vmem>> -> memref<32x1024xf32, #tpu.memory_space<vmem>>
    %dma_start3A_78 = arith.constant 0 : i32
    %dma_start3A_79 = tpu.memref_slice %arg8[%dma_start3A_73, %dma_start3A_78] : memref<4x32xi32, #tpu.memory_space<vmem>> -> memref<1x32xi32, #tpu.memory_space<vmem>>
    %dma_start3A_80 = tpu.memref_squeeze %dma_start3A_79 : memref<1x32xi32, #tpu.memory_space<vmem>> -> memref<32xi32, #tpu.memory_space<vmem>>
    %dma_start3A_81 = arith.constant 0 : i32
    %dma_start3A_82 = arith.constant 0 : i32
    %dma_start3A_83 = tpu.memref_slice %arg5[%dma_start3A_81, %dma_start3A_82] : memref<4608x1024xf32, #tpu.memory_space<hbm>> -> memref<4608x1024xf32, #tpu.memory_space<hbm>>
    tpu.enqueue_indirect_dma source(%dma_start3A_77 : memref<32x1024xf32, #tpu.memory_space<vmem>>) target(%dma_start3A_83 : memref<4608x1024xf32, #tpu.memory_space<hbm>>) offsets(%dma_start3A_80 : memref<32xi32, #tpu.memory_space<vmem>>) semaphore(%arg16 : memref<!tpu.dma_semaphore, #tpu.memory_space<semaphore_mem>>)
    %dma_wait3A_84 = arith.constant 0 : i32
    %dma_wait3A_85 = arith.constant 0 : i32
    %dma_wait3A_86 = arith.constant 0 : i32
    %dma_wait3A_87 = arith.constant 0 : i32
    %dma_wait3A_88 = tpu.memref_slice %arg9[%dma_wait3A_84, %dma_wait3A_86, %dma_wait3A_87] : memref<3x32x1024xf32, #tpu.memory_space<vmem>> -> memref<1x32x1024xf32, #tpu.memory_space<vmem>>
    %dma_wait3A_89 = tpu.memref_squeeze %dma_wait3A_88 : memref<1x32x1024xf32, #tpu.memory_space<vmem>> -> memref<32x1024xf32, #tpu.memory_space<vmem>>
    %dma_wait3A_90 = arith.constant 0 : i32
    %dma_wait3A_91 = tpu.memref_slice %arg8[%dma_wait3A_85, %dma_wait3A_90] : memref<4x32xi32, #tpu.memory_space<vmem>> -> memref<1x32xi32, #tpu.memory_space<vmem>>
    %dma_wait3A_92 = tpu.memref_squeeze %dma_wait3A_91 : memref<1x32xi32, #tpu.memory_space<vmem>> -> memref<32xi32, #tpu.memory_space<vmem>>
    %dma_wait3A_93 = arith.constant 0 : i32
    %dma_wait3A_94 = arith.constant 0 : i32
    %dma_wait3A_95 = tpu.memref_slice %arg5[%dma_wait3A_93, %dma_wait3A_94] : memref<4608x1024xf32, #tpu.memory_space<hbm>> -> memref<4608x1024xf32, #tpu.memory_space<hbm>>
    tpu.wait_indirect_dma semaphore(%arg16 : memref<!tpu.dma_semaphore, #tpu.memory_space<semaphore_mem>>) src(%dma_wait3A_89 : memref<32x1024xf32, #tpu.memory_space<vmem>>) dst(%dma_wait3A_95 : memref<4608x1024xf32, #tpu.memory_space<hbm>>)
    %add3A_96 = arith.constant 96 : i32
    %add3A_97 = arith.addi %mul3A_4, %add3A_96 : i32
    %dma_start3A_98 = arith.constant 0 : i32
    %dma_start3A_99 = arith.constant 0 : i32
    %dma_start3A_100 = arith.constant 0 : i32
    %dma_start3A_101 = tpu.memref_slice %arg9[%dma_start3A_98, %dma_start3A_99, %dma_start3A_100] : memref<3x32x1024xf32, #tpu.memory_space<vmem>> -> memref<1x32x1024xf32, #tpu.memory_space<vmem>>
    %dma_start3A_102 = tpu.memref_squeeze %dma_start3A_101 : memref<1x32x1024xf32, #tpu.memory_space<vmem>> -> memref<32x1024xf32, #tpu.memory_space<vmem>>
    %dma_start3A_103 = arith.constant 0 : i32
    %dma_start3A_104 = tpu.memref_slice %arg2[%add3A_97, %dma_start3A_103] : memref<4096x1024xf32, #tpu.memory_space<hbm>> -> memref<32x1024xf32, #tpu.memory_space<hbm>>
    %dma_start3A_105 = arith.constant 0 : i32
    %dma_start3A_106 = arith.constant 0 : i32
    %dma_start3A_107 = tpu.memref_slice %arg9[%dma_start3A_98, %dma_start3A_105, %dma_start3A_106] : memref<3x32x1024xf32, #tpu.memory_space<vmem>> -> memref<1x32x1024xf32, #tpu.memory_space<vmem>>
    %dma_start3A_108 = tpu.memref_squeeze %dma_start3A_107 : memref<1x32x1024xf32, #tpu.memory_space<vmem>> -> memref<32x1024xf32, #tpu.memory_space<vmem>>
    %dma_start3A_109 = arith.constant 0 : i32
    %dma_start3A_110 = tpu.memref_slice %arg2[%add3A_97, %dma_start3A_109] : memref<4096x1024xf32, #tpu.memory_space<hbm>> -> memref<32x1024xf32, #tpu.memory_space<hbm>>
    tpu.enqueue_dma source(%dma_start3A_110 : memref<32x1024xf32, #tpu.memory_space<hbm>>) target(%dma_start3A_108 : memref<32x1024xf32, #tpu.memory_space<vmem>>) target_semaphore(%arg13 : memref<!tpu.dma_semaphore, #tpu.memory_space<semaphore_mem>>)
    %dma_wait3A_111 = arith.constant 1 : i32
    %dma_wait3A_112 = arith.constant 0 : i32
    %dma_wait3A_113 = arith.constant 0 : i32
    %dma_wait3A_114 = tpu.memref_slice %arg9[%dma_wait3A_111, %dma_wait3A_112, %dma_wait3A_113] : memref<3x32x1024xf32, #tpu.memory_space<vmem>> -> memref<1x32x1024xf32, #tpu.memory_space<vmem>>
    %dma_wait3A_115 = tpu.memref_squeeze %dma_wait3A_114 : memref<1x32x1024xf32, #tpu.memory_space<vmem>> -> memref<32x1024xf32, #tpu.memory_space<vmem>>
    %dma_wait3A_116 = arith.constant 0 : i32
    %dma_wait3A_117 = tpu.memref_slice %arg2[%add3A_31, %dma_wait3A_116] : memref<4096x1024xf32, #tpu.memory_space<hbm>> -> memref<32x1024xf32, #tpu.memory_space<hbm>>
    %dma_wait3A_118 = arith.constant 0 : i32
    %dma_wait3A_119 = arith.constant 0 : i32
    %dma_wait3A_120 = tpu.memref_slice %arg9[%dma_wait3A_111, %dma_wait3A_118, %dma_wait3A_119] : memref<3x32x1024xf32, #tpu.memory_space<vmem>> -> memref<1x32x1024xf32, #tpu.memory_space<vmem>>
    %dma_wait3A_121 = tpu.memref_squeeze %dma_wait3A_120 : memref<1x32x1024xf32, #tpu.memory_space<vmem>> -> memref<32x1024xf32, #tpu.memory_space<vmem>>
    %dma_wait3A_122 = arith.constant 0 : i32
    %dma_wait3A_123 = tpu.memref_slice %arg2[%add3A_31, %dma_wait3A_122] : memref<4096x1024xf32, #tpu.memory_space<hbm>> -> memref<32x1024xf32, #tpu.memory_space<hbm>>
    tpu.wait_dma2 semaphore(%arg14 : memref<!tpu.dma_semaphore, #tpu.memory_space<semaphore_mem>>) src(%dma_wait3A_123 : memref<32x1024xf32, #tpu.memory_space<hbm>>) dst(%dma_wait3A_121 : memref<32x1024xf32, #tpu.memory_space<vmem>>)
    %dma_start3A_124 = arith.constant 1 : i32
    %dma_start3A_125 = arith.constant 1 : i32
    %dma_start3A_126 = arith.constant 0 : i32
    %dma_start3A_127 = arith.constant 0 : i32
    %dma_start3A_128 = tpu.memref_slice %arg9[%dma_start3A_124, %dma_start3A_126, %dma_start3A_127] : memref<3x32x1024xf32, #tpu.memory_space<vmem>> -> memref<1x32x1024xf32, #tpu.memory_space<vmem>>
    %dma_start3A_129 = tpu.memref_squeeze %dma_start3A_128 : memref<1x32x1024xf32, #tpu.memory_space<vmem>> -> memref<32x1024xf32, #tpu.memory_space<vmem>>
    %dma_start3A_130 = arith.constant 0 : i32
    %dma_start3A_131 = tpu.memref_slice %arg8[%dma_start3A_125, %dma_start3A_130] : memref<4x32xi32, #tpu.memory_space<vmem>> -> memref<1x32xi32, #tpu.memory_space<vmem>>
    %dma_start3A_132 = tpu.memref_squeeze %dma_start3A_131 : memref<1x32xi32, #tpu.memory_space<vmem>> -> memref<32xi32, #tpu.memory_space<vmem>>
    %dma_start3A_133 = arith.constant 0 : i32
    %dma_start3A_134 = arith.constant 0 : i32
    %dma_start3A_135 = tpu.memref_slice %arg5[%dma_start3A_133, %dma_start3A_134] : memref<4608x1024xf32, #tpu.memory_space<hbm>> -> memref<4608x1024xf32, #tpu.memory_space<hbm>>
    tpu.enqueue_indirect_dma source(%dma_start3A_129 : memref<32x1024xf32, #tpu.memory_space<vmem>>) target(%dma_start3A_135 : memref<4608x1024xf32, #tpu.memory_space<hbm>>) offsets(%dma_start3A_132 : memref<32xi32, #tpu.memory_space<vmem>>) semaphore(%arg17 : memref<!tpu.dma_semaphore, #tpu.memory_space<semaphore_mem>>)
    %dma_wait3A_136 = arith.constant 2 : i32
    %dma_wait3A_137 = arith.constant 0 : i32
    %dma_wait3A_138 = arith.constant 0 : i32
    %dma_wait3A_139 = tpu.memref_slice %arg9[%dma_wait3A_136, %dma_wait3A_137, %dma_wait3A_138] : memref<3x32x1024xf32, #tpu.memory_space<vmem>> -> memref<1x32x1024xf32, #tpu.memory_space<vmem>>
    %dma_wait3A_140 = tpu.memref_squeeze %dma_wait3A_139 : memref<1x32x1024xf32, #tpu.memory_space<vmem>> -> memref<32x1024xf32, #tpu.memory_space<vmem>>
    %dma_wait3A_141 = arith.constant 0 : i32
    %dma_wait3A_142 = tpu.memref_slice %arg2[%add3A_46, %dma_wait3A_141] : memref<4096x1024xf32, #tpu.memory_space<hbm>> -> memref<32x1024xf32, #tpu.memory_space<hbm>>
    %dma_wait3A_143 = arith.constant 0 : i32
    %dma_wait3A_144 = arith.constant 0 : i32
    %dma_wait3A_145 = tpu.memref_slice %arg9[%dma_wait3A_136, %dma_wait3A_143, %dma_wait3A_144] : memref<3x32x1024xf32, #tpu.memory_space<vmem>> -> memref<1x32x1024xf32, #tpu.memory_space<vmem>>
    %dma_wait3A_146 = tpu.memref_squeeze %dma_wait3A_145 : memref<1x32x1024xf32, #tpu.memory_space<vmem>> -> memref<32x1024xf32, #tpu.memory_space<vmem>>
    %dma_wait3A_147 = arith.constant 0 : i32
    %dma_wait3A_148 = tpu.memref_slice %arg2[%add3A_46, %dma_wait3A_147] : memref<4096x1024xf32, #tpu.memory_space<hbm>> -> memref<32x1024xf32, #tpu.memory_space<hbm>>
    tpu.wait_dma2 semaphore(%arg15 : memref<!tpu.dma_semaphore, #tpu.memory_space<semaphore_mem>>) src(%dma_wait3A_148 : memref<32x1024xf32, #tpu.memory_space<hbm>>) dst(%dma_wait3A_146 : memref<32x1024xf32, #tpu.memory_space<vmem>>)
    %dma_start3A_149 = arith.constant 2 : i32
    %dma_start3A_150 = arith.constant 2 : i32
    %dma_start3A_151 = arith.constant 0 : i32
    %dma_start3A_152 = arith.constant 0 : i32
    %dma_start3A_153 = tpu.memref_slice %arg9[%dma_start3A_149, %dma_start3A_151, %dma_start3A_152] : memref<3x32x1024xf32, #tpu.memory_space<vmem>> -> memref<1x32x1024xf32, #tpu.memory_space<vmem>>
    %dma_start3A_154 = tpu.memref_squeeze %dma_start3A_153 : memref<1x32x1024xf32, #tpu.memory_space<vmem>> -> memref<32x1024xf32, #tpu.memory_space<vmem>>
    %dma_start3A_155 = arith.constant 0 : i32
    %dma_start3A_156 = tpu.memref_slice %arg8[%dma_start3A_150, %dma_start3A_155] : memref<4x32xi32, #tpu.memory_space<vmem>> -> memref<1x32xi32, #tpu.memory_space<vmem>>
    %dma_start3A_157 = tpu.memref_squeeze %dma_start3A_156 : memref<1x32xi32, #tpu.memory_space<vmem>> -> memref<32xi32, #tpu.memory_space<vmem>>
    %dma_start3A_158 = arith.constant 0 : i32
    %dma_start3A_159 = arith.constant 0 : i32
    %dma_start3A_160 = tpu.memref_slice %arg5[%dma_start3A_158, %dma_start3A_159] : memref<4608x1024xf32, #tpu.memory_space<hbm>> -> memref<4608x1024xf32, #tpu.memory_space<hbm>>
    tpu.enqueue_indirect_dma source(%dma_start3A_154 : memref<32x1024xf32, #tpu.memory_space<vmem>>) target(%dma_start3A_160 : memref<4608x1024xf32, #tpu.memory_space<hbm>>) offsets(%dma_start3A_157 : memref<32xi32, #tpu.memory_space<vmem>>) semaphore(%arg18 : memref<!tpu.dma_semaphore, #tpu.memory_space<semaphore_mem>>)
    %dma_wait3A_161 = arith.constant 0 : i32
    %dma_wait3A_162 = arith.constant 0 : i32
    %dma_wait3A_163 = arith.constant 0 : i32
    %dma_wait3A_164 = tpu.memref_slice %arg9[%dma_wait3A_161, %dma_wait3A_162, %dma_wait3A_163] : memref<3x32x1024xf32, #tpu.memory_space<vmem>> -> memref<1x32x1024xf32, #tpu.memory_space<vmem>>
    %dma_wait3A_165 = tpu.memref_squeeze %dma_wait3A_164 : memref<1x32x1024xf32, #tpu.memory_space<vmem>> -> memref<32x1024xf32, #tpu.memory_space<vmem>>
    %dma_wait3A_166 = arith.constant 0 : i32
    %dma_wait3A_167 = tpu.memref_slice %arg2[%add3A_97, %dma_wait3A_166] : memref<4096x1024xf32, #tpu.memory_space<hbm>> -> memref<32x1024xf32, #tpu.memory_space<hbm>>
    %dma_wait3A_168 = arith.constant 0 : i32
    %dma_wait3A_169 = arith.constant 0 : i32
    %dma_wait3A_170 = tpu.memref_slice %arg9[%dma_wait3A_161, %dma_wait3A_168, %dma_wait3A_169] : memref<3x32x1024xf32, #tpu.memory_space<vmem>> -> memref<1x32x1024xf32, #tpu.memory_space<vmem>>
    %dma_wait3A_171 = tpu.memref_squeeze %dma_wait3A_170 : memref<1x32x1024xf32, #tpu.memory_space<vmem>> -> memref<32x1024xf32, #tpu.memory_space<vmem>>
    %dma_wait3A_172 = arith.constant 0 : i32
    %dma_wait3A_173 = tpu.memref_slice %arg2[%add3A_97, %dma_wait3A_172] : memref<4096x1024xf32, #tpu.memory_space<hbm>> -> memref<32x1024xf32, #tpu.memory_space<hbm>>
    tpu.wait_dma2 semaphore(%arg13 : memref<!tpu.dma_semaphore, #tpu.memory_space<semaphore_mem>>) src(%dma_wait3A_173 : memref<32x1024xf32, #tpu.memory_space<hbm>>) dst(%dma_wait3A_171 : memref<32x1024xf32, #tpu.memory_space<vmem>>)
    %dma_start3A_174 = arith.constant 0 : i32
    %dma_start3A_175 = arith.constant 3 : i32
    %dma_start3A_176 = arith.constant 0 : i32
    %dma_start3A_177 = arith.constant 0 : i32
    %dma_start3A_178 = tpu.memref_slice %arg9[%dma_start3A_174, %dma_start3A_176, %dma_start3A_177] : memref<3x32x1024xf32, #tpu.memory_space<vmem>> -> memref<1x32x1024xf32, #tpu.memory_space<vmem>>
    %dma_start3A_179 = tpu.memref_squeeze %dma_start3A_178 : memref<1x32x1024xf32, #tpu.memory_space<vmem>> -> memref<32x1024xf32, #tpu.memory_space<vmem>>
    %dma_start3A_180 = arith.constant 0 : i32
    %dma_start3A_181 = tpu.memref_slice %arg8[%dma_start3A_175, %dma_start3A_180] : memref<4x32xi32, #tpu.memory_space<vmem>> -> memref<1x32xi32, #tpu.memory_space<vmem>>
    %dma_start3A_182 = tpu.memref_squeeze %dma_start3A_181 : memref<1x32xi32, #tpu.memory_space<vmem>> -> memref<32xi32, #tpu.memory_space<vmem>>
    %dma_start3A_183 = arith.constant 0 : i32
    %dma_start3A_184 = arith.constant 0 : i32
    %dma_start3A_185 = tpu.memref_slice %arg5[%dma_start3A_183, %dma_start3A_184] : memref<4608x1024xf32, #tpu.memory_space<hbm>> -> memref<4608x1024xf32, #tpu.memory_space<hbm>>
    tpu.enqueue_indirect_dma source(%dma_start3A_179 : memref<32x1024xf32, #tpu.memory_space<vmem>>) target(%dma_start3A_185 : memref<4608x1024xf32, #tpu.memory_space<hbm>>) offsets(%dma_start3A_182 : memref<32xi32, #tpu.memory_space<vmem>>) semaphore(%arg16 : memref<!tpu.dma_semaphore, #tpu.memory_space<semaphore_mem>>)
    %dma_wait3A_186 = arith.constant 1 : i32
    %dma_wait3A_187 = arith.constant 1 : i32
    %dma_wait3A_188 = arith.constant 0 : i32
    %dma_wait3A_189 = arith.constant 0 : i32
    %dma_wait3A_190 = tpu.memref_slice %arg9[%dma_wait3A_186, %dma_wait3A_188, %dma_wait3A_189] : memref<3x32x1024xf32, #tpu.memory_space<vmem>> -> memref<1x32x1024xf32, #tpu.memory_space<vmem>>
    %dma_wait3A_191 = tpu.memref_squeeze %dma_wait3A_190 : memref<1x32x1024xf32, #tpu.memory_space<vmem>> -> memref<32x1024xf32, #tpu.memory_space<vmem>>
    %dma_wait3A_192 = arith.constant 0 : i32
    %dma_wait3A_193 = tpu.memref_slice %arg8[%dma_wait3A_187, %dma_wait3A_192] : memref<4x32xi32, #tpu.memory_space<vmem>> -> memref<1x32xi32, #tpu.memory_space<vmem>>
    %dma_wait3A_194 = tpu.memref_squeeze %dma_wait3A_193 : memref<1x32xi32, #tpu.memory_space<vmem>> -> memref<32xi32, #tpu.memory_space<vmem>>
    %dma_wait3A_195 = arith.constant 0 : i32
    %dma_wait3A_196 = arith.constant 0 : i32
    %dma_wait3A_197 = tpu.memref_slice %arg5[%dma_wait3A_195, %dma_wait3A_196] : memref<4608x1024xf32, #tpu.memory_space<hbm>> -> memref<4608x1024xf32, #tpu.memory_space<hbm>>
    tpu.wait_indirect_dma semaphore(%arg17 : memref<!tpu.dma_semaphore, #tpu.memory_space<semaphore_mem>>) src(%dma_wait3A_191 : memref<32x1024xf32, #tpu.memory_space<vmem>>) dst(%dma_wait3A_197 : memref<4608x1024xf32, #tpu.memory_space<hbm>>)
    %dma_wait3A_198 = arith.constant 2 : i32
    %dma_wait3A_199 = arith.constant 2 : i32
    %dma_wait3A_200 = arith.constant 0 : i32
    %dma_wait3A_201 = arith.constant 0 : i32
    %dma_wait3A_202 = tpu.memref_slice %arg9[%dma_wait3A_198, %dma_wait3A_200, %dma_wait3A_201] : memref<3x32x1024xf32, #tpu.memory_space<vmem>> -> memref<1x32x1024xf32, #tpu.memory_space<vmem>>
    %dma_wait3A_203 = tpu.memref_squeeze %dma_wait3A_202 : memref<1x32x1024xf32, #tpu.memory_space<vmem>> -> memref<32x1024xf32, #tpu.memory_space<vmem>>
    %dma_wait3A_204 = arith.constant 0 : i32
    %dma_wait3A_205 = tpu.memref_slice %arg8[%dma_wait3A_199, %dma_wait3A_204] : memref<4x32xi32, #tpu.memory_space<vmem>> -> memref<1x32xi32, #tpu.memory_space<vmem>>
    %dma_wait3A_206 = tpu.memref_squeeze %dma_wait3A_205 : memref<1x32xi32, #tpu.memory_space<vmem>> -> memref<32xi32, #tpu.memory_space<vmem>>
    %dma_wait3A_207 = arith.constant 0 : i32
    %dma_wait3A_208 = arith.constant 0 : i32
    %dma_wait3A_209 = tpu.memref_slice %arg5[%dma_wait3A_207, %dma_wait3A_208] : memref<4608x1024xf32, #tpu.memory_space<hbm>> -> memref<4608x1024xf32, #tpu.memory_space<hbm>>
    tpu.wait_indirect_dma semaphore(%arg18 : memref<!tpu.dma_semaphore, #tpu.memory_space<semaphore_mem>>) src(%dma_wait3A_203 : memref<32x1024xf32, #tpu.memory_space<vmem>>) dst(%dma_wait3A_209 : memref<4608x1024xf32, #tpu.memory_space<hbm>>)
    %dma_wait3A_210 = arith.constant 0 : i32
    %dma_wait3A_211 = arith.constant 3 : i32
    %dma_wait3A_212 = arith.constant 0 : i32
    %dma_wait3A_213 = arith.constant 0 : i32
    %dma_wait3A_214 = tpu.memref_slice %arg9[%dma_wait3A_210, %dma_wait3A_212, %dma_wait3A_213] : memref<3x32x1024xf32, #tpu.memory_space<vmem>> -> memref<1x32x1024xf32, #tpu.memory_space<vmem>>
    %dma_wait3A_215 = tpu.memref_squeeze %dma_wait3A_214 : memref<1x32x1024xf32, #tpu.memory_space<vmem>> -> memref<32x1024xf32, #tpu.memory_space<vmem>>
    %dma_wait3A_216 = arith.constant 0 : i32
    %dma_wait3A_217 = tpu.memref_slice %arg8[%dma_wait3A_211, %dma_wait3A_216] : memref<4x32xi32, #tpu.memory_space<vmem>> -> memref<1x32xi32, #tpu.memory_space<vmem>>
    %dma_wait3A_218 = tpu.memref_squeeze %dma_wait3A_217 : memref<1x32xi32, #tpu.memory_space<vmem>> -> memref<32xi32, #tpu.memory_space<vmem>>
    %dma_wait3A_219 = arith.constant 0 : i32
    %dma_wait3A_220 = arith.constant 0 : i32
    %dma_wait3A_221 = tpu.memref_slice %arg5[%dma_wait3A_219, %dma_wait3A_220] : memref<4608x1024xf32, #tpu.memory_space<hbm>> -> memref<4608x1024xf32, #tpu.memory_space<hbm>>
    tpu.wait_indirect_dma semaphore(%arg16 : memref<!tpu.dma_semaphore, #tpu.memory_space<semaphore_mem>>) src(%dma_wait3A_215 : memref<32x1024xf32, #tpu.memory_space<vmem>>) dst(%dma_wait3A_221 : memref<4608x1024xf32, #tpu.memory_space<hbm>>)
    return
  }
}

module attributes {stable_mosaic.version = 14 : i64} {
  func.func @_mm_body(%arg0: i32, %arg1: i32, %arg2: memref<512x1024xf32, #tpu.memory_space<vmem>>, %arg3: memref<1x1024x1024xbf16, #tpu.memory_space<vmem>>, %arg4: memref<3x1024xf32, #tpu.memory_space<vmem>>, %arg5: memref<1x512xf32, #tpu.memory_space<vmem>>, %arg6: memref<512x1024xf32, #tpu.memory_space<vmem>>) attributes {dimension_semantics = [#tpu.dimension_semantics<arbitrary>, #tpu.dimension_semantics<arbitrary>], iteration_bounds = array<i64: 3, 3>, scalar_prefetch = 0 : i64, scratch_operands = 0 : i64, tpu.core_type = #tpu.core_type<tc>, window_params = [{transform_indices = @transform_0, window_bounds = array<i64: 512, 1024>}, {transform_indices = @transform_1, window_bounds = array<i64: 1, 1024, 1024>}, {pipeline_mode = #tpu.pipeline_mode<synchronous>, transform_indices = @transform_2, window_bounds = array<i64: 3, 1024>}, {transform_indices = @transform_3, window_bounds = array<i64: 1, 512>}, {transform_indices = @transform_4, window_bounds = array<i64: 512, 1024>}]} {
    %get3A = arith.constant 0 : index
    %get3A_0 = arith.constant 0 : index
    %get3A_1 = vector.load %arg2[%get3A, %get3A_0] : memref<512x1024xf32, #tpu.memory_space<vmem>>, vector<512x1024xf32>
    %convert_element_type3A = arith.truncf %get3A_1 : vector<512x1024xf32> to vector<512x1024xbf16>
    %get3A_2 = arith.constant 0 : index
    %get3A_3 = arith.constant 0 : index
    %get3A_4 = arith.constant 0 : index
    %get3A_5 = vector.load %arg3[%get3A_2, %get3A_3, %get3A_4] : memref<1x1024x1024xbf16, #tpu.memory_space<vmem>>, vector<1x1024x1024xbf16>
    %get3A_6 = vector.shape_cast %get3A_5 : vector<1x1024x1024xbf16> to vector<1024x1024xbf16>
    %dot_general3A = arith.constant dense<0.000000e+00> : vector<512x1024xf32>
    %dot_general3A_7 = tpu.matmul %convert_element_type3A, %get3A_6, %dot_general3A {dimension_numbers = #tpu.dot_dimension_numbers<[1], [0], [0], [1], [0, 0, 1, 1], [], []>, transpose_lhs_hint = false} : vector<512x1024xbf16>, vector<1024x1024xbf16>, vector<512x1024xf32> -> vector<512x1024xf32>
    %get3A_8 = arith.index_cast %arg0 : i32 to index
    %get3A_9 = arith.constant 0 : index
    %get3A_10 = vector.load %arg4[%get3A_8, %get3A_9] : memref<3x1024xf32, #tpu.memory_space<vmem>>, vector<1x1024xf32>
    %add3A = vector.broadcast %get3A_10 : vector<1x1024xf32> to vector<512x1024xf32>
    %add3A_11 = arith.addf %dot_general3A_7, %add3A : vector<512x1024xf32>
    %get3A_12 = arith.constant 0 : index
    %get3A_13 = arith.constant 0 : index
    %get3A_14 = vector.load %arg5[%get3A_12, %get3A_13] : memref<1x512xf32, #tpu.memory_space<vmem>>, vector<1x512xf32>
    %transpose3A = tpu.transpose %get3A_14, [1, 0] : vector<1x512xf32> -> vector<512x1xf32>
    %gt3A = arith.constant 0.000000e+00 : f32
    %gt3A_15 = vector.broadcast %gt3A : f32 to vector<512x1xf32>
    %gt3A_16 = arith.cmpf ogt, %transpose3A, %gt3A_15 : vector<512x1xf32>
    %mul3A = vector.broadcast %transpose3A : vector<512x1xf32> to vector<512x1024xf32>
    %mul3A_17 = arith.mulf %add3A_11, %mul3A : vector<512x1024xf32>
    %jit3A = arith.constant 0.000000e+00 : f32
    %broadcast_in_dim3A = vector.shape_cast %gt3A_16 : vector<512x1xi1> to vector<512x1xi1>
    %broadcast_in_dim3A_18 = vector.broadcast %broadcast_in_dim3A : vector<512x1xi1> to vector<512x1024xi1>
    %broadcast_in_dim3A_19 = vector.broadcast %jit3A : f32 to vector<512x1024xf32>
    %select_n3A = arith.select %broadcast_in_dim3A_18, %mul3A_17, %broadcast_in_dim3A_19 : vector<512x1024xi1>, vector<512x1024xf32>
    %swap3A = arith.constant 0 : index
    %swap3A_20 = arith.constant 0 : index
    %swap3A_21 = vector.load %arg6[%swap3A, %swap3A_20] : memref<512x1024xf32, #tpu.memory_space<vmem>>, vector<512x1024xf32>
    tpu.vector_store %arg6[%swap3A, %swap3A_20], %select_n3A {strides = array<i32>} : memref<512x1024xf32, #tpu.memory_space<vmem>>, vector<512x1024xf32>,
    return
  }
  func.func @transform_0(%arg0: i32, %arg1: i32) -> (i32, i32) {
    %mul3A = arith.constant 3 : i32
    %mul3A_0 = arith.muli %arg0, %mul3A : i32
    %add3A = arith.addi %mul3A_0, %arg1 : i32
    %c0_i32 = arith.constant 0 : i32
    %c0_i32_1 = arith.constant 0 : i32
    return %add3A, %c0_i32 : i32, i32
  }
  func.func @transform_1(%arg0: i32, %arg1: i32) -> (i32, i32, i32) {
    %c0_i32 = arith.constant 0 : i32
    %c0_i32_0 = arith.constant 0 : i32
    %c0_i32_1 = arith.constant 0 : i32
    return %arg0, %c0_i32, %c0_i32_0 : i32, i32, i32
  }
  func.func @transform_2(%arg0: i32, %arg1: i32) -> (i32, i32) {
    %c0_i32 = arith.constant 0 : i32
    %c0_i32_0 = arith.constant 0 : i32
    %c0_i32_1 = arith.constant 0 : i32
    return %c0_i32, %c0_i32_0 : i32, i32
  }
  func.func @transform_3(%arg0: i32, %arg1: i32) -> (i32, i32) {
    %mul3A = arith.constant 3 : i32
    %mul3A_0 = arith.muli %arg0, %mul3A : i32
    %add3A = arith.addi %mul3A_0, %arg1 : i32
    %c0_i32 = arith.constant 0 : i32
    %c0_i32_1 = arith.constant 0 : i32
    return %c0_i32, %add3A : i32, i32
  }
  func.func @transform_4(%arg0: i32, %arg1: i32) -> (i32, i32) {
    %mul3A = arith.constant 3 : i32
    %mul3A_0 = arith.muli %arg0, %mul3A : i32
    %add3A = arith.addi %mul3A_0, %arg1 : i32
    %c0_i32 = arith.constant 0 : i32
    %c0_i32_1 = arith.constant 0 : i32
    return %add3A, %c0_i32 : i32, i32
  }
}

module attributes {stable_mosaic.version = 14 : i64} {
  func.func @_routing_body(%arg0: i32, %arg1: i32, %arg2: memref<1x512x2x1024xf32, #tpu.memory_space<vmem>>, %arg3: memref<3x1024xf32, #tpu.memory_space<vmem>>, %arg4: memref<1x4x128xi32, #tpu.memory_space<vmem>>, %arg5: memref<1x4x128xi32, #tpu.memory_space<vmem>>, %arg6: memref<1x4x128xf32, #tpu.memory_space<vmem>>, %arg7: memref<1x1xf32, #tpu.memory_space<vmem>>, %arg8: memref<512x1024xf32, #tpu.memory_space<vmem>>, %arg9: memref<8x128xf32, #tpu.memory_space<vmem>>, %arg10: memref<512x512xf32, #tpu.memory_space<vmem>>) attributes {dimension_semantics = [#tpu.dimension_semantics<arbitrary>, #tpu.dimension_semantics<arbitrary>], iteration_bounds = array<i64: 2, 4>, scalar_prefetch = 0 : i64, scratch_operands = 2 : i64, tpu.core_type = #tpu.core_type<tc>, window_params = [{transform_indices = @transform_0, window_bounds = array<i64: 1, 512, 2, 1024>}, {pipeline_mode = #tpu.pipeline_mode<synchronous>, transform_indices = @transform_1, window_bounds = array<i64: 3, 1024>}, {transform_indices = @transform_2, window_bounds = array<i64: 1, 4, 128>}, {transform_indices = @transform_3, window_bounds = array<i64: 1, 4, 128>}, {transform_indices = @transform_4, window_bounds = array<i64: 1, 4, 128>}, {pipeline_mode = #tpu.pipeline_mode<synchronous>, transform_indices = @transform_5, window_bounds = array<i64: 1, 1>}, {transform_indices = @transform_6, window_bounds = array<i64: 512, 1024>}]} {
    %eq3A = arith.constant 0 : i32
    %eq3A_0 = arith.cmpi eq, %arg0, %eq3A : i32
    %eq3A_1 = arith.constant 0 : i32
    %eq3A_2 = arith.cmpi eq, %arg1, %eq3A_1 : i32
    %and3A = arith.andi %eq3A_0, %eq3A_2 : i1
    %convert_element_type3A = arith.extui %and3A : i1 to i32
    %cond3A = arith.constant 0 : i32
    %cond3A_3 = arith.cmpi ne, %convert_element_type3A, %cond3A : i32
    scf.if %cond3A_3 {
      %broadcast_in_dim3A_123 = arith.constant 0.000000e+00 : f32
      %broadcast_in_dim3A_124 = vector.broadcast %broadcast_in_dim3A_123 : f32 to vector<8x128xf32>
      %swap3A_125 = arith.constant 0 : index
      %swap3A_126 = arith.constant 0 : index
      %swap3A_127 = vector.load %arg9[%swap3A_125, %swap3A_126] : memref<8x128xf32, #tpu.memory_space<vmem>>, vector<8x128xf32>
      tpu.vector_store %arg9[%swap3A_125, %swap3A_126], %broadcast_in_dim3A_124 {strides = array<i32>} : memref<8x128xf32, #tpu.memory_space<vmem>>, vector<8x128xf32>,
      %iota3A_128 = tpu.iota {dimensions = array<i32: 0>} : vector<512x512xi32>
      %iota3A_129 = tpu.iota {dimensions = array<i32: 1>} : vector<512x512xi32>
      %ge3A = arith.cmpi sge, %iota3A_128, %iota3A_129 : vector<512x512xi32>
      %convert_element_type3A_130 = arith.extui %ge3A : vector<512x512xi1> to vector<512x512xi32>
      %convert_element_type3A_131 = arith.sitofp %convert_element_type3A_130 : vector<512x512xi32> to vector<512x512xf32>
      %swap3A_132 = arith.constant 0 : index
      %swap3A_133 = arith.constant 0 : index
      %swap3A_134 = vector.load %arg10[%swap3A_132, %swap3A_133] : memref<512x512xf32, #tpu.memory_space<vmem>>, vector<512x512xf32>
      tpu.vector_store %arg10[%swap3A_132, %swap3A_133], %convert_element_type3A_131 {strides = array<i32>} : memref<512x512xf32, #tpu.memory_space<vmem>>, vector<512x512xf32>,
    } else {
    }
    %get3A = arith.constant 0 : index
    %get3A_4 = arith.constant 0 : index
    %get3A_5 = arith.constant 0 : index
    %get3A_6 = arith.constant 0 : index
    %get3A_7 = vector.load %arg2[%get3A, %get3A_4, %get3A_5, %get3A_6] : memref<1x512x2x1024xf32, #tpu.memory_space<vmem>>, vector<1x512x1x1024xf32>
    %get3A_8 = vector.shape_cast %get3A_7 : vector<1x512x1x1024xf32> to vector<512x1024xf32>
    %get3A_9 = arith.constant 0 : index
    %get3A_10 = arith.constant 0 : index
    %get3A_11 = arith.constant 1 : index
    %get3A_12 = arith.constant 0 : index
    %get3A_13 = vector.load %arg2[%get3A_9, %get3A_10, %get3A_11, %get3A_12] : memref<1x512x2x1024xf32, #tpu.memory_space<vmem>>, vector<1x512x1x1024xf32>
    %get3A_14 = vector.shape_cast %get3A_13 : vector<1x512x1x1024xf32> to vector<512x1024xf32>
    %eq3A_15 = arith.constant 0 : i32
    %eq3A_16 = arith.cmpi eq, %arg0, %eq3A_15 : i32
    %select_n3A = arith.select %eq3A_16, %get3A_8, %get3A_14 : vector<512x1024xf32>
    %swap3A = arith.constant 0 : index
    %swap3A_17 = arith.constant 0 : index
    %swap3A_18 = vector.load %arg8[%swap3A, %swap3A_17] : memref<512x1024xf32, #tpu.memory_space<vmem>>, vector<512x1024xf32>
    tpu.vector_store %arg8[%swap3A, %swap3A_17], %select_n3A {strides = array<i32>} : memref<512x1024xf32, #tpu.memory_space<vmem>>, vector<512x1024xf32>,
    %get3A_19 = arith.constant 0 : index
    %get3A_20 = arith.constant 0 : index
    %get3A_21 = vector.load %arg3[%get3A_19, %get3A_20] : memref<3x1024xf32, #tpu.memory_space<vmem>>, vector<3x1024xf32>
    %dot_general3A = arith.constant dense<0.000000e+00> : vector<512x3xf32>
    %dot_general3A_22 = tpu.matmul %select_n3A, %get3A_21, %dot_general3A {dimension_numbers = #tpu.dot_dimension_numbers<[1], [1], [0], [0], [0, 0, 1, 0], [], []>, transpose_lhs_hint = false} : vector<512x1024xf32>, vector<3x1024xf32>, vector<512x3xf32> -> vector<512x3xf32>
    %reduce_max3A = arith.constant dense<0xFF800000> : vector<512xf32>
    %reduce_max3A_23 = vector.multi_reduction <maximumf>, %dot_general3A_22, %reduce_max3A [1] : vector<512x3xf32> to vector<512xf32>
    %broadcast_in_dim3A = vector.shape_cast %reduce_max3A_23 : vector<512xf32> to vector<512x1xf32>
    %sub3A = vector.broadcast %broadcast_in_dim3A : vector<512x1xf32> to vector<512x3xf32>
    %sub3A_24 = arith.subf %dot_general3A_22, %sub3A : vector<512x3xf32>
    %exp3A = math.exp %sub3A_24 : vector<512x3xf32>
    %reduce_sum3A = arith.constant dense<0.000000e+00> : vector<512xf32>
    %reduce_sum3A_25 = vector.multi_reduction <add>, %exp3A, %reduce_sum3A [1] : vector<512x3xf32> to vector<512xf32>
    %broadcast_in_dim3A_26 = vector.shape_cast %reduce_sum3A_25 : vector<512xf32> to vector<512x1xf32>
    %div3A = vector.broadcast %broadcast_in_dim3A_26 : vector<512x1xf32> to vector<512x3xf32>
    %div3A_27 = arith.divf %exp3A, %div3A : vector<512x3xf32>
    %slice3A = vector.extract_strided_slice %dot_general3A_22 {offsets = [0, 0], sizes = [512, 1], strides = [1, 1]} : vector<512x3xf32> to vector<512x1xf32>
    %slice3A_28 = vector.extract_strided_slice %dot_general3A_22 {offsets = [0, 1], sizes = [512, 1], strides = [1, 1]} : vector<512x3xf32> to vector<512x1xf32>
    %slice3A_29 = vector.extract_strided_slice %dot_general3A_22 {offsets = [0, 2], sizes = [512, 1], strides = [1, 1]} : vector<512x3xf32> to vector<512x1xf32>
    %gt3A = arith.cmpf ogt, %slice3A_28, %slice3A : vector<512x1xf32>
    %jit3A = arith.constant 1 : i32
    %jit3A_30 = arith.constant 0 : i32
    %broadcast_in_dim3A_31 = vector.broadcast %jit3A : i32 to vector<512x1xi32>
    %broadcast_in_dim3A_32 = vector.broadcast %jit3A_30 : i32 to vector<512x1xi32>
    %select_n3A_33 = arith.select %gt3A, %broadcast_in_dim3A_31, %broadcast_in_dim3A_32 : vector<512x1xi1>, vector<512x1xi32>
    %max3A = arith.maximumf %slice3A, %slice3A_28 : vector<512x1xf32>
    %gt3A_34 = arith.cmpf ogt, %slice3A_29, %max3A : vector<512x1xf32>
    %jit3A_35 = arith.constant 2 : i32
    %broadcast_in_dim3A_36 = vector.broadcast %jit3A_35 : i32 to vector<512x1xi32>
    %select_n3A_37 = arith.select %gt3A_34, %broadcast_in_dim3A_36, %select_n3A_33 : vector<512x1xi1>, vector<512x1xi32>
    %iota3A = tpu.iota {dimensions = array<i32: 1>} : vector<512x3xi32>
    %eq3A_38 = vector.broadcast %select_n3A_37 : vector<512x1xi32> to vector<512x3xi32>
    %eq3A_39 = arith.cmpi eq, %iota3A, %eq3A_38 : vector<512x3xi32>
    %convert_element_type3A_40 = arith.extui %eq3A_39 : vector<512x3xi1> to vector<512x3xi32>
    %convert_element_type3A_41 = arith.sitofp %convert_element_type3A_40 : vector<512x3xi32> to vector<512x3xf32>
    %get3A_42 = arith.constant 0 : index
    %get3A_43 = arith.constant 0 : index
    %get3A_44 = vector.load %arg9[%get3A_42, %get3A_43] : memref<8x128xf32, #tpu.memory_space<vmem>>, vector<1x3xf32>
    %get3A_45 = arith.constant 0 : index
    %get3A_46 = arith.constant 0 : index
    %get3A_47 = vector.load %arg10[%get3A_45, %get3A_46] : memref<512x512xf32, #tpu.memory_space<vmem>>, vector<512x512xf32>
    %dot_general3A_48 = arith.constant dense<0.000000e+00> : vector<512x3xf32>
    %dot_general3A_49 = tpu.matmul %get3A_47, %convert_element_type3A_41, %dot_general3A_48 {dimension_numbers = #tpu.dot_dimension_numbers<[1], [0], [0], [1], [0, 0, 1, 1], [], []>, transpose_lhs_hint = false} : vector<512x512xf32>, vector<512x3xf32>, vector<512x3xf32> -> vector<512x3xf32>
    %add3A = vector.broadcast %get3A_44 : vector<1x3xf32> to vector<512x3xf32>
    %add3A_50 = arith.addf %dot_general3A_49, %add3A : vector<512x3xf32>
    %mul3A = arith.mulf %add3A_50, %convert_element_type3A_41 : vector<512x3xf32>
    %reduce_sum3A_51 = arith.constant dense<0.000000e+00> : vector<512xf32>
    %reduce_sum3A_52 = vector.multi_reduction <add>, %mul3A, %reduce_sum3A_51 [1] : vector<512x3xf32> to vector<512xf32>
    %broadcast_in_dim3A_53 = vector.shape_cast %reduce_sum3A_52 : vector<512xf32> to vector<512x1xf32>
    %sub3A_54 = arith.constant 1.000000e+00 : f32
    %sub3A_55 = vector.broadcast %sub3A_54 : f32 to vector<512x1xf32>
    %sub3A_56 = arith.subf %broadcast_in_dim3A_53, %sub3A_55 : vector<512x1xf32>
    %convert_element_type3A_57 = arith.fptosi %sub3A_56 : vector<512x1xf32> to vector<512x1xi32>
    %lt3A = arith.constant 1366 : i32
    %lt3A_58 = vector.broadcast %lt3A : i32 to vector<512x1xi32>
    %lt3A_59 = arith.cmpi slt, %convert_element_type3A_57, %lt3A_58 : vector<512x1xi32>
    %mul3A_60 = arith.constant 1536 : i32
    %mul3A_61 = vector.broadcast %mul3A_60 : i32 to vector<512x1xi32>
    %mul3A_62 = arith.muli %select_n3A_37, %mul3A_61 : vector<512x1xi32>
    %jit3A_63 = arith.constant 1366 : i32
    %broadcast_in_dim3A_64 = vector.broadcast %jit3A_63 : i32 to vector<512x1xi32>
    %select_n3A_65 = arith.select %lt3A_59, %convert_element_type3A_57, %broadcast_in_dim3A_64 : vector<512x1xi1>, vector<512x1xi32>
    %add3A_66 = arith.addi %mul3A_62, %select_n3A_65 : vector<512x1xi32>
    %mul3A_67 = arith.mulf %div3A_27, %convert_element_type3A_41 : vector<512x3xf32>
    %reduce_sum3A_68 = arith.constant dense<0.000000e+00> : vector<512xf32>
    %reduce_sum3A_69 = vector.multi_reduction <add>, %mul3A_67, %reduce_sum3A_68 [1] : vector<512x3xf32> to vector<512xf32>
    %broadcast_in_dim3A_70 = vector.shape_cast %reduce_sum3A_69 : vector<512xf32> to vector<512x1xf32>
    %jit3A_71 = arith.constant 0.000000e+00 : f32
    %broadcast_in_dim3A_72 = vector.broadcast %jit3A_71 : f32 to vector<512x1xf32>
    %select_n3A_73 = arith.select %lt3A_59, %broadcast_in_dim3A_70, %broadcast_in_dim3A_72 : vector<512x1xi1>, vector<512x1xf32>
    %iota3A_74 = tpu.iota {dimensions = array<i32: 0>} : vector<512x1xi32>
    %mul3A_75 = arith.constant 512 : i32
    %mul3A_76 = arith.muli %arg1, %mul3A_75 : i32
    %add3A_77 = vector.broadcast %mul3A_76 : i32 to vector<512x1xi32>
    %add3A_78 = arith.addi %add3A_77, %iota3A_74 : vector<512x1xi32>
    %mul3A_79 = arith.constant 16 : i32
    %mul3A_80 = vector.broadcast %mul3A_79 : i32 to vector<512x1xi32>
    %mul3A_81 = arith.muli %add3A_78, %mul3A_80 : vector<512x1xi32>
    %add3A_82 = vector.broadcast %arg0 : i32 to vector<512x1xi32>
    %add3A_83 = arith.addi %mul3A_81, %add3A_82 : vector<512x1xi32>
    %reshape3A = vector.shape_cast %add3A_66 : vector<512x1xi32> to vector<1x4x128xi32>
    %swap3A_84 = arith.constant 0 : index
    %swap3A_85 = arith.constant 0 : index
    %swap3A_86 = arith.constant 0 : index
    %swap3A_87 = vector.load %arg4[%swap3A_84, %swap3A_85, %swap3A_86] : memref<1x4x128xi32, #tpu.memory_space<vmem>>, vector<1x4x128xi32>
    tpu.vector_store %arg4[%swap3A_84, %swap3A_85, %swap3A_86], %reshape3A {strides = array<i32>} : memref<1x4x128xi32, #tpu.memory_space<vmem>>, vector<1x4x128xi32>,
    %reshape3A_88 = vector.shape_cast %add3A_83 : vector<512x1xi32> to vector<1x4x128xi32>
    %swap3A_89 = arith.constant 0 : index
    %swap3A_90 = arith.constant 0 : index
    %swap3A_91 = arith.constant 0 : index
    %swap3A_92 = vector.load %arg5[%swap3A_89, %swap3A_90, %swap3A_91] : memref<1x4x128xi32, #tpu.memory_space<vmem>>, vector<1x4x128xi32>
    tpu.vector_store %arg5[%swap3A_89, %swap3A_90, %swap3A_91], %reshape3A_88 {strides = array<i32>} : memref<1x4x128xi32, #tpu.memory_space<vmem>>, vector<1x4x128xi32>,
    %reshape3A_93 = vector.shape_cast %select_n3A_73 : vector<512x1xf32> to vector<1x4x128xf32>
    %swap3A_94 = arith.constant 0 : index
    %swap3A_95 = arith.constant 0 : index
    %swap3A_96 = arith.constant 0 : index
    %swap3A_97 = vector.load %arg6[%swap3A_94, %swap3A_95, %swap3A_96] : memref<1x4x128xf32, #tpu.memory_space<vmem>>, vector<1x4x128xf32>
    tpu.vector_store %arg6[%swap3A_94, %swap3A_95, %swap3A_96], %reshape3A_93 {strides = array<i32>} : memref<1x4x128xf32, #tpu.memory_space<vmem>>, vector<1x4x128xf32>,
    %reduce_sum3A_98 = arith.constant dense<0.000000e+00> : vector<3xf32>
    %reduce_sum3A_99 = vector.multi_reduction <add>, %convert_element_type3A_41, %reduce_sum3A_98 [0] : vector<512x3xf32> to vector<3xf32>
    %broadcast_in_dim3A_100 = vector.shape_cast %reduce_sum3A_99 : vector<3xf32> to vector<1x3xf32>
    %add3A_101 = arith.addf %get3A_44, %broadcast_in_dim3A_100 : vector<1x3xf32>
    %swap3A_102 = arith.constant 0 : index
    %swap3A_103 = arith.constant 0 : index
    %swap3A_104 = vector.load %arg9[%swap3A_102, %swap3A_103] : memref<8x128xf32, #tpu.memory_space<vmem>>, vector<1x3xf32>
    tpu.vector_store %arg9[%swap3A_102, %swap3A_103], %add3A_101 {strides = array<i32>} : memref<8x128xf32, #tpu.memory_space<vmem>>, vector<1x3xf32>,
    %get3A_105 = arith.constant 1 : index
    %get3A_106 = arith.constant 0 : index
    %get3A_107 = vector.load %arg9[%get3A_105, %get3A_106] : memref<8x128xf32, #tpu.memory_space<vmem>>, vector<1x3xf32>
    %reduce_sum3A_108 = arith.constant dense<0.000000e+00> : vector<3xf32>
    %reduce_sum3A_109 = vector.multi_reduction <add>, %div3A_27, %reduce_sum3A_108 [0] : vector<512x3xf32> to vector<3xf32>
    %broadcast_in_dim3A_110 = vector.shape_cast %reduce_sum3A_109 : vector<3xf32> to vector<1x3xf32>
    %add3A_111 = arith.addf %get3A_107, %broadcast_in_dim3A_110 : vector<1x3xf32>
    %swap3A_112 = arith.constant 1 : index
    %swap3A_113 = arith.constant 0 : index
    %swap3A_114 = vector.load %arg9[%swap3A_112, %swap3A_113] : memref<8x128xf32, #tpu.memory_space<vmem>>, vector<1x3xf32>
    tpu.vector_store %arg9[%swap3A_112, %swap3A_113], %add3A_111 {strides = array<i32>} : memref<8x128xf32, #tpu.memory_space<vmem>>, vector<1x3xf32>,
    %eq3A_115 = arith.constant 1 : i32
    %eq3A_116 = arith.cmpi eq, %arg0, %eq3A_115 : i32
    %eq3A_117 = arith.constant 3 : i32
    %eq3A_118 = arith.cmpi eq, %arg1, %eq3A_117 : i32
    %and3A_119 = arith.andi %eq3A_116, %eq3A_118 : i1
    %convert_element_type3A_120 = arith.extui %and3A_119 : i1 to i32
    %cond3A_121 = arith.constant 0 : i32
    %cond3A_122 = arith.cmpi ne, %convert_element_type3A_120, %cond3A_121 : i32
    scf.if %cond3A_122 {
      %get3A_123 = arith.constant 0 : index
      %get3A_124 = arith.constant 0 : index
      %get3A_125 = vector.load %arg9[%get3A_123, %get3A_124] : memref<8x128xf32, #tpu.memory_space<vmem>>, vector<1x3xf32>
      %get3A_126 = arith.constant 1 : index
      %get3A_127 = arith.constant 0 : index
      %get3A_128 = vector.load %arg9[%get3A_126, %get3A_127] : memref<8x128xf32, #tpu.memory_space<vmem>>, vector<1x3xf32>
      %mul3A_129 = arith.mulf %get3A_125, %get3A_128 : vector<1x3xf32>
      %reduce_sum3A_130 = arith.constant dense<0.000000e+00> : vector<1xf32>
      %reduce_sum3A_131 = vector.multi_reduction <add>, %mul3A_129, %reduce_sum3A_130 [1] : vector<1x3xf32> to vector<1xf32>
      %broadcast_in_dim3A_132 = vector.shape_cast %reduce_sum3A_131 : vector<1xf32> to vector<1x1xf32>
      %mul3A_133 = arith.constant 1.78813934E-7 : f32
      %mul3A_134 = vector.broadcast %mul3A_133 : f32 to vector<1x1xf32>
      %mul3A_135 = arith.mulf %broadcast_in_dim3A_132, %mul3A_134 : vector<1x1xf32>
      %swap3A_136 = arith.constant 0 : index
      %swap3A_137 = arith.constant 0 : index
      %swap3A_138 = vector.load %arg7[%swap3A_136, %swap3A_137] : memref<1x1xf32, #tpu.memory_space<vmem>>, vector<1x1xf32>
      tpu.vector_store %arg7[%swap3A_136, %swap3A_137], %mul3A_135 {strides = array<i32>} : memref<1x1xf32, #tpu.memory_space<vmem>>, vector<1x1xf32>,
    } else {
    }
    return
  }
  func.func @transform_0(%arg0: i32, %arg1: i32) -> (i32, i32, i32, i32) {
    %c0_i32 = arith.constant 0 : i32
    %c0_i32_0 = arith.constant 0 : i32
    %c0_i32_1 = arith.constant 0 : i32
    %c0_i32_2 = arith.constant 0 : i32
    return %c0_i32, %arg1, %c0_i32_0, %c0_i32_1 : i32, i32, i32, i32
  }
  func.func @transform_1(%arg0: i32, %arg1: i32) -> (i32, i32) {
    %c0_i32 = arith.constant 0 : i32
    %c0_i32_0 = arith.constant 0 : i32
    %c0_i32_1 = arith.constant 0 : i32
    return %c0_i32, %c0_i32_0 : i32, i32
  }
  func.func @transform_2(%arg0: i32, %arg1: i32) -> (i32, i32, i32) {
    %mul3A = arith.constant 4 : i32
    %mul3A_0 = arith.muli %arg0, %mul3A : i32
    %add3A = arith.addi %mul3A_0, %arg1 : i32
    %c0_i32 = arith.constant 0 : i32
    %c0_i32_1 = arith.constant 0 : i32
    %c0_i32_2 = arith.constant 0 : i32
    return %add3A, %c0_i32, %c0_i32_1 : i32, i32, i32
  }
  func.func @transform_3(%arg0: i32, %arg1: i32) -> (i32, i32, i32) {
    %mul3A = arith.constant 4 : i32
    %mul3A_0 = arith.muli %arg0, %mul3A : i32
    %add3A = arith.addi %mul3A_0, %arg1 : i32
    %c0_i32 = arith.constant 0 : i32
    %c0_i32_1 = arith.constant 0 : i32
    %c0_i32_2 = arith.constant 0 : i32
    return %add3A, %c0_i32, %c0_i32_1 : i32, i32, i32
  }
  func.func @transform_4(%arg0: i32, %arg1: i32) -> (i32, i32, i32) {
    %mul3A = arith.constant 4 : i32
    %mul3A_0 = arith.muli %arg0, %mul3A : i32
    %add3A = arith.addi %mul3A_0, %arg1 : i32
    %c0_i32 = arith.constant 0 : i32
    %c0_i32_1 = arith.constant 0 : i32
    %c0_i32_2 = arith.constant 0 : i32
    return %add3A, %c0_i32, %c0_i32_1 : i32, i32, i32
  }
  func.func @transform_5(%arg0: i32, %arg1: i32) -> (i32, i32) {
    %c0_i32 = arith.constant 0 : i32
    %c0_i32_0 = arith.constant 0 : i32
    %c0_i32_1 = arith.constant 0 : i32
    return %c0_i32, %c0_i32_0 : i32, i32
  }
  func.func @transform_6(%arg0: i32, %arg1: i32) -> (i32, i32) {
    %mul3A = arith.constant 4 : i32
    %mul3A_0 = arith.muli %arg0, %mul3A : i32
    %add3A = arith.addi %mul3A_0, %arg1 : i32
    %c0_i32 = arith.constant 0 : i32
    %c0_i32_1 = arith.constant 0 : i32
    return %add3A, %c0_i32 : i32, i32
  }
}

</mosaic_0001>

<sc_bundles>
// kernel: kernel.6.cloned.1.call-start
scs
__scs_entry_jumppad:
0x0: {  	(pc) =	sbr.rel $0x88, $3  }
0x1: {  	(tag) =	ssettag $0x0;
	lr =	simm.s32 $0x1  }
0x2: {  	[smem:$0x3F9D] =	sst lr;
	_ =	strace $0xD0000000  }
0x3: {  	_ = 	snop  }
0x4: {  	_ = 	snop  }
0x5: {  	_ = 	snop  }
0x6: {  	_ = 	snop  }
0x7: {  	_ = 	snop  }
__scs_overlays_trampoline_lowered:
0x8: {  	[smem:$0x3FAC] =	sst s0  }
0x9: {  	[smem:$0x3FAD] =	sst s1  }
0xa: {  	[smem:$0x3FAE] =	sst s2  }
0xb: {  	[smem:$0x3FAF] =	sst s3  }
0xc: {  	[smem:$0x3FB0] =	sst s4  }
0xd: {  	[smem:$0x3FB1] =	sst s5  }
0xe: {  	[smem:$0x3FB2] =	sst s6  }
0xf: {  	[smem:$0x3FB3] =	sst s7  }
0x10: {  	[smem:$0x3FB4] =	sst s8  }
0x11: {  	[smem:$0x3FB5] =	sst s9;
	s0 =	simm.s32 @!p0 $0x0  }
0x12: {  	s1 =	sld [smem:$0x3F9B];
	s0 =	simm.s32 @p0 $0x1  }
0x13: {  	[smem:$0x3FB6] =	sst s0;
	s0 =	simm.s32 @!p1 $0x0  }
0x14: {  	s2 =	sld [smem:$0x3F9A];
	s0 =	simm.s32 @p1 $0x1  }
0x15: {  	[smem:$0x3FB7] =	sst s0;
	s0 =	simm.s32 @!p2 $0x0  }
0x16: {  	s3 =	sld [smem:$0x3FDB];
	s0 =	simm.s32 @p2 $0x1  }
0x17: {  	s4 =	simm.s32 $0x1BF5;
	[smem:$0x3FB9] =	sst s0  }
0x18: {  	s0 =	sld [smem:$0x3F9C];
	_ =	swait.ge [sflag:s4], $0x0  }
0x19: {  	s7 =	sld [smem:$0x3F9D]  }
0x1a: {  	s8 =	sadd.s32 $0xFFFFE003, lr  }
0x1b: {  	s9 =	sadd.s32 $0xFFFFFEF7, lr;
	s5 =	simm.s32 $0xFFFFFFFF;
	p2 =	slt.u32 s8, $0xFFFFF086  }
0x1c: {  	p1 =	slt.u32 s9, $0xF7A;
	s5 =	simm.s32 @!p2 $0x0  }
0x1d: {  	s5 =	simm.s32 @p1 $0x1;
	p0 =	seq.s32 s7, s2  }
0x1e: {  	s7 =	smul.u32 @!p0 $0xF7A, s2;
	p2 =	seq.s32 @!p0 s5, $0x0  }
0x1f: {  	s9 =	smul.u32 $0xF7A, s1;
	s8 =	simm.s32 @!p0 $0x1BF5;
	p2 =	por !p2, p0  }
0x20: {  	[sflag:s8] =	ssyncset.s32 @!p0 $0xFFFFF086;
	s6 =	sadd.s32 @!p0 s3, s7;
	s7 =	simm.s32 @!p0 $0x108  }
0x21: {  	s3 =	sadd.s32 s3, s9;
	s6 =	sadd.s32 @!p0 $0x88, s6;
	s7 =	simm.s32 @p2 $0x1082  }
0x22: {  	[simem:s7], [sflag:s8] =	dma.local @!p0 [hbm:s6], $0xF7A  }
0x23: {  	s9 =	sor.u32 $0xD0000000, s2;
	s6 =	simm.s32 $0x108;
	_ =	swait.ge @!p0 [sflag:s8], $0x0  }
0x24: {  	s3 =	sadd.s32 $0x88, s3;
	s6 =	simm.s32 @!p1 $0x1082;
	[sflag:s4] =	ssyncset.s32 $0xFFFFF086  }
0x25: {  	[simem:s6], [sflag:s4] =	dma.local [hbm:s3], $0xF7A  }
0x26: {  	[smem:$0x3F9D] =	sst s1;
	(tag) =	ssettag s2;
	_ =	strace s9  }
0x27: {  	s1 =	sld [smem:$0x3FAD]  }
0x28: {  	s2 =	sld [smem:$0x3FAE]  }
0x29: {  	s4 =	sld [smem:$0x3FB0]  }
0x2a: {  	p0 =	seq.s32 s5, $0x0;
	s5 =	sld [smem:$0x3FB1]  }
0x2b: {  	s6 =	sld [smem:$0x3FB2]  }
0x2c: {  	s7 =	sld [smem:$0x3FB3]  }
0x2d: {  	s3 =	simm.s32 $0x108;
	s8 =	sld [smem:$0x3FB4]  }
0x2e: {  	s3 =	simm.s32 @!p0 $0x1082;
	s9 =	sld [smem:$0x3FB5]  }
0x2f: {  	lr =	sadd.s32 s0, s3;
	s0 =	sld [smem:$0x3FAC]  }
0x30: {  	s3 =	sld [smem:$0x3FAF]  }
0x31: {  	[smem:$0x3FB8] =	sst s10  }
0x32: {  	s10 =	sld [smem:$0x3FB6];
	_ =	sdelay $0x3  }
0x33: {  	p0 =	seq.s32 s10, $0x1;
	s10 =	sld [smem:$0x3FB8];
	_ =	sdelay $0x3  }
0x34: {  	[smem:$0x3FB8] =	sst s10  }
0x35: {  	s10 =	sld [smem:$0x3FB7];
	_ =	sdelay $0x3  }
0x36: {  	p1 =	seq.s32 s10, $0x1;
	s10 =	sld [smem:$0x3FB8];
	_ =	sdelay $0x3  }
0x37: {  	[smem:$0x3FB8] =	sst s10  }
0x38: {  	s10 =	sld [smem:$0x3FB9]  }
0x39: {  	_ = 	snop;
	(pc) =	sbr.ind lr, $3  }
0x3a: {  	_ = 	snop  }
0x3b: {  	_ = 	snop  }
0x3c: {  	p2 =	seq.s32 s10, $0x1;
	s10 =	sld [smem:$0x3FB8]  }
0x3d: {  	_ =	shalt  }
0x3e: {  	_ =	shalt  }
0x3f: {  	_ =	shalt  }
0x40: {  	_ =	shalt  }
0x41: {  	_ =	shalt  }
0x42: {  	_ =	shalt  }
0x43: {  	_ =	shalt  }
0x44: {  	_ =	shalt  }
0x45: {  	_ =	shalt  }
0x46: {  	_ =	shalt  }
0x47: {  	_ =	shalt  }
0x48: {  	_ =	shalt  }
0x49: {  	_ =	shalt  }
0x4a: {  	_ =	shalt  }
0x4b: {  	_ =	shalt  }
0x4c: {  	_ =	shalt  }
0x4d: {  	_ =	shalt  }
0x4e: {  	_ =	shalt  }
0x4f: {  	_ =	shalt  }
0x50: {  	_ =	shalt  }
0x51: {  	_ =	shalt  }
0x52: {  	_ =	shalt  }
0x53: {  	_ =	shalt  }
0x54: {  	_ =	shalt  }
0x55: {  	_ =	shalt  }
0x56: {  	_ =	shalt  }
0x57: {  	_ =	shalt  }
0x58: {  	_ =	shalt  }
0x59: {  	_ =	shalt  }
0x5a: {  	_ =	shalt  }
0x5b: {  	_ =	shalt  }
0x5c: {  	_ =	shalt  }
0x5d: {  	_ =	shalt  }
0x5e: {  	_ =	shalt  }
0x5f: {  	_ =	shalt  }
0x60: {  	_ =	shalt  }
0x61: {  	_ =	shalt  }
0x62: {  	_ =	shalt  }
0x63: {  	_ =	shalt  }
0x64: {  	_ =	shalt  }
0x65: {  	_ =	shalt  }
0x66: {  	_ =	shalt  }
0x67: {  	_ =	shalt  }
0x68: {  	_ =	shalt  }
0x69: {  	_ =	shalt  }
0x6a: {  	_ =	shalt  }
0x6b: {  	_ =	shalt  }
0x6c: {  	_ =	shalt  }
0x6d: {  	_ =	shalt  }
0x6e: {  	_ =	shalt  }
0x6f: {  	_ =	shalt  }
0x70: {  	_ =	shalt  }
0x71: {  	_ =	shalt  }
0x72: {  	_ =	shalt  }
0x73: {  	_ =	shalt  }
0x74: {  	_ =	shalt  }
0x75: {  	_ =	shalt  }
0x76: {  	_ =	shalt  }
0x77: {  	_ =	shalt  }
0x78: {  	_ =	shalt  }
0x79: {  	_ =	shalt  }
0x7a: {  	_ =	shalt  }
0x7b: {  	_ =	shalt  }
0x7c: {  	_ =	shalt  }
0x7d: {  	_ =	shalt  }
0x7e: {  	_ =	shalt  }
0x7f: {  	_ =	shalt  }
0x80: {  	_ =	shalt  }
0x81: {  	_ =	shalt  }
0x82: {  	_ =	shalt  }
0x83: {  	_ =	shalt  }
0x84: {  	_ =	shalt  }
0x85: {  	_ =	shalt  }
0x86: {  	_ =	shalt  }
0x87: {  	_ =	shalt  }
.Lfunc_end0:
.L_simem_size_0:
called_computation_lowered:
.L_overlay_start_0:
0x88: {  	s2 =	sld [smem:$0x3FD9]  }
0x89: {  	s3 =	sld [smem:$0x3FFE];
	_ =	sdelay $0x1  }
0x8a: {  	s1 =	srdreg.scid  }
0x8b: {  	s0 =	sand.u32 $0x1, s1  }
0x8c: {  	s14 =	sshll.u32 s0, $0xA;
	s2 =	sadd.s32 s3, s2  }
0x8d: {  	s2 =	sadd.s32 s2, s14  }
0x8e: {  	[smem:$0x3FC4] =	sst s2  }
0x8f: {  	_ = 	snop  }
0x90: {  	s2 =	sld [smem:$0x3FD0];
	_ =	sdelay $0x2  }
0x91: {  	s15 =	simm.s32 $0xA;
	s4 =	simm.s32 $0x10  }
0x92: {  	[smem:s4], [sflag:s15] =	dma.local [hbm:s2], $0x1  }
0x93: {  	_ =	swait.eq [sflag:s15], $0x1  }
0x94: {  	[sflag:s15] =	ssyncset.done $0x0  }
0x95: {  	[sflag:s15] =	ssyncadd.s32 $0xFFFFFFFF  }
0x96: {  	s16 =	sld [smem:$0x10];
	(tm) =	ssettm $0x1  }
0x97: {  	s17 =	sld [smem:$0x3FFB];
	_ =	sdelay $0x3  }
0x98: {  	_ =	strace s17  }
0x99: {  	s3 =	sld [smem:$0x3FFC];
	_ =	sdelay $0x3  }
0x9a: {  	_ =	strace s3  }
0x9b: {  	s3 =	sld [smem:$0x3FFD];
	_ =	sdelay $0x3  }
0x9c: {  	_ =	strace s3  }
0x9d: {  	_ =	strace $0x8FFFFFFF  }
0x9e: {  	s18 =	sld [smem:$0x3FDB];
	_ =	sdelay $0x1  }
0x9f: {  	s19 =	simm.s32 $_scs_section_size  }
0xa0: {  	s5 =	simm.s32 $_size__tile_overlayer_lowered;
	s6 =	simm.s32 $_tile_overlayer_lowered  }
0xa1: {  	s22 =	simm.s32 $0x1BFF;
	s21 =	sshll.u32 s6, $0x1;
	s3 =	sadd.s32 s19, s18  }
0xa2: {  	s7 =	simm.s32 $0x0;
	s20 =	sshll.u32 s5, $0x1;
	s5 =	sadd.s32 s21, s3  }
0xa3: {  	[timem:s7], [sflag:s22] =	dma.local [hbm:s5], s20  }
0xa4: {  	_ =	swait.ge [sflag:s22], s20  }
0xa5: {  	s4 =	ssub.s32 $0x0, s20;
	[sflag:s22] =	ssyncset.done $0x0  }
0xa6: {  	[sflag:s22] =	ssyncadd.s32 s4;
	_ =	sdelay $0x1  }
0xa7: {  	s23 =	simm.s32 $0x1B8B  }
0xa8: {  	_ =	swait.ge [sflag:s23], $0x1  }
0xa9: {  	[sflag:s23] =	ssyncset.done $0x0  }
0xaa: {  	s25 =	simm.s32 $0x1B8E;
	s24 =	sld [smem:$0x3FFE];
	[sflag:s23] =	ssyncadd.s32 $0xFFFFFFFF  }
0xab: {  	s26 =	simm.s32 $execute0_lowered;
	[smem:$0x3FD2] =	sst s25  }
0xac: {  	s5 =	sshll.u32 s26, $0x1;
	_ =	strace $0x80000046;
	[dreg:$0x1] =	wrdreg $0xFFFFFFFF  }
0xad: {  	s28 =	simm.s32 $_size_execute0_lowered;
	s3 =	sadd.s32 s3, s5;
	[dreg:$0x0] =	wrdreg $0x0  }
0xae: {  	s5 =	sshll.u32 s28, $0x1;
	[dreg:$0x2] =	wrdreg s3  }
0xaf: {  	[dreg:$0x3] =	wrdreg s5  }
0xb0: {  	[dreg:$0x4] =	wrdreg $0xC0  }
0xb1: {  	_ =	task [dreg:s7], $0x5FFFF  }
0xb2: {  	[dreg:$0x1] =	wrdreg $0xFFFFFFFF  }
0xb3: {  	[dreg:$0x0] =	wrdreg $0x60  }
0xb4: {  	[dreg:$0x2] =	wrdreg s16  }
0xb5: {  	[dreg:$0x3] =	wrdreg s24  }
0xb6: {  	[dreg:$0x4] =	wrdreg $0x9  }
0xb7: {  	_ =	task.clear_ibuf [dreg:s7], $0x5FFFF;
	_ =	strace $0x90000046  }
0xb8: {  	s29 =	simm.s32 $0x9;
	_ =	strace $0x80000048  }
0xb9: {  	_ =	swait.ge [sflag:s29], $0x1  }
0xba: {  	[sflag:s29] =	ssyncadd.s32 $0xFFFFFFFF  }
0xbb: {  	_ =	strace $0x90000048  }
0xbc: {  	_ =	sfence  }
0xbd: {  	s30 =	sld [smem:$0x0];
	_ =	sdelay $0x2  }
0xbe: {  	s31 =	sshll.u32 s1, $0xD;
	s1 =	sshrl.u32 s1, $0x2  }
0xbf: {  	s3 =	sand.u32 $0x4000, s31;
	s1 =	sadd.s32 s1, s30  }
0xc0: {  	s0 =	sor.u32 s3, s0;
	s1 =	sshll.u32 s1, $0x11  }
0xc1: {  	s0 =	sor.u32 s1, s0  }
0xc2: {  	s0 =	sadd.s32 $0x8F2B, s0  }
0xc3: {  	[sflag:s0] =	ssyncadd.remote.s32 $0x1  }
0xc4: {  	_ =	sfence.sel $0xFFFF  }
0xc5: {  	[dreg:$0x0] =	wrdreg $0xFFFFFFFF;
	(pc) =	sbr.abs _section_cstart, $3  }
0xc6: {  	[dreg:$0x1] =	wrdreg $0xFFFFFFFF  }
0xc7: {  	_ =	task.clear_ibuf [dreg:s7], $0x2FFFF;
	_ =	strace $0x9FFFFFFF  }
0xc8: {  	(tm) =	ssettm $0x7FFFFFFF  }
0xc9: {  	_ =	shalt  }
tec
execute0_lowered:
.L_overlay_start_1:
0x0: {  	(tag) =	ssettag $0x1  }
0x1: {  	s0 =	rddreg [dreg:$0x0]  }
0x2: {  	s2 =	rddreg [dreg:$0x1];
	s1 =	simm.s32 $0x0  }
0x3: {  	s3 =	srdreg.scid;
	s5 =	stileid.u32;
	s29 =	simm.s32 $0x1  }
0x4: {  	s17 =	simm.s32 $0x4A00;
	s31 =	simm.s32 $0x6200;
	s18 =	simm.s32 $0x6A00  }
0x5: {  	[smem:$0x7FF] =	sst s1;
	s13 =	sadd.s32 $0x2600, s2;
	s3 =	sand.u32 $0x1, s3  }
0x6: {  	s4 =	sadd.s32 $0x2800, s2;
	s6 =	sshll.u32 s5, $0x8;
	s14 =	sadd.s32 $0x3200, s2  }
0x7: {  	s15 =	sadd.s32 $0x3300, s2;
	p0 =	sne.s32 s5, $0x0;
	s5 =	simm.s32 $0x2A00  }
0x8: {  	_ =	strace $0x80000047;
	[dreg:$0x4] =	wrdreg s4;
	s16 =	smul.u32 $0x900, s3  }
0x9: {  	s4 =	sadd.s32 $0x3000, s2;
	s7 =	sshll.u32 s3, $0x7;
	s3 =	ssub.s32 $0x2, s3  }
0xa: {  	[dreg:$0x3] =	wrdreg s13;
	s6 =	sor.u32 s7, s6;
	s20 =	sshrl.u32 s3, $0x1  }
0xb: {  	s8 =	sshrl.u32 s16, $0x3;
	s9 =	sshrl.u32 s6, $0x3;
	s3 =	ssub.s32 s3, s20  }
0xc: {  	s22 =	sor.u32 $0x20, s6;
	s23 =	sor.u32 $0x40, s6;
	s24 =	sor.u32 $0x60, s6  }
0xd: {  	s6 =	sshll.u32 s6, $0x7;
	v0 =	vmov s16;
	s16 =	simm.s32 $0x4200;
	s20 =	simm.s32 $0x7200  }
0xe: {  	s19 =	sadd.s32 s8, s2;
	s21 =	sadd.s32 s13, s9;
	s10 =	sshrl.u32 s22, $0x3  }
0xf: {  	s11 =	sshrl.u32 s23, $0x3;
	s12 =	sshrl.u32 s24, $0x3;
	s8 =	sshll.u32 s23, $0x7  }
0x10: {  	s6 =	sadd.s32 s0, s6;
	s30 =	sshll.u32 s24, $0x7;
	s9 =	simm.s32 $0x1200  }
0x11: {  	s7 =	sadd.s32 $0x2C00, s19;
	[dreg:$0x6] =	wrdreg s21;
	s10 =	sadd.s32 s13, s10  }
0x12: {  	s25 =	sadd.s32 s13, s11;
	s26 =	sadd.s32 s13, s12;
	[dreg:$0xa] =	wrdreg s6  }
0x13: {  	s8 =	sadd.s32 s0, s8;
	s13 =	sadd.s32 $0x3100, s2;
	[dreg:$0x5] =	wrdreg s7  }
0x14: {  	s19 =	simm.s32 $0x7;
	s21 =	simm.s32 $0x1A200;
	[dreg:$0x7] =	wrdreg s10  }
0x15: {  	s6 =	simm.s32 $0x8200;
	s11 =	simm.s32 $0x1A00;
	[dreg:$0x8] =	wrdreg s25  }
.Ltmp0:
0x16: {  	s12 =	simm.s32 $0x2200;
	[dreg:$0x9] =	wrdreg s26;
	(pc) =	sbr.rel .LBB2_1-.Ltmp0, $4  }
0x17: {  	s7 =	sshll.u32 s22, $0x7;
	s22 =	smax.u32 s3, $0x1;
	s3 =	smov.u32 s8  }
0x18: {  	v4 =	vlaneseq.u32;
	s10 =	simm.s32 $0x4;
	s26 =	simm.s32 $0x0;
	s28 =	sadd.s32 s0, s7  }
0x19: {  	v1 =	vimm.f32 $0.0e+00;
	vm0 =	vmmov $0xffff;
	v3 =	vshrl.u32 v4, $0x3;
	s8 =	simm.s32 $0xA00;
	s0 =	sadd.s32 s0, s30;
	[dreg:$0xb] =	wrdreg s28  }
0x1a: {  	v2 =	vand.u32 $0x7, v4;
	v4 =	vor.u32 $0x8, v4;
	v3 =	vmul.u32 $0x8, v3;
	s25 =	simm.s32 $0x5A00;
	s7 =	simm.s32 $0x10200;
	[dreg:$0xc] =	wrdreg s0  }
.LBB2_7:
0x1b: {  	s0 =	rddreg [dreg:$0x6]  }
0x1c: {  	[tilespmem:s1], [sflag:$0x7] =	stream.linear.gather [hbm4b:s0+s1], $0x20, $0x38;
	[tilespmem:$0x1AB00] =	vst v63  }
0x1d: {  	_ =	swait.ge [sflag:s19], $0x20  }
0x1e: {  	[sflag:s19] =	ssyncset.done $0x0  }
0x1f: {  	s2 =	simm.s32 $0x80;
	s30 =	rddreg [dreg:$0x7];
	[sflag:s19] =	ssyncadd.s32 $0xFFFFFFE0  }
0x20: {  	[tilespmem:s2], [sflag:$0x7] =	stream.linear.gather [hbm4b:s30+s1], $0x20, $0x38;
	[tilespmem:$0x1AB00] =	vst v63  }
0x21: {  	_ =	swait.ge [sflag:s19], $0x20  }
0x22: {  	[sflag:s19] =	ssyncset.done $0x0  }
0x23: {  	s24 =	simm.s32 $0x100;
	s23 =	rddreg [dreg:$0x8];
	[sflag:s19] =	ssyncadd.s32 $0xFFFFFFE0  }
0x24: {  	[tilespmem:s24], [sflag:$0x7] =	stream.linear.gather [hbm4b:s23+s1], $0x20, $0x38;
	[tilespmem:$0x1AB00] =	vst v63  }
0x25: {  	_ =	swait.ge [sflag:s19], $0x20  }
0x26: {  	[sflag:s19] =	ssyncset.done $0x0  }
0x27: {  	s30 =	simm.s32 $0x180;
	s28 =	rddreg [dreg:$0x9];
	[sflag:s19] =	ssyncadd.s32 $0xFFFFFFE0  }
0x28: {  	[tilespmem:s30], [sflag:$0x7] =	stream.linear.gather [hbm4b:s28+s1], $0x20, $0x38;
	[tilespmem:$0x1AB00] =	vst v63  }
0x29: {  	_ =	swait.ge [sflag:s19], $0x20  }
0x2a: {  	[sflag:s19] =	ssyncset.done $0x0  }
0x2b: {  	s30 =	simm.s32 $0x200;
	s23 =	rddreg [dreg:$0xa];
	[sflag:s19] =	ssyncadd.s32 $0xFFFFFFE0  }
0x2c: {  	[tilespmem:s30], [sflag:$0x1] =	stream.linear.gather [hbm4b:s23+s1], $0x8000, $0x38;
	[tilespmem:$0x1AB00] =	vst v63  }
0x2d: {  	s24 =	rddreg [dreg:$0xb]  }
0x2e: {  	[tilespmem:s6], [sflag:$0x2] =	stream.linear.gather [hbm4b:s24+s1], $0x8000, $0x38;
	[tilespmem:$0x1AB00] =	vst v63  }
0x2f: {  	_ = 	snop  }
0x30: {  	[tilespmem:s7], [sflag:$0x3] =	stream.linear.gather [hbm4b:s3+s1], $0x8000, $0x38;
	[tilespmem:$0x1AB00] =	vst v63  }
0x31: {  	_ =	swait.ge [sflag:s29], $0x8000  }
0x32: {  	[sflag:s29] =	ssyncset.done $0x0  }
0x33: {  	[sflag:s29] =	ssyncadd.s32 $0xFFFF8000  }
0x34: {  	v5 =	vld [tilespmem:$0x0];
	_ =	sdelay $0x4  }
0x35: {  	v6 =	vshll.u32 v5, $0x3  }
0x36: {  	v5 =	vand.u32 $0x7, v5;
	v6 =	vand.u32 $0xFFFFFFC0, v6  }
0x37: {  	v5 =	vor.u32 v5, v6  }
0x38: {  	v6 =	vperm.xlane v5, v2;
	_ =	sdelay $0x1  }
0x39: {  	v6 =	vadd.s32 v3, v6;
	_ =	sdelay $0x4  }
0x3a: {  	[hbm4b:s4+s1] =	stream.indirect_vreg.scatter [tilespmem:s30], [sflag:$0x4], $0x80, v6, vm0, $0xb8;
	[tilespmem:$0x1AB00] =	vst v63  }
0x3b: {  	v5 =	vperm.xlane v5, v4  }
0x3c: {  	[hbm4b:s13+s1] =	stream.indirect_vreg.scatter [tilespmem:s8], [sflag:$0x4], $0x80, v6, vm0, $0xb8;
	[tilespmem:$0x1AB00] =	vst v63  }
0x3d: {  	v5 =	vadd.s32 v3, v5  }
0x3e: {  	[hbm4b:s14+s1] =	stream.indirect_vreg.scatter [tilespmem:s9], [sflag:$0x4], $0x80, v6, vm0, $0xb8;
	[tilespmem:$0x1AB00] =	vst v63  }
0x3f: {  	_ = 	snop  }
0x40: {  	[hbm4b:s15+s1] =	stream.indirect_vreg.scatter [tilespmem:s11], [sflag:$0x4], $0x80, v6, vm0, $0xb8;
	[tilespmem:$0x1AB00] =	vst v63  }
0x41: {  	_ = 	snop  }
0x42: {  	[hbm4b:s4+s1] =	stream.indirect_vreg.scatter [tilespmem:s12], [sflag:$0x4], $0x80, v5, vm0, $0xb8;
	[tilespmem:$0x1AB00] =	vst v63  }
0x43: {  	_ = 	snop  }
0x44: {  	[hbm4b:s13+s1] =	stream.indirect_vreg.scatter [tilespmem:s5], [sflag:$0x4], $0x80, v5, vm0, $0xb8;
	[tilespmem:$0x1AB00] =	vst v63  }
0x45: {  	s23 =	simm.s32 $0x3200  }
0x46: {  	[hbm4b:s14+s1] =	stream.indirect_vreg.scatter [tilespmem:s23], [sflag:$0x4], $0x80, v5, vm0, $0xb8;
	[tilespmem:$0x1AB00] =	vst v63  }
0x47: {  	s24 =	simm.s32 $0x3A00  }
0x48: {  	[hbm4b:s15+s1] =	stream.indirect_vreg.scatter [tilespmem:s24], [sflag:$0x4], $0x80, v5, vm0, $0xb8;
	[tilespmem:$0x1AB00] =	vst v63  }
0x49: {  	v5 =	vld [tilespmem:$0x10];
	_ =	sdelay $0x4  }
0x4a: {  	v6 =	vshll.u32 v5, $0x3  }
0x4b: {  	v5 =	vand.u32 $0x7, v5;
	v6 =	vand.u32 $0xFFFFFFC0, v6  }
0x4c: {  	v5 =	vor.u32 v5, v6  }
0x4d: {  	v6 =	vperm.xlane v5, v2;
	_ =	sdelay $0x1  }
0x4e: {  	v6 =	vadd.s32 v3, v6;
	_ =	sdelay $0x4  }
0x4f: {  	[hbm4b:s4+s1] =	stream.indirect_vreg.scatter [tilespmem:s16], [sflag:$0x4], $0x80, v6, vm0, $0xb8;
	[tilespmem:$0x1AB00] =	vst v63  }
0x50: {  	v5 =	vperm.xlane v5, v4  }
0x51: {  	[hbm4b:s13+s1] =	stream.indirect_vreg.scatter [tilespmem:s17], [sflag:$0x4], $0x80, v6, vm0, $0xb8;
	[tilespmem:$0x1AB00] =	vst v63  }
0x52: {  	s28 =	simm.s32 $0x5200;
	v5 =	vadd.s32 v3, v5  }
0x53: {  	[hbm4b:s14+s1] =	stream.indirect_vreg.scatter [tilespmem:s28], [sflag:$0x4], $0x80, v6, vm0, $0xb8;
	[tilespmem:$0x1AB00] =	vst v63  }
0x54: {  	_ = 	snop  }
0x55: {  	[hbm4b:s15+s1] =	stream.indirect_vreg.scatter [tilespmem:s25], [sflag:$0x4], $0x80, v6, vm0, $0xb8;
	[tilespmem:$0x1AB00] =	vst v63  }
0x56: {  	_ = 	snop  }
0x57: {  	[hbm4b:s4+s1] =	stream.indirect_vreg.scatter [tilespmem:s31], [sflag:$0x4], $0x80, v5, vm0, $0xb8;
	[tilespmem:$0x1AB00] =	vst v63  }
0x58: {  	_ = 	snop  }
0x59: {  	[hbm4b:s13+s1] =	stream.indirect_vreg.scatter [tilespmem:s18], [sflag:$0x4], $0x80, v5, vm0, $0xb8;
	[tilespmem:$0x1AB00] =	vst v63  }
0x5a: {  	_ = 	snop  }
0x5b: {  	[hbm4b:s14+s1] =	stream.indirect_vreg.scatter [tilespmem:s20], [sflag:$0x4], $0x80, v5, vm0, $0xb8;
	[tilespmem:$0x1AB00] =	vst v63  }
0x5c: {  	s0 =	simm.s32 $0x7A00  }
0x5d: {  	[hbm4b:s15+s1] =	stream.indirect_vreg.scatter [tilespmem:s0], [sflag:$0x4], $0x80, v5, vm0, $0xb8;
	[tilespmem:$0x1AB00] =	vst v63  }
0x5e: {  	_ =	swait.ge [sflag:s10], $0x8000  }
0x5f: {  	[sflag:s10] =	ssyncset.done $0x0  }
0x60: {  	s2 =	rddreg [dreg:$0xc];
	[sflag:s10] =	ssyncadd.s32 $0xFFFF8000  }
0x61: {  	[tilespmem:s30], [sflag:$0x1] =	stream.linear.gather [hbm4b:s2+s1], $0x8000, $0x38;
	[tilespmem:$0x1AB00] =	vst v63  }
0x62: {  	s2 =	simm.s32 $0x2  }
0x63: {  	_ =	swait.ge [sflag:s2], $0x8000  }
0x64: {  	[sflag:s2] =	ssyncset.done $0x0  }
0x65: {  	[sflag:s2] =	ssyncadd.s32 $0xFFFF8000  }
0x66: {  	v5 =	vld [tilespmem:$0x80];
	_ =	sdelay $0x4  }
0x67: {  	v6 =	vshll.u32 v5, $0x3  }
0x68: {  	v5 =	vand.u32 $0x7, v5;
	v6 =	vand.u32 $0xFFFFFFC0, v6  }
0x69: {  	v5 =	vor.u32 v5, v6  }
0x6a: {  	v6 =	vperm.xlane v5, v2;
	_ =	sdelay $0x1  }
0x6b: {  	v6 =	vadd.s32 v3, v6;
	_ =	sdelay $0x4  }
0x6c: {  	[hbm4b:s4+s1] =	stream.indirect_vreg.scatter [tilespmem:s6], [sflag:$0x5], $0x80, v6, vm0, $0xb8;
	[tilespmem:$0x1AB00] =	vst v63  }
0x6d: {  	s2 =	simm.s32 $0x8A00;
	v5 =	vperm.xlane v5, v4  }
0x6e: {  	[hbm4b:s13+s1] =	stream.indirect_vreg.scatter [tilespmem:s2], [sflag:$0x5], $0x80, v6, vm0, $0xb8;
	[tilespmem:$0x1AB00] =	vst v63  }
0x6f: {  	v5 =	vadd.s32 v3, v5;
	s2 =	simm.s32 $0x9200  }
0x70: {  	[hbm4b:s14+s1] =	stream.indirect_vreg.scatter [tilespmem:s2], [sflag:$0x5], $0x80, v6, vm0, $0xb8;
	[tilespmem:$0x1AB00] =	vst v63  }
0x71: {  	s2 =	simm.s32 $0x9A00  }
0x72: {  	[hbm4b:s15+s1] =	stream.indirect_vreg.scatter [tilespmem:s2], [sflag:$0x5], $0x80, v6, vm0, $0xb8;
	[tilespmem:$0x1AB00] =	vst v63  }
0x73: {  	s2 =	simm.s32 $0xA200  }
0x74: {  	[hbm4b:s4+s1] =	stream.indirect_vreg.scatter [tilespmem:s2], [sflag:$0x5], $0x80, v5, vm0, $0xb8;
	[tilespmem:$0x1AB00] =	vst v63  }
0x75: {  	s2 =	simm.s32 $0xAA00  }
0x76: {  	[hbm4b:s13+s1] =	stream.indirect_vreg.scatter [tilespmem:s2], [sflag:$0x5], $0x80, v5, vm0, $0xb8;
	[tilespmem:$0x1AB00] =	vst v63  }
0x77: {  	s2 =	simm.s32 $0xB200  }
0x78: {  	[hbm4b:s14+s1] =	stream.indirect_vreg.scatter [tilespmem:s2], [sflag:$0x5], $0x80, v5, vm0, $0xb8;
	[tilespmem:$0x1AB00] =	vst v63  }
0x79: {  	s2 =	simm.s32 $0xBA00  }
0x7a: {  	[hbm4b:s15+s1] =	stream.indirect_vreg.scatter [tilespmem:s2], [sflag:$0x5], $0x80, v5, vm0, $0xb8;
	[tilespmem:$0x1AB00] =	vst v63  }
0x7b: {  	v5 =	vld [tilespmem:$0x90];
	_ =	sdelay $0x4  }
0x7c: {  	v6 =	vshll.u32 v5, $0x3  }
0x7d: {  	v5 =	vand.u32 $0x7, v5;
	v6 =	vand.u32 $0xFFFFFFC0, v6  }
0x7e: {  	v5 =	vor.u32 v5, v6  }
0x7f: {  	v6 =	vperm.xlane v5, v2;
	_ =	sdelay $0x1  }
0x80: {  	v6 =	vadd.s32 v3, v6;
	_ =	sdelay $0x3  }
0x81: {  	s2 =	simm.s32 $0xC200  }
0x82: {  	[hbm4b:s4+s1] =	stream.indirect_vreg.scatter [tilespmem:s2], [sflag:$0x5], $0x80, v6, vm0, $0xb8;
	[tilespmem:$0x1AB00] =	vst v63  }
0x83: {  	v5 =	vperm.xlane v5, v4;
	s2 =	simm.s32 $0xCA00  }
0x84: {  	[hbm4b:s13+s1] =	stream.indirect_vreg.scatter [tilespmem:s2], [sflag:$0x5], $0x80, v6, vm0, $0xb8;
	[tilespmem:$0x1AB00] =	vst v63  }
0x85: {  	v5 =	vadd.s32 v3, v5;
	s2 =	simm.s32 $0xD200  }
0x86: {  	[hbm4b:s14+s1] =	stream.indirect_vreg.scatter [tilespmem:s2], [sflag:$0x5], $0x80, v6, vm0, $0xb8;
	[tilespmem:$0x1AB00] =	vst v63  }
0x87: {  	s2 =	simm.s32 $0xDA00  }
0x88: {  	[hbm4b:s15+s1] =	stream.indirect_vreg.scatter [tilespmem:s2], [sflag:$0x5], $0x80, v6, vm0, $0xb8;
	[tilespmem:$0x1AB00] =	vst v63  }
0x89: {  	s2 =	simm.s32 $0xE200  }
0x8a: {  	[hbm4b:s4+s1] =	stream.indirect_vreg.scatter [tilespmem:s2], [sflag:$0x5], $0x80, v5, vm0, $0xb8;
	[tilespmem:$0x1AB00] =	vst v63  }
0x8b: {  	s2 =	simm.s32 $0xEA00  }
0x8c: {  	[hbm4b:s13+s1] =	stream.indirect_vreg.scatter [tilespmem:s2], [sflag:$0x5], $0x80, v5, vm0, $0xb8;
	[tilespmem:$0x1AB00] =	vst v63  }
0x8d: {  	s2 =	simm.s32 $0xF200  }
0x8e: {  	[hbm4b:s14+s1] =	stream.indirect_vreg.scatter [tilespmem:s2], [sflag:$0x5], $0x80, v5, vm0, $0xb8;
	[tilespmem:$0x1AB00] =	vst v63  }
0x8f: {  	s2 =	simm.s32 $0xFA00  }
0x90: {  	[hbm4b:s15+s1] =	stream.indirect_vreg.scatter [tilespmem:s2], [sflag:$0x5], $0x80, v5, vm0, $0xb8;
	[tilespmem:$0x1AB00] =	vst v63  }
0x91: {  	s2 =	simm.s32 $0x3  }
0x92: {  	_ =	swait.ge [sflag:s2], $0x8000  }
0x93: {  	[sflag:s2] =	ssyncset.done $0x0  }
0x94: {  	[sflag:s2] =	ssyncadd.s32 $0xFFFF8000  }
0x95: {  	v5 =	vld [tilespmem:$0x100];
	_ =	sdelay $0x4  }
0x96: {  	v6 =	vshll.u32 v5, $0x3  }
0x97: {  	v5 =	vand.u32 $0x7, v5;
	v6 =	vand.u32 $0xFFFFFFC0, v6  }
0x98: {  	v5 =	vor.u32 v5, v6  }
0x99: {  	v6 =	vperm.xlane v5, v2;
	_ =	sdelay $0x1  }
0x9a: {  	v6 =	vadd.s32 v3, v6;
	_ =	sdelay $0x4  }
0x9b: {  	[hbm4b:s4+s1] =	stream.indirect_vreg.scatter [tilespmem:s7], [sflag:$0x6], $0x80, v6, vm0, $0xb8;
	[tilespmem:$0x1AB00] =	vst v63  }
0x9c: {  	s2 =	simm.s32 $0x10A00;
	v5 =	vperm.xlane v5, v4  }
0x9d: {  	[hbm4b:s13+s1] =	stream.indirect_vreg.scatter [tilespmem:s2], [sflag:$0x6], $0x80, v6, vm0, $0xb8;
	[tilespmem:$0x1AB00] =	vst v63  }
0x9e: {  	v5 =	vadd.s32 v3, v5;
	s2 =	simm.s32 $0x11200  }
0x9f: {  	[hbm4b:s14+s1] =	stream.indirect_vreg.scatter [tilespmem:s2], [sflag:$0x6], $0x80, v6, vm0, $0xb8;
	[tilespmem:$0x1AB00] =	vst v63  }
0xa0: {  	s2 =	simm.s32 $0x11A00  }
0xa1: {  	[hbm4b:s15+s1] =	stream.indirect_vreg.scatter [tilespmem:s2], [sflag:$0x6], $0x80, v6, vm0, $0xb8;
	[tilespmem:$0x1AB00] =	vst v63  }
0xa2: {  	s2 =	simm.s32 $0x12200  }
0xa3: {  	[hbm4b:s4+s1] =	stream.indirect_vreg.scatter [tilespmem:s2], [sflag:$0x6], $0x80, v5, vm0, $0xb8;
	[tilespmem:$0x1AB00] =	vst v63  }
0xa4: {  	s2 =	simm.s32 $0x12A00  }
0xa5: {  	[hbm4b:s13+s1] =	stream.indirect_vreg.scatter [tilespmem:s2], [sflag:$0x6], $0x80, v5, vm0, $0xb8;
	[tilespmem:$0x1AB00] =	vst v63  }
0xa6: {  	s2 =	simm.s32 $0x13200  }
0xa7: {  	[hbm4b:s14+s1] =	stream.indirect_vreg.scatter [tilespmem:s2], [sflag:$0x6], $0x80, v5, vm0, $0xb8;
	[tilespmem:$0x1AB00] =	vst v63  }
0xa8: {  	s2 =	simm.s32 $0x13A00  }
0xa9: {  	[hbm4b:s15+s1] =	stream.indirect_vreg.scatter [tilespmem:s2], [sflag:$0x6], $0x80, v5, vm0, $0xb8;
	[tilespmem:$0x1AB00] =	vst v63  }
0xaa: {  	v5 =	vld [tilespmem:$0x110];
	_ =	sdelay $0x4  }
0xab: {  	v6 =	vshll.u32 v5, $0x3  }
0xac: {  	v5 =	vand.u32 $0x7, v5;
	v6 =	vand.u32 $0xFFFFFFC0, v6  }
0xad: {  	v5 =	vor.u32 v5, v6  }
0xae: {  	v6 =	vperm.xlane v5, v2;
	_ =	sdelay $0x1  }
0xaf: {  	v6 =	vadd.s32 v3, v6;
	_ =	sdelay $0x3  }
0xb0: {  	s2 =	simm.s32 $0x14200  }
0xb1: {  	[hbm4b:s4+s1] =	stream.indirect_vreg.scatter [tilespmem:s2], [sflag:$0x6], $0x80, v6, vm0, $0xb8;
	[tilespmem:$0x1AB00] =	vst v63  }
0xb2: {  	v5 =	vperm.xlane v5, v4;
	s2 =	simm.s32 $0x14A00  }
0xb3: {  	[hbm4b:s13+s1] =	stream.indirect_vreg.scatter [tilespmem:s2], [sflag:$0x6], $0x80, v6, vm0, $0xb8;
	[tilespmem:$0x1AB00] =	vst v63  }
0xb4: {  	v5 =	vadd.s32 v3, v5;
	s2 =	simm.s32 $0x15200  }
0xb5: {  	[hbm4b:s14+s1] =	stream.indirect_vreg.scatter [tilespmem:s2], [sflag:$0x6], $0x80, v6, vm0, $0xb8;
	[tilespmem:$0x1AB00] =	vst v63  }
0xb6: {  	s2 =	simm.s32 $0x15A00  }
0xb7: {  	[hbm4b:s15+s1] =	stream.indirect_vreg.scatter [tilespmem:s2], [sflag:$0x6], $0x80, v6, vm0, $0xb8;
	[tilespmem:$0x1AB00] =	vst v63  }
0xb8: {  	s2 =	simm.s32 $0x16200  }
0xb9: {  	[hbm4b:s4+s1] =	stream.indirect_vreg.scatter [tilespmem:s2], [sflag:$0x6], $0x80, v5, vm0, $0xb8;
	[tilespmem:$0x1AB00] =	vst v63  }
0xba: {  	s2 =	simm.s32 $0x16A00  }
0xbb: {  	[hbm4b:s13+s1] =	stream.indirect_vreg.scatter [tilespmem:s2], [sflag:$0x6], $0x80, v5, vm0, $0xb8;
	[tilespmem:$0x1AB00] =	vst v63  }
0xbc: {  	s2 =	simm.s32 $0x17200  }
0xbd: {  	[hbm4b:s14+s1] =	stream.indirect_vreg.scatter [tilespmem:s2], [sflag:$0x6], $0x80, v5, vm0, $0xb8;
	[tilespmem:$0x1AB00] =	vst v63  }
0xbe: {  	s2 =	simm.s32 $0x17A00  }
0xbf: {  	[hbm4b:s15+s1] =	stream.indirect_vreg.scatter [tilespmem:s2], [sflag:$0x6], $0x80, v5, vm0, $0xb8;
	[tilespmem:$0x1AB00] =	vst v63  }
0xc0: {  	_ =	swait.ge [sflag:s29], $0x8000  }
0xc1: {  	[sflag:s29] =	ssyncset.done $0x0  }
0xc2: {  	[sflag:s29] =	ssyncadd.s32 $0xFFFF8000  }
0xc3: {  	v5 =	vld [tilespmem:$0x180];
	_ =	sdelay $0x4  }
0xc4: {  	v6 =	vshll.u32 v5, $0x3  }
0xc5: {  	v5 =	vand.u32 $0x7, v5;
	v6 =	vand.u32 $0xFFFFFFC0, v6  }
0xc6: {  	v5 =	vor.u32 v5, v6  }
0xc7: {  	v6 =	vperm.xlane v5, v2;
	_ =	sdelay $0x1  }
0xc8: {  	v6 =	vadd.s32 v3, v6;
	_ =	sdelay $0x4  }
0xc9: {  	[hbm4b:s4+s1] =	stream.indirect_vreg.scatter [tilespmem:s30], [sflag:$0x4], $0x80, v6, vm0, $0xb8;
	[tilespmem:$0x1AB00] =	vst v63  }
0xca: {  	v5 =	vperm.xlane v5, v4  }
0xcb: {  	[hbm4b:s13+s1] =	stream.indirect_vreg.scatter [tilespmem:s8], [sflag:$0x4], $0x80, v6, vm0, $0xb8;
	[tilespmem:$0x1AB00] =	vst v63  }
0xcc: {  	v5 =	vadd.s32 v3, v5  }
0xcd: {  	[hbm4b:s14+s1] =	stream.indirect_vreg.scatter [tilespmem:s9], [sflag:$0x4], $0x80, v6, vm0, $0xb8;
	[tilespmem:$0x1AB00] =	vst v63  }
0xce: {  	_ = 	snop  }
0xcf: {  	[hbm4b:s15+s1] =	stream.indirect_vreg.scatter [tilespmem:s11], [sflag:$0x4], $0x80, v6, vm0, $0xb8;
	[tilespmem:$0x1AB00] =	vst v63  }
0xd0: {  	_ = 	snop  }
0xd1: {  	[hbm4b:s4+s1] =	stream.indirect_vreg.scatter [tilespmem:s12], [sflag:$0x4], $0x80, v5, vm0, $0xb8;
	[tilespmem:$0x1AB00] =	vst v63  }
0xd2: {  	_ = 	snop  }
0xd3: {  	[hbm4b:s13+s1] =	stream.indirect_vreg.scatter [tilespmem:s5], [sflag:$0x4], $0x80, v5, vm0, $0xb8;
	[tilespmem:$0x1AB00] =	vst v63  }
0xd4: {  	_ = 	snop  }
0xd5: {  	[hbm4b:s14+s1] =	stream.indirect_vreg.scatter [tilespmem:s23], [sflag:$0x4], $0x80, v5, vm0, $0xb8;
	[tilespmem:$0x1AB00] =	vst v63  }
0xd6: {  	_ = 	snop  }
0xd7: {  	[hbm4b:s15+s1] =	stream.indirect_vreg.scatter [tilespmem:s24], [sflag:$0x4], $0x80, v5, vm0, $0xb8;
	[tilespmem:$0x1AB00] =	vst v63  }
0xd8: {  	v5 =	vld [tilespmem:$0x190];
	_ =	sdelay $0x4  }
0xd9: {  	v6 =	vshll.u32 v5, $0x3  }
0xda: {  	v5 =	vand.u32 $0x7, v5;
	v6 =	vand.u32 $0xFFFFFFC0, v6  }
0xdb: {  	v5 =	vor.u32 v5, v6  }
0xdc: {  	v6 =	vperm.xlane v5, v2;
	_ =	sdelay $0x1  }
0xdd: {  	v6 =	vadd.s32 v3, v6;
	_ =	sdelay $0x4  }
0xde: {  	[hbm4b:s4+s1] =	stream.indirect_vreg.scatter [tilespmem:s16], [sflag:$0x4], $0x80, v6, vm0, $0xb8;
	[tilespmem:$0x1AB00] =	vst v63  }
0xdf: {  	v5 =	vperm.xlane v5, v4  }
0xe0: {  	[hbm4b:s13+s1] =	stream.indirect_vreg.scatter [tilespmem:s17], [sflag:$0x4], $0x80, v6, vm0, $0xb8;
	[tilespmem:$0x1AB00] =	vst v63  }
0xe1: {  	v5 =	vadd.s32 v3, v5  }
0xe2: {  	[hbm4b:s14+s1] =	stream.indirect_vreg.scatter [tilespmem:s28], [sflag:$0x4], $0x80, v6, vm0, $0xb8;
	[tilespmem:$0x1AB00] =	vst v63  }
0xe3: {  	_ = 	snop  }
0xe4: {  	[hbm4b:s15+s1] =	stream.indirect_vreg.scatter [tilespmem:s25], [sflag:$0x4], $0x80, v6, vm0, $0xb8;
	[tilespmem:$0x1AB00] =	vst v63  }
0xe5: {  	_ = 	snop  }
0xe6: {  	[hbm4b:s4+s1] =	stream.indirect_vreg.scatter [tilespmem:s31], [sflag:$0x4], $0x80, v5, vm0, $0xb8;
	[tilespmem:$0x1AB00] =	vst v63  }
0xe7: {  	_ = 	snop  }
0xe8: {  	[hbm4b:s13+s1] =	stream.indirect_vreg.scatter [tilespmem:s18], [sflag:$0x4], $0x80, v5, vm0, $0xb8;
	[tilespmem:$0x1AB00] =	vst v63  }
0xe9: {  	_ = 	snop  }
0xea: {  	[hbm4b:s14+s1] =	stream.indirect_vreg.scatter [tilespmem:s20], [sflag:$0x4], $0x80, v5, vm0, $0xb8;
	[tilespmem:$0x1AB00] =	vst v63  }
0xeb: {  	s28 =	simm.s32 $0x5  }
0xec: {  	[hbm4b:s15+s1] =	stream.indirect_vreg.scatter [tilespmem:s0], [sflag:$0x4], $0x80, v5, vm0, $0xb8;
	[tilespmem:$0x1AB00] =	vst v63  }
0xed: {  	_ =	swait.ge [sflag:s28], $0x8000  }
0xee: {  	[sflag:s28] =	ssyncset.done $0x0  }
0xef: {  	s26 =	sadd.s32 $0x1, s26;
	s30 =	simm.s32 $0x6;
	[sflag:s28] =	ssyncadd.s32 $0xFFFF8000  }
0xf0: {  	p1 =	sne.s32 s26, s22;
	_ =	swait.ge [sflag:s30], $0x8000  }
.Ltmp1:
0xf1: {  	[sflag:s30] =	ssyncset.done $0x0;
	(pc) =	sbr.rel @!p1 .LBB2_8-.Ltmp1, $4  }
0xf2: {  	[sflag:s30] =	ssyncadd.s32 $0xFFFF8000  }
0xf3: {  	_ =	swait.ge [sflag:s10], $0x8000  }
0xf4: {  	[sflag:s10] =	ssyncset.done $0x0  }
0xf5: {  	[sflag:s10] =	ssyncadd.s32 $0xFFFF8000  }
.LBB2_1:
.Ltmp2:
0xf6: {  	(pc) =	sbr.rel @p0 .LBB2_7-.Ltmp2, $1  }
0xf7: {  	_ =	sdelay $0x3  }
0xf8: {  	s28 =	simm.s32 $0x0;
	s30 =	rddreg [dreg:$0x3];
	s24 =	simm.s32 $0x18200  }
0xf9: {  	[tilespmem:s24], [sflag:$0x7] =	stream.linear.gather [hbm4b:s30+s28], $0x1000, $0x38;
	[tilespmem:$0x1AB00] =	vst v63  }
0xfa: {  	_ =	swait.ge [sflag:s19], $0x1000  }
0xfb: {  	s23 =	smov.u32 s22;
	[sflag:s19] =	ssyncset.done $0x0  }
0xfc: {  	s22 =	simm.s32 $0x19200;
	s30 =	rddreg [dreg:$0x4];
	[sflag:s19] =	ssyncadd.s32 $0xFFFFF000  }
0xfd: {  	[tilespmem:s22], [sflag:$0x7] =	stream.linear.gather [hbm4b:s30+s28], $0x1000, $0x38;
	[tilespmem:$0x1AB00] =	vst v63  }
0xfe: {  	_ =	swait.ge [sflag:s19], $0x1000  }
0xff: {  	s2 =	smov.u32 s3;
	[sflag:s19] =	ssyncset.done $0x0  }
0x100: {  	s28 =	simm.s32 $0x40;
	s30 =	simm.s32 $0x0;
	[sflag:s19] =	ssyncadd.s32 $0xFFFFF000  }
.LBB2_3:
0x101: {  	p1 =	sne.s32 s28, $0x23C0;
	[tilespmem:s30+$0x1A200] =	vst v1;
	s30 =	smov.u32 s28;
	s28 =	sadd.s32 $0x40, s28  }
.Ltmp3:
0x102: {  	(pc) =	sbr.rel @p1 .LBB2_3-.Ltmp3, $2  }
0x103: {  	_ =	sdelay $0x2  }
0x104: {  	s30 =	sshra.s32 s30, $0x2  }
0x105: {  	[tilespmem:s30+$0x1A200] =	vst v1;
	s30 =	simm.s32 $0x0;
	s28 =	simm.s32 $0x40  }
.LBB2_5:
0x106: {  	p1 =	sne.s32 s28, $0x3FC0;
	v5 =	vld [tilespmem:s30+$0x18200];
	_ =	sdelay $0x4  }
0x107: {  	v5 =	vsub.s32 v5, v0  }
0x108: {  	vm1 =	vlt.u32 v5, $0x900  }
0x109: {  	v6 =	vld [tilespmem:s30+$0x19200];
	v5 =	vnsel vm1, $0x0, v5  }
.Ltmp4:
0x10a: {  	(pc) =	sbr.rel @p1 .LBB2_5-.Ltmp4, $2  }
0x10b: {  	_ =	sdelay $0x2  }
0x10c: {  	s30 =	sshra.s32 s28, $0x2;
	s28 =	sadd.s32 $0x40, s28;
	[tilespmem:v5+s21+$0x0] =	vst.idx.msk vm1, v6  }
0x10d: {  	v5 =	vld [tilespmem:s30+$0x18200];
	_ =	sdelay $0x4  }
0x10e: {  	v5 =	vsub.s32 v5, v0  }
0x10f: {  	vm1 =	vlt.u32 v5, $0x900  }
0x110: {  	v6 =	vld [tilespmem:s30+$0x19200];
	v5 =	vnsel vm1, $0x0, v5;
	_ =	sdelay $0x4  }
.Ltmp5:
0x111: {  	s28 =	rddreg [dreg:$0x5];
	[tilespmem:v5+s21+$0x0] =	vst.idx.msk vm1, v6;
	(pc) =	sbr.rel .LBB2_7-.Ltmp5, $4  }
0x112: {  	[hbm4b:s28+s1] =	stream.linear.scatter [tilespmem:s21], [sflag:$0x7], $0x900, $0x38;
	[tilespmem:$0x1AB00] =	vst v63  }
0x113: {  	_ =	swait.ge [sflag:s19], $0x900  }
0x114: {  	[sflag:s19] =	ssyncset.done $0x0  }
0x115: {  	s3 =	smov.u32 s2;
	s22 =	smov.u32 s23;
	[sflag:s19] =	ssyncadd.s32 $0xFFFFF700  }
.LBB2_8:
0x116: {  	_ =	sfence.sel $0x180000  }
0x117: {  	[bflag:$0x0] =	sbarrier.arrive $0xFFFF  }
0x118: {  	_ =	strace $0x90000047  }
0x119: {  	[bflag:$0x2] =	sbarrier.arrive $0xFFFF  }
0x11a: {  	s0 =	rddreg [dreg:$0x2]  }
0x11b: {  	s0 =	sadd.s32 @!p0 $0x100000, s0  }
0x11c: {  	[sflag:s0] =	ssyncadd.tile.s32 @!p0 $0x1;
	_ =	shalt  }
.Lfunc_end2:
_tile_overlayer_lowered:
.L_overlay_start_2:
0x11d: {  	(tag) =	ssettag $0x2  }
0x11e: {  	s0 =	rddreg [dreg:$0x0];
	s2 =	stileid.u32  }
0x11f: {  	s1 =	rddreg [dreg:$0x1];
	p0 =	sne.s32 s2, $0x0  }
0x120: {  	s3 =	rddreg [dreg:$0x2];
	[bflag:$0x3] =	sbarrier.arrive $0xFFFF;
	s2 =	simm.s32 @!p0 $0x1C07  }
0x121: {  	[timem:s3], [sflag:s2] =	dma.local @!p0 [hbm:s0], s1  }
0x122: {  	s0 =	simm.s32 @!p0 $0x7  }
0x123: {  	_ =	swait.ge @!p0 [sflag:s0], s1  }
0x124: {  	s1 =	ssub.s32 @!p0 $0x0, s1;
	[sflag:s0] =	ssyncset.done @!p0 $0x0  }
0x125: {  	[sflag:s0] =	ssyncadd.s32 @!p0 s1  }
0x126: {  	[bflag:$0x3] =	sbarrier.arrive $0xFFFF  }
0x127: {  	_ =	shalt  }

// kernel: kernel.9.cloned.1.call-start
scs
__scs_entry_jumppad:
0x0: {  	(pc) =	sbr.rel $0x88, $3  }
0x1: {  	(tag) =	ssettag $0x0;
	lr =	simm.s32 $0x1  }
0x2: {  	[smem:$0x3F9D] =	sst lr;
	_ =	strace $0xD0000000  }
0x3: {  	_ = 	snop  }
0x4: {  	_ = 	snop  }
0x5: {  	_ = 	snop  }
0x6: {  	_ = 	snop  }
0x7: {  	_ = 	snop  }
__scs_overlays_trampoline_lowered:
0x8: {  	[smem:$0x3FAC] =	sst s0  }
0x9: {  	[smem:$0x3FAD] =	sst s1  }
0xa: {  	[smem:$0x3FAE] =	sst s2  }
0xb: {  	[smem:$0x3FAF] =	sst s3  }
0xc: {  	[smem:$0x3FB0] =	sst s4  }
0xd: {  	[smem:$0x3FB1] =	sst s5  }
0xe: {  	[smem:$0x3FB2] =	sst s6  }
0xf: {  	[smem:$0x3FB3] =	sst s7  }
0x10: {  	[smem:$0x3FB4] =	sst s8  }
0x11: {  	[smem:$0x3FB5] =	sst s9;
	s0 =	simm.s32 @!p0 $0x0  }
0x12: {  	s1 =	sld [smem:$0x3F9B];
	s0 =	simm.s32 @p0 $0x1  }
0x13: {  	[smem:$0x3FB6] =	sst s0;
	s0 =	simm.s32 @!p1 $0x0  }
0x14: {  	s2 =	sld [smem:$0x3F9A];
	s0 =	simm.s32 @p1 $0x1  }
0x15: {  	[smem:$0x3FB7] =	sst s0;
	s0 =	simm.s32 @!p2 $0x0  }
0x16: {  	s3 =	sld [smem:$0x3FDB];
	s0 =	simm.s32 @p2 $0x1  }
0x17: {  	s4 =	simm.s32 $0x1BF5;
	[smem:$0x3FB9] =	sst s0  }
0x18: {  	s0 =	sld [smem:$0x3F9C];
	_ =	swait.ge [sflag:s4], $0x0  }
0x19: {  	s7 =	sld [smem:$0x3F9D]  }
0x1a: {  	s8 =	sadd.s32 $0xFFFFE003, lr  }
0x1b: {  	s9 =	sadd.s32 $0xFFFFFEF7, lr;
	s5 =	simm.s32 $0xFFFFFFFF;
	p2 =	slt.u32 s8, $0xFFFFF086  }
0x1c: {  	p1 =	slt.u32 s9, $0xF7A;
	s5 =	simm.s32 @!p2 $0x0  }
0x1d: {  	s5 =	simm.s32 @p1 $0x1;
	p0 =	seq.s32 s7, s2  }
0x1e: {  	s7 =	smul.u32 @!p0 $0xF7A, s2;
	p2 =	seq.s32 @!p0 s5, $0x0  }
0x1f: {  	s9 =	smul.u32 $0xF7A, s1;
	s8 =	simm.s32 @!p0 $0x1BF5;
	p2 =	por !p2, p0  }
0x20: {  	[sflag:s8] =	ssyncset.s32 @!p0 $0xFFFFF086;
	s6 =	sadd.s32 @!p0 s3, s7;
	s7 =	simm.s32 @!p0 $0x108  }
0x21: {  	s3 =	sadd.s32 s3, s9;
	s6 =	sadd.s32 @!p0 $0x88, s6;
	s7 =	simm.s32 @p2 $0x1082  }
0x22: {  	[simem:s7], [sflag:s8] =	dma.local @!p0 [hbm:s6], $0xF7A  }
0x23: {  	s9 =	sor.u32 $0xD0000000, s2;
	s6 =	simm.s32 $0x108;
	_ =	swait.ge @!p0 [sflag:s8], $0x0  }
0x24: {  	s3 =	sadd.s32 $0x88, s3;
	s6 =	simm.s32 @!p1 $0x1082;
	[sflag:s4] =	ssyncset.s32 $0xFFFFF086  }
0x25: {  	[simem:s6], [sflag:s4] =	dma.local [hbm:s3], $0xF7A  }
0x26: {  	[smem:$0x3F9D] =	sst s1;
	(tag) =	ssettag s2;
	_ =	strace s9  }
0x27: {  	s1 =	sld [smem:$0x3FAD]  }
0x28: {  	s2 =	sld [smem:$0x3FAE]  }
0x29: {  	s4 =	sld [smem:$0x3FB0]  }
0x2a: {  	p0 =	seq.s32 s5, $0x0;
	s5 =	sld [smem:$0x3FB1]  }
0x2b: {  	s6 =	sld [smem:$0x3FB2]  }
0x2c: {  	s7 =	sld [smem:$0x3FB3]  }
0x2d: {  	s3 =	simm.s32 $0x108;
	s8 =	sld [smem:$0x3FB4]  }
0x2e: {  	s3 =	simm.s32 @!p0 $0x1082;
	s9 =	sld [smem:$0x3FB5]  }
0x2f: {  	lr =	sadd.s32 s0, s3;
	s0 =	sld [smem:$0x3FAC]  }
0x30: {  	s3 =	sld [smem:$0x3FAF]  }
0x31: {  	[smem:$0x3FB8] =	sst s10  }
0x32: {  	s10 =	sld [smem:$0x3FB6];
	_ =	sdelay $0x3  }
0x33: {  	p0 =	seq.s32 s10, $0x1;
	s10 =	sld [smem:$0x3FB8];
	_ =	sdelay $0x3  }
0x34: {  	[smem:$0x3FB8] =	sst s10  }
0x35: {  	s10 =	sld [smem:$0x3FB7];
	_ =	sdelay $0x3  }
0x36: {  	p1 =	seq.s32 s10, $0x1;
	s10 =	sld [smem:$0x3FB8];
	_ =	sdelay $0x3  }
0x37: {  	[smem:$0x3FB8] =	sst s10  }
0x38: {  	s10 =	sld [smem:$0x3FB9]  }
0x39: {  	_ = 	snop;
	(pc) =	sbr.ind lr, $3  }
0x3a: {  	_ = 	snop  }
0x3b: {  	_ = 	snop  }
0x3c: {  	p2 =	seq.s32 s10, $0x1;
	s10 =	sld [smem:$0x3FB8]  }
0x3d: {  	_ =	shalt  }
0x3e: {  	_ =	shalt  }
0x3f: {  	_ =	shalt  }
0x40: {  	_ =	shalt  }
0x41: {  	_ =	shalt  }
0x42: {  	_ =	shalt  }
0x43: {  	_ =	shalt  }
0x44: {  	_ =	shalt  }
0x45: {  	_ =	shalt  }
0x46: {  	_ =	shalt  }
0x47: {  	_ =	shalt  }
0x48: {  	_ =	shalt  }
0x49: {  	_ =	shalt  }
0x4a: {  	_ =	shalt  }
0x4b: {  	_ =	shalt  }
0x4c: {  	_ =	shalt  }
0x4d: {  	_ =	shalt  }
0x4e: {  	_ =	shalt  }
0x4f: {  	_ =	shalt  }
0x50: {  	_ =	shalt  }
0x51: {  	_ =	shalt  }
0x52: {  	_ =	shalt  }
0x53: {  	_ =	shalt  }
0x54: {  	_ =	shalt  }
0x55: {  	_ =	shalt  }
0x56: {  	_ =	shalt  }
0x57: {  	_ =	shalt  }
0x58: {  	_ =	shalt  }
0x59: {  	_ =	shalt  }
0x5a: {  	_ =	shalt  }
0x5b: {  	_ =	shalt  }
0x5c: {  	_ =	shalt  }
0x5d: {  	_ =	shalt  }
0x5e: {  	_ =	shalt  }
0x5f: {  	_ =	shalt  }
0x60: {  	_ =	shalt  }
0x61: {  	_ =	shalt  }
0x62: {  	_ =	shalt  }
0x63: {  	_ =	shalt  }
0x64: {  	_ =	shalt  }
0x65: {  	_ =	shalt  }
0x66: {  	_ =	shalt  }
0x67: {  	_ =	shalt  }
0x68: {  	_ =	shalt  }
0x69: {  	_ =	shalt  }
0x6a: {  	_ =	shalt  }
0x6b: {  	_ =	shalt  }
0x6c: {  	_ =	shalt  }
0x6d: {  	_ =	shalt  }
0x6e: {  	_ =	shalt  }
0x6f: {  	_ =	shalt  }
0x70: {  	_ =	shalt  }
0x71: {  	_ =	shalt  }
0x72: {  	_ =	shalt  }
0x73: {  	_ =	shalt  }
0x74: {  	_ =	shalt  }
0x75: {  	_ =	shalt  }
0x76: {  	_ =	shalt  }
0x77: {  	_ =	shalt  }
0x78: {  	_ =	shalt  }
0x79: {  	_ =	shalt  }
0x7a: {  	_ =	shalt  }
0x7b: {  	_ =	shalt  }
0x7c: {  	_ =	shalt  }
0x7d: {  	_ =	shalt  }
0x7e: {  	_ =	shalt  }
0x7f: {  	_ =	shalt  }
0x80: {  	_ =	shalt  }
0x81: {  	_ =	shalt  }
0x82: {  	_ =	shalt  }
0x83: {  	_ =	shalt  }
0x84: {  	_ =	shalt  }
0x85: {  	_ =	shalt  }
0x86: {  	_ =	shalt  }
0x87: {  	_ =	shalt  }
.Lfunc_end0:
.L_simem_size_0:
called_computation.1_lowered:
.L_overlay_start_0:
0x88: {  	s2 =	sld [smem:$0x3FD9]  }
0x89: {  	s3 =	sld [smem:$0x3FFE];
	_ =	sdelay $0x1  }
0x8a: {  	s1 =	srdreg.scid  }
0x8b: {  	s0 =	sand.u32 $0x1, s1  }
0x8c: {  	s14 =	sshll.u32 s0, $0xA;
	s2 =	sadd.s32 s3, s2  }
0x8d: {  	s2 =	sadd.s32 s2, s14  }
0x8e: {  	[smem:$0x3FC4] =	sst s2  }
0x8f: {  	_ = 	snop  }
0x90: {  	s2 =	sld [smem:$0x3FD0];
	_ =	sdelay $0x2  }
0x91: {  	s15 =	simm.s32 $0xA;
	s4 =	simm.s32 $0x10  }
0x92: {  	[smem:s4], [sflag:s15] =	dma.local [hbm:s2], $0x1  }
0x93: {  	_ =	swait.eq [sflag:s15], $0x1  }
0x94: {  	[sflag:s15] =	ssyncset.done $0x0  }
0x95: {  	[sflag:s15] =	ssyncadd.s32 $0xFFFFFFFF  }
0x96: {  	s16 =	sld [smem:$0x10];
	(tm) =	ssettm $0x1  }
0x97: {  	s17 =	sld [smem:$0x3FFB];
	_ =	sdelay $0x3  }
0x98: {  	_ =	strace s17  }
0x99: {  	s3 =	sld [smem:$0x3FFC];
	_ =	sdelay $0x3  }
0x9a: {  	_ =	strace s3  }
0x9b: {  	s3 =	sld [smem:$0x3FFD];
	_ =	sdelay $0x3  }
0x9c: {  	_ =	strace s3  }
0x9d: {  	_ =	strace $0x8FFFFFFF  }
0x9e: {  	s18 =	sld [smem:$0x3FDB];
	_ =	sdelay $0x1  }
0x9f: {  	s19 =	simm.s32 $_scs_section_size  }
0xa0: {  	s5 =	simm.s32 $_size__tile_overlayer_lowered;
	s6 =	simm.s32 $_tile_overlayer_lowered  }
0xa1: {  	s22 =	simm.s32 $0x1BFF;
	s21 =	sshll.u32 s6, $0x1;
	s3 =	sadd.s32 s19, s18  }
0xa2: {  	s7 =	simm.s32 $0x0;
	s20 =	sshll.u32 s5, $0x1;
	s5 =	sadd.s32 s21, s3  }
0xa3: {  	[timem:s7], [sflag:s22] =	dma.local [hbm:s5], s20  }
0xa4: {  	_ =	swait.ge [sflag:s22], s20  }
0xa5: {  	s4 =	ssub.s32 $0x0, s20;
	[sflag:s22] =	ssyncset.done $0x0  }
0xa6: {  	[sflag:s22] =	ssyncadd.s32 s4;
	_ =	sdelay $0x1  }
0xa7: {  	s23 =	simm.s32 $0x1B8B  }
0xa8: {  	_ =	swait.ge [sflag:s23], $0x1  }
0xa9: {  	[sflag:s23] =	ssyncset.done $0x0  }
0xaa: {  	s25 =	simm.s32 $0x1B8E;
	s24 =	sld [smem:$0x3FFE];
	[sflag:s23] =	ssyncadd.s32 $0xFFFFFFFF  }
0xab: {  	s26 =	simm.s32 $execute0_lowered;
	[smem:$0x3FD2] =	sst s25  }
0xac: {  	s5 =	sshll.u32 s26, $0x1;
	_ =	strace $0x80000049;
	[dreg:$0x1] =	wrdreg $0xFFFFFFFF  }
0xad: {  	s28 =	simm.s32 $_size_execute0_lowered;
	s3 =	sadd.s32 s3, s5;
	[dreg:$0x0] =	wrdreg $0x0  }
0xae: {  	s5 =	sshll.u32 s28, $0x1;
	[dreg:$0x2] =	wrdreg s3  }
0xaf: {  	[dreg:$0x3] =	wrdreg s5  }
0xb0: {  	[dreg:$0x4] =	wrdreg $0xC0  }
0xb1: {  	_ =	task [dreg:s7], $0x5FFFF  }
0xb2: {  	[dreg:$0x1] =	wrdreg $0xFFFFFFFF  }
0xb3: {  	[dreg:$0x0] =	wrdreg $0x60  }
0xb4: {  	[dreg:$0x2] =	wrdreg s24  }
0xb5: {  	[dreg:$0x3] =	wrdreg s16  }
0xb6: {  	[dreg:$0x4] =	wrdreg $0x9  }
0xb7: {  	_ =	task.clear_ibuf [dreg:s7], $0x5FFFF;
	_ =	strace $0x90000049  }
0xb8: {  	s29 =	simm.s32 $0x9;
	_ =	strace $0x8000004B  }
0xb9: {  	_ =	swait.ge [sflag:s29], $0x1  }
0xba: {  	[sflag:s29] =	ssyncadd.s32 $0xFFFFFFFF  }
0xbb: {  	_ =	strace $0x9000004B  }
0xbc: {  	_ =	sfence  }
0xbd: {  	s30 =	sld [smem:$0x0];
	_ =	sdelay $0x2  }
0xbe: {  	s31 =	sshll.u32 s1, $0xD;
	s1 =	sshrl.u32 s1, $0x2  }
0xbf: {  	s3 =	sand.u32 $0x4000, s31;
	s1 =	sadd.s32 s1, s30  }
0xc0: {  	s0 =	sor.u32 s3, s0;
	s1 =	sshll.u32 s1, $0x11  }
0xc1: {  	s0 =	sor.u32 s1, s0  }
0xc2: {  	s0 =	sadd.s32 $0x8F2B, s0  }
0xc3: {  	[sflag:s0] =	ssyncadd.remote.s32 $0x1  }
0xc4: {  	_ =	sfence.sel $0xFFFF  }
0xc5: {  	[dreg:$0x0] =	wrdreg $0xFFFFFFFF;
	(pc) =	sbr.abs _section_cstart, $3  }
0xc6: {  	[dreg:$0x1] =	wrdreg $0xFFFFFFFF  }
0xc7: {  	_ =	task.clear_ibuf [dreg:s7], $0x2FFFF;
	_ =	strace $0x9FFFFFFF  }
0xc8: {  	(tm) =	ssettm $0x7FFFFFFF  }
0xc9: {  	_ =	shalt  }
tec
execute0_lowered:
.L_overlay_start_1:
0x0: {  	(tag) =	ssettag $0x1  }
0x1: {  	s0 =	rddreg [dreg:$0x0]  }
0x2: {  	s2 =	rddreg [dreg:$0x1];
	s3 =	simm.s32 $0x0  }
0x3: {  	s13 =	simm.s32 $0x200;
	[smem:$0x7FF] =	sst s3  }
0x4: {  	s14 =	simm.s32 $0x80;
	_ =	strace $0x8000004A;
	[dreg:$0xb] =	wrdreg s13  }
0x5: {  	s15 =	simm.s32 $0x280;
	[dreg:$0xc] =	wrdreg s14  }
0x6: {  	s16 =	simm.s32 $0x100;
	[dreg:$0xd] =	wrdreg s15  }
0x7: {  	s17 =	simm.s32 $0x300;
	[dreg:$0xe] =	wrdreg s16  }
0x8: {  	s18 =	simm.s32 $0x180;
	[dreg:$0xf] =	wrdreg s17  }
0x9: {  	s19 =	simm.s32 $0x380;
	[dreg:$0x10] =	wrdreg s18  }
0xa: {  	s20 =	simm.s32 $0x8800;
	[dreg:$0x11] =	wrdreg s19  }
0xb: {  	s21 =	simm.s32 $0xA800;
	[dreg:$0x12] =	wrdreg s20  }
0xc: {  	s22 =	simm.s32 $0xC800;
	[dreg:$0x13] =	wrdreg s21  }
0xd: {  	s23 =	simm.s32 $0xE800;
	[dreg:$0x14] =	wrdreg s22  }
0xe: {  	s24 =	simm.s32 $0x9000;
	[dreg:$0x15] =	wrdreg s23  }
0xf: {  	s25 =	simm.s32 $0xB000;
	[dreg:$0x16] =	wrdreg s24  }
0x10: {  	s26 =	simm.s32 $0xD000;
	[dreg:$0x17] =	wrdreg s25  }
0x11: {  	[dreg:$0x18] =	wrdreg s26;
	s13 =	simm.s32 $0x10800  }
0x12: {  	s14 =	simm.s32 $0x12800;
	[smem:$0x7EE] =	sst s13  }
0x13: {  	s15 =	simm.s32 $0x14800;
	[smem:$0x7EF] =	sst s14  }
0x14: {  	s16 =	simm.s32 $0x16800;
	[smem:$0x7F0] =	sst s15  }
0x15: {  	s17 =	simm.s32 $0x11000;
	[smem:$0x7F1] =	sst s16  }
0x16: {  	s18 =	simm.s32 $0x13000;
	[smem:$0x7F2] =	sst s17  }
0x17: {  	s1 =	srdreg.scid;
	s19 =	simm.s32 $0x15000;
	[smem:$0x7F3] =	sst s18  }
0x18: {  	s4 =	stileid.u32;
	s21 =	simm.s32 $0x17000;
	[smem:$0x7F4] =	sst s19  }
0x19: {  	s1 =	sand.u32 $0x1, s1;
	s22 =	simm.s32 $0x11800;
	[smem:$0x7F5] =	sst s21  }
0x1a: {  	s4 =	sshll.u32 s4, $0x5;
	s23 =	simm.s32 $0x13800;
	[smem:$0x7F6] =	sst s22  }
0x1b: {  	s6 =	sadd.s32 $0x2600, s0;
	s24 =	simm.s32 $0x15800;
	[smem:$0x7F7] =	sst s23  }
0x1c: {  	s5 =	sshll.u32 s1, $0x4;
	s25 =	simm.s32 $0x17800;
	[smem:$0x7F8] =	sst s24  }
0x1d: {  	s26 =	simm.s32 $0x12000;
	s4 =	sor.u32 s5, s4;
	[smem:$0x7F9] =	sst s25  }
0x1e: {  	s28 =	sadd.s32 $0x2A00, s0;
	[smem:$0x7FA] =	sst s26;
	s7 =	sadd.s32 s6, s4  }
0x1f: {  	s30 =	sadd.s32 s28, s4;
	s8 =	sor.u32 $0x4, s4;
	[dreg:$0x3] =	wrdreg s7  }
0x20: {  	[dreg:$0x4] =	wrdreg s30;
	s31 =	sadd.s32 s6, s8  }
0x21: {  	s10 =	sor.u32 $0x8, s4;
	s9 =	sadd.s32 s28, s8;
	[dreg:$0x5] =	wrdreg s31  }
0x22: {  	s11 =	sadd.s32 s6, s10;
	[dreg:$0x6] =	wrdreg s9  }
0x23: {  	s4 =	sor.u32 $0xC, s4;
	s12 =	sadd.s32 s28, s10;
	[dreg:$0x7] =	wrdreg s11  }
0x24: {  	s6 =	sadd.s32 s6, s4;
	[dreg:$0x8] =	wrdreg s12  }
0x25: {  	s29 =	simm.s32 $0x4;
	s4 =	sadd.s32 s28, s4;
	[dreg:$0x9] =	wrdreg s6  }
0x26: {  	s1 =	ssub.s32 $0x2, s1;
	s28 =	simm.s32 $0xF000;
	[dreg:$0xa] =	wrdreg s4  }
0x27: {  	s5 =	sadd.s32 $0x93100, s0;
	s30 =	simm.s32 $0x9800;
	[dreg:$0x19] =	wrdreg s28  }
0x28: {  	s26 =	simm.s32 $0x6;
	s8 =	simm.s32 $0xF800;
	[dreg:$0x1a] =	wrdreg s30  }
0x29: {  	s16 =	simm.s32 $0x1;
	s10 =	simm.s32 $0xC000;
	[dreg:$0x1d] =	wrdreg s8  }
0x2a: {  	s18 =	simm.s32 $0x6400;
	s31 =	simm.s32 $0xB800;
	[dreg:$0x1f] =	wrdreg s10  }
0x2b: {  	s13 =	simm.s32 $0x6C00;
	s6 =	simm.s32 $0xD800;
	[dreg:$0x1b] =	wrdreg s31  }
0x2c: {  	s7 =	sshrl.u32 s1, $0x1;
	s9 =	simm.s32 $0xA000;
	[dreg:$0x1c] =	wrdreg s6  }
0x2d: {  	s4 =	sadd.s32 $0x93000, s0;
	s11 =	simm.s32 $0xE000;
	[dreg:$0x1e] =	wrdreg s9  }
0x2e: {  	s1 =	ssub.s32 s1, s7;
	s12 =	simm.s32 $0x10000;
	[smem:$0x7EC] =	sst s11  }
0x2f: {  	s7 =	sadd.s32 $0x93300, s0;
	s28 =	simm.s32 $0x14000;
	[smem:$0x7ED] =	sst s12  }
0x30: {  	v2 =	vlaneseq.u32;
	s30 =	simm.s32 $0x16000;
	s6 =	sadd.s32 $0x93200, s0;
	[smem:$0x7FB] =	sst s28  }
0x31: {  	vm0 =	vmmov $0xffff;
	vm1 =	vmmov $0xff;
	v1 =	vshrl.u32 v2, $0x3;
	s20 =	smax.u32 s1, $0x1;
	[smem:$0x7FC] =	sst s30;
	s31 =	simm.s32 $0x18000  }
0x32: {  	v0 =	vand.u32 $0x7, v2;
	v2 =	vor.u32 $0x8, v2;
	v1 =	vmul.u32 $0x8, v1;
	s9 =	simm.s32 $0x7;
	s1 =	simm.s32 $0x5;
	[smem:$0x7FD] =	sst s31  }
.LBB2_1:
0x33: {  	s28 =	rddreg [dreg:$0x3]  }
0x34: {  	[tilespmem:s3], [sflag:$0x7] =	stream.linear.gather [hbm4b:s28+s3], $0x20, $0x38;
	[tilespmem:$0x19000] =	vst v63  }
0x35: {  	_ =	swait.ge [sflag:s9], $0x20  }
0x36: {  	s8 =	rddreg [dreg:$0x4];
	[sflag:s9] =	ssyncset.done $0x0  }
0x37: {  	s30 =	rddreg [dreg:$0xb];
	[sflag:s9] =	ssyncadd.s32 $0xFFFFFFE0  }
0x38: {  	[tilespmem:s30], [sflag:$0x7] =	stream.linear.gather [hbm4b:s8+s3], $0x20, $0x38;
	[tilespmem:$0x19000] =	vst v63  }
0x39: {  	_ =	swait.ge [sflag:s9], $0x20  }
0x3a: {  	s10 =	rddreg [dreg:$0x5];
	[sflag:s9] =	ssyncset.done $0x0  }
0x3b: {  	s11 =	rddreg [dreg:$0xc];
	[sflag:s9] =	ssyncadd.s32 $0xFFFFFFE0  }
0x3c: {  	[tilespmem:s11], [sflag:$0x7] =	stream.linear.gather [hbm4b:s10+s3], $0x20, $0x38;
	[tilespmem:$0x19000] =	vst v63  }
0x3d: {  	_ =	swait.ge [sflag:s9], $0x20  }
0x3e: {  	s12 =	rddreg [dreg:$0x6];
	[sflag:s9] =	ssyncset.done $0x0  }
0x3f: {  	s14 =	rddreg [dreg:$0xd];
	[sflag:s9] =	ssyncadd.s32 $0xFFFFFFE0  }
0x40: {  	[tilespmem:s14], [sflag:$0x7] =	stream.linear.gather [hbm4b:s12+s3], $0x20, $0x38;
	[tilespmem:$0x19000] =	vst v63  }
0x41: {  	_ =	swait.ge [sflag:s9], $0x20  }
0x42: {  	s15 =	rddreg [dreg:$0x7];
	[sflag:s9] =	ssyncset.done $0x0  }
0x43: {  	s17 =	rddreg [dreg:$0xe];
	[sflag:s9] =	ssyncadd.s32 $0xFFFFFFE0  }
0x44: {  	[tilespmem:s17], [sflag:$0x7] =	stream.linear.gather [hbm4b:s15+s3], $0x20, $0x38;
	[tilespmem:$0x19000] =	vst v63  }
0x45: {  	_ =	swait.ge [sflag:s9], $0x20  }
0x46: {  	s19 =	rddreg [dreg:$0x8];
	[sflag:s9] =	ssyncset.done $0x0  }
0x47: {  	s21 =	rddreg [dreg:$0xf];
	[sflag:s9] =	ssyncadd.s32 $0xFFFFFFE0  }
0x48: {  	[tilespmem:s21], [sflag:$0x7] =	stream.linear.gather [hbm4b:s19+s3], $0x20, $0x38;
	[tilespmem:$0x19000] =	vst v63  }
0x49: {  	_ =	swait.ge [sflag:s9], $0x20  }
0x4a: {  	s22 =	rddreg [dreg:$0x9];
	[sflag:s9] =	ssyncset.done $0x0  }
0x4b: {  	s23 =	rddreg [dreg:$0x10];
	[sflag:s9] =	ssyncadd.s32 $0xFFFFFFE0  }
0x4c: {  	[tilespmem:s23], [sflag:$0x7] =	stream.linear.gather [hbm4b:s22+s3], $0x20, $0x38;
	[tilespmem:$0x19000] =	vst v63  }
0x4d: {  	_ =	swait.ge [sflag:s9], $0x20  }
0x4e: {  	s24 =	rddreg [dreg:$0xa];
	[sflag:s9] =	ssyncset.done $0x0  }
0x4f: {  	s25 =	rddreg [dreg:$0x11];
	[sflag:s9] =	ssyncadd.s32 $0xFFFFFFE0  }
0x50: {  	[tilespmem:s25], [sflag:$0x7] =	stream.linear.gather [hbm4b:s24+s3], $0x20, $0x38;
	[tilespmem:$0x19000] =	vst v63  }
0x51: {  	_ =	swait.ge [sflag:s9], $0x20  }
0x52: {  	[sflag:s9] =	ssyncset.done $0x0  }
0x53: {  	[sflag:s9] =	ssyncadd.s32 $0xFFFFFFE0  }
0x54: {  	v3 =	vld [tilespmem:$0x0];
	_ =	sdelay $0x4  }
0x55: {  	v4 =	vshll.u32 v3, $0x3  }
0x56: {  	v3 =	vand.u32 $0x7, v3;
	v4 =	vand.u32 $0xFFFFFFC0, v4  }
0x57: {  	v3 =	vor.u32 v3, v4  }
0x58: {  	v4 =	vperm.xlane v3, v0;
	_ =	sdelay $0x1  }
0x59: {  	v4 =	vadd.s32 v1, v4;
	_ =	sdelay $0x3  }
0x5a: {  	s0 =	simm.s32 $0x400  }
0x5b: {  	[tilespmem:s0], [sflag:$0x1] =	stream.indirect_vreg.gather [hbm4b:s4+s3], $0x80, v4, vm0, $0xb8;
	[tilespmem:$0x19000] =	vst v63  }
0x5c: {  	s28 =	simm.s32 $0xC00;
	v3 =	vperm.xlane v3, v2  }
0x5d: {  	[tilespmem:s28], [sflag:$0x1] =	stream.indirect_vreg.gather [hbm4b:s5+s3], $0x80, v4, vm0, $0xb8;
	[tilespmem:$0x19000] =	vst v63  }
0x5e: {  	s30 =	simm.s32 $0x1400;
	v3 =	vadd.s32 v1, v3  }
0x5f: {  	[tilespmem:s30], [sflag:$0x1] =	stream.indirect_vreg.gather [hbm4b:s6+s3], $0x80, v4, vm0, $0xb8;
	[tilespmem:$0x19000] =	vst v63  }
0x60: {  	s31 =	simm.s32 $0x1C00  }
0x61: {  	[tilespmem:s31], [sflag:$0x1] =	stream.indirect_vreg.gather [hbm4b:s7+s3], $0x80, v4, vm0, $0xb8;
	[tilespmem:$0x19000] =	vst v63  }
0x62: {  	s8 =	simm.s32 $0x2400  }
0x63: {  	[tilespmem:s8], [sflag:$0x1] =	stream.indirect_vreg.gather [hbm4b:s4+s3], $0x80, v3, vm0, $0xb8;
	[tilespmem:$0x19000] =	vst v63  }
0x64: {  	s11 =	simm.s32 $0x2C00  }
0x65: {  	[tilespmem:s11], [sflag:$0x1] =	stream.indirect_vreg.gather [hbm4b:s5+s3], $0x80, v3, vm0, $0xb8;
	[tilespmem:$0x19000] =	vst v63  }
0x66: {  	s12 =	simm.s32 $0x3400  }
0x67: {  	[tilespmem:s12], [sflag:$0x1] =	stream.indirect_vreg.gather [hbm4b:s6+s3], $0x80, v3, vm0, $0xb8;
	[tilespmem:$0x19000] =	vst v63  }
0x68: {  	s14 =	simm.s32 $0x3C00  }
0x69: {  	[tilespmem:s14], [sflag:$0x1] =	stream.indirect_vreg.gather [hbm4b:s7+s3], $0x80, v3, vm0, $0xb8;
	[tilespmem:$0x19000] =	vst v63  }
0x6a: {  	v3 =	vld [tilespmem:$0x10];
	_ =	sdelay $0x4  }
0x6b: {  	v16 =	vshll.u32 v3, $0x3  }
0x6c: {  	v3 =	vand.u32 $0x7, v3;
	v4 =	vand.u32 $0xFFFFFFC0, v16  }
0x6d: {  	v3 =	vor.u32 v3, v4  }
0x6e: {  	v4 =	vperm.xlane v3, v0;
	_ =	sdelay $0x1  }
0x6f: {  	v4 =	vadd.s32 v1, v4;
	_ =	sdelay $0x3  }
0x70: {  	s15 =	simm.s32 $0x4400  }
0x71: {  	[tilespmem:s15], [sflag:$0x1] =	stream.indirect_vreg.gather [hbm4b:s4+s3], $0x80, v4, vm0, $0xb8;
	[tilespmem:$0x19000] =	vst v63  }
0x72: {  	s17 =	simm.s32 $0x4C00;
	v3 =	vperm.xlane v3, v2  }
0x73: {  	[tilespmem:s17], [sflag:$0x1] =	stream.indirect_vreg.gather [hbm4b:s5+s3], $0x80, v4, vm0, $0xb8;
	[tilespmem:$0x19000] =	vst v63  }
0x74: {  	s19 =	simm.s32 $0x5400;
	v3 =	vadd.s32 v1, v3  }
0x75: {  	[tilespmem:s19], [sflag:$0x1] =	stream.indirect_vreg.gather [hbm4b:s6+s3], $0x80, v4, vm0, $0xb8;
	[tilespmem:$0x19000] =	vst v63  }
0x76: {  	s22 =	simm.s32 $0x5C00  }
0x77: {  	[tilespmem:s22], [sflag:$0x1] =	stream.indirect_vreg.gather [hbm4b:s7+s3], $0x80, v4, vm0, $0xb8;
	[tilespmem:$0x19000] =	vst v63  }
0x78: {  	s25 =	simm.s32 $0x6400  }
0x79: {  	[tilespmem:s25], [sflag:$0x1] =	stream.indirect_vreg.gather [hbm4b:s4+s3], $0x80, v3, vm0, $0xb8;
	[tilespmem:$0x19000] =	vst v63  }
0x7a: {  	s28 =	simm.s32 $0x6C00  }
0x7b: {  	[tilespmem:s28], [sflag:$0x1] =	stream.indirect_vreg.gather [hbm4b:s5+s3], $0x80, v3, vm0, $0xb8;
	[tilespmem:$0x19000] =	vst v63  }
0x7c: {  	s30 =	simm.s32 $0x7400  }
0x7d: {  	[tilespmem:s30], [sflag:$0x1] =	stream.indirect_vreg.gather [hbm4b:s6+s3], $0x80, v3, vm0, $0xb8;
	[tilespmem:$0x19000] =	vst v63  }
0x7e: {  	s31 =	simm.s32 $0x7C00  }
0x7f: {  	[tilespmem:s31], [sflag:$0x1] =	stream.indirect_vreg.gather [hbm4b:s7+s3], $0x80, v3, vm0, $0xb8;
	[tilespmem:$0x19000] =	vst v63  }
0x80: {  	v3 =	vld [tilespmem:$0x80];
	_ =	sdelay $0x4  }
0x81: {  	v17 =	vshll.u32 v3, $0x3  }
0x82: {  	v3 =	vand.u32 $0x7, v3;
	v4 =	vand.u32 $0xFFFFFFC0, v17  }
0x83: {  	v3 =	vor.u32 v3, v4  }
0x84: {  	v4 =	vperm.xlane v3, v0;
	_ =	sdelay $0x1  }
0x85: {  	v4 =	vadd.s32 v1, v4;
	_ =	sdelay $0x3  }
0x86: {  	s11 =	simm.s32 $0x8400  }
0x87: {  	[tilespmem:s11], [sflag:$0x2] =	stream.indirect_vreg.gather [hbm4b:s4+s3], $0x80, v4, vm0, $0xb8;
	[tilespmem:$0x19000] =	vst v63  }
0x88: {  	s12 =	simm.s32 $0x8C00;
	v3 =	vperm.xlane v3, v2  }
0x89: {  	[tilespmem:s12], [sflag:$0x2] =	stream.indirect_vreg.gather [hbm4b:s5+s3], $0x80, v4, vm0, $0xb8;
	[tilespmem:$0x19000] =	vst v63  }
0x8a: {  	s14 =	simm.s32 $0x9400;
	v3 =	vadd.s32 v1, v3  }
0x8b: {  	[tilespmem:s14], [sflag:$0x2] =	stream.indirect_vreg.gather [hbm4b:s6+s3], $0x80, v4, vm0, $0xb8;
	[tilespmem:$0x19000] =	vst v63  }
0x8c: {  	s15 =	simm.s32 $0x9C00  }
0x8d: {  	[tilespmem:s15], [sflag:$0x2] =	stream.indirect_vreg.gather [hbm4b:s7+s3], $0x80, v4, vm0, $0xb8;
	[tilespmem:$0x19000] =	vst v63  }
0x8e: {  	s17 =	simm.s32 $0xA400  }
0x8f: {  	[tilespmem:s17], [sflag:$0x2] =	stream.indirect_vreg.gather [hbm4b:s4+s3], $0x80, v3, vm0, $0xb8;
	[tilespmem:$0x19000] =	vst v63  }
0x90: {  	s19 =	simm.s32 $0xAC00  }
0x91: {  	[tilespmem:s19], [sflag:$0x2] =	stream.indirect_vreg.gather [hbm4b:s5+s3], $0x80, v3, vm0, $0xb8;
	[tilespmem:$0x19000] =	vst v63  }
0x92: {  	s28 =	simm.s32 $0xB400  }
0x93: {  	[tilespmem:s28], [sflag:$0x2] =	stream.indirect_vreg.gather [hbm4b:s6+s3], $0x80, v3, vm0, $0xb8;
	[tilespmem:$0x19000] =	vst v63  }
0x94: {  	s30 =	simm.s32 $0xBC00  }
0x95: {  	[tilespmem:s30], [sflag:$0x2] =	stream.indirect_vreg.gather [hbm4b:s7+s3], $0x80, v3, vm0, $0xb8;
	[tilespmem:$0x19000] =	vst v63  }
0x96: {  	v3 =	vld [tilespmem:$0x90];
	_ =	sdelay $0x4  }
0x97: {  	v18 =	vshll.u32 v3, $0x3  }
0x98: {  	v3 =	vand.u32 $0x7, v3;
	v4 =	vand.u32 $0xFFFFFFC0, v18  }
0x99: {  	v3 =	vor.u32 v3, v4  }
0x9a: {  	v4 =	vperm.xlane v3, v0;
	_ =	sdelay $0x1  }
0x9b: {  	v4 =	vadd.s32 v1, v4;
	_ =	sdelay $0x3  }
0x9c: {  	s30 =	simm.s32 $0xC400  }
0x9d: {  	[tilespmem:s30], [sflag:$0x2] =	stream.indirect_vreg.gather [hbm4b:s4+s3], $0x80, v4, vm0, $0xb8;
	[tilespmem:$0x19000] =	vst v63  }
0x9e: {  	s31 =	simm.s32 $0xCC00;
	v3 =	vperm.xlane v3, v2  }
0x9f: {  	[tilespmem:s31], [sflag:$0x2] =	stream.indirect_vreg.gather [hbm4b:s5+s3], $0x80, v4, vm0, $0xb8;
	[tilespmem:$0x19000] =	vst v63  }
0xa0: {  	s11 =	simm.s32 $0xD400;
	v3 =	vadd.s32 v1, v3  }
0xa1: {  	[tilespmem:s11], [sflag:$0x2] =	stream.indirect_vreg.gather [hbm4b:s6+s3], $0x80, v4, vm0, $0xb8;
	[tilespmem:$0x19000] =	vst v63  }
0xa2: {  	s12 =	simm.s32 $0xDC00  }
0xa3: {  	[tilespmem:s12], [sflag:$0x2] =	stream.indirect_vreg.gather [hbm4b:s7+s3], $0x80, v4, vm0, $0xb8;
	[tilespmem:$0x19000] =	vst v63  }
0xa4: {  	s28 =	simm.s32 $0xE400  }
0xa5: {  	[tilespmem:s28], [sflag:$0x2] =	stream.indirect_vreg.gather [hbm4b:s4+s3], $0x80, v3, vm0, $0xb8;
	[tilespmem:$0x19000] =	vst v63  }
0xa6: {  	s14 =	simm.s32 $0xEC00  }
0xa7: {  	[tilespmem:s14], [sflag:$0x2] =	stream.indirect_vreg.gather [hbm4b:s5+s3], $0x80, v3, vm0, $0xb8;
	[tilespmem:$0x19000] =	vst v63  }
0xa8: {  	s15 =	simm.s32 $0xF400  }
0xa9: {  	[tilespmem:s15], [sflag:$0x2] =	stream.indirect_vreg.gather [hbm4b:s6+s3], $0x80, v3, vm0, $0xb8;
	[tilespmem:$0x19000] =	vst v63  }
0xaa: {  	s17 =	simm.s32 $0xFC00  }
0xab: {  	[tilespmem:s17], [sflag:$0x2] =	stream.indirect_vreg.gather [hbm4b:s7+s3], $0x80, v3, vm0, $0xb8;
	[tilespmem:$0x19000] =	vst v63  }
0xac: {  	v3 =	vld [tilespmem:$0x100];
	_ =	sdelay $0x4  }
0xad: {  	v19 =	vshll.u32 v3, $0x3  }
0xae: {  	v3 =	vand.u32 $0x7, v3;
	v4 =	vand.u32 $0xFFFFFFC0, v19  }
0xaf: {  	v3 =	vor.u32 v3, v4  }
0xb0: {  	v4 =	vperm.xlane v3, v0;
	_ =	sdelay $0x1  }
0xb1: {  	v4 =	vadd.s32 v1, v4;
	_ =	sdelay $0x3  }
0xb2: {  	s19 =	simm.s32 $0x10400  }
0xb3: {  	[tilespmem:s19], [sflag:$0x3] =	stream.indirect_vreg.gather [hbm4b:s4+s3], $0x80, v4, vm0, $0xb8;
	[tilespmem:$0x19000] =	vst v63  }
0xb4: {  	s31 =	simm.s32 $0x10C00;
	v3 =	vperm.xlane v3, v2  }
0xb5: {  	[tilespmem:s31], [sflag:$0x3] =	stream.indirect_vreg.gather [hbm4b:s5+s3], $0x80, v4, vm0, $0xb8;
	[tilespmem:$0x19000] =	vst v63  }
0xb6: {  	s11 =	simm.s32 $0x11400;
	v3 =	vadd.s32 v1, v3  }
0xb7: {  	[tilespmem:s11], [sflag:$0x3] =	stream.indirect_vreg.gather [hbm4b:s6+s3], $0x80, v4, vm0, $0xb8;
	[tilespmem:$0x19000] =	vst v63  }
0xb8: {  	s12 =	simm.s32 $0x11C00  }
0xb9: {  	[tilespmem:s12], [sflag:$0x3] =	stream.indirect_vreg.gather [hbm4b:s7+s3], $0x80, v4, vm0, $0xb8;
	[tilespmem:$0x19000] =	vst v63  }
0xba: {  	s14 =	simm.s32 $0x12400  }
0xbb: {  	[tilespmem:s14], [sflag:$0x3] =	stream.indirect_vreg.gather [hbm4b:s4+s3], $0x80, v3, vm0, $0xb8;
	[tilespmem:$0x19000] =	vst v63  }
0xbc: {  	s15 =	simm.s32 $0x12C00  }
0xbd: {  	[tilespmem:s15], [sflag:$0x3] =	stream.indirect_vreg.gather [hbm4b:s5+s3], $0x80, v3, vm0, $0xb8;
	[tilespmem:$0x19000] =	vst v63  }
0xbe: {  	s17 =	simm.s32 $0x13400  }
0xbf: {  	[tilespmem:s17], [sflag:$0x3] =	stream.indirect_vreg.gather [hbm4b:s6+s3], $0x80, v3, vm0, $0xb8;
	[tilespmem:$0x19000] =	vst v63  }
0xc0: {  	s19 =	simm.s32 $0x13C00  }
0xc1: {  	[tilespmem:s19], [sflag:$0x3] =	stream.indirect_vreg.gather [hbm4b:s7+s3], $0x80, v3, vm0, $0xb8;
	[tilespmem:$0x19000] =	vst v63  }
0xc2: {  	v3 =	vld [tilespmem:$0x110];
	_ =	sdelay $0x4  }
0xc3: {  	v20 =	vshll.u32 v3, $0x3  }
0xc4: {  	v3 =	vand.u32 $0x7, v3;
	v4 =	vand.u32 $0xFFFFFFC0, v20  }
0xc5: {  	v3 =	vor.u32 v3, v4  }
0xc6: {  	v4 =	vperm.xlane v3, v0;
	_ =	sdelay $0x1  }
0xc7: {  	v4 =	vadd.s32 v1, v4;
	_ =	sdelay $0x3  }
0xc8: {  	s31 =	simm.s32 $0x14400  }
0xc9: {  	[tilespmem:s31], [sflag:$0x3] =	stream.indirect_vreg.gather [hbm4b:s4+s3], $0x80, v4, vm0, $0xb8;
	[tilespmem:$0x19000] =	vst v63  }
0xca: {  	s11 =	simm.s32 $0x14C00;
	v3 =	vperm.xlane v3, v2  }
0xcb: {  	[tilespmem:s11], [sflag:$0x3] =	stream.indirect_vreg.gather [hbm4b:s5+s3], $0x80, v4, vm0, $0xb8;
	[tilespmem:$0x19000] =	vst v63  }
0xcc: {  	s12 =	simm.s32 $0x15400;
	v3 =	vadd.s32 v1, v3  }
0xcd: {  	[tilespmem:s12], [sflag:$0x3] =	stream.indirect_vreg.gather [hbm4b:s6+s3], $0x80, v4, vm0, $0xb8;
	[tilespmem:$0x19000] =	vst v63  }
0xce: {  	s14 =	simm.s32 $0x15C00  }
0xcf: {  	[tilespmem:s14], [sflag:$0x3] =	stream.indirect_vreg.gather [hbm4b:s7+s3], $0x80, v4, vm0, $0xb8;
	[tilespmem:$0x19000] =	vst v63  }
0xd0: {  	s15 =	simm.s32 $0x16400  }
0xd1: {  	[tilespmem:s15], [sflag:$0x3] =	stream.indirect_vreg.gather [hbm4b:s4+s3], $0x80, v3, vm0, $0xb8;
	[tilespmem:$0x19000] =	vst v63  }
0xd2: {  	s17 =	simm.s32 $0x16C00  }
0xd3: {  	[tilespmem:s17], [sflag:$0x3] =	stream.indirect_vreg.gather [hbm4b:s5+s3], $0x80, v3, vm0, $0xb8;
	[tilespmem:$0x19000] =	vst v63  }
0xd4: {  	s19 =	simm.s32 $0x17400  }
0xd5: {  	[tilespmem:s19], [sflag:$0x3] =	stream.indirect_vreg.gather [hbm4b:s6+s3], $0x80, v3, vm0, $0xb8;
	[tilespmem:$0x19000] =	vst v63  }
0xd6: {  	s31 =	simm.s32 $0x17C00  }
0xd7: {  	[tilespmem:s31], [sflag:$0x3] =	stream.indirect_vreg.gather [hbm4b:s7+s3], $0x80, v3, vm0, $0xb8;
	[tilespmem:$0x19000] =	vst v63  }
0xd8: {  	_ =	swait.ge [sflag:s16], $0x8000  }
0xd9: {  	[sflag:s16] =	ssyncset.done $0x0  }
0xda: {  	[sflag:s16] =	ssyncadd.s32 $0xFFFF8000  }
0xdb: {  	v3 =	vld [tilespmem:$0x210]  }
0xdc: {  	v21 =	vld [tilespmem:$0x200]  }
0xdd: {  	v5 =	vld [tilespmem:$0x210]  }
0xde: {  	v6 =	vld [tilespmem:$0x200]  }
0xdf: {  	v7 =	vld [tilespmem:$0x210]  }
0xe0: {  	v8 =	vld [tilespmem:$0x200]  }
0xe1: {  	v22 =	vld [tilespmem:$0x210];
	[tilespmem:$0x18410] =	vst v3;
	v3 =	vadd.s32 $0x2, v21  }
0xe2: {  	v23 =	vld [tilespmem:$0x200];
	[tilespmem:$0x18480] =	vst v3;
	v3 =	vadd.s32 $0x2, v5  }
0xe3: {  	v24 =	vld [tilespmem:$0x210];
	[tilespmem:$0x18490] =	vst v3;
	v3 =	vadd.s32 $0x4, v6  }
0xe4: {  	v25 =	vld [tilespmem:$0x200];
	[tilespmem:$0x18500] =	vst v3;
	v3 =	vadd.s32 $0x4, v7  }
0xe5: {  	v9 =	vld [tilespmem:$0x200];
	[tilespmem:$0x18510] =	vst v3;
	v3 =	vadd.s32 $0x6, v8  }
0xe6: {  	v26 =	vld [tilespmem:$0x210];
	[tilespmem:$0x18580] =	vst v3;
	v3 =	vadd.s32 $0x6, v22  }
0xe7: {  	v27 =	vld [tilespmem:$0x200];
	[tilespmem:$0x18590] =	vst v3;
	v3 =	vadd.s32 $0x8, v23  }
0xe8: {  	v28 =	vld [tilespmem:$0x210];
	[tilespmem:$0x18600] =	vst v3;
	v3 =	vadd.s32 $0x8, v24  }
0xe9: {  	v29 =	vld [tilespmem:$0x200];
	[tilespmem:$0x18610] =	vst v3;
	v3 =	vadd.s32 $0xA, v25  }
0xea: {  	v30 =	vperm.xlane v9, v0;
	[tilespmem:$0x18680] =	vst v3;
	v3 =	vld [tilespmem:$0x210]  }
0xeb: {  	[tilespmem:$0x18400] =	vst v9;
	v4 =	vadd.s32 $0xA, v26  }
0xec: {  	v31 =	vadd.s32 $0xC, v27;
	v33 =	vperm.xlane v9, v2;
	[tilespmem:$0x18690] =	vst v4;
	v32 =	vadd.s32 v1, v30  }
0xed: {  	v34 =	vadd.s32 $0xC, v28;
	[tilespmem:$0x18700] =	vst v31  }
0xee: {  	v35 =	vadd.s32 $0xE, v29;
	[tilespmem:$0x18710] =	vst v34;
	v36 =	vadd.s32 v1, v33  }
0xef: {  	[tilespmem:$0x18780] =	vst v35;
	v3 =	vadd.s32 $0xE, v3  }
0xf0: {  	s10 =	simm.s32 $0x400;
	[tilespmem:$0x18790] =	vst v3  }
0xf1: {  	[hbm4b:s2+s3] =	stream.indirect_vreg.scatter [tilespmem:s10], [sflag:$0x4], $0x80, v32, vm1, $0xb8;
	[tilespmem:$0x19000] =	vst v63  }
0xf2: {  	s23 =	simm.s32 $0x2400  }
0xf3: {  	[hbm4b:s2+s3] =	stream.indirect_vreg.scatter [tilespmem:s23], [sflag:$0x4], $0x80, v36, vm1, $0xb8;
	[tilespmem:$0x19000] =	vst v63  }
0xf4: {  	v3 =	vld [tilespmem:$0x18410];
	_ =	sdelay $0x4  }
0xf5: {  	v37 =	vperm.xlane v3, v0;
	_ =	sdelay $0x1  }
0xf6: {  	v3 =	vperm.xlane v3, v2;
	v4 =	vadd.s32 v1, v37;
	_ =	sdelay $0x1  }
0xf7: {  	v3 =	vadd.s32 v1, v3;
	_ =	sdelay $0x1  }
0xf8: {  	s24 =	simm.s32 $0x4400  }
0xf9: {  	[hbm4b:s2+s3] =	stream.indirect_vreg.scatter [tilespmem:s24], [sflag:$0x4], $0x80, v4, vm1, $0xb8;
	[tilespmem:$0x19000] =	vst v63  }
0xfa: {  	s25 =	simm.s32 $0x6400  }
0xfb: {  	[hbm4b:s2+s3] =	stream.indirect_vreg.scatter [tilespmem:s25], [sflag:$0x4], $0x80, v3, vm1, $0xb8;
	[tilespmem:$0x19000] =	vst v63  }
0xfc: {  	v3 =	vld [tilespmem:$0x18480];
	_ =	sdelay $0x4  }
0xfd: {  	v38 =	vperm.xlane v3, v0;
	_ =	sdelay $0x1  }
0xfe: {  	v3 =	vperm.xlane v3, v2;
	v4 =	vadd.s32 v1, v38;
	_ =	sdelay $0x1  }
0xff: {  	v3 =	vadd.s32 v1, v3;
	_ =	sdelay $0x1  }
0x100: {  	s10 =	simm.s32 $0x800  }
0x101: {  	[hbm4b:s2+s3] =	stream.indirect_vreg.scatter [tilespmem:s10], [sflag:$0x4], $0x80, v4, vm1, $0xb8;
	[tilespmem:$0x19000] =	vst v63  }
0x102: {  	s11 =	simm.s32 $0x2800  }
0x103: {  	[hbm4b:s2+s3] =	stream.indirect_vreg.scatter [tilespmem:s11], [sflag:$0x4], $0x80, v3, vm1, $0xb8;
	[tilespmem:$0x19000] =	vst v63  }
0x104: {  	v3 =	vld [tilespmem:$0x18490];
	_ =	sdelay $0x4  }
0x105: {  	v39 =	vperm.xlane v3, v0;
	_ =	sdelay $0x1  }
0x106: {  	v3 =	vperm.xlane v3, v2;
	v4 =	vadd.s32 v1, v39;
	_ =	sdelay $0x1  }
0x107: {  	v3 =	vadd.s32 v1, v3;
	_ =	sdelay $0x1  }
0x108: {  	s12 =	simm.s32 $0x4800  }
0x109: {  	[hbm4b:s2+s3] =	stream.indirect_vreg.scatter [tilespmem:s12], [sflag:$0x4], $0x80, v4, vm1, $0xb8;
	[tilespmem:$0x19000] =	vst v63  }
0x10a: {  	s19 =	simm.s32 $0x6800  }
0x10b: {  	[hbm4b:s2+s3] =	stream.indirect_vreg.scatter [tilespmem:s19], [sflag:$0x4], $0x80, v3, vm1, $0xb8;
	[tilespmem:$0x19000] =	vst v63  }
0x10c: {  	v3 =	vld [tilespmem:$0x18500];
	_ =	sdelay $0x4  }
0x10d: {  	v40 =	vperm.xlane v3, v0;
	_ =	sdelay $0x1  }
0x10e: {  	v3 =	vperm.xlane v3, v2;
	v4 =	vadd.s32 v1, v40;
	_ =	sdelay $0x1  }
0x10f: {  	v3 =	vadd.s32 v1, v3;
	_ =	sdelay $0x1  }
0x110: {  	s10 =	simm.s32 $0xC00  }
0x111: {  	[hbm4b:s2+s3] =	stream.indirect_vreg.scatter [tilespmem:s10], [sflag:$0x4], $0x80, v4, vm1, $0xb8;
	[tilespmem:$0x19000] =	vst v63  }
0x112: {  	s8 =	simm.s32 $0x2C00  }
0x113: {  	[hbm4b:s2+s3] =	stream.indirect_vreg.scatter [tilespmem:s8], [sflag:$0x4], $0x80, v3, vm1, $0xb8;
	[tilespmem:$0x19000] =	vst v63  }
0x114: {  	v3 =	vld [tilespmem:$0x18510];
	_ =	sdelay $0x4  }
0x115: {  	v41 =	vperm.xlane v3, v0;
	_ =	sdelay $0x1  }
0x116: {  	v3 =	vperm.xlane v3, v2;
	v4 =	vadd.s32 v1, v41;
	_ =	sdelay $0x1  }
0x117: {  	v3 =	vadd.s32 v1, v3;
	_ =	sdelay $0x1  }
0x118: {  	s21 =	simm.s32 $0x4C00  }
0x119: {  	[hbm4b:s2+s3] =	stream.indirect_vreg.scatter [tilespmem:s21], [sflag:$0x4], $0x80, v4, vm1, $0xb8;
	[tilespmem:$0x19000] =	vst v63  }
0x11a: {  	s22 =	simm.s32 $0x6C00  }
0x11b: {  	[hbm4b:s2+s3] =	stream.indirect_vreg.scatter [tilespmem:s22], [sflag:$0x4], $0x80, v3, vm1, $0xb8;
	[tilespmem:$0x19000] =	vst v63  }
0x11c: {  	v3 =	vld [tilespmem:$0x18580];
	_ =	sdelay $0x4  }
0x11d: {  	v42 =	vperm.xlane v3, v0;
	_ =	sdelay $0x1  }
0x11e: {  	v3 =	vperm.xlane v3, v2;
	v4 =	vadd.s32 v1, v42;
	_ =	sdelay $0x1  }
0x11f: {  	v3 =	vadd.s32 v1, v3;
	_ =	sdelay $0x1  }
0x120: {  	s21 =	simm.s32 $0x1000  }
0x121: {  	[hbm4b:s2+s3] =	stream.indirect_vreg.scatter [tilespmem:s21], [sflag:$0x4], $0x80, v4, vm1, $0xb8;
	[tilespmem:$0x19000] =	vst v63  }
0x122: {  	s22 =	simm.s32 $0x3000  }
0x123: {  	[hbm4b:s2+s3] =	stream.indirect_vreg.scatter [tilespmem:s22], [sflag:$0x4], $0x80, v3, vm1, $0xb8;
	[tilespmem:$0x19000] =	vst v63  }
0x124: {  	v3 =	vld [tilespmem:$0x18590];
	_ =	sdelay $0x4  }
0x125: {  	v43 =	vperm.xlane v3, v0;
	_ =	sdelay $0x1  }
0x126: {  	v3 =	vperm.xlane v3, v2;
	v4 =	vadd.s32 v1, v43;
	_ =	sdelay $0x1  }
0x127: {  	v3 =	vadd.s32 v1, v3;
	_ =	sdelay $0x1  }
0x128: {  	s23 =	simm.s32 $0x5000  }
0x129: {  	[hbm4b:s2+s3] =	stream.indirect_vreg.scatter [tilespmem:s23], [sflag:$0x4], $0x80, v4, vm1, $0xb8;
	[tilespmem:$0x19000] =	vst v63  }
0x12a: {  	s24 =	simm.s32 $0x7000  }
0x12b: {  	[hbm4b:s2+s3] =	stream.indirect_vreg.scatter [tilespmem:s24], [sflag:$0x4], $0x80, v3, vm1, $0xb8;
	[tilespmem:$0x19000] =	vst v63  }
0x12c: {  	v3 =	vld [tilespmem:$0x18600];
	_ =	sdelay $0x4  }
0x12d: {  	v44 =	vperm.xlane v3, v0;
	_ =	sdelay $0x1  }
0x12e: {  	v3 =	vperm.xlane v3, v2;
	v4 =	vadd.s32 v1, v44;
	_ =	sdelay $0x1  }
0x12f: {  	v3 =	vadd.s32 v1, v3;
	_ =	sdelay $0x1  }
0x130: {  	s24 =	simm.s32 $0x1400  }
0x131: {  	[hbm4b:s2+s3] =	stream.indirect_vreg.scatter [tilespmem:s24], [sflag:$0x4], $0x80, v4, vm1, $0xb8;
	[tilespmem:$0x19000] =	vst v63  }
0x132: {  	s22 =	simm.s32 $0x3400  }
0x133: {  	[hbm4b:s2+s3] =	stream.indirect_vreg.scatter [tilespmem:s22], [sflag:$0x4], $0x80, v3, vm1, $0xb8;
	[tilespmem:$0x19000] =	vst v63  }
0x134: {  	v3 =	vld [tilespmem:$0x18610];
	_ =	sdelay $0x4  }
0x135: {  	v45 =	vperm.xlane v3, v0;
	_ =	sdelay $0x1  }
0x136: {  	v3 =	vperm.xlane v3, v2;
	v4 =	vadd.s32 v1, v45;
	_ =	sdelay $0x1  }
0x137: {  	v3 =	vadd.s32 v1, v3;
	_ =	sdelay $0x1  }
0x138: {  	s23 =	simm.s32 $0x5400  }
0x139: {  	[hbm4b:s2+s3] =	stream.indirect_vreg.scatter [tilespmem:s23], [sflag:$0x4], $0x80, v4, vm1, $0xb8;
	[tilespmem:$0x19000] =	vst v63  }
0x13a: {  	s21 =	simm.s32 $0x7400  }
0x13b: {  	[hbm4b:s2+s3] =	stream.indirect_vreg.scatter [tilespmem:s21], [sflag:$0x4], $0x80, v3, vm1, $0xb8;
	[tilespmem:$0x19000] =	vst v63  }
0x13c: {  	v3 =	vld [tilespmem:$0x18680];
	_ =	sdelay $0x4  }
0x13d: {  	v46 =	vperm.xlane v3, v0;
	_ =	sdelay $0x1  }
0x13e: {  	v3 =	vperm.xlane v3, v2;
	v4 =	vadd.s32 v1, v46;
	_ =	sdelay $0x1  }
0x13f: {  	v3 =	vadd.s32 v1, v3;
	_ =	sdelay $0x1  }
0x140: {  	s25 =	simm.s32 $0x1800  }
0x141: {  	[hbm4b:s2+s3] =	stream.indirect_vreg.scatter [tilespmem:s25], [sflag:$0x4], $0x80, v4, vm1, $0xb8;
	[tilespmem:$0x19000] =	vst v63  }
0x142: {  	s31 =	simm.s32 $0x3800  }
0x143: {  	[hbm4b:s2+s3] =	stream.indirect_vreg.scatter [tilespmem:s31], [sflag:$0x4], $0x80, v3, vm1, $0xb8;
	[tilespmem:$0x19000] =	vst v63  }
0x144: {  	v3 =	vld [tilespmem:$0x18690];
	_ =	sdelay $0x4  }
0x145: {  	v47 =	vperm.xlane v3, v0;
	_ =	sdelay $0x1  }
0x146: {  	v3 =	vperm.xlane v3, v2;
	v4 =	vadd.s32 v1, v47;
	_ =	sdelay $0x1  }
0x147: {  	v3 =	vadd.s32 v1, v3;
	_ =	sdelay $0x1  }
0x148: {  	s8 =	simm.s32 $0x5800  }
0x149: {  	[hbm4b:s2+s3] =	stream.indirect_vreg.scatter [tilespmem:s8], [sflag:$0x4], $0x80, v4, vm1, $0xb8;
	[tilespmem:$0x19000] =	vst v63  }
0x14a: {  	s19 =	simm.s32 $0x7800  }
0x14b: {  	[hbm4b:s2+s3] =	stream.indirect_vreg.scatter [tilespmem:s19], [sflag:$0x4], $0x80, v3, vm1, $0xb8;
	[tilespmem:$0x19000] =	vst v63  }
0x14c: {  	v3 =	vld [tilespmem:$0x18700];
	_ =	sdelay $0x4  }
0x14d: {  	v48 =	vperm.xlane v3, v0;
	_ =	sdelay $0x1  }
0x14e: {  	v3 =	vperm.xlane v3, v2;
	v4 =	vadd.s32 v1, v48;
	_ =	sdelay $0x1  }
0x14f: {  	v3 =	vadd.s32 v1, v3;
	_ =	sdelay $0x1  }
0x150: {  	s0 =	simm.s32 $0x1C00  }
0x151: {  	[hbm4b:s2+s3] =	stream.indirect_vreg.scatter [tilespmem:s0], [sflag:$0x4], $0x80, v4, vm1, $0xb8;
	[tilespmem:$0x19000] =	vst v63  }
0x152: {  	s8 =	simm.s32 $0x3C00  }
0x153: {  	[hbm4b:s2+s3] =	stream.indirect_vreg.scatter [tilespmem:s8], [sflag:$0x4], $0x80, v3, vm1, $0xb8;
	[tilespmem:$0x19000] =	vst v63  }
0x154: {  	v3 =	vld [tilespmem:$0x18710];
	_ =	sdelay $0x4  }
0x155: {  	v49 =	vperm.xlane v3, v0;
	_ =	sdelay $0x1  }
0x156: {  	v3 =	vperm.xlane v3, v2;
	v4 =	vadd.s32 v1, v49;
	_ =	sdelay $0x1  }
0x157: {  	v3 =	vadd.s32 v1, v3;
	_ =	sdelay $0x1  }
0x158: {  	s31 =	simm.s32 $0x5C00  }
0x159: {  	[hbm4b:s2+s3] =	stream.indirect_vreg.scatter [tilespmem:s31], [sflag:$0x4], $0x80, v4, vm1, $0xb8;
	[tilespmem:$0x19000] =	vst v63  }
0x15a: {  	s25 =	simm.s32 $0x7C00  }
0x15b: {  	[hbm4b:s2+s3] =	stream.indirect_vreg.scatter [tilespmem:s25], [sflag:$0x4], $0x80, v3, vm1, $0xb8;
	[tilespmem:$0x19000] =	vst v63  }
0x15c: {  	v3 =	vld [tilespmem:$0x18780];
	_ =	sdelay $0x4  }
0x15d: {  	v50 =	vperm.xlane v3, v0;
	_ =	sdelay $0x1  }
0x15e: {  	v3 =	vperm.xlane v3, v2;
	v4 =	vadd.s32 v1, v50;
	_ =	sdelay $0x1  }
0x15f: {  	v3 =	vadd.s32 v1, v3;
	_ =	sdelay $0x1  }
0x160: {  	s19 =	simm.s32 $0x2000  }
0x161: {  	[hbm4b:s2+s3] =	stream.indirect_vreg.scatter [tilespmem:s19], [sflag:$0x4], $0x80, v4, vm1, $0xb8;
	[tilespmem:$0x19000] =	vst v63  }
0x162: {  	s19 =	simm.s32 $0x4000  }
0x163: {  	[hbm4b:s2+s3] =	stream.indirect_vreg.scatter [tilespmem:s19], [sflag:$0x4], $0x80, v3, vm1, $0xb8;
	[tilespmem:$0x19000] =	vst v63  }
0x164: {  	v3 =	vld [tilespmem:$0x18790];
	_ =	sdelay $0x4  }
0x165: {  	v51 =	vperm.xlane v3, v0;
	_ =	sdelay $0x1  }
0x166: {  	v3 =	vperm.xlane v3, v2;
	v4 =	vadd.s32 v1, v51;
	_ =	sdelay $0x1  }
0x167: {  	v3 =	vadd.s32 v1, v3;
	_ =	sdelay $0x1  }
0x168: {  	s19 =	simm.s32 $0x6000  }
0x169: {  	[hbm4b:s2+s3] =	stream.indirect_vreg.scatter [tilespmem:s19], [sflag:$0x4], $0x80, v4, vm1, $0xb8;
	[tilespmem:$0x19000] =	vst v63  }
0x16a: {  	s19 =	simm.s32 $0x8000  }
0x16b: {  	[hbm4b:s2+s3] =	stream.indirect_vreg.scatter [tilespmem:s19], [sflag:$0x4], $0x80, v3, vm1, $0xb8;
	[tilespmem:$0x19000] =	vst v63  }
0x16c: {  	_ =	swait.ge [sflag:s29], $0x1000  }
0x16d: {  	[sflag:s29] =	ssyncset.done $0x0  }
0x16e: {  	[sflag:s29] =	ssyncadd.s32 $0xFFFFF000  }
0x16f: {  	_ =	swait.ge [sflag:s29], $0x1000  }
0x170: {  	[sflag:s29] =	ssyncset.done $0x0  }
0x171: {  	[sflag:s29] =	ssyncadd.s32 $0xFFFFF000  }
0x172: {  	_ =	swait.ge [sflag:s29], $0x1000  }
0x173: {  	[sflag:s29] =	ssyncset.done $0x0  }
0x174: {  	[sflag:s29] =	ssyncadd.s32 $0xFFFFF000  }
0x175: {  	_ =	swait.ge [sflag:s29], $0x1000  }
0x176: {  	[sflag:s29] =	ssyncset.done $0x0  }
0x177: {  	[sflag:s29] =	ssyncadd.s32 $0xFFFFF000  }
0x178: {  	_ =	swait.ge [sflag:s29], $0x1000  }
0x179: {  	[sflag:s29] =	ssyncset.done $0x0  }
0x17a: {  	[sflag:s29] =	ssyncadd.s32 $0xFFFFF000  }
0x17b: {  	_ =	swait.ge [sflag:s29], $0x1000  }
0x17c: {  	[sflag:s29] =	ssyncset.done $0x0  }
0x17d: {  	[sflag:s29] =	ssyncadd.s32 $0xFFFFF000  }
0x17e: {  	_ =	swait.ge [sflag:s29], $0x1000  }
0x17f: {  	[sflag:s29] =	ssyncset.done $0x0  }
0x180: {  	[sflag:s29] =	ssyncadd.s32 $0xFFFFF000  }
0x181: {  	_ =	swait.ge [sflag:s29], $0x1000  }
0x182: {  	[sflag:s29] =	ssyncset.done $0x0  }
0x183: {  	[sflag:s29] =	ssyncadd.s32 $0xFFFFF000  }
0x184: {  	v3 =	vld [tilespmem:$0x180];
	_ =	sdelay $0x4  }
0x185: {  	v52 =	vshll.u32 v3, $0x3  }
0x186: {  	v3 =	vand.u32 $0x7, v3;
	v4 =	vand.u32 $0xFFFFFFC0, v52  }
0x187: {  	v3 =	vor.u32 v3, v4  }
0x188: {  	v4 =	vperm.xlane v3, v0;
	_ =	sdelay $0x1  }
0x189: {  	v4 =	vadd.s32 v1, v4;
	_ =	sdelay $0x3  }
0x18a: {  	s14 =	simm.s32 $0x400  }
0x18b: {  	[tilespmem:s14], [sflag:$0x1] =	stream.indirect_vreg.gather [hbm4b:s4+s3], $0x80, v4, vm0, $0xb8;
	[tilespmem:$0x19000] =	vst v63  }
0x18c: {  	v3 =	vperm.xlane v3, v2  }
0x18d: {  	[tilespmem:s10], [sflag:$0x1] =	stream.indirect_vreg.gather [hbm4b:s5+s3], $0x80, v4, vm0, $0xb8;
	[tilespmem:$0x19000] =	vst v63  }
0x18e: {  	v3 =	vadd.s32 v1, v3  }
0x18f: {  	[tilespmem:s24], [sflag:$0x1] =	stream.indirect_vreg.gather [hbm4b:s6+s3], $0x80, v4, vm0, $0xb8;
	[tilespmem:$0x19000] =	vst v63  }
0x190: {  	_ = 	snop  }
0x191: {  	[tilespmem:s0], [sflag:$0x1] =	stream.indirect_vreg.gather [hbm4b:s7+s3], $0x80, v4, vm0, $0xb8;
	[tilespmem:$0x19000] =	vst v63  }
0x192: {  	s15 =	simm.s32 $0x2400  }
0x193: {  	[tilespmem:s15], [sflag:$0x1] =	stream.indirect_vreg.gather [hbm4b:s4+s3], $0x80, v3, vm0, $0xb8;
	[tilespmem:$0x19000] =	vst v63  }
0x194: {  	s11 =	simm.s32 $0x2C00  }
0x195: {  	[tilespmem:s11], [sflag:$0x1] =	stream.indirect_vreg.gather [hbm4b:s5+s3], $0x80, v3, vm0, $0xb8;
	[tilespmem:$0x19000] =	vst v63  }
0x196: {  	_ = 	snop  }
0x197: {  	[tilespmem:s22], [sflag:$0x1] =	stream.indirect_vreg.gather [hbm4b:s6+s3], $0x80, v3, vm0, $0xb8;
	[tilespmem:$0x19000] =	vst v63  }
0x198: {  	_ = 	snop  }
0x199: {  	[tilespmem:s8], [sflag:$0x1] =	stream.indirect_vreg.gather [hbm4b:s7+s3], $0x80, v3, vm0, $0xb8;
	[tilespmem:$0x19000] =	vst v63  }
0x19a: {  	v3 =	vld [tilespmem:$0x190];
	_ =	sdelay $0x4  }
0x19b: {  	v53 =	vshll.u32 v3, $0x3  }
0x19c: {  	v3 =	vand.u32 $0x7, v3;
	v4 =	vand.u32 $0xFFFFFFC0, v53  }
0x19d: {  	v3 =	vor.u32 v3, v4  }
0x19e: {  	v4 =	vperm.xlane v3, v0;
	_ =	sdelay $0x1  }
0x19f: {  	v4 =	vadd.s32 v1, v4;
	_ =	sdelay $0x3  }
0x1a0: {  	s17 =	simm.s32 $0x4400  }
0x1a1: {  	[tilespmem:s17], [sflag:$0x1] =	stream.indirect_vreg.gather [hbm4b:s4+s3], $0x80, v4, vm0, $0xb8;
	[tilespmem:$0x19000] =	vst v63  }
0x1a2: {  	s12 =	simm.s32 $0x4C00;
	v3 =	vperm.xlane v3, v2  }
0x1a3: {  	[tilespmem:s12], [sflag:$0x1] =	stream.indirect_vreg.gather [hbm4b:s5+s3], $0x80, v4, vm0, $0xb8;
	[tilespmem:$0x19000] =	vst v63  }
0x1a4: {  	v3 =	vadd.s32 v1, v3  }
0x1a5: {  	[tilespmem:s23], [sflag:$0x1] =	stream.indirect_vreg.gather [hbm4b:s6+s3], $0x80, v4, vm0, $0xb8;
	[tilespmem:$0x19000] =	vst v63  }
0x1a6: {  	_ = 	snop  }
0x1a7: {  	[tilespmem:s31], [sflag:$0x1] =	stream.indirect_vreg.gather [hbm4b:s7+s3], $0x80, v4, vm0, $0xb8;
	[tilespmem:$0x19000] =	vst v63  }
0x1a8: {  	_ = 	snop  }
0x1a9: {  	[tilespmem:s18], [sflag:$0x1] =	stream.indirect_vreg.gather [hbm4b:s4+s3], $0x80, v3, vm0, $0xb8;
	[tilespmem:$0x19000] =	vst v63  }
0x1aa: {  	_ = 	snop  }
0x1ab: {  	[tilespmem:s13], [sflag:$0x1] =	stream.indirect_vreg.gather [hbm4b:s5+s3], $0x80, v3, vm0, $0xb8;
	[tilespmem:$0x19000] =	vst v63  }
0x1ac: {  	_ = 	snop  }
0x1ad: {  	[tilespmem:s21], [sflag:$0x1] =	stream.indirect_vreg.gather [hbm4b:s6+s3], $0x80, v3, vm0, $0xb8;
	[tilespmem:$0x19000] =	vst v63  }
0x1ae: {  	_ = 	snop  }
0x1af: {  	[tilespmem:s25], [sflag:$0x1] =	stream.indirect_vreg.gather [hbm4b:s7+s3], $0x80, v3, vm0, $0xb8;
	[tilespmem:$0x19000] =	vst v63  }
0x1b0: {  	s25 =	simm.s32 $0x2  }
0x1b1: {  	_ =	swait.ge [sflag:s25], $0x8000  }
0x1b2: {  	[sflag:s25] =	ssyncset.done $0x0  }
0x1b3: {  	[sflag:s25] =	ssyncadd.s32 $0xFFFF8000  }
0x1b4: {  	v3 =	vld [tilespmem:$0x290]  }
0x1b5: {  	v54 =	vld [tilespmem:$0x280]  }
0x1b6: {  	v55 =	vld [tilespmem:$0x290]  }
0x1b7: {  	v56 =	vld [tilespmem:$0x280]  }
0x1b8: {  	v57 =	vld [tilespmem:$0x290]  }
0x1b9: {  	v58 =	vld [tilespmem:$0x280]  }
0x1ba: {  	v59 =	vld [tilespmem:$0x290];
	[tilespmem:$0x18810] =	vst v3;
	v3 =	vadd.s32 $0x2, v54  }
0x1bb: {  	v60 =	vld [tilespmem:$0x280];
	[tilespmem:$0x18880] =	vst v3;
	v3 =	vadd.s32 $0x2, v55  }
0x1bc: {  	v61 =	vld [tilespmem:$0x290];
	[tilespmem:$0x18890] =	vst v3;
	v3 =	vadd.s32 $0x4, v56  }
0x1bd: {  	v62 =	vld [tilespmem:$0x280];
	[tilespmem:$0x18900] =	vst v3;
	v3 =	vadd.s32 $0x4, v57  }
0x1be: {  	v63 =	vld [tilespmem:$0x280];
	[tilespmem:$0x18910] =	vst v3;
	v3 =	vadd.s32 $0x6, v58  }
0x1bf: {  	v12 =	vld [tilespmem:$0x290];
	[tilespmem:$0x18980] =	vst v3;
	v3 =	vadd.s32 $0x6, v59  }
0x1c0: {  	v13 =	vld [tilespmem:$0x280];
	[tilespmem:$0x18990] =	vst v3;
	v3 =	vadd.s32 $0x8, v60  }
0x1c1: {  	v14 =	vld [tilespmem:$0x290];
	[tilespmem:$0x18A00] =	vst v3;
	v3 =	vadd.s32 $0x8, v61  }
0x1c2: {  	v15 =	vld [tilespmem:$0x280];
	[tilespmem:$0x18A10] =	vst v3;
	v3 =	vadd.s32 $0xA, v62  }
0x1c3: {  	v16 =	vperm.xlane v63, v0;
	[tilespmem:$0x18A80] =	vst v3;
	v3 =	vld [tilespmem:$0x290]  }
0x1c4: {  	[tilespmem:$0x18800] =	vst v63;
	v4 =	vadd.s32 $0xA, v12  }
0x1c5: {  	v17 =	vadd.s32 $0xC, v13;
	v19 =	vperm.xlane v63, v2;
	[tilespmem:$0x18A90] =	vst v4;
	v18 =	vadd.s32 v1, v16  }
0x1c6: {  	v20 =	vadd.s32 $0xC, v14;
	[tilespmem:$0x18B00] =	vst v17  }
0x1c7: {  	v21 =	vadd.s32 $0xE, v15;
	[tilespmem:$0x18B10] =	vst v20;
	v22 =	vadd.s32 v1, v19  }
0x1c8: {  	[tilespmem:$0x18B80] =	vst v21;
	v3 =	vadd.s32 $0xE, v3  }
0x1c9: {  	s21 =	simm.s32 $0x8400;
	[tilespmem:$0x18B90] =	vst v3  }
0x1ca: {  	[hbm4b:s2+s3] =	stream.indirect_vreg.scatter [tilespmem:s21], [sflag:$0x5], $0x80, v18, vm1, $0xb8;
	[tilespmem:$0x19000] =	vst v63  }
0x1cb: {  	s25 =	simm.s32 $0xA400  }
0x1cc: {  	[hbm4b:s2+s3] =	stream.indirect_vreg.scatter [tilespmem:s25], [sflag:$0x5], $0x80, v22, vm1, $0xb8;
	[tilespmem:$0x19000] =	vst v63  }
0x1cd: {  	v3 =	vld [tilespmem:$0x18810];
	_ =	sdelay $0x4  }
0x1ce: {  	v23 =	vperm.xlane v3, v0;
	_ =	sdelay $0x1  }
0x1cf: {  	v3 =	vperm.xlane v3, v2;
	v4 =	vadd.s32 v1, v23;
	_ =	sdelay $0x1  }
0x1d0: {  	v3 =	vadd.s32 v1, v3;
	_ =	sdelay $0x2  }
0x1d1: {  	[hbm4b:s2+s3] =	stream.indirect_vreg.scatter [tilespmem:s30], [sflag:$0x5], $0x80, v4, vm1, $0xb8;
	[tilespmem:$0x19000] =	vst v63  }
0x1d2: {  	_ = 	snop  }
0x1d3: {  	[hbm4b:s2+s3] =	stream.indirect_vreg.scatter [tilespmem:s28], [sflag:$0x5], $0x80, v3, vm1, $0xb8;
	[tilespmem:$0x19000] =	vst v63  }
0x1d4: {  	v3 =	vld [tilespmem:$0x18880];
	_ =	sdelay $0x4  }
0x1d5: {  	v24 =	vperm.xlane v3, v0;
	_ =	sdelay $0x1  }
0x1d6: {  	v3 =	vperm.xlane v3, v2;
	v4 =	vadd.s32 v1, v24;
	_ =	sdelay $0x1  }
0x1d7: {  	v3 =	vadd.s32 v1, v3;
	_ =	sdelay $0x1  }
0x1d8: {  	s0 =	rddreg [dreg:$0x12]  }
0x1d9: {  	[hbm4b:s2+s3] =	stream.indirect_vreg.scatter [tilespmem:s0], [sflag:$0x5], $0x80, v4, vm1, $0xb8;
	[tilespmem:$0x19000] =	vst v63  }
0x1da: {  	s21 =	rddreg [dreg:$0x13]  }
0x1db: {  	[hbm4b:s2+s3] =	stream.indirect_vreg.scatter [tilespmem:s21], [sflag:$0x5], $0x80, v3, vm1, $0xb8;
	[tilespmem:$0x19000] =	vst v63  }
0x1dc: {  	v3 =	vld [tilespmem:$0x18890];
	_ =	sdelay $0x4  }
0x1dd: {  	v25 =	vperm.xlane v3, v0;
	_ =	sdelay $0x1  }
0x1de: {  	v3 =	vperm.xlane v3, v2;
	v4 =	vadd.s32 v1, v25;
	_ =	sdelay $0x1  }
0x1df: {  	v3 =	vadd.s32 v1, v3;
	_ =	sdelay $0x1  }
0x1e0: {  	s25 =	rddreg [dreg:$0x14]  }
0x1e1: {  	[hbm4b:s2+s3] =	stream.indirect_vreg.scatter [tilespmem:s25], [sflag:$0x5], $0x80, v4, vm1, $0xb8;
	[tilespmem:$0x19000] =	vst v63  }
0x1e2: {  	s0 =	rddreg [dreg:$0x15]  }
0x1e3: {  	[hbm4b:s2+s3] =	stream.indirect_vreg.scatter [tilespmem:s0], [sflag:$0x5], $0x80, v3, vm1, $0xb8;
	[tilespmem:$0x19000] =	vst v63  }
0x1e4: {  	v3 =	vld [tilespmem:$0x18900];
	_ =	sdelay $0x4  }
0x1e5: {  	v26 =	vperm.xlane v3, v0;
	_ =	sdelay $0x1  }
0x1e6: {  	v3 =	vperm.xlane v3, v2;
	v4 =	vadd.s32 v1, v26;
	_ =	sdelay $0x1  }
0x1e7: {  	v3 =	vadd.s32 v1, v3;
	_ =	sdelay $0x1  }
0x1e8: {  	s21 =	simm.s32 $0x8C00  }
0x1e9: {  	[hbm4b:s2+s3] =	stream.indirect_vreg.scatter [tilespmem:s21], [sflag:$0x5], $0x80, v4, vm1, $0xb8;
	[tilespmem:$0x19000] =	vst v63  }
0x1ea: {  	s25 =	simm.s32 $0xAC00  }
0x1eb: {  	[hbm4b:s2+s3] =	stream.indirect_vreg.scatter [tilespmem:s25], [sflag:$0x5], $0x80, v3, vm1, $0xb8;
	[tilespmem:$0x19000] =	vst v63  }
0x1ec: {  	v3 =	vld [tilespmem:$0x18910];
	_ =	sdelay $0x4  }
0x1ed: {  	v27 =	vperm.xlane v3, v0;
	_ =	sdelay $0x1  }
0x1ee: {  	v3 =	vperm.xlane v3, v2;
	v4 =	vadd.s32 v1, v27;
	_ =	sdelay $0x1  }
0x1ef: {  	v3 =	vadd.s32 v1, v3;
	_ =	sdelay $0x1  }
0x1f0: {  	s28 =	simm.s32 $0xCC00  }
0x1f1: {  	[hbm4b:s2+s3] =	stream.indirect_vreg.scatter [tilespmem:s28], [sflag:$0x5], $0x80, v4, vm1, $0xb8;
	[tilespmem:$0x19000] =	vst v63  }
0x1f2: {  	s30 =	simm.s32 $0xEC00  }
0x1f3: {  	[hbm4b:s2+s3] =	stream.indirect_vreg.scatter [tilespmem:s30], [sflag:$0x5], $0x80, v3, vm1, $0xb8;
	[tilespmem:$0x19000] =	vst v63  }
0x1f4: {  	v3 =	vld [tilespmem:$0x18980];
	_ =	sdelay $0x4  }
0x1f5: {  	v28 =	vperm.xlane v3, v0;
	_ =	sdelay $0x1  }
0x1f6: {  	v3 =	vperm.xlane v3, v2;
	v4 =	vadd.s32 v1, v28;
	_ =	sdelay $0x1  }
0x1f7: {  	v3 =	vadd.s32 v1, v3;
	_ =	sdelay $0x1  }
0x1f8: {  	s0 =	rddreg [dreg:$0x16]  }
0x1f9: {  	[hbm4b:s2+s3] =	stream.indirect_vreg.scatter [tilespmem:s0], [sflag:$0x5], $0x80, v4, vm1, $0xb8;
	[tilespmem:$0x19000] =	vst v63  }
0x1fa: {  	s21 =	rddreg [dreg:$0x17]  }
0x1fb: {  	[hbm4b:s2+s3] =	stream.indirect_vreg.scatter [tilespmem:s21], [sflag:$0x5], $0x80, v3, vm1, $0xb8;
	[tilespmem:$0x19000] =	vst v63  }
0x1fc: {  	v3 =	vld [tilespmem:$0x18990];
	_ =	sdelay $0x4  }
0x1fd: {  	v29 =	vperm.xlane v3, v0;
	_ =	sdelay $0x1  }
0x1fe: {  	v3 =	vperm.xlane v3, v2;
	v4 =	vadd.s32 v1, v29;
	_ =	sdelay $0x1  }
0x1ff: {  	v3 =	vadd.s32 v1, v3;
	_ =	sdelay $0x1  }
0x200: {  	s25 =	rddreg [dreg:$0x18]  }
0x201: {  	[hbm4b:s2+s3] =	stream.indirect_vreg.scatter [tilespmem:s25], [sflag:$0x5], $0x80, v4, vm1, $0xb8;
	[tilespmem:$0x19000] =	vst v63  }
0x202: {  	s0 =	rddreg [dreg:$0x19]  }
0x203: {  	[hbm4b:s2+s3] =	stream.indirect_vreg.scatter [tilespmem:s0], [sflag:$0x5], $0x80, v3, vm1, $0xb8;
	[tilespmem:$0x19000] =	vst v63  }
0x204: {  	v3 =	vld [tilespmem:$0x18A00];
	_ =	sdelay $0x4  }
0x205: {  	v30 =	vperm.xlane v3, v0;
	_ =	sdelay $0x1  }
0x206: {  	v3 =	vperm.xlane v3, v2;
	v4 =	vadd.s32 v1, v30;
	_ =	sdelay $0x1  }
0x207: {  	v3 =	vadd.s32 v1, v3;
	_ =	sdelay $0x1  }
0x208: {  	s21 =	simm.s32 $0x9400  }
0x209: {  	[hbm4b:s2+s3] =	stream.indirect_vreg.scatter [tilespmem:s21], [sflag:$0x5], $0x80, v4, vm1, $0xb8;
	[tilespmem:$0x19000] =	vst v63  }
0x20a: {  	s25 =	simm.s32 $0xB400  }
0x20b: {  	[hbm4b:s2+s3] =	stream.indirect_vreg.scatter [tilespmem:s25], [sflag:$0x5], $0x80, v3, vm1, $0xb8;
	[tilespmem:$0x19000] =	vst v63  }
0x20c: {  	v3 =	vld [tilespmem:$0x18A10];
	_ =	sdelay $0x4  }
0x20d: {  	v31 =	vperm.xlane v3, v0;
	_ =	sdelay $0x1  }
0x20e: {  	v3 =	vperm.xlane v3, v2;
	v4 =	vadd.s32 v1, v31;
	_ =	sdelay $0x1  }
0x20f: {  	v3 =	vadd.s32 v1, v3;
	_ =	sdelay $0x1  }
0x210: {  	s28 =	simm.s32 $0xD400  }
0x211: {  	[hbm4b:s2+s3] =	stream.indirect_vreg.scatter [tilespmem:s28], [sflag:$0x5], $0x80, v4, vm1, $0xb8;
	[tilespmem:$0x19000] =	vst v63  }
0x212: {  	s30 =	simm.s32 $0xF400  }
0x213: {  	[hbm4b:s2+s3] =	stream.indirect_vreg.scatter [tilespmem:s30], [sflag:$0x5], $0x80, v3, vm1, $0xb8;
	[tilespmem:$0x19000] =	vst v63  }
0x214: {  	v3 =	vld [tilespmem:$0x18A80];
	_ =	sdelay $0x4  }
0x215: {  	v32 =	vperm.xlane v3, v0;
	_ =	sdelay $0x1  }
0x216: {  	v3 =	vperm.xlane v3, v2;
	v4 =	vadd.s32 v1, v32;
	_ =	sdelay $0x1  }
0x217: {  	v3 =	vadd.s32 v1, v3;
	_ =	sdelay $0x1  }
0x218: {  	s21 =	rddreg [dreg:$0x1a]  }
0x219: {  	[hbm4b:s2+s3] =	stream.indirect_vreg.scatter [tilespmem:s21], [sflag:$0x5], $0x80, v4, vm1, $0xb8;
	[tilespmem:$0x19000] =	vst v63  }
0x21a: {  	s25 =	rddreg [dreg:$0x1b]  }
0x21b: {  	[hbm4b:s2+s3] =	stream.indirect_vreg.scatter [tilespmem:s25], [sflag:$0x5], $0x80, v3, vm1, $0xb8;
	[tilespmem:$0x19000] =	vst v63  }
0x21c: {  	v3 =	vld [tilespmem:$0x18A90];
	_ =	sdelay $0x4  }
0x21d: {  	v33 =	vperm.xlane v3, v0;
	_ =	sdelay $0x1  }
0x21e: {  	v3 =	vperm.xlane v3, v2;
	v4 =	vadd.s32 v1, v33;
	_ =	sdelay $0x1  }
0x21f: {  	v3 =	vadd.s32 v1, v3;
	_ =	sdelay $0x1  }
0x220: {  	s0 =	rddreg [dreg:$0x1c]  }
0x221: {  	[hbm4b:s2+s3] =	stream.indirect_vreg.scatter [tilespmem:s0], [sflag:$0x5], $0x80, v4, vm1, $0xb8;
	[tilespmem:$0x19000] =	vst v63  }
0x222: {  	s21 =	rddreg [dreg:$0x1d]  }
0x223: {  	[hbm4b:s2+s3] =	stream.indirect_vreg.scatter [tilespmem:s21], [sflag:$0x5], $0x80, v3, vm1, $0xb8;
	[tilespmem:$0x19000] =	vst v63  }
0x224: {  	v3 =	vld [tilespmem:$0x18B00];
	_ =	sdelay $0x4  }
0x225: {  	v34 =	vperm.xlane v3, v0;
	_ =	sdelay $0x1  }
0x226: {  	v3 =	vperm.xlane v3, v2;
	v4 =	vadd.s32 v1, v34;
	_ =	sdelay $0x1  }
0x227: {  	v3 =	vadd.s32 v1, v3;
	_ =	sdelay $0x1  }
0x228: {  	s25 =	simm.s32 $0x9C00  }
0x229: {  	[hbm4b:s2+s3] =	stream.indirect_vreg.scatter [tilespmem:s25], [sflag:$0x5], $0x80, v4, vm1, $0xb8;
	[tilespmem:$0x19000] =	vst v63  }
0x22a: {  	s28 =	simm.s32 $0xBC00  }
0x22b: {  	[hbm4b:s2+s3] =	stream.indirect_vreg.scatter [tilespmem:s28], [sflag:$0x5], $0x80, v3, vm1, $0xb8;
	[tilespmem:$0x19000] =	vst v63  }
0x22c: {  	v3 =	vld [tilespmem:$0x18B10];
	_ =	sdelay $0x4  }
0x22d: {  	v35 =	vperm.xlane v3, v0;
	_ =	sdelay $0x1  }
0x22e: {  	v3 =	vperm.xlane v3, v2;
	v4 =	vadd.s32 v1, v35;
	_ =	sdelay $0x1  }
0x22f: {  	v3 =	vadd.s32 v1, v3;
	_ =	sdelay $0x1  }
0x230: {  	s30 =	simm.s32 $0xDC00  }
0x231: {  	[hbm4b:s2+s3] =	stream.indirect_vreg.scatter [tilespmem:s30], [sflag:$0x5], $0x80, v4, vm1, $0xb8;
	[tilespmem:$0x19000] =	vst v63  }
0x232: {  	s21 =	simm.s32 $0xFC00  }
0x233: {  	[hbm4b:s2+s3] =	stream.indirect_vreg.scatter [tilespmem:s21], [sflag:$0x5], $0x80, v3, vm1, $0xb8;
	[tilespmem:$0x19000] =	vst v63  }
0x234: {  	v3 =	vld [tilespmem:$0x18B80];
	_ =	sdelay $0x4  }
0x235: {  	v36 =	vperm.xlane v3, v0;
	_ =	sdelay $0x1  }
0x236: {  	v3 =	vperm.xlane v3, v2;
	v4 =	vadd.s32 v1, v36;
	_ =	sdelay $0x1  }
0x237: {  	v3 =	vadd.s32 v1, v3;
	_ =	sdelay $0x1  }
0x238: {  	s25 =	rddreg [dreg:$0x1e]  }
0x239: {  	[hbm4b:s2+s3] =	stream.indirect_vreg.scatter [tilespmem:s25], [sflag:$0x5], $0x80, v4, vm1, $0xb8;
	[tilespmem:$0x19000] =	vst v63  }
0x23a: {  	s0 =	rddreg [dreg:$0x1f]  }
0x23b: {  	[hbm4b:s2+s3] =	stream.indirect_vreg.scatter [tilespmem:s0], [sflag:$0x5], $0x80, v3, vm1, $0xb8;
	[tilespmem:$0x19000] =	vst v63  }
0x23c: {  	v3 =	vld [tilespmem:$0x18B90];
	_ =	sdelay $0x4  }
0x23d: {  	v37 =	vperm.xlane v3, v0;
	_ =	sdelay $0x1  }
0x23e: {  	v3 =	vperm.xlane v3, v2;
	v4 =	vadd.s32 v1, v37;
	_ =	sdelay $0x1  }
0x23f: {  	s21 =	sld [smem:$0x7EC];
	v3 =	vadd.s32 v1, v3;
	_ =	sdelay $0x1  }
0x240: {  	s25 =	sld [smem:$0x7ED]  }
0x241: {  	[hbm4b:s2+s3] =	stream.indirect_vreg.scatter [tilespmem:s21], [sflag:$0x5], $0x80, v4, vm1, $0xb8;
	[tilespmem:$0x19000] =	vst v63  }
0x242: {  	s30 =	simm.s32 $0x3  }
0x243: {  	[hbm4b:s2+s3] =	stream.indirect_vreg.scatter [tilespmem:s25], [sflag:$0x5], $0x80, v3, vm1, $0xb8;
	[tilespmem:$0x19000] =	vst v63  }
0x244: {  	_ =	swait.ge [sflag:s30], $0x8000  }
0x245: {  	[sflag:s30] =	ssyncset.done $0x0  }
0x246: {  	[sflag:s30] =	ssyncadd.s32 $0xFFFF8000  }
0x247: {  	v3 =	vld [tilespmem:$0x310]  }
0x248: {  	v38 =	vld [tilespmem:$0x300]  }
0x249: {  	v39 =	vld [tilespmem:$0x310]  }
0x24a: {  	v40 =	vld [tilespmem:$0x300]  }
0x24b: {  	v41 =	vld [tilespmem:$0x310]  }
0x24c: {  	v42 =	vld [tilespmem:$0x300]  }
0x24d: {  	v43 =	vld [tilespmem:$0x310];
	[tilespmem:$0x18C10] =	vst v3;
	v3 =	vadd.s32 $0x2, v38  }
0x24e: {  	v44 =	vld [tilespmem:$0x300];
	[tilespmem:$0x18C80] =	vst v3;
	v3 =	vadd.s32 $0x2, v39  }
0x24f: {  	v45 =	vld [tilespmem:$0x310];
	[tilespmem:$0x18C90] =	vst v3;
	v3 =	vadd.s32 $0x4, v40  }
0x250: {  	v46 =	vld [tilespmem:$0x300];
	[tilespmem:$0x18D00] =	vst v3;
	v3 =	vadd.s32 $0x4, v41  }
0x251: {  	v47 =	vld [tilespmem:$0x300];
	[tilespmem:$0x18D10] =	vst v3;
	v3 =	vadd.s32 $0x6, v42  }
0x252: {  	v48 =	vld [tilespmem:$0x310];
	[tilespmem:$0x18D80] =	vst v3;
	v3 =	vadd.s32 $0x6, v43  }
0x253: {  	v49 =	vld [tilespmem:$0x300];
	[tilespmem:$0x18D90] =	vst v3;
	v3 =	vadd.s32 $0x8, v44  }
0x254: {  	v50 =	vld [tilespmem:$0x310];
	[tilespmem:$0x18E00] =	vst v3;
	v3 =	vadd.s32 $0x8, v45  }
0x255: {  	v51 =	vld [tilespmem:$0x300];
	[tilespmem:$0x18E10] =	vst v3;
	v3 =	vadd.s32 $0xA, v46  }
0x256: {  	v52 =	vperm.xlane v47, v0;
	[tilespmem:$0x18E80] =	vst v3;
	v3 =	vld [tilespmem:$0x310]  }
0x257: {  	[tilespmem:$0x18C00] =	vst v47;
	v4 =	vadd.s32 $0xA, v48  }
0x258: {  	v53 =	vadd.s32 $0xC, v49;
	v55 =	vperm.xlane v47, v2;
	[tilespmem:$0x18E90] =	vst v4;
	v54 =	vadd.s32 v1, v52  }
0x259: {  	v56 =	vadd.s32 $0xC, v50;
	[tilespmem:$0x18F00] =	vst v53  }
0x25a: {  	v57 =	vadd.s32 $0xE, v51;
	[tilespmem:$0x18F10] =	vst v56;
	v58 =	vadd.s32 v1, v55  }
0x25b: {  	[tilespmem:$0x18F80] =	vst v57;
	v3 =	vadd.s32 $0xE, v3  }
0x25c: {  	s21 =	simm.s32 $0x10400;
	[tilespmem:$0x18F90] =	vst v3  }
0x25d: {  	[hbm4b:s2+s3] =	stream.indirect_vreg.scatter [tilespmem:s21], [sflag:$0x6], $0x80, v54, vm1, $0xb8;
	[tilespmem:$0x19000] =	vst v63  }
0x25e: {  	s25 =	simm.s32 $0x12400  }
0x25f: {  	[hbm4b:s2+s3] =	stream.indirect_vreg.scatter [tilespmem:s25], [sflag:$0x6], $0x80, v58, vm1, $0xb8;
	[tilespmem:$0x19000] =	vst v63  }
0x260: {  	v3 =	vld [tilespmem:$0x18C10];
	_ =	sdelay $0x4  }
0x261: {  	v59 =	vperm.xlane v3, v0;
	_ =	sdelay $0x1  }
0x262: {  	v3 =	vperm.xlane v3, v2;
	v4 =	vadd.s32 v1, v59;
	_ =	sdelay $0x1  }
0x263: {  	v3 =	vadd.s32 v1, v3;
	_ =	sdelay $0x1  }
0x264: {  	s28 =	simm.s32 $0x14400  }
0x265: {  	[hbm4b:s2+s3] =	stream.indirect_vreg.scatter [tilespmem:s28], [sflag:$0x6], $0x80, v4, vm1, $0xb8;
	[tilespmem:$0x19000] =	vst v63  }
0x266: {  	s30 =	simm.s32 $0x16400  }
0x267: {  	[hbm4b:s2+s3] =	stream.indirect_vreg.scatter [tilespmem:s30], [sflag:$0x6], $0x80, v3, vm1, $0xb8;
	[tilespmem:$0x19000] =	vst v63  }
0x268: {  	v3 =	vld [tilespmem:$0x18C80];
	_ =	sdelay $0x4  }
0x269: {  	v60 =	vperm.xlane v3, v0;
	_ =	sdelay $0x1  }
0x26a: {  	v3 =	vperm.xlane v3, v2;
	v4 =	vadd.s32 v1, v60;
	_ =	sdelay $0x1  }
0x26b: {  	s0 =	sld [smem:$0x7EE];
	v3 =	vadd.s32 v1, v3;
	_ =	sdelay $0x1  }
0x26c: {  	s21 =	sld [smem:$0x7EF]  }
0x26d: {  	[hbm4b:s2+s3] =	stream.indirect_vreg.scatter [tilespmem:s0], [sflag:$0x6], $0x80, v4, vm1, $0xb8;
	[tilespmem:$0x19000] =	vst v63  }
0x26e: {  	_ = 	snop  }
0x26f: {  	[hbm4b:s2+s3] =	stream.indirect_vreg.scatter [tilespmem:s21], [sflag:$0x6], $0x80, v3, vm1, $0xb8;
	[tilespmem:$0x19000] =	vst v63  }
0x270: {  	v3 =	vld [tilespmem:$0x18C90];
	_ =	sdelay $0x4  }
0x271: {  	v61 =	vperm.xlane v3, v0;
	_ =	sdelay $0x1  }
0x272: {  	v3 =	vperm.xlane v3, v2;
	v4 =	vadd.s32 v1, v61;
	_ =	sdelay $0x1  }
0x273: {  	s25 =	sld [smem:$0x7F0];
	v3 =	vadd.s32 v1, v3;
	_ =	sdelay $0x1  }
0x274: {  	s0 =	sld [smem:$0x7F1]  }
0x275: {  	[hbm4b:s2+s3] =	stream.indirect_vreg.scatter [tilespmem:s25], [sflag:$0x6], $0x80, v4, vm1, $0xb8;
	[tilespmem:$0x19000] =	vst v63  }
0x276: {  	_ = 	snop  }
0x277: {  	[hbm4b:s2+s3] =	stream.indirect_vreg.scatter [tilespmem:s0], [sflag:$0x6], $0x80, v3, vm1, $0xb8;
	[tilespmem:$0x19000] =	vst v63  }
0x278: {  	v3 =	vld [tilespmem:$0x18D00];
	_ =	sdelay $0x4  }
0x279: {  	v62 =	vperm.xlane v3, v0;
	_ =	sdelay $0x1  }
0x27a: {  	v3 =	vperm.xlane v3, v2;
	v4 =	vadd.s32 v1, v62;
	_ =	sdelay $0x1  }
0x27b: {  	v3 =	vadd.s32 v1, v3;
	_ =	sdelay $0x1  }
0x27c: {  	s21 =	simm.s32 $0x10C00  }
0x27d: {  	[hbm4b:s2+s3] =	stream.indirect_vreg.scatter [tilespmem:s21], [sflag:$0x6], $0x80, v4, vm1, $0xb8;
	[tilespmem:$0x19000] =	vst v63  }
0x27e: {  	s25 =	simm.s32 $0x12C00  }
0x27f: {  	[hbm4b:s2+s3] =	stream.indirect_vreg.scatter [tilespmem:s25], [sflag:$0x6], $0x80, v3, vm1, $0xb8;
	[tilespmem:$0x19000] =	vst v63  }
0x280: {  	v3 =	vld [tilespmem:$0x18D10];
	_ =	sdelay $0x4  }
0x281: {  	v63 =	vperm.xlane v3, v0;
	_ =	sdelay $0x1  }
0x282: {  	v3 =	vperm.xlane v3, v2;
	v4 =	vadd.s32 v1, v63;
	_ =	sdelay $0x1  }
0x283: {  	v3 =	vadd.s32 v1, v3;
	_ =	sdelay $0x1  }
0x284: {  	s28 =	simm.s32 $0x14C00  }
0x285: {  	[hbm4b:s2+s3] =	stream.indirect_vreg.scatter [tilespmem:s28], [sflag:$0x6], $0x80, v4, vm1, $0xb8;
	[tilespmem:$0x19000] =	vst v63  }
0x286: {  	s30 =	simm.s32 $0x16C00  }
0x287: {  	[hbm4b:s2+s3] =	stream.indirect_vreg.scatter [tilespmem:s30], [sflag:$0x6], $0x80, v3, vm1, $0xb8;
	[tilespmem:$0x19000] =	vst v63  }
0x288: {  	v3 =	vld [tilespmem:$0x18D80];
	_ =	sdelay $0x4  }
0x289: {  	v8 =	vperm.xlane v3, v0;
	_ =	sdelay $0x1  }
0x28a: {  	v3 =	vperm.xlane v3, v2;
	v4 =	vadd.s32 v1, v8;
	_ =	sdelay $0x1  }
0x28b: {  	s0 =	sld [smem:$0x7F2];
	v3 =	vadd.s32 v1, v3;
	_ =	sdelay $0x1  }
0x28c: {  	s21 =	sld [smem:$0x7F3]  }
0x28d: {  	[hbm4b:s2+s3] =	stream.indirect_vreg.scatter [tilespmem:s0], [sflag:$0x6], $0x80, v4, vm1, $0xb8;
	[tilespmem:$0x19000] =	vst v63  }
0x28e: {  	_ = 	snop  }
0x28f: {  	[hbm4b:s2+s3] =	stream.indirect_vreg.scatter [tilespmem:s21], [sflag:$0x6], $0x80, v3, vm1, $0xb8;
	[tilespmem:$0x19000] =	vst v63  }
0x290: {  	v3 =	vld [tilespmem:$0x18D90];
	_ =	sdelay $0x4  }
0x291: {  	v9 =	vperm.xlane v3, v0;
	_ =	sdelay $0x1  }
0x292: {  	v3 =	vperm.xlane v3, v2;
	v4 =	vadd.s32 v1, v9;
	_ =	sdelay $0x1  }
0x293: {  	s25 =	sld [smem:$0x7F4];
	v3 =	vadd.s32 v1, v3;
	_ =	sdelay $0x1  }
0x294: {  	s0 =	sld [smem:$0x7F5]  }
0x295: {  	[hbm4b:s2+s3] =	stream.indirect_vreg.scatter [tilespmem:s25], [sflag:$0x6], $0x80, v4, vm1, $0xb8;
	[tilespmem:$0x19000] =	vst v63  }
0x296: {  	_ = 	snop  }
0x297: {  	[hbm4b:s2+s3] =	stream.indirect_vreg.scatter [tilespmem:s0], [sflag:$0x6], $0x80, v3, vm1, $0xb8;
	[tilespmem:$0x19000] =	vst v63  }
0x298: {  	v3 =	vld [tilespmem:$0x18E00];
	_ =	sdelay $0x4  }
0x299: {  	v10 =	vperm.xlane v3, v0;
	_ =	sdelay $0x1  }
0x29a: {  	v3 =	vperm.xlane v3, v2;
	v4 =	vadd.s32 v1, v10;
	_ =	sdelay $0x1  }
0x29b: {  	v3 =	vadd.s32 v1, v3;
	_ =	sdelay $0x1  }
0x29c: {  	s21 =	simm.s32 $0x11400  }
0x29d: {  	[hbm4b:s2+s3] =	stream.indirect_vreg.scatter [tilespmem:s21], [sflag:$0x6], $0x80, v4, vm1, $0xb8;
	[tilespmem:$0x19000] =	vst v63  }
0x29e: {  	s25 =	simm.s32 $0x13400  }
0x29f: {  	[hbm4b:s2+s3] =	stream.indirect_vreg.scatter [tilespmem:s25], [sflag:$0x6], $0x80, v3, vm1, $0xb8;
	[tilespmem:$0x19000] =	vst v63  }
0x2a0: {  	v3 =	vld [tilespmem:$0x18E10];
	_ =	sdelay $0x4  }
0x2a1: {  	v11 =	vperm.xlane v3, v0;
	_ =	sdelay $0x1  }
0x2a2: {  	v3 =	vperm.xlane v3, v2;
	v4 =	vadd.s32 v1, v11;
	_ =	sdelay $0x1  }
0x2a3: {  	v3 =	vadd.s32 v1, v3;
	_ =	sdelay $0x1  }
0x2a4: {  	s28 =	simm.s32 $0x15400  }
0x2a5: {  	[hbm4b:s2+s3] =	stream.indirect_vreg.scatter [tilespmem:s28], [sflag:$0x6], $0x80, v4, vm1, $0xb8;
	[tilespmem:$0x19000] =	vst v63  }
0x2a6: {  	s30 =	simm.s32 $0x17400  }
0x2a7: {  	[hbm4b:s2+s3] =	stream.indirect_vreg.scatter [tilespmem:s30], [sflag:$0x6], $0x80, v3, vm1, $0xb8;
	[tilespmem:$0x19000] =	vst v63  }
0x2a8: {  	v3 =	vld [tilespmem:$0x18E80];
	_ =	sdelay $0x4  }
0x2a9: {  	v12 =	vperm.xlane v3, v0;
	_ =	sdelay $0x1  }
0x2aa: {  	v3 =	vperm.xlane v3, v2;
	v4 =	vadd.s32 v1, v12;
	_ =	sdelay $0x1  }
0x2ab: {  	s21 =	sld [smem:$0x7F6];
	v3 =	vadd.s32 v1, v3;
	_ =	sdelay $0x1  }
0x2ac: {  	s25 =	sld [smem:$0x7F7]  }
0x2ad: {  	[hbm4b:s2+s3] =	stream.indirect_vreg.scatter [tilespmem:s21], [sflag:$0x6], $0x80, v4, vm1, $0xb8;
	[tilespmem:$0x19000] =	vst v63  }
0x2ae: {  	_ = 	snop  }
0x2af: {  	[hbm4b:s2+s3] =	stream.indirect_vreg.scatter [tilespmem:s25], [sflag:$0x6], $0x80, v3, vm1, $0xb8;
	[tilespmem:$0x19000] =	vst v63  }
0x2b0: {  	v3 =	vld [tilespmem:$0x18E90];
	_ =	sdelay $0x4  }
0x2b1: {  	v13 =	vperm.xlane v3, v0;
	_ =	sdelay $0x1  }
0x2b2: {  	v3 =	vperm.xlane v3, v2;
	v4 =	vadd.s32 v1, v13;
	_ =	sdelay $0x1  }
0x2b3: {  	s0 =	sld [smem:$0x7F8];
	v3 =	vadd.s32 v1, v3;
	_ =	sdelay $0x1  }
0x2b4: {  	s21 =	sld [smem:$0x7F9]  }
0x2b5: {  	[hbm4b:s2+s3] =	stream.indirect_vreg.scatter [tilespmem:s0], [sflag:$0x6], $0x80, v4, vm1, $0xb8;
	[tilespmem:$0x19000] =	vst v63  }
0x2b6: {  	_ = 	snop  }
0x2b7: {  	[hbm4b:s2+s3] =	stream.indirect_vreg.scatter [tilespmem:s21], [sflag:$0x6], $0x80, v3, vm1, $0xb8;
	[tilespmem:$0x19000] =	vst v63  }
0x2b8: {  	v3 =	vld [tilespmem:$0x18F00];
	_ =	sdelay $0x4  }
0x2b9: {  	v14 =	vperm.xlane v3, v0;
	_ =	sdelay $0x1  }
0x2ba: {  	v3 =	vperm.xlane v3, v2;
	v4 =	vadd.s32 v1, v14;
	_ =	sdelay $0x1  }
0x2bb: {  	v3 =	vadd.s32 v1, v3;
	_ =	sdelay $0x1  }
0x2bc: {  	s25 =	simm.s32 $0x11C00  }
0x2bd: {  	[hbm4b:s2+s3] =	stream.indirect_vreg.scatter [tilespmem:s25], [sflag:$0x6], $0x80, v4, vm1, $0xb8;
	[tilespmem:$0x19000] =	vst v63  }
0x2be: {  	s28 =	simm.s32 $0x13C00  }
0x2bf: {  	[hbm4b:s2+s3] =	stream.indirect_vreg.scatter [tilespmem:s28], [sflag:$0x6], $0x80, v3, vm1, $0xb8;
	[tilespmem:$0x19000] =	vst v63  }
0x2c0: {  	v3 =	vld [tilespmem:$0x18F10];
	_ =	sdelay $0x4  }
0x2c1: {  	v15 =	vperm.xlane v3, v0;
	_ =	sdelay $0x1  }
0x2c2: {  	v3 =	vperm.xlane v3, v2;
	v4 =	vadd.s32 v1, v15;
	_ =	sdelay $0x1  }
0x2c3: {  	v3 =	vadd.s32 v1, v3;
	_ =	sdelay $0x1  }
0x2c4: {  	s30 =	simm.s32 $0x15C00  }
0x2c5: {  	[hbm4b:s2+s3] =	stream.indirect_vreg.scatter [tilespmem:s30], [sflag:$0x6], $0x80, v4, vm1, $0xb8;
	[tilespmem:$0x19000] =	vst v63  }
0x2c6: {  	s21 =	simm.s32 $0x17C00  }
0x2c7: {  	[hbm4b:s2+s3] =	stream.indirect_vreg.scatter [tilespmem:s21], [sflag:$0x6], $0x80, v3, vm1, $0xb8;
	[tilespmem:$0x19000] =	vst v63  }
0x2c8: {  	v3 =	vld [tilespmem:$0x18F80];
	_ =	sdelay $0x4  }
0x2c9: {  	v16 =	vperm.xlane v3, v0;
	_ =	sdelay $0x1  }
0x2ca: {  	v3 =	vperm.xlane v3, v2;
	v4 =	vadd.s32 v1, v16;
	_ =	sdelay $0x1  }
0x2cb: {  	s25 =	sld [smem:$0x7FA];
	v3 =	vadd.s32 v1, v3;
	_ =	sdelay $0x1  }
0x2cc: {  	s0 =	sld [smem:$0x7FB]  }
0x2cd: {  	[hbm4b:s2+s3] =	stream.indirect_vreg.scatter [tilespmem:s25], [sflag:$0x6], $0x80, v4, vm1, $0xb8;
	[tilespmem:$0x19000] =	vst v63  }
0x2ce: {  	_ = 	snop  }
0x2cf: {  	[hbm4b:s2+s3] =	stream.indirect_vreg.scatter [tilespmem:s0], [sflag:$0x6], $0x80, v3, vm1, $0xb8;
	[tilespmem:$0x19000] =	vst v63  }
0x2d0: {  	v3 =	vld [tilespmem:$0x18F90];
	_ =	sdelay $0x4  }
0x2d1: {  	v17 =	vperm.xlane v3, v0;
	_ =	sdelay $0x1  }
0x2d2: {  	v3 =	vperm.xlane v3, v2;
	v4 =	vadd.s32 v1, v17;
	_ =	sdelay $0x1  }
0x2d3: {  	s21 =	sld [smem:$0x7FC];
	v3 =	vadd.s32 v1, v3;
	_ =	sdelay $0x1  }
0x2d4: {  	s25 =	sld [smem:$0x7FD]  }
0x2d5: {  	[hbm4b:s2+s3] =	stream.indirect_vreg.scatter [tilespmem:s21], [sflag:$0x6], $0x80, v4, vm1, $0xb8;
	[tilespmem:$0x19000] =	vst v63  }
0x2d6: {  	_ = 	snop  }
0x2d7: {  	[hbm4b:s2+s3] =	stream.indirect_vreg.scatter [tilespmem:s25], [sflag:$0x6], $0x80, v3, vm1, $0xb8;
	[tilespmem:$0x19000] =	vst v63  }
0x2d8: {  	_ =	swait.ge [sflag:s16], $0x8000  }
0x2d9: {  	[sflag:s16] =	ssyncset.done $0x0  }
0x2da: {  	[sflag:s16] =	ssyncadd.s32 $0xFFFF8000  }
0x2db: {  	v3 =	vld [tilespmem:$0x380]  }
0x2dc: {  	v18 =	vld [tilespmem:$0x390]  }
0x2dd: {  	v19 =	vld [tilespmem:$0x380]  }
0x2de: {  	v20 =	vld [tilespmem:$0x390]  }
0x2df: {  	v21 =	vld [tilespmem:$0x380]  }
0x2e0: {  	v22 =	vld [tilespmem:$0x390]  }
0x2e1: {  	v23 =	vld [tilespmem:$0x380];
	[tilespmem:$0x18410] =	vst v18  }
0x2e2: {  	v25 =	vld [tilespmem:$0x390];
	v24 =	vadd.s32 $0x2, v19;
	[tilespmem:$0x18400] =	vst v3  }
0x2e3: {  	v27 =	vld [tilespmem:$0x380];
	v26 =	vadd.s32 $0x2, v20;
	[tilespmem:$0x18480] =	vst v24  }
0x2e4: {  	v29 =	vld [tilespmem:$0x390];
	v28 =	vadd.s32 $0x4, v21;
	[tilespmem:$0x18490] =	vst v26  }
0x2e5: {  	v31 =	vld [tilespmem:$0x380];
	v30 =	vadd.s32 $0x4, v22;
	[tilespmem:$0x18500] =	vst v28  }
0x2e6: {  	v33 =	vld [tilespmem:$0x390];
	v32 =	vadd.s32 $0x6, v23;
	[tilespmem:$0x18510] =	vst v30  }
0x2e7: {  	v36 =	vld [tilespmem:$0x380];
	v34 =	vadd.s32 $0x6, v25;
	[tilespmem:$0x18580] =	vst v32  }
0x2e8: {  	v38 =	vld [tilespmem:$0x390];
	v35 =	vadd.s32 $0x8, v27;
	[tilespmem:$0x18590] =	vst v34  }
0x2e9: {  	v40 =	vld [tilespmem:$0x380];
	v37 =	vadd.s32 $0x8, v29;
	[tilespmem:$0x18600] =	vst v35  }
0x2ea: {  	v42 =	vld [tilespmem:$0x390];
	v39 =	vadd.s32 $0xA, v31;
	v43 =	vperm.xlane v3, v0;
	[tilespmem:$0x18610] =	vst v37  }
0x2eb: {  	v41 =	vadd.s32 $0xA, v33;
	[tilespmem:$0x18680] =	vst v39  }
0x2ec: {  	v44 =	vadd.s32 $0xC, v36;
	v3 =	vperm.xlane v3, v2;
	[tilespmem:$0x18690] =	vst v41;
	v45 =	vadd.s32 v1, v43  }
0x2ed: {  	v46 =	vadd.s32 $0xC, v38;
	[tilespmem:$0x18700] =	vst v44  }
0x2ee: {  	v47 =	vadd.s32 $0xE, v40;
	[tilespmem:$0x18710] =	vst v46;
	v3 =	vadd.s32 v1, v3  }
0x2ef: {  	v48 =	vadd.s32 $0xE, v42;
	[tilespmem:$0x18780] =	vst v47  }
0x2f0: {  	s30 =	simm.s32 $0x400;
	[tilespmem:$0x18790] =	vst v48  }
0x2f1: {  	[hbm4b:s2+s3] =	stream.indirect_vreg.scatter [tilespmem:s30], [sflag:$0x4], $0x80, v45, vm1, $0xb8;
	[tilespmem:$0x19000] =	vst v63  }
0x2f2: {  	s14 =	simm.s32 $0x2400  }
0x2f3: {  	[hbm4b:s2+s3] =	stream.indirect_vreg.scatter [tilespmem:s14], [sflag:$0x4], $0x80, v3, vm1, $0xb8;
	[tilespmem:$0x19000] =	vst v63  }
0x2f4: {  	v3 =	vld [tilespmem:$0x18410];
	_ =	sdelay $0x4  }
0x2f5: {  	v49 =	vperm.xlane v3, v0;
	_ =	sdelay $0x1  }
0x2f6: {  	v3 =	vperm.xlane v3, v2;
	v4 =	vadd.s32 v1, v49;
	_ =	sdelay $0x1  }
0x2f7: {  	v3 =	vadd.s32 v1, v3;
	_ =	sdelay $0x1  }
0x2f8: {  	s15 =	simm.s32 $0x4400  }
0x2f9: {  	[hbm4b:s2+s3] =	stream.indirect_vreg.scatter [tilespmem:s15], [sflag:$0x4], $0x80, v4, vm1, $0xb8;
	[tilespmem:$0x19000] =	vst v63  }
0x2fa: {  	s17 =	simm.s32 $0x6400  }
0x2fb: {  	[hbm4b:s2+s3] =	stream.indirect_vreg.scatter [tilespmem:s17], [sflag:$0x4], $0x80, v3, vm1, $0xb8;
	[tilespmem:$0x19000] =	vst v63  }
0x2fc: {  	v3 =	vld [tilespmem:$0x18480];
	_ =	sdelay $0x4  }
0x2fd: {  	v50 =	vperm.xlane v3, v0;
	_ =	sdelay $0x1  }
0x2fe: {  	v3 =	vperm.xlane v3, v2;
	v4 =	vadd.s32 v1, v50;
	_ =	sdelay $0x1  }
0x2ff: {  	v3 =	vadd.s32 v1, v3;
	_ =	sdelay $0x1  }
0x300: {  	s17 =	simm.s32 $0x800  }
0x301: {  	[hbm4b:s2+s3] =	stream.indirect_vreg.scatter [tilespmem:s17], [sflag:$0x4], $0x80, v4, vm1, $0xb8;
	[tilespmem:$0x19000] =	vst v63  }
0x302: {  	s21 =	simm.s32 $0x2800  }
0x303: {  	[hbm4b:s2+s3] =	stream.indirect_vreg.scatter [tilespmem:s21], [sflag:$0x4], $0x80, v3, vm1, $0xb8;
	[tilespmem:$0x19000] =	vst v63  }
0x304: {  	v3 =	vld [tilespmem:$0x18490];
	_ =	sdelay $0x4  }
0x305: {  	v51 =	vperm.xlane v3, v0;
	_ =	sdelay $0x1  }
0x306: {  	v3 =	vperm.xlane v3, v2;
	v4 =	vadd.s32 v1, v51;
	_ =	sdelay $0x1  }
0x307: {  	v3 =	vadd.s32 v1, v3;
	_ =	sdelay $0x1  }
0x308: {  	s25 =	simm.s32 $0x4800  }
0x309: {  	[hbm4b:s2+s3] =	stream.indirect_vreg.scatter [tilespmem:s25], [sflag:$0x4], $0x80, v4, vm1, $0xb8;
	[tilespmem:$0x19000] =	vst v63  }
0x30a: {  	s28 =	simm.s32 $0x6800  }
0x30b: {  	[hbm4b:s2+s3] =	stream.indirect_vreg.scatter [tilespmem:s28], [sflag:$0x4], $0x80, v3, vm1, $0xb8;
	[tilespmem:$0x19000] =	vst v63  }
0x30c: {  	v3 =	vld [tilespmem:$0x18500];
	_ =	sdelay $0x4  }
0x30d: {  	v52 =	vperm.xlane v3, v0;
	_ =	sdelay $0x1  }
0x30e: {  	v3 =	vperm.xlane v3, v2;
	v4 =	vadd.s32 v1, v52;
	_ =	sdelay $0x1  }
0x30f: {  	v3 =	vadd.s32 v1, v3;
	_ =	sdelay $0x1  }
0x310: {  	s30 =	simm.s32 $0xC00  }
0x311: {  	[hbm4b:s2+s3] =	stream.indirect_vreg.scatter [tilespmem:s30], [sflag:$0x4], $0x80, v4, vm1, $0xb8;
	[tilespmem:$0x19000] =	vst v63  }
0x312: {  	s10 =	simm.s32 $0x2C00  }
0x313: {  	[hbm4b:s2+s3] =	stream.indirect_vreg.scatter [tilespmem:s10], [sflag:$0x4], $0x80, v3, vm1, $0xb8;
	[tilespmem:$0x19000] =	vst v63  }
0x314: {  	v3 =	vld [tilespmem:$0x18510];
	_ =	sdelay $0x4  }
0x315: {  	v53 =	vperm.xlane v3, v0;
	_ =	sdelay $0x1  }
0x316: {  	v3 =	vperm.xlane v3, v2;
	v4 =	vadd.s32 v1, v53;
	_ =	sdelay $0x1  }
0x317: {  	v3 =	vadd.s32 v1, v3;
	_ =	sdelay $0x1  }
0x318: {  	s11 =	simm.s32 $0x4C00  }
0x319: {  	[hbm4b:s2+s3] =	stream.indirect_vreg.scatter [tilespmem:s11], [sflag:$0x4], $0x80, v4, vm1, $0xb8;
	[tilespmem:$0x19000] =	vst v63  }
0x31a: {  	s12 =	simm.s32 $0x6C00  }
0x31b: {  	[hbm4b:s2+s3] =	stream.indirect_vreg.scatter [tilespmem:s12], [sflag:$0x4], $0x80, v3, vm1, $0xb8;
	[tilespmem:$0x19000] =	vst v63  }
0x31c: {  	v3 =	vld [tilespmem:$0x18580];
	_ =	sdelay $0x4  }
0x31d: {  	v54 =	vperm.xlane v3, v0;
	_ =	sdelay $0x1  }
0x31e: {  	v3 =	vperm.xlane v3, v2;
	v4 =	vadd.s32 v1, v54;
	_ =	sdelay $0x1  }
0x31f: {  	v3 =	vadd.s32 v1, v3;
	_ =	sdelay $0x1  }
0x320: {  	s10 =	simm.s32 $0x1000  }
0x321: {  	[hbm4b:s2+s3] =	stream.indirect_vreg.scatter [tilespmem:s10], [sflag:$0x4], $0x80, v4, vm1, $0xb8;
	[tilespmem:$0x19000] =	vst v63  }
0x322: {  	s11 =	simm.s32 $0x3000  }
0x323: {  	[hbm4b:s2+s3] =	stream.indirect_vreg.scatter [tilespmem:s11], [sflag:$0x4], $0x80, v3, vm1, $0xb8;
	[tilespmem:$0x19000] =	vst v63  }
0x324: {  	v3 =	vld [tilespmem:$0x18590];
	_ =	sdelay $0x4  }
0x325: {  	v55 =	vperm.xlane v3, v0;
	_ =	sdelay $0x1  }
0x326: {  	v3 =	vperm.xlane v3, v2;
	v4 =	vadd.s32 v1, v55;
	_ =	sdelay $0x1  }
0x327: {  	v3 =	vadd.s32 v1, v3;
	_ =	sdelay $0x1  }
0x328: {  	s12 =	simm.s32 $0x5000  }
0x329: {  	[hbm4b:s2+s3] =	stream.indirect_vreg.scatter [tilespmem:s12], [sflag:$0x4], $0x80, v4, vm1, $0xb8;
	[tilespmem:$0x19000] =	vst v63  }
0x32a: {  	s14 =	simm.s32 $0x7000  }
0x32b: {  	[hbm4b:s2+s3] =	stream.indirect_vreg.scatter [tilespmem:s14], [sflag:$0x4], $0x80, v3, vm1, $0xb8;
	[tilespmem:$0x19000] =	vst v63  }
0x32c: {  	v3 =	vld [tilespmem:$0x18600];
	_ =	sdelay $0x4  }
0x32d: {  	v56 =	vperm.xlane v3, v0;
	_ =	sdelay $0x1  }
0x32e: {  	v3 =	vperm.xlane v3, v2;
	v4 =	vadd.s32 v1, v56;
	_ =	sdelay $0x1  }
0x32f: {  	v3 =	vadd.s32 v1, v3;
	_ =	sdelay $0x1  }
0x330: {  	s15 =	simm.s32 $0x1400  }
0x331: {  	[hbm4b:s2+s3] =	stream.indirect_vreg.scatter [tilespmem:s15], [sflag:$0x4], $0x80, v4, vm1, $0xb8;
	[tilespmem:$0x19000] =	vst v63  }
0x332: {  	s24 =	simm.s32 $0x3400  }
0x333: {  	[hbm4b:s2+s3] =	stream.indirect_vreg.scatter [tilespmem:s24], [sflag:$0x4], $0x80, v3, vm1, $0xb8;
	[tilespmem:$0x19000] =	vst v63  }
0x334: {  	v3 =	vld [tilespmem:$0x18610];
	_ =	sdelay $0x4  }
0x335: {  	v57 =	vperm.xlane v3, v0;
	_ =	sdelay $0x1  }
0x336: {  	v3 =	vperm.xlane v3, v2;
	v4 =	vadd.s32 v1, v57;
	_ =	sdelay $0x1  }
0x337: {  	v3 =	vadd.s32 v1, v3;
	_ =	sdelay $0x1  }
0x338: {  	s22 =	simm.s32 $0x5400  }
0x339: {  	[hbm4b:s2+s3] =	stream.indirect_vreg.scatter [tilespmem:s22], [sflag:$0x4], $0x80, v4, vm1, $0xb8;
	[tilespmem:$0x19000] =	vst v63  }
0x33a: {  	s23 =	simm.s32 $0x7400  }
0x33b: {  	[hbm4b:s2+s3] =	stream.indirect_vreg.scatter [tilespmem:s23], [sflag:$0x4], $0x80, v3, vm1, $0xb8;
	[tilespmem:$0x19000] =	vst v63  }
0x33c: {  	v3 =	vld [tilespmem:$0x18680];
	_ =	sdelay $0x4  }
0x33d: {  	v58 =	vperm.xlane v3, v0;
	_ =	sdelay $0x1  }
0x33e: {  	v3 =	vperm.xlane v3, v2;
	v4 =	vadd.s32 v1, v58;
	_ =	sdelay $0x1  }
0x33f: {  	v3 =	vadd.s32 v1, v3;
	_ =	sdelay $0x1  }
0x340: {  	s17 =	simm.s32 $0x1800  }
0x341: {  	[hbm4b:s2+s3] =	stream.indirect_vreg.scatter [tilespmem:s17], [sflag:$0x4], $0x80, v4, vm1, $0xb8;
	[tilespmem:$0x19000] =	vst v63  }
0x342: {  	s21 =	simm.s32 $0x3800  }
0x343: {  	[hbm4b:s2+s3] =	stream.indirect_vreg.scatter [tilespmem:s21], [sflag:$0x4], $0x80, v3, vm1, $0xb8;
	[tilespmem:$0x19000] =	vst v63  }
0x344: {  	v3 =	vld [tilespmem:$0x18690];
	_ =	sdelay $0x4  }
0x345: {  	v59 =	vperm.xlane v3, v0;
	_ =	sdelay $0x1  }
0x346: {  	v3 =	vperm.xlane v3, v2;
	v4 =	vadd.s32 v1, v59;
	_ =	sdelay $0x1  }
0x347: {  	v3 =	vadd.s32 v1, v3;
	_ =	sdelay $0x1  }
0x348: {  	s22 =	simm.s32 $0x5800  }
0x349: {  	[hbm4b:s2+s3] =	stream.indirect_vreg.scatter [tilespmem:s22], [sflag:$0x4], $0x80, v4, vm1, $0xb8;
	[tilespmem:$0x19000] =	vst v63  }
0x34a: {  	s23 =	simm.s32 $0x7800  }
0x34b: {  	[hbm4b:s2+s3] =	stream.indirect_vreg.scatter [tilespmem:s23], [sflag:$0x4], $0x80, v3, vm1, $0xb8;
	[tilespmem:$0x19000] =	vst v63  }
0x34c: {  	v3 =	vld [tilespmem:$0x18700];
	_ =	sdelay $0x4  }
0x34d: {  	v60 =	vperm.xlane v3, v0;
	_ =	sdelay $0x1  }
0x34e: {  	v3 =	vperm.xlane v3, v2;
	v4 =	vadd.s32 v1, v60;
	_ =	sdelay $0x1  }
0x34f: {  	v3 =	vadd.s32 v1, v3;
	_ =	sdelay $0x1  }
0x350: {  	s24 =	simm.s32 $0x1C00  }
0x351: {  	[hbm4b:s2+s3] =	stream.indirect_vreg.scatter [tilespmem:s24], [sflag:$0x4], $0x80, v4, vm1, $0xb8;
	[tilespmem:$0x19000] =	vst v63  }
0x352: {  	s25 =	simm.s32 $0x3C00  }
0x353: {  	[hbm4b:s2+s3] =	stream.indirect_vreg.scatter [tilespmem:s25], [sflag:$0x4], $0x80, v3, vm1, $0xb8;
	[tilespmem:$0x19000] =	vst v63  }
0x354: {  	v3 =	vld [tilespmem:$0x18710];
	_ =	sdelay $0x4  }
0x355: {  	v61 =	vperm.xlane v3, v0;
	_ =	sdelay $0x1  }
0x356: {  	v3 =	vperm.xlane v3, v2;
	v4 =	vadd.s32 v1, v61;
	_ =	sdelay $0x1  }
0x357: {  	v3 =	vadd.s32 v1, v3;
	_ =	sdelay $0x1  }
0x358: {  	s8 =	simm.s32 $0x5C00  }
0x359: {  	[hbm4b:s2+s3] =	stream.indirect_vreg.scatter [tilespmem:s8], [sflag:$0x4], $0x80, v4, vm1, $0xb8;
	[tilespmem:$0x19000] =	vst v63  }
0x35a: {  	s31 =	simm.s32 $0x7C00  }
0x35b: {  	[hbm4b:s2+s3] =	stream.indirect_vreg.scatter [tilespmem:s31], [sflag:$0x4], $0x80, v3, vm1, $0xb8;
	[tilespmem:$0x19000] =	vst v63  }
0x35c: {  	v3 =	vld [tilespmem:$0x18780];
	_ =	sdelay $0x4  }
0x35d: {  	v62 =	vperm.xlane v3, v0;
	_ =	sdelay $0x1  }
0x35e: {  	v3 =	vperm.xlane v3, v2;
	v4 =	vadd.s32 v1, v62;
	_ =	sdelay $0x1  }
0x35f: {  	v3 =	vadd.s32 v1, v3;
	_ =	sdelay $0x1  }
0x360: {  	s28 =	simm.s32 $0x2000  }
0x361: {  	[hbm4b:s2+s3] =	stream.indirect_vreg.scatter [tilespmem:s28], [sflag:$0x4], $0x80, v4, vm1, $0xb8;
	[tilespmem:$0x19000] =	vst v63  }
0x362: {  	s30 =	simm.s32 $0x4000  }
0x363: {  	[hbm4b:s2+s3] =	stream.indirect_vreg.scatter [tilespmem:s30], [sflag:$0x4], $0x80, v3, vm1, $0xb8;
	[tilespmem:$0x19000] =	vst v63  }
0x364: {  	v3 =	vld [tilespmem:$0x18790];
	_ =	sdelay $0x4  }
0x365: {  	v63 =	vperm.xlane v3, v0;
	_ =	sdelay $0x1  }
0x366: {  	v3 =	vperm.xlane v3, v2;
	v4 =	vadd.s32 v1, v63;
	_ =	sdelay $0x1  }
0x367: {  	v3 =	vadd.s32 v1, v3;
	_ =	sdelay $0x1  }
0x368: {  	s31 =	simm.s32 $0x6000  }
0x369: {  	[hbm4b:s2+s3] =	stream.indirect_vreg.scatter [tilespmem:s31], [sflag:$0x4], $0x80, v4, vm1, $0xb8;
	[tilespmem:$0x19000] =	vst v63  }
0x36a: {  	_ = 	snop  }
0x36b: {  	[hbm4b:s2+s3] =	stream.indirect_vreg.scatter [tilespmem:s19], [sflag:$0x4], $0x80, v3, vm1, $0xb8;
	[tilespmem:$0x19000] =	vst v63  }
0x36c: {  	_ =	swait.ge [sflag:s1], $0x1000  }
0x36d: {  	[sflag:s1] =	ssyncset.done $0x0  }
0x36e: {  	[sflag:s1] =	ssyncadd.s32 $0xFFFFF000  }
0x36f: {  	_ =	swait.ge [sflag:s1], $0x1000  }
0x370: {  	[sflag:s1] =	ssyncset.done $0x0  }
0x371: {  	[sflag:s1] =	ssyncadd.s32 $0xFFFFF000  }
0x372: {  	_ =	swait.ge [sflag:s1], $0x1000  }
0x373: {  	[sflag:s1] =	ssyncset.done $0x0  }
0x374: {  	[sflag:s1] =	ssyncadd.s32 $0xFFFFF000  }
0x375: {  	_ =	swait.ge [sflag:s1], $0x1000  }
0x376: {  	[sflag:s1] =	ssyncset.done $0x0  }
0x377: {  	[sflag:s1] =	ssyncadd.s32 $0xFFFFF000  }
0x378: {  	_ =	swait.ge [sflag:s1], $0x1000  }
0x379: {  	[sflag:s1] =	ssyncset.done $0x0  }
0x37a: {  	[sflag:s1] =	ssyncadd.s32 $0xFFFFF000  }
0x37b: {  	_ =	swait.ge [sflag:s1], $0x1000  }
0x37c: {  	[sflag:s1] =	ssyncset.done $0x0  }
0x37d: {  	[sflag:s1] =	ssyncadd.s32 $0xFFFFF000  }
0x37e: {  	_ =	swait.ge [sflag:s1], $0x1000  }
0x37f: {  	[sflag:s1] =	ssyncset.done $0x0  }
0x380: {  	[sflag:s1] =	ssyncadd.s32 $0xFFFFF000  }
0x381: {  	_ =	swait.ge [sflag:s1], $0x1000  }
0x382: {  	[sflag:s1] =	ssyncset.done $0x0  }
0x383: {  	[sflag:s1] =	ssyncadd.s32 $0xFFFFF000  }
0x384: {  	_ =	swait.ge [sflag:s26], $0x1000  }
0x385: {  	[sflag:s26] =	ssyncset.done $0x0  }
0x386: {  	[sflag:s26] =	ssyncadd.s32 $0xFFFFF000  }
0x387: {  	_ =	swait.ge [sflag:s26], $0x1000  }
0x388: {  	[sflag:s26] =	ssyncset.done $0x0  }
0x389: {  	[sflag:s26] =	ssyncadd.s32 $0xFFFFF000  }
0x38a: {  	_ =	swait.ge [sflag:s26], $0x1000  }
0x38b: {  	[sflag:s26] =	ssyncset.done $0x0  }
0x38c: {  	[sflag:s26] =	ssyncadd.s32 $0xFFFFF000  }
0x38d: {  	_ =	swait.ge [sflag:s26], $0x1000  }
0x38e: {  	[sflag:s26] =	ssyncset.done $0x0  }
0x38f: {  	[sflag:s26] =	ssyncadd.s32 $0xFFFFF000  }
0x390: {  	_ =	swait.ge [sflag:s26], $0x1000  }
0x391: {  	[sflag:s26] =	ssyncset.done $0x0  }
0x392: {  	[sflag:s26] =	ssyncadd.s32 $0xFFFFF000  }
0x393: {  	_ =	swait.ge [sflag:s26], $0x1000  }
0x394: {  	[sflag:s26] =	ssyncset.done $0x0  }
0x395: {  	[sflag:s26] =	ssyncadd.s32 $0xFFFFF000  }
0x396: {  	_ =	swait.ge [sflag:s26], $0x1000  }
0x397: {  	[sflag:s26] =	ssyncset.done $0x0  }
0x398: {  	[sflag:s26] =	ssyncadd.s32 $0xFFFFF000  }
0x399: {  	_ =	swait.ge [sflag:s26], $0x1000  }
0x39a: {  	[sflag:s26] =	ssyncset.done $0x0  }
0x39b: {  	[sflag:s26] =	ssyncadd.s32 $0xFFFFF000  }
0x39c: {  	_ =	swait.ge [sflag:s29], $0x1000  }
0x39d: {  	[sflag:s29] =	ssyncset.done $0x0  }
0x39e: {  	[sflag:s29] =	ssyncadd.s32 $0xFFFFF000  }
0x39f: {  	_ =	swait.ge [sflag:s29], $0x1000  }
0x3a0: {  	[sflag:s29] =	ssyncset.done $0x0  }
0x3a1: {  	[sflag:s29] =	ssyncadd.s32 $0xFFFFF000  }
0x3a2: {  	_ =	swait.ge [sflag:s29], $0x1000  }
0x3a3: {  	[sflag:s29] =	ssyncset.done $0x0  }
0x3a4: {  	[sflag:s29] =	ssyncadd.s32 $0xFFFFF000  }
0x3a5: {  	_ =	swait.ge [sflag:s29], $0x1000  }
0x3a6: {  	[sflag:s29] =	ssyncset.done $0x0  }
0x3a7: {  	[sflag:s29] =	ssyncadd.s32 $0xFFFFF000  }
0x3a8: {  	_ =	swait.ge [sflag:s29], $0x1000  }
0x3a9: {  	[sflag:s29] =	ssyncset.done $0x0  }
0x3aa: {  	[sflag:s29] =	ssyncadd.s32 $0xFFFFF000  }
0x3ab: {  	_ =	swait.ge [sflag:s29], $0x1000  }
0x3ac: {  	[sflag:s29] =	ssyncset.done $0x0  }
0x3ad: {  	[sflag:s29] =	ssyncadd.s32 $0xFFFFF000  }
0x3ae: {  	p0 =	sne.s32 s20, $0x1;
	_ =	swait.ge [sflag:s29], $0x1000  }
.Ltmp0:
0x3af: {  	[sflag:s29] =	ssyncset.done $0x0;
	(pc) =	sbr.rel @p0 .LBB2_1-.Ltmp0, $4  }
0x3b0: {  	[sflag:s29] =	ssyncadd.s32 $0xFFFFF000  }
0x3b1: {  	_ =	swait.ge [sflag:s29], $0x1000  }
0x3b2: {  	[sflag:s29] =	ssyncset.done $0x0  }
0x3b3: {  	s20 =	sadd.s32 $0xFFFFFFFF, s20;
	[sflag:s29] =	ssyncadd.s32 $0xFFFFF000  }
0x3b4: {  	_ =	sfence.sel $0x180000  }
0x3b5: {  	[bflag:$0x0] =	sbarrier.arrive $0xFFFF  }
0x3b6: {  	_ =	strace $0x9000004A  }
0x3b7: {  	s0 =	stileid.u32;
	[bflag:$0x2] =	sbarrier.arrive $0xFFFF  }
0x3b8: {  	p0 =	sne.s32 s0, $0x0;
	s0 =	rddreg [dreg:$0x2]  }
0x3b9: {  	s0 =	sadd.s32 @!p0 $0x100000, s0  }
0x3ba: {  	[sflag:s0] =	ssyncadd.tile.s32 @!p0 $0x1;
	_ =	shalt  }
.Lfunc_end2:
_tile_overlayer_lowered:
.L_overlay_start_2:
0x3bb: {  	(tag) =	ssettag $0x2  }
0x3bc: {  	s0 =	rddreg [dreg:$0x0];
	s2 =	stileid.u32  }
0x3bd: {  	s1 =	rddreg [dreg:$0x1];
	p0 =	sne.s32 s2, $0x0  }
0x3be: {  	s3 =	rddreg [dreg:$0x2];
	[bflag:$0x3] =	sbarrier.arrive $0xFFFF;
	s2 =	simm.s32 @!p0 $0x1C07  }
0x3bf: {  	[timem:s3], [sflag:s2] =	dma.local @!p0 [hbm:s0], s1  }
0x3c0: {  	s0 =	simm.s32 @!p0 $0x7  }
0x3c1: {  	_ =	swait.ge @!p0 [sflag:s0], s1  }
0x3c2: {  	s1 =	ssub.s32 @!p0 $0x0, s1;
	[sflag:s0] =	ssyncset.done @!p0 $0x0  }
0x3c3: {  	[sflag:s0] =	ssyncadd.s32 @!p0 s1  }
0x3c4: {  	[bflag:$0x3] =	sbarrier.arrive $0xFFFF  }
0x3c5: {  	_ =	shalt  }

</sc_bundles>
